<compile_context>
chip_gen: v7x
topology: tpu7x:2x2x1
jax: 0.10.2.dev20260603
libtpu: 0.0.44.dev20260713+nightly
codegen_flags: <defaults>
</compile_context>

<pallas_src>
import functools

import jax
import jax.numpy as jnp
from jax import lax
from jax.experimental import pallas as pl
from jax.experimental.pallas import tpu as pltpu
from jax.experimental.pallas import tpu_sc as plsc

_K0 = 928981903
_K1 = 3453687069
_KS = (_K0, _K1, _K0 ^ _K1 ^ 0x1BD11BDA)

_B = 128
_V = 100000
_COLS = 2048
_NBT = 39
_VTC = _NBT * _COLS
_W = _V - _VTC
_NW = 32
_W8 = _W // 8
_WIN8 = min(_W8, -(-_W8 // _NW) + 1)
_WROWS = _WIN8 * 8
_ROT = ((13, 15, 26, 6), (17, 29, 16, 24))
_NEG_LN2 = -0.6931471805599453
_LOG2_COEF = (3.81468787113981e-10, 1.442694905424571, -0.721347561295203,
              0.4809185058346664, -0.3606918278810991, 0.28774239323991246,
              -0.239137759619135, 0.2172170985382013, -0.2062543481478371,
              0.12094720695026735)
_SQRT2 = 1.4142135623730951


def _threefry_bits(x1):
    x0 = None
    for g in range(5):
        for r in _ROT[g & 1]:
            x0 = (x1 + jnp.uint32(_KS[0])) if x0 is None else (x0 + x1)
            x1 = ((x1 << jnp.uint32(r)) | (x1 >> jnp.uint32(32 - r))) ^ x0
        x0 = x0 + jnp.uint32(_KS[(g + 1) % 3])
        x1 = x1 + jnp.uint32((_KS[(g + 2) % 3] + g + 1) & 0xFFFFFFFF)
    return x0 ^ x1



def _tc_body(logits_ref, idx_ref, val_ref, runval, runidx, base_s, eye_s):
    j = pl.program_id(0)

    @pl.when(j == 0)
    def _init():
        runval[...] = jnp.full((_B, 128), -jnp.inf, jnp.float32)
        runidx[...] = jnp.zeros((_B, 128), jnp.int32)
        row = jax.lax.broadcasted_iota(jnp.uint32, (_B, _COLS), 0)
        col = jax.lax.broadcasted_iota(jnp.uint32, (_B, _COLS), 1)
        base_s[...] = row * jnp.uint32(_V) + col + jnp.uint32(_K1)
        r8 = jax.lax.broadcasted_iota(jnp.int32, (_B, _B), 0)
        c8 = jax.lax.broadcasted_iota(jnp.int32, (_B, _B), 1)
        eye_s[...] = jnp.where(r8 == c8, jnp.float32(1.0), jnp.float32(0.0))

    x1 = base_s[...] + (j * _COLS).astype(jnp.uint32)
    bits = _threefry_bits(x1)
    fb = (bits >> jnp.uint32(9)) | jnp.uint32(0x3F800000)
    tiny = jnp.float32(jnp.finfo(jnp.float32).tiny)
    u = (pltpu.bitcast(fb, jnp.float32) - jnp.float32(1.0)) + tiny
    g = -jnp.log(-jnp.log(u))
    cidx = jax.lax.broadcasted_iota(jnp.int32, (_B, _COLS), 1) + j * _COLS

    eye = eye_s[...]
    rv = runval[...]
    ri = runidx[...]
    for k in range(_COLS // 128):
        chunk = logits_ref[pl.ds(k * _B, _B), :]
        lttile = jax.lax.dot_general(
            chunk, eye, (((0,), (0,)), ((), ())),
            precision=jax.lax.Precision.HIGHEST,
            preferred_element_type=jnp.float32)
        p = lttile + g[:, k * 128:(k + 1) * 128]
        ci = cidx[:, k * 128:(k + 1) * 128]
        upd = p > rv
        rv = jnp.where(upd, p, rv)
        ri = jnp.where(upd, ci, ri)
    runval[...] = rv
    runidx[...] = ri

    @pl.when(j == _NBT - 1)
    def _finish():
        rv2 = runval[...]
        ri2 = runidx[...]
        rowmax = jnp.max(rv2, axis=1, keepdims=True)
        big = jnp.int32(2**31 - 1)
        cand = jnp.where(rv2 == rowmax, ri2, big)
        idx_ref[...] = jnp.min(cand, axis=1, keepdims=True)
        val_ref[...] = rowmax


def _tc_shard(logits_t):
    return pl.pallas_call(
        _tc_body,
        grid=(_NBT,),
        in_specs=[pl.BlockSpec((_COLS, _B), lambda j: (j, 0))],
        out_specs=[
            pl.BlockSpec((_B, 1), lambda j: (0, 0)),
            pl.BlockSpec((_B, 1), lambda j: (0, 0)),
        ],
        out_shape=[
            jax.ShapeDtypeStruct((_B, 1), jnp.int32),
            jax.ShapeDtypeStruct((_B, 1), jnp.float32),
        ],
        scratch_shapes=[
            pltpu.VMEM((_B, 128), jnp.float32),
            pltpu.VMEM((_B, 128), jnp.int32),
            pltpu.VMEM((_B, _COLS), jnp.uint32),
            pltpu.VMEM((_B, _B), jnp.float32),
        ],
    )(logits_t)



def _neg_log(x):
    xb = lax.bitcast_convert_type(x, jnp.uint32)
    e = (xb >> jnp.uint32(23)).astype(jnp.int32) - jnp.int32(127)
    y = lax.bitcast_convert_type(
        (xb & jnp.uint32(0x7FFFFF)) | jnp.uint32(0x3F800000), jnp.float32)
    big = y >= jnp.float32(_SQRT2)
    y = jnp.where(big, y * jnp.float32(0.5), y)
    e = jnp.where(big, e + jnp.int32(1), e)
    z = y - jnp.float32(1.0)
    acc = jnp.full((16,), _LOG2_COEF[-1], jnp.float32)
    for c in reversed(_LOG2_COEF[:-1]):
        acc = acc * z + jnp.float32(c)
    log2x = e.astype(jnp.float32) + acc
    return log2x * jnp.float32(_NEG_LN2)


def _sc_kernel_body(lt_hbm, val_hbm, idx_hbm, buf, vout, iout, dsem):
    c = lax.axis_index("c")
    s = lax.axis_index("s")
    w = s * 2 + c
    s8 = (w * (_W8 - _WIN8)) // (_NW - 1)
    vstart = _VTC + s8 * 8
    pltpu.async_copy(lt_hbm.at[pl.ds(vstart, _WROWS)], buf, dsem).wait()

    tiny = jnp.float32(jnp.finfo(jnp.float32).tiny)
    binit = [jnp.full((16,), -jnp.inf, jnp.float32) for _ in range(8)]
    iinit = [jnp.zeros((16,), jnp.int32) for _ in range(8)]
    lane_bvs = [
        jnp.uint32(_V) * (jnp.uint32(g * 16)
                          + jax.lax.broadcasted_iota(jnp.uint32, (16,), 0))
        for g in range(8)
    ]

    def body(r, carry):
        bvs, bis = carry
        vglob = vstart + r
        cbase = vglob.astype(jnp.uint32) + jnp.uint32(_K1)
        nbvs, nbis = [], []
        for g in range(8):
            x1 = lane_bvs[g] + cbase
            bits = _threefry_bits(x1)
            fb = (bits >> jnp.uint32(9)) | jnp.uint32(0x3F800000)
            u = (lax.bitcast_convert_type(fb, jnp.float32)
                 - jnp.float32(1.0)) + tiny
            gum = _neg_log(_neg_log(u))
            phi = buf[r, pl.ds(g * 16, 16)] + gum
            upd = phi > bvs[g]
            nbvs.append(jnp.where(upd, phi, bvs[g]))
            nbis.append(jnp.where(upd, jnp.zeros((16,), jnp.int32) + vglob,
                                  bis[g]))
        return nbvs, nbis

    bvs, bis = plsc.parallel_loop(
        0, _WROWS, unroll=4, carry=(binit, iinit))(body)
    for g in range(8):
        vout[pl.ds(g * 16, 16)] = bvs[g]
        iout[pl.ds(g * 16, 16)] = bis[g]
    pltpu.sync_copy(vout, val_hbm.at[w])
    pltpu.sync_copy(iout, idx_hbm.at[w])


@functools.partial(
    pl.kernel,
    out_type=[
        jax.ShapeDtypeStruct((_NW, _B), jnp.float32),
        jax.ShapeDtypeStruct((_NW, _B), jnp.int32),
    ],
    mesh=plsc.VectorSubcoreMesh(core_axis_name="c", subcore_axis_name="s"),
    scratch_types=[
        pltpu.VMEM((_WROWS, _B), jnp.float32),
        pltpu.VMEM((_B,), jnp.float32),
        pltpu.VMEM((_B,), jnp.int32),
        pltpu.SemaphoreType.DMA,
    ],
)
def _sc_shard(lt_hbm, val_hbm, idx_hbm, buf, vout, iout, dsem):
    _sc_kernel_body(lt_hbm, val_hbm, idx_hbm, buf, vout, iout, dsem)



def _merge_body(scv_ref, sci_ref, tci_ref, tcv_ref, out_ref):
    scv = scv_ref[...].T
    sci = sci_ref[...].T
    scm = jnp.max(scv, axis=1, keepdims=True)
    big = jnp.int32(2**31 - 1)
    cand = jnp.where(scv == scm, sci, big)
    scbi = jnp.min(cand, axis=1, keepdims=True)
    take = scm > tcv_ref[...]
    out_ref[...] = jnp.where(take, scbi, tci_ref[...])


def _merge(scval, scidx, tcidx, tcval):
    return pl.pallas_call(
        _merge_body,
        out_shape=jax.ShapeDtypeStruct((_B, 1), jnp.int32),
    )(scval, scidx, tcidx, tcval)


@jax.jit
def kernel(logits):
    lt = logits.T
    scval, scidx = _sc_shard(lt)
    tcidx, tcval = _tc_shard(lt)
    out = _merge(scval, scidx, tcidx, tcval)
    return out.reshape(_B)

# --- scband reference (transcript-rebuilt; emitter-appended) ---
"""Pipeline reference for scband-probability-distribution-17532056502815 (READ-ONLY COPY).

The authoritative reference and input builder live on the scoring server;
editing this copy changes nothing except your own understanding.
"""

import jax, jax.numpy as jnp
import numpy as np

def setup_inputs(seed: int = 0) -> dict:
    key = jax.random.key(seed)
    logits = jax.random.normal(key, (128, 100000), dtype=jnp.float32)
    return {"logits": logits}

def reference(logits):
    # Faithful to tf.squeeze(tf.random.categorical(logits, 1), axis=-1):
    # draw one categorical sample per row from unnormalized log-probs.
    # tf.random.categorical is implemented via the Gumbel-max trick; we use
    # jax.random.categorical which does the same.
    sample_key = jax.random.fold_in(jax.random.key(0), 1)
    samples = jax.random.categorical(sample_key, logits, axis=-1)  # int [B]
    return samples

if __name__ == "__main__":
    import jax
    _d = setup_inputs()
    print(jax.jit(kernel)(*tuple(_d.values())))

</pallas_src>

<mosaic_0001>
#map = affine_map<(d0, d1) -> (0, 0)>
module attributes {stable_mosaic.version = 14 : i64} {
  func.func @_sc_shard(%arg0: i32, %arg1: i32, %arg2: memref<100000x128xf32, #tpu.memory_space<hbm>>, %arg3: memref<32x128xf32, #tpu.memory_space<hbm>>, %arg4: memref<32x128xi32, #tpu.memory_space<hbm>>, %arg5: memref<640x128xf32, #tpu.memory_space<vmem>>, %arg6: memref<128xf32, #tpu.memory_space<vmem>>, %arg7: memref<128xi32, #tpu.memory_space<vmem>>, %arg8: memref<!tpu.dma_semaphore, #tpu.memory_space<semaphore_mem>>) attributes {dimension_semantics = [#tpu.dimension_semantics<core_parallel>, #tpu.dimension_semantics<subcore_parallel>], iteration_bounds = array<i64: 2, 16>, scalar_prefetch = 0 : i64, scratch_operands = 4 : i64, tpu.core_type = #tpu.core_type<sc_vector_subcore>, window_params = [{transform_indices = #map}, {transform_indices = #map}, {transform_indices = #map}]} {
    %mul3A = arith.constant 2 : i32
    %mul3A_0 = arith.muli %arg1, %mul3A : i32
    %add3A = arith.addi %mul3A_0, %arg0 : i32
    %mul3A_1 = arith.constant 2436 : i32
    %mul3A_2 = arith.muli %add3A, %mul3A_1 : i32
    %jit3A = arith.constant 31 : i32
    %div3A = arith.divsi %mul3A_2, %jit3A : i32
    %sign3A = arith.constant 0 : i32
    %sign3A_3 = arith.cmpi sgt, %mul3A_2, %sign3A : i32
    %sign3A_4 = arith.extui %sign3A_3 : i1 to i32
    %sign3A_5 = arith.constant 0 : i32
    %sign3A_6 = arith.cmpi slt, %mul3A_2, %sign3A_5 : i32
    %sign3A_7 = arith.extui %sign3A_6 : i1 to i32
    %sign3A_8 = arith.subi %sign3A_4, %sign3A_7 : i32
    %sign3A_9 = arith.constant 0 : i32
    %sign3A_10 = arith.cmpi sgt, %jit3A, %sign3A_9 : i32
    %sign3A_11 = arith.extui %sign3A_10 : i1 to i32
    %sign3A_12 = arith.constant 0 : i32
    %sign3A_13 = arith.cmpi slt, %jit3A, %sign3A_12 : i32
    %sign3A_14 = arith.extui %sign3A_13 : i1 to i32
    %sign3A_15 = arith.subi %sign3A_11, %sign3A_14 : i32
    %ne3A = arith.cmpi ne, %sign3A_8, %sign3A_15 : i32
    %rem3A = arith.remsi %mul3A_2, %jit3A : i32
    %ne3A_16 = arith.constant 0 : i32
    %ne3A_17 = arith.cmpi ne, %rem3A, %ne3A_16 : i32
    %and3A = arith.andi %ne3A, %ne3A_17 : i1
    %sub3A = arith.constant 1 : i32
    %sub3A_18 = arith.subi %div3A, %sub3A : i32
    %select_n3A = arith.select %and3A, %sub3A_18, %div3A : i32
    %mul3A_19 = arith.constant 8 : i32
    %mul3A_20 = arith.muli %select_n3A, %mul3A_19 : i32
    %add3A_21 = arith.constant 79872 : i32
    %add3A_22 = arith.addi %add3A_21, %mul3A_20 : i32
    %dma_start3A = arith.constant 0 : i32
    %dma_start3A_23 = tpu.memref_slice %arg2[%add3A_22, %dma_start3A] : memref<100000x128xf32, #tpu.memory_space<hbm>> -> memref<640x128xf32, #tpu.memory_space<hbm>>
    %dma_start3A_24 = arith.constant 0 : i32
    %dma_start3A_25 = tpu.memref_slice %arg2[%add3A_22, %dma_start3A_24] : memref<100000x128xf32, #tpu.memory_space<hbm>> -> memref<640x128xf32, #tpu.memory_space<hbm>>
    tpu.enqueue_dma source(%dma_start3A_25 : memref<640x128xf32, #tpu.memory_space<hbm>>) target(%arg5 : memref<640x128xf32, #tpu.memory_space<vmem>>) target_semaphore(%arg8 : memref<!tpu.dma_semaphore, #tpu.memory_space<semaphore_mem>>)
    %dma_wait3A = arith.constant 0 : i32
    %dma_wait3A_26 = tpu.memref_slice %arg2[%add3A_22, %dma_wait3A] : memref<100000x128xf32, #tpu.memory_space<hbm>> -> memref<640x128xf32, #tpu.memory_space<hbm>>
    %dma_wait3A_27 = arith.constant 0 : i32
    %dma_wait3A_28 = tpu.memref_slice %arg2[%add3A_22, %dma_wait3A_27] : memref<100000x128xf32, #tpu.memory_space<hbm>> -> memref<640x128xf32, #tpu.memory_space<hbm>>
    tpu.wait_dma2 semaphore(%arg8 : memref<!tpu.dma_semaphore, #tpu.memory_space<semaphore_mem>>) src(%dma_wait3A_28 : memref<640x128xf32, #tpu.memory_space<hbm>>) dst(%arg5 : memref<640x128xf32, #tpu.memory_space<vmem>>)
    %broadcast_in_dim3A = arith.constant 0xFF800000 : f32
    %broadcast_in_dim3A_29 = vector.broadcast %broadcast_in_dim3A : f32 to vector<16xf32>
    %broadcast_in_dim3A_30 = arith.constant 0xFF800000 : f32
    %broadcast_in_dim3A_31 = vector.broadcast %broadcast_in_dim3A_30 : f32 to vector<16xf32>
    %broadcast_in_dim3A_32 = arith.constant 0xFF800000 : f32
    %broadcast_in_dim3A_33 = vector.broadcast %broadcast_in_dim3A_32 : f32 to vector<16xf32>
    %broadcast_in_dim3A_34 = arith.constant 0xFF800000 : f32
    %broadcast_in_dim3A_35 = vector.broadcast %broadcast_in_dim3A_34 : f32 to vector<16xf32>
    %broadcast_in_dim3A_36 = arith.constant 0xFF800000 : f32
    %broadcast_in_dim3A_37 = vector.broadcast %broadcast_in_dim3A_36 : f32 to vector<16xf32>
    %broadcast_in_dim3A_38 = arith.constant 0xFF800000 : f32
    %broadcast_in_dim3A_39 = vector.broadcast %broadcast_in_dim3A_38 : f32 to vector<16xf32>
    %broadcast_in_dim3A_40 = arith.constant 0xFF800000 : f32
    %broadcast_in_dim3A_41 = vector.broadcast %broadcast_in_dim3A_40 : f32 to vector<16xf32>
    %broadcast_in_dim3A_42 = arith.constant 0xFF800000 : f32
    %broadcast_in_dim3A_43 = vector.broadcast %broadcast_in_dim3A_42 : f32 to vector<16xf32>
    %broadcast_in_dim3A_44 = arith.constant 0 : i32
    %broadcast_in_dim3A_45 = vector.broadcast %broadcast_in_dim3A_44 : i32 to vector<16xi32>
    %broadcast_in_dim3A_46 = arith.constant 0 : i32
    %broadcast_in_dim3A_47 = vector.broadcast %broadcast_in_dim3A_46 : i32 to vector<16xi32>
    %broadcast_in_dim3A_48 = arith.constant 0 : i32
    %broadcast_in_dim3A_49 = vector.broadcast %broadcast_in_dim3A_48 : i32 to vector<16xi32>
    %broadcast_in_dim3A_50 = arith.constant 0 : i32
    %broadcast_in_dim3A_51 = vector.broadcast %broadcast_in_dim3A_50 : i32 to vector<16xi32>
    %broadcast_in_dim3A_52 = arith.constant 0 : i32
    %broadcast_in_dim3A_53 = vector.broadcast %broadcast_in_dim3A_52 : i32 to vector<16xi32>
    %broadcast_in_dim3A_54 = arith.constant 0 : i32
    %broadcast_in_dim3A_55 = vector.broadcast %broadcast_in_dim3A_54 : i32 to vector<16xi32>
    %broadcast_in_dim3A_56 = arith.constant 0 : i32
    %broadcast_in_dim3A_57 = vector.broadcast %broadcast_in_dim3A_56 : i32 to vector<16xi32>
    %broadcast_in_dim3A_58 = arith.constant 0 : i32
    %broadcast_in_dim3A_59 = vector.broadcast %broadcast_in_dim3A_58 : i32 to vector<16xi32>
    %iota3A = tpu.iota {dimensions = array<i32: 0>} : vector<16xi32>
    %add3A_60 = arith.constant 0 : i32
    %add3A_61 = vector.broadcast %add3A_60 : i32 to vector<16xi32>
    %add3A_62 = arith.addi %add3A_61, %iota3A : vector<16xi32>
    %mul3A_63 = arith.constant 100000 : i32
    %mul3A_64 = vector.broadcast %mul3A_63 : i32 to vector<16xi32>
    %mul3A_65 = arith.muli %mul3A_64, %add3A_62 : vector<16xi32>
    %iota3A_66 = tpu.iota {dimensions = array<i32: 0>} : vector<16xi32>
    %add3A_67 = arith.constant 16 : i32
    %add3A_68 = vector.broadcast %add3A_67 : i32 to vector<16xi32>
    %add3A_69 = arith.addi %add3A_68, %iota3A_66 : vector<16xi32>
    %mul3A_70 = arith.constant 100000 : i32
    %mul3A_71 = vector.broadcast %mul3A_70 : i32 to vector<16xi32>
    %mul3A_72 = arith.muli %mul3A_71, %add3A_69 : vector<16xi32>
    %iota3A_73 = tpu.iota {dimensions = array<i32: 0>} : vector<16xi32>
    %add3A_74 = arith.constant 32 : i32
    %add3A_75 = vector.broadcast %add3A_74 : i32 to vector<16xi32>
    %add3A_76 = arith.addi %add3A_75, %iota3A_73 : vector<16xi32>
    %mul3A_77 = arith.constant 100000 : i32
    %mul3A_78 = vector.broadcast %mul3A_77 : i32 to vector<16xi32>
    %mul3A_79 = arith.muli %mul3A_78, %add3A_76 : vector<16xi32>
    %iota3A_80 = tpu.iota {dimensions = array<i32: 0>} : vector<16xi32>
    %add3A_81 = arith.constant 48 : i32
    %add3A_82 = vector.broadcast %add3A_81 : i32 to vector<16xi32>
    %add3A_83 = arith.addi %add3A_82, %iota3A_80 : vector<16xi32>
    %mul3A_84 = arith.constant 100000 : i32
    %mul3A_85 = vector.broadcast %mul3A_84 : i32 to vector<16xi32>
    %mul3A_86 = arith.muli %mul3A_85, %add3A_83 : vector<16xi32>
    %iota3A_87 = tpu.iota {dimensions = array<i32: 0>} : vector<16xi32>
    %add3A_88 = arith.constant 64 : i32
    %add3A_89 = vector.broadcast %add3A_88 : i32 to vector<16xi32>
    %add3A_90 = arith.addi %add3A_89, %iota3A_87 : vector<16xi32>
    %mul3A_91 = arith.constant 100000 : i32
    %mul3A_92 = vector.broadcast %mul3A_91 : i32 to vector<16xi32>
    %mul3A_93 = arith.muli %mul3A_92, %add3A_90 : vector<16xi32>
    %iota3A_94 = tpu.iota {dimensions = array<i32: 0>} : vector<16xi32>
    %add3A_95 = arith.constant 80 : i32
    %add3A_96 = vector.broadcast %add3A_95 : i32 to vector<16xi32>
    %add3A_97 = arith.addi %add3A_96, %iota3A_94 : vector<16xi32>
    %mul3A_98 = arith.constant 100000 : i32
    %mul3A_99 = vector.broadcast %mul3A_98 : i32 to vector<16xi32>
    %mul3A_100 = arith.muli %mul3A_99, %add3A_97 : vector<16xi32>
    %iota3A_101 = tpu.iota {dimensions = array<i32: 0>} : vector<16xi32>
    %add3A_102 = arith.constant 96 : i32
    %add3A_103 = vector.broadcast %add3A_102 : i32 to vector<16xi32>
    %add3A_104 = arith.addi %add3A_103, %iota3A_101 : vector<16xi32>
    %mul3A_105 = arith.constant 100000 : i32
    %mul3A_106 = vector.broadcast %mul3A_105 : i32 to vector<16xi32>
    %mul3A_107 = arith.muli %mul3A_106, %add3A_104 : vector<16xi32>
    %iota3A_108 = tpu.iota {dimensions = array<i32: 0>} : vector<16xi32>
    %add3A_109 = arith.constant 112 : i32
    %add3A_110 = vector.broadcast %add3A_109 : i32 to vector<16xi32>
    %add3A_111 = arith.addi %add3A_110, %iota3A_108 : vector<16xi32>
    %mul3A_112 = arith.constant 100000 : i32
    %mul3A_113 = vector.broadcast %mul3A_112 : i32 to vector<16xi32>
    %mul3A_114 = arith.muli %mul3A_113, %add3A_111 : vector<16xi32>
    %parallel_loop3A = arith.constant 0 : i32
    %parallel_loop3A_115 = arith.constant 640 : i32
    %parallel_loop3A_116 = arith.constant 1 : i32
    %parallel_loop3A_117 = arith.constant 1.17549435E-38 : f32
    %parallel_loop3A_118:16 = scf.for %parallel_loop3A_182 = %parallel_loop3A to %parallel_loop3A_115 step %parallel_loop3A_116 iter_args(%parallel_loop3A_183 = %broadcast_in_dim3A_29, %parallel_loop3A_184 = %broadcast_in_dim3A_31, %parallel_loop3A_185 = %broadcast_in_dim3A_33, %parallel_loop3A_186 = %broadcast_in_dim3A_35, %parallel_loop3A_187 = %broadcast_in_dim3A_37, %parallel_loop3A_188 = %broadcast_in_dim3A_39, %parallel_loop3A_189 = %broadcast_in_dim3A_41, %parallel_loop3A_190 = %broadcast_in_dim3A_43, %parallel_loop3A_191 = %broadcast_in_dim3A_45, %parallel_loop3A_192 = %broadcast_in_dim3A_47, %parallel_loop3A_193 = %broadcast_in_dim3A_49, %parallel_loop3A_194 = %broadcast_in_dim3A_51, %parallel_loop3A_195 = %broadcast_in_dim3A_53, %parallel_loop3A_196 = %broadcast_in_dim3A_55, %parallel_loop3A_197 = %broadcast_in_dim3A_57, %parallel_loop3A_198 = %broadcast_in_dim3A_59) -> (vector<16xf32>, vector<16xf32>, vector<16xf32>, vector<16xf32>, vector<16xf32>, vector<16xf32>, vector<16xf32>, vector<16xf32>, vector<16xi32>, vector<16xi32>, vector<16xi32>, vector<16xi32>, vector<16xi32>, vector<16xi32>, vector<16xi32>, vector<16xi32>)  : i32 {
      %parallel_loop3A_199 = arith.addi %add3A_22, %parallel_loop3A_182 : i32
      %parallel_loop3A_200 = arith.constant -841280227 : i32
      %parallel_loop3A_201 = arith.addi %parallel_loop3A_199, %parallel_loop3A_200 : i32
      %parallel_loop3A_202 = vector.broadcast %parallel_loop3A_201 : i32 to vector<16xi32>
      %parallel_loop3A_203 = arith.addi %mul3A_65, %parallel_loop3A_202 : vector<16xi32>
      %parallel_loop3A_204 = arith.constant 928981903 : i32
      %parallel_loop3A_205 = vector.broadcast %parallel_loop3A_204 : i32 to vector<16xi32>
      %parallel_loop3A_206 = arith.addi %parallel_loop3A_203, %parallel_loop3A_205 : vector<16xi32>
      %parallel_loop3A_207 = arith.constant 13 : i32
      %parallel_loop3A_208 = vector.broadcast %parallel_loop3A_207 : i32 to vector<16xi32>
      %parallel_loop3A_209 = arith.shli %parallel_loop3A_203, %parallel_loop3A_208 : vector<16xi32>
      %parallel_loop3A_210 = arith.constant 19 : i32
      %parallel_loop3A_211 = vector.broadcast %parallel_loop3A_210 : i32 to vector<16xi32>
      %parallel_loop3A_212 = arith.shrui %parallel_loop3A_203, %parallel_loop3A_211 : vector<16xi32>
      %parallel_loop3A_213 = arith.ori %parallel_loop3A_209, %parallel_loop3A_212 : vector<16xi32>
      %parallel_loop3A_214 = arith.xori %parallel_loop3A_213, %parallel_loop3A_206 : vector<16xi32>
      %parallel_loop3A_215 = arith.addi %parallel_loop3A_206, %parallel_loop3A_214 : vector<16xi32>
      %parallel_loop3A_216 = arith.constant 15 : i32
      %parallel_loop3A_217 = vector.broadcast %parallel_loop3A_216 : i32 to vector<16xi32>
      %parallel_loop3A_218 = arith.shli %parallel_loop3A_214, %parallel_loop3A_217 : vector<16xi32>
      %parallel_loop3A_219 = arith.constant 17 : i32
      %parallel_loop3A_220 = vector.broadcast %parallel_loop3A_219 : i32 to vector<16xi32>
      %parallel_loop3A_221 = arith.shrui %parallel_loop3A_214, %parallel_loop3A_220 : vector<16xi32>
      %parallel_loop3A_222 = arith.ori %parallel_loop3A_218, %parallel_loop3A_221 : vector<16xi32>
      %parallel_loop3A_223 = arith.xori %parallel_loop3A_222, %parallel_loop3A_215 : vector<16xi32>
      %parallel_loop3A_224 = arith.addi %parallel_loop3A_215, %parallel_loop3A_223 : vector<16xi32>
      %parallel_loop3A_225 = arith.constant 26 : i32
      %parallel_loop3A_226 = vector.broadcast %parallel_loop3A_225 : i32 to vector<16xi32>
      %parallel_loop3A_227 = arith.shli %parallel_loop3A_223, %parallel_loop3A_226 : vector<16xi32>
      %parallel_loop3A_228 = arith.constant 6 : i32
      %parallel_loop3A_229 = vector.broadcast %parallel_loop3A_228 : i32 to vector<16xi32>
      %parallel_loop3A_230 = arith.shrui %parallel_loop3A_223, %parallel_loop3A_229 : vector<16xi32>
      %parallel_loop3A_231 = arith.ori %parallel_loop3A_227, %parallel_loop3A_230 : vector<16xi32>
      %parallel_loop3A_232 = arith.xori %parallel_loop3A_231, %parallel_loop3A_224 : vector<16xi32>
      %parallel_loop3A_233 = arith.addi %parallel_loop3A_224, %parallel_loop3A_232 : vector<16xi32>
      %parallel_loop3A_234 = arith.constant 6 : i32
      %parallel_loop3A_235 = vector.broadcast %parallel_loop3A_234 : i32 to vector<16xi32>
      %parallel_loop3A_236 = arith.shli %parallel_loop3A_232, %parallel_loop3A_235 : vector<16xi32>
      %parallel_loop3A_237 = arith.constant 26 : i32
      %parallel_loop3A_238 = vector.broadcast %parallel_loop3A_237 : i32 to vector<16xi32>
      %parallel_loop3A_239 = arith.shrui %parallel_loop3A_232, %parallel_loop3A_238 : vector<16xi32>
      %parallel_loop3A_240 = arith.ori %parallel_loop3A_236, %parallel_loop3A_239 : vector<16xi32>
      %parallel_loop3A_241 = arith.xori %parallel_loop3A_240, %parallel_loop3A_233 : vector<16xi32>
      %parallel_loop3A_242 = arith.constant -841280227 : i32
      %parallel_loop3A_243 = vector.broadcast %parallel_loop3A_242 : i32 to vector<16xi32>
      %parallel_loop3A_244 = arith.addi %parallel_loop3A_233, %parallel_loop3A_243 : vector<16xi32>
      %parallel_loop3A_245 = arith.constant -514511543 : i32
      %parallel_loop3A_246 = vector.broadcast %parallel_loop3A_245 : i32 to vector<16xi32>
      %parallel_loop3A_247 = arith.addi %parallel_loop3A_241, %parallel_loop3A_246 : vector<16xi32>
      %parallel_loop3A_248 = arith.addi %parallel_loop3A_244, %parallel_loop3A_247 : vector<16xi32>
      %parallel_loop3A_249 = arith.constant 17 : i32
      %parallel_loop3A_250 = vector.broadcast %parallel_loop3A_249 : i32 to vector<16xi32>
      %parallel_loop3A_251 = arith.shli %parallel_loop3A_247, %parallel_loop3A_250 : vector<16xi32>
      %parallel_loop3A_252 = arith.constant 15 : i32
      %parallel_loop3A_253 = vector.broadcast %parallel_loop3A_252 : i32 to vector<16xi32>
      %parallel_loop3A_254 = arith.shrui %parallel_loop3A_247, %parallel_loop3A_253 : vector<16xi32>
      %parallel_loop3A_255 = arith.ori %parallel_loop3A_251, %parallel_loop3A_254 : vector<16xi32>
      %parallel_loop3A_256 = arith.xori %parallel_loop3A_255, %parallel_loop3A_248 : vector<16xi32>
      %parallel_loop3A_257 = arith.addi %parallel_loop3A_248, %parallel_loop3A_256 : vector<16xi32>
      %parallel_loop3A_258 = arith.constant 29 : i32
      %parallel_loop3A_259 = vector.broadcast %parallel_loop3A_258 : i32 to vector<16xi32>
      %parallel_loop3A_260 = arith.shli %parallel_loop3A_256, %parallel_loop3A_259 : vector<16xi32>
      %parallel_loop3A_261 = arith.constant 3 : i32
      %parallel_loop3A_262 = vector.broadcast %parallel_loop3A_261 : i32 to vector<16xi32>
      %parallel_loop3A_263 = arith.shrui %parallel_loop3A_256, %parallel_loop3A_262 : vector<16xi32>
      %parallel_loop3A_264 = arith.ori %parallel_loop3A_260, %parallel_loop3A_263 : vector<16xi32>
      %parallel_loop3A_265 = arith.xori %parallel_loop3A_264, %parallel_loop3A_257 : vector<16xi32>
      %parallel_loop3A_266 = arith.addi %parallel_loop3A_257, %parallel_loop3A_265 : vector<16xi32>
      %parallel_loop3A_267 = arith.constant 16 : i32
      %parallel_loop3A_268 = vector.broadcast %parallel_loop3A_267 : i32 to vector<16xi32>
      %parallel_loop3A_269 = arith.shli %parallel_loop3A_265, %parallel_loop3A_268 : vector<16xi32>
      %parallel_loop3A_270 = arith.constant 16 : i32
      %parallel_loop3A_271 = vector.broadcast %parallel_loop3A_270 : i32 to vector<16xi32>
      %parallel_loop3A_272 = arith.shrui %parallel_loop3A_265, %parallel_loop3A_271 : vector<16xi32>
      %parallel_loop3A_273 = arith.ori %parallel_loop3A_269, %parallel_loop3A_272 : vector<16xi32>
      %parallel_loop3A_274 = arith.xori %parallel_loop3A_273, %parallel_loop3A_266 : vector<16xi32>
      %parallel_loop3A_275 = arith.addi %parallel_loop3A_266, %parallel_loop3A_274 : vector<16xi32>
      %parallel_loop3A_276 = arith.constant 24 : i32
      %parallel_loop3A_277 = vector.broadcast %parallel_loop3A_276 : i32 to vector<16xi32>
      %parallel_loop3A_278 = arith.shli %parallel_loop3A_274, %parallel_loop3A_277 : vector<16xi32>
      %parallel_loop3A_279 = arith.constant 8 : i32
      %parallel_loop3A_280 = vector.broadcast %parallel_loop3A_279 : i32 to vector<16xi32>
      %parallel_loop3A_281 = arith.shrui %parallel_loop3A_274, %parallel_loop3A_280 : vector<16xi32>
      %parallel_loop3A_282 = arith.ori %parallel_loop3A_278, %parallel_loop3A_281 : vector<16xi32>
      %parallel_loop3A_283 = arith.xori %parallel_loop3A_282, %parallel_loop3A_275 : vector<16xi32>
      %parallel_loop3A_284 = arith.constant -514511544 : i32
      %parallel_loop3A_285 = vector.broadcast %parallel_loop3A_284 : i32 to vector<16xi32>
      %parallel_loop3A_286 = arith.addi %parallel_loop3A_275, %parallel_loop3A_285 : vector<16xi32>
      %parallel_loop3A_287 = arith.constant 928981905 : i32
      %parallel_loop3A_288 = vector.broadcast %parallel_loop3A_287 : i32 to vector<16xi32>
      %parallel_loop3A_289 = arith.addi %parallel_loop3A_283, %parallel_loop3A_288 : vector<16xi32>
      %parallel_loop3A_290 = arith.addi %parallel_loop3A_286, %parallel_loop3A_289 : vector<16xi32>
      %parallel_loop3A_291 = arith.constant 13 : i32
      %parallel_loop3A_292 = vector.broadcast %parallel_loop3A_291 : i32 to vector<16xi32>
      %parallel_loop3A_293 = arith.shli %parallel_loop3A_289, %parallel_loop3A_292 : vector<16xi32>
      %parallel_loop3A_294 = arith.constant 19 : i32
      %parallel_loop3A_295 = vector.broadcast %parallel_loop3A_294 : i32 to vector<16xi32>
      %parallel_loop3A_296 = arith.shrui %parallel_loop3A_289, %parallel_loop3A_295 : vector<16xi32>
      %parallel_loop3A_297 = arith.ori %parallel_loop3A_293, %parallel_loop3A_296 : vector<16xi32>
      %parallel_loop3A_298 = arith.xori %parallel_loop3A_297, %parallel_loop3A_290 : vector<16xi32>
      %parallel_loop3A_299 = arith.addi %parallel_loop3A_290, %parallel_loop3A_298 : vector<16xi32>
      %parallel_loop3A_300 = arith.constant 15 : i32
      %parallel_loop3A_301 = vector.broadcast %parallel_loop3A_300 : i32 to vector<16xi32>
      %parallel_loop3A_302 = arith.shli %parallel_loop3A_298, %parallel_loop3A_301 : vector<16xi32>
      %parallel_loop3A_303 = arith.constant 17 : i32
      %parallel_loop3A_304 = vector.broadcast %parallel_loop3A_303 : i32 to vector<16xi32>
      %parallel_loop3A_305 = arith.shrui %parallel_loop3A_298, %parallel_loop3A_304 : vector<16xi32>
      %parallel_loop3A_306 = arith.ori %parallel_loop3A_302, %parallel_loop3A_305 : vector<16xi32>
      %parallel_loop3A_307 = arith.xori %parallel_loop3A_306, %parallel_loop3A_299 : vector<16xi32>
      %parallel_loop3A_308 = arith.addi %parallel_loop3A_299, %parallel_loop3A_307 : vector<16xi32>
      %parallel_loop3A_309 = arith.constant 26 : i32
      %parallel_loop3A_310 = vector.broadcast %parallel_loop3A_309 : i32 to vector<16xi32>
      %parallel_loop3A_311 = arith.shli %parallel_loop3A_307, %parallel_loop3A_310 : vector<16xi32>
      %parallel_loop3A_312 = arith.constant 6 : i32
      %parallel_loop3A_313 = vector.broadcast %parallel_loop3A_312 : i32 to vector<16xi32>
      %parallel_loop3A_314 = arith.shrui %parallel_loop3A_307, %parallel_loop3A_313 : vector<16xi32>
      %parallel_loop3A_315 = arith.ori %parallel_loop3A_311, %parallel_loop3A_314 : vector<16xi32>
      %parallel_loop3A_316 = arith.xori %parallel_loop3A_315, %parallel_loop3A_308 : vector<16xi32>
      %parallel_loop3A_317 = arith.addi %parallel_loop3A_308, %parallel_loop3A_316 : vector<16xi32>
      %parallel_loop3A_318 = arith.constant 6 : i32
      %parallel_loop3A_319 = vector.broadcast %parallel_loop3A_318 : i32 to vector<16xi32>
      %parallel_loop3A_320 = arith.shli %parallel_loop3A_316, %parallel_loop3A_319 : vector<16xi32>
      %parallel_loop3A_321 = arith.constant 26 : i32
      %parallel_loop3A_322 = vector.broadcast %parallel_loop3A_321 : i32 to vector<16xi32>
      %parallel_loop3A_323 = arith.shrui %parallel_loop3A_316, %parallel_loop3A_322 : vector<16xi32>
      %parallel_loop3A_324 = arith.ori %parallel_loop3A_320, %parallel_loop3A_323 : vector<16xi32>
      %parallel_loop3A_325 = arith.xori %parallel_loop3A_324, %parallel_loop3A_317 : vector<16xi32>
      %parallel_loop3A_326 = arith.constant 928981903 : i32
      %parallel_loop3A_327 = vector.broadcast %parallel_loop3A_326 : i32 to vector<16xi32>
      %parallel_loop3A_328 = arith.addi %parallel_loop3A_317, %parallel_loop3A_327 : vector<16xi32>
      %parallel_loop3A_329 = arith.constant -841280224 : i32
      %parallel_loop3A_330 = vector.broadcast %parallel_loop3A_329 : i32 to vector<16xi32>
      %parallel_loop3A_331 = arith.addi %parallel_loop3A_325, %parallel_loop3A_330 : vector<16xi32>
      %parallel_loop3A_332 = arith.addi %parallel_loop3A_328, %parallel_loop3A_331 : vector<16xi32>
      %parallel_loop3A_333 = arith.constant 17 : i32
      %parallel_loop3A_334 = vector.broadcast %parallel_loop3A_333 : i32 to vector<16xi32>
      %parallel_loop3A_335 = arith.shli %parallel_loop3A_331, %parallel_loop3A_334 : vector<16xi32>
      %parallel_loop3A_336 = arith.constant 15 : i32
      %parallel_loop3A_337 = vector.broadcast %parallel_loop3A_336 : i32 to vector<16xi32>
      %parallel_loop3A_338 = arith.shrui %parallel_loop3A_331, %parallel_loop3A_337 : vector<16xi32>
      %parallel_loop3A_339 = arith.ori %parallel_loop3A_335, %parallel_loop3A_338 : vector<16xi32>
      %parallel_loop3A_340 = arith.xori %parallel_loop3A_339, %parallel_loop3A_332 : vector<16xi32>
      %parallel_loop3A_341 = arith.addi %parallel_loop3A_332, %parallel_loop3A_340 : vector<16xi32>
      %parallel_loop3A_342 = arith.constant 29 : i32
      %parallel_loop3A_343 = vector.broadcast %parallel_loop3A_342 : i32 to vector<16xi32>
      %parallel_loop3A_344 = arith.shli %parallel_loop3A_340, %parallel_loop3A_343 : vector<16xi32>
      %parallel_loop3A_345 = arith.constant 3 : i32
      %parallel_loop3A_346 = vector.broadcast %parallel_loop3A_345 : i32 to vector<16xi32>
      %parallel_loop3A_347 = arith.shrui %parallel_loop3A_340, %parallel_loop3A_346 : vector<16xi32>
      %parallel_loop3A_348 = arith.ori %parallel_loop3A_344, %parallel_loop3A_347 : vector<16xi32>
      %parallel_loop3A_349 = arith.xori %parallel_loop3A_348, %parallel_loop3A_341 : vector<16xi32>
      %parallel_loop3A_350 = arith.addi %parallel_loop3A_341, %parallel_loop3A_349 : vector<16xi32>
      %parallel_loop3A_351 = arith.constant 16 : i32
      %parallel_loop3A_352 = vector.broadcast %parallel_loop3A_351 : i32 to vector<16xi32>
      %parallel_loop3A_353 = arith.shli %parallel_loop3A_349, %parallel_loop3A_352 : vector<16xi32>
      %parallel_loop3A_354 = arith.constant 16 : i32
      %parallel_loop3A_355 = vector.broadcast %parallel_loop3A_354 : i32 to vector<16xi32>
      %parallel_loop3A_356 = arith.shrui %parallel_loop3A_349, %parallel_loop3A_355 : vector<16xi32>
      %parallel_loop3A_357 = arith.ori %parallel_loop3A_353, %parallel_loop3A_356 : vector<16xi32>
      %parallel_loop3A_358 = arith.xori %parallel_loop3A_357, %parallel_loop3A_350 : vector<16xi32>
      %parallel_loop3A_359 = arith.addi %parallel_loop3A_350, %parallel_loop3A_358 : vector<16xi32>
      %parallel_loop3A_360 = arith.constant 24 : i32
      %parallel_loop3A_361 = vector.broadcast %parallel_loop3A_360 : i32 to vector<16xi32>
      %parallel_loop3A_362 = arith.shli %parallel_loop3A_358, %parallel_loop3A_361 : vector<16xi32>
      %parallel_loop3A_363 = arith.constant 8 : i32
      %parallel_loop3A_364 = vector.broadcast %parallel_loop3A_363 : i32 to vector<16xi32>
      %parallel_loop3A_365 = arith.shrui %parallel_loop3A_358, %parallel_loop3A_364 : vector<16xi32>
      %parallel_loop3A_366 = arith.ori %parallel_loop3A_362, %parallel_loop3A_365 : vector<16xi32>
      %parallel_loop3A_367 = arith.xori %parallel_loop3A_366, %parallel_loop3A_359 : vector<16xi32>
      %parallel_loop3A_368 = arith.constant -841280227 : i32
      %parallel_loop3A_369 = vector.broadcast %parallel_loop3A_368 : i32 to vector<16xi32>
      %parallel_loop3A_370 = arith.addi %parallel_loop3A_359, %parallel_loop3A_369 : vector<16xi32>
      %parallel_loop3A_371 = arith.constant -514511540 : i32
      %parallel_loop3A_372 = vector.broadcast %parallel_loop3A_371 : i32 to vector<16xi32>
      %parallel_loop3A_373 = arith.addi %parallel_loop3A_367, %parallel_loop3A_372 : vector<16xi32>
      %parallel_loop3A_374 = arith.addi %parallel_loop3A_370, %parallel_loop3A_373 : vector<16xi32>
      %parallel_loop3A_375 = arith.constant 13 : i32
      %parallel_loop3A_376 = vector.broadcast %parallel_loop3A_375 : i32 to vector<16xi32>
      %parallel_loop3A_377 = arith.shli %parallel_loop3A_373, %parallel_loop3A_376 : vector<16xi32>
      %parallel_loop3A_378 = arith.constant 19 : i32
      %parallel_loop3A_379 = vector.broadcast %parallel_loop3A_378 : i32 to vector<16xi32>
      %parallel_loop3A_380 = arith.shrui %parallel_loop3A_373, %parallel_loop3A_379 : vector<16xi32>
      %parallel_loop3A_381 = arith.ori %parallel_loop3A_377, %parallel_loop3A_380 : vector<16xi32>
      %parallel_loop3A_382 = arith.xori %parallel_loop3A_381, %parallel_loop3A_374 : vector<16xi32>
      %parallel_loop3A_383 = arith.addi %parallel_loop3A_374, %parallel_loop3A_382 : vector<16xi32>
      %parallel_loop3A_384 = arith.constant 15 : i32
      %parallel_loop3A_385 = vector.broadcast %parallel_loop3A_384 : i32 to vector<16xi32>
      %parallel_loop3A_386 = arith.shli %parallel_loop3A_382, %parallel_loop3A_385 : vector<16xi32>
      %parallel_loop3A_387 = arith.constant 17 : i32
      %parallel_loop3A_388 = vector.broadcast %parallel_loop3A_387 : i32 to vector<16xi32>
      %parallel_loop3A_389 = arith.shrui %parallel_loop3A_382, %parallel_loop3A_388 : vector<16xi32>
      %parallel_loop3A_390 = arith.ori %parallel_loop3A_386, %parallel_loop3A_389 : vector<16xi32>
      %parallel_loop3A_391 = arith.xori %parallel_loop3A_390, %parallel_loop3A_383 : vector<16xi32>
      %parallel_loop3A_392 = arith.addi %parallel_loop3A_383, %parallel_loop3A_391 : vector<16xi32>
      %parallel_loop3A_393 = arith.constant 26 : i32
      %parallel_loop3A_394 = vector.broadcast %parallel_loop3A_393 : i32 to vector<16xi32>
      %parallel_loop3A_395 = arith.shli %parallel_loop3A_391, %parallel_loop3A_394 : vector<16xi32>
      %parallel_loop3A_396 = arith.constant 6 : i32
      %parallel_loop3A_397 = vector.broadcast %parallel_loop3A_396 : i32 to vector<16xi32>
      %parallel_loop3A_398 = arith.shrui %parallel_loop3A_391, %parallel_loop3A_397 : vector<16xi32>
      %parallel_loop3A_399 = arith.ori %parallel_loop3A_395, %parallel_loop3A_398 : vector<16xi32>
      %parallel_loop3A_400 = arith.xori %parallel_loop3A_399, %parallel_loop3A_392 : vector<16xi32>
      %parallel_loop3A_401 = arith.addi %parallel_loop3A_392, %parallel_loop3A_400 : vector<16xi32>
      %parallel_loop3A_402 = arith.constant 6 : i32
      %parallel_loop3A_403 = vector.broadcast %parallel_loop3A_402 : i32 to vector<16xi32>
      %parallel_loop3A_404 = arith.shli %parallel_loop3A_400, %parallel_loop3A_403 : vector<16xi32>
      %parallel_loop3A_405 = arith.constant 26 : i32
      %parallel_loop3A_406 = vector.broadcast %parallel_loop3A_405 : i32 to vector<16xi32>
      %parallel_loop3A_407 = arith.shrui %parallel_loop3A_400, %parallel_loop3A_406 : vector<16xi32>
      %parallel_loop3A_408 = arith.ori %parallel_loop3A_404, %parallel_loop3A_407 : vector<16xi32>
      %parallel_loop3A_409 = arith.xori %parallel_loop3A_408, %parallel_loop3A_401 : vector<16xi32>
      %parallel_loop3A_410 = arith.constant -514511544 : i32
      %parallel_loop3A_411 = vector.broadcast %parallel_loop3A_410 : i32 to vector<16xi32>
      %parallel_loop3A_412 = arith.addi %parallel_loop3A_401, %parallel_loop3A_411 : vector<16xi32>
      %parallel_loop3A_413 = arith.constant 928981908 : i32
      %parallel_loop3A_414 = vector.broadcast %parallel_loop3A_413 : i32 to vector<16xi32>
      %parallel_loop3A_415 = arith.addi %parallel_loop3A_409, %parallel_loop3A_414 : vector<16xi32>
      %parallel_loop3A_416 = arith.xori %parallel_loop3A_412, %parallel_loop3A_415 : vector<16xi32>
      %parallel_loop3A_417 = arith.constant 9 : i32
      %parallel_loop3A_418 = vector.broadcast %parallel_loop3A_417 : i32 to vector<16xi32>
      %parallel_loop3A_419 = arith.shrui %parallel_loop3A_416, %parallel_loop3A_418 : vector<16xi32>
      %parallel_loop3A_420 = arith.constant 1065353216 : i32
      %parallel_loop3A_421 = vector.broadcast %parallel_loop3A_420 : i32 to vector<16xi32>
      %parallel_loop3A_422 = arith.ori %parallel_loop3A_419, %parallel_loop3A_421 : vector<16xi32>
      %parallel_loop3A_423 = tpu.bitcast %parallel_loop3A_422 : vector<16xi32> -> vector<16xf32>
      %parallel_loop3A_424 = arith.constant 1.000000e+00 : f32
      %parallel_loop3A_425 = vector.broadcast %parallel_loop3A_424 : f32 to vector<16xf32>
      %parallel_loop3A_426 = arith.subf %parallel_loop3A_423, %parallel_loop3A_425 : vector<16xf32>
      %parallel_loop3A_427 = vector.broadcast %parallel_loop3A_117 : f32 to vector<16xf32>
      %parallel_loop3A_428 = arith.addf %parallel_loop3A_426, %parallel_loop3A_427 : vector<16xf32>
      %parallel_loop3A_429 = tpu.bitcast %parallel_loop3A_428 : vector<16xf32> -> vector<16xi32>
      %parallel_loop3A_430 = arith.constant 23 : i32
      %parallel_loop3A_431 = vector.broadcast %parallel_loop3A_430 : i32 to vector<16xi32>
      %parallel_loop3A_432 = arith.shrui %parallel_loop3A_429, %parallel_loop3A_431 : vector<16xi32>
      %parallel_loop3A_433 = arith.constant 127 : i32
      %parallel_loop3A_434 = vector.broadcast %parallel_loop3A_433 : i32 to vector<16xi32>
      %parallel_loop3A_435 = arith.subi %parallel_loop3A_432, %parallel_loop3A_434 : vector<16xi32>
      %parallel_loop3A_436 = arith.constant 8388607 : i32
      %parallel_loop3A_437 = vector.broadcast %parallel_loop3A_436 : i32 to vector<16xi32>
      %parallel_loop3A_438 = arith.andi %parallel_loop3A_429, %parallel_loop3A_437 : vector<16xi32>
      %parallel_loop3A_439 = arith.constant 1065353216 : i32
      %parallel_loop3A_440 = vector.broadcast %parallel_loop3A_439 : i32 to vector<16xi32>
      %parallel_loop3A_441 = arith.ori %parallel_loop3A_438, %parallel_loop3A_440 : vector<16xi32>
      %parallel_loop3A_442 = tpu.bitcast %parallel_loop3A_441 : vector<16xi32> -> vector<16xf32>
      %parallel_loop3A_443 = arith.constant 1.41421354 : f32
      %parallel_loop3A_444 = vector.broadcast %parallel_loop3A_443 : f32 to vector<16xf32>
      %parallel_loop3A_445 = arith.cmpf oge, %parallel_loop3A_442, %parallel_loop3A_444 : vector<16xf32>
      %parallel_loop3A_446 = arith.constant 5.000000e-01 : f32
      %parallel_loop3A_447 = vector.broadcast %parallel_loop3A_446 : f32 to vector<16xf32>
      %parallel_loop3A_448 = arith.mulf %parallel_loop3A_442, %parallel_loop3A_447 : vector<16xf32>
      %parallel_loop3A_449 = arith.select %parallel_loop3A_445, %parallel_loop3A_448, %parallel_loop3A_442 : vector<16xi1>, vector<16xf32>
      %parallel_loop3A_450 = arith.constant 1 : i32
      %parallel_loop3A_451 = vector.broadcast %parallel_loop3A_450 : i32 to vector<16xi32>
      %parallel_loop3A_452 = arith.addi %parallel_loop3A_435, %parallel_loop3A_451 : vector<16xi32>
      %parallel_loop3A_453 = arith.select %parallel_loop3A_445, %parallel_loop3A_452, %parallel_loop3A_435 : vector<16xi1>, vector<16xi32>
      %parallel_loop3A_454 = arith.constant 1.000000e+00 : f32
      %parallel_loop3A_455 = vector.broadcast %parallel_loop3A_454 : f32 to vector<16xf32>
      %parallel_loop3A_456 = arith.subf %parallel_loop3A_449, %parallel_loop3A_455 : vector<16xf32>
      %parallel_loop3A_457 = arith.constant 0.120947205 : f32
      %parallel_loop3A_458 = vector.broadcast %parallel_loop3A_457 : f32 to vector<16xf32>
      %parallel_loop3A_459 = arith.mulf %parallel_loop3A_458, %parallel_loop3A_456 : vector<16xf32>
      %parallel_loop3A_460 = arith.constant -0.206254348 : f32
      %parallel_loop3A_461 = vector.broadcast %parallel_loop3A_460 : f32 to vector<16xf32>
      %parallel_loop3A_462 = arith.addf %parallel_loop3A_459, %parallel_loop3A_461 : vector<16xf32>
      %parallel_loop3A_463 = arith.mulf %parallel_loop3A_462, %parallel_loop3A_456 : vector<16xf32>
      %parallel_loop3A_464 = arith.constant 0.217217103 : f32
      %parallel_loop3A_465 = vector.broadcast %parallel_loop3A_464 : f32 to vector<16xf32>
      %parallel_loop3A_466 = arith.addf %parallel_loop3A_463, %parallel_loop3A_465 : vector<16xf32>
      %parallel_loop3A_467 = arith.mulf %parallel_loop3A_466, %parallel_loop3A_456 : vector<16xf32>
      %parallel_loop3A_468 = arith.constant -0.239137754 : f32
      %parallel_loop3A_469 = vector.broadcast %parallel_loop3A_468 : f32 to vector<16xf32>
      %parallel_loop3A_470 = arith.addf %parallel_loop3A_467, %parallel_loop3A_469 : vector<16xf32>
      %parallel_loop3A_471 = arith.mulf %parallel_loop3A_470, %parallel_loop3A_456 : vector<16xf32>
      %parallel_loop3A_472 = arith.constant 0.287742406 : f32
      %parallel_loop3A_473 = vector.broadcast %parallel_loop3A_472 : f32 to vector<16xf32>
      %parallel_loop3A_474 = arith.addf %parallel_loop3A_471, %parallel_loop3A_473 : vector<16xf32>
      %parallel_loop3A_475 = arith.mulf %parallel_loop3A_474, %parallel_loop3A_456 : vector<16xf32>
      %parallel_loop3A_476 = arith.constant -0.360691816 : f32
      %parallel_loop3A_477 = vector.broadcast %parallel_loop3A_476 : f32 to vector<16xf32>
      %parallel_loop3A_478 = arith.addf %parallel_loop3A_475, %parallel_loop3A_477 : vector<16xf32>
      %parallel_loop3A_479 = arith.mulf %parallel_loop3A_478, %parallel_loop3A_456 : vector<16xf32>
      %parallel_loop3A_480 = arith.constant 0.480918497 : f32
      %parallel_loop3A_481 = vector.broadcast %parallel_loop3A_480 : f32 to vector<16xf32>
      %parallel_loop3A_482 = arith.addf %parallel_loop3A_479, %parallel_loop3A_481 : vector<16xf32>
      %parallel_loop3A_483 = arith.mulf %parallel_loop3A_482, %parallel_loop3A_456 : vector<16xf32>
      %parallel_loop3A_484 = arith.constant -0.72134757 : f32
      %parallel_loop3A_485 = vector.broadcast %parallel_loop3A_484 : f32 to vector<16xf32>
      %parallel_loop3A_486 = arith.addf %parallel_loop3A_483, %parallel_loop3A_485 : vector<16xf32>
      %parallel_loop3A_487 = arith.mulf %parallel_loop3A_486, %parallel_loop3A_456 : vector<16xf32>
      %parallel_loop3A_488 = arith.constant 1.4426949 : f32
      %parallel_loop3A_489 = vector.broadcast %parallel_loop3A_488 : f32 to vector<16xf32>
      %parallel_loop3A_490 = arith.addf %parallel_loop3A_487, %parallel_loop3A_489 : vector<16xf32>
      %parallel_loop3A_491 = arith.mulf %parallel_loop3A_490, %parallel_loop3A_456 : vector<16xf32>
      %parallel_loop3A_492 = arith.constant 3.81468801E-10 : f32
      %parallel_loop3A_493 = vector.broadcast %parallel_loop3A_492 : f32 to vector<16xf32>
      %parallel_loop3A_494 = arith.addf %parallel_loop3A_491, %parallel_loop3A_493 : vector<16xf32>
      %parallel_loop3A_495 = arith.sitofp %parallel_loop3A_453 : vector<16xi32> to vector<16xf32>
      %parallel_loop3A_496 = arith.addf %parallel_loop3A_495, %parallel_loop3A_494 : vector<16xf32>
      %parallel_loop3A_497 = arith.constant -0.693147182 : f32
      %parallel_loop3A_498 = vector.broadcast %parallel_loop3A_497 : f32 to vector<16xf32>
      %parallel_loop3A_499 = arith.mulf %parallel_loop3A_496, %parallel_loop3A_498 : vector<16xf32>
      %parallel_loop3A_500 = tpu.bitcast %parallel_loop3A_499 : vector<16xf32> -> vector<16xi32>
      %parallel_loop3A_501 = arith.constant 23 : i32
      %parallel_loop3A_502 = vector.broadcast %parallel_loop3A_501 : i32 to vector<16xi32>
      %parallel_loop3A_503 = arith.shrui %parallel_loop3A_500, %parallel_loop3A_502 : vector<16xi32>
      %parallel_loop3A_504 = arith.constant 127 : i32
      %parallel_loop3A_505 = vector.broadcast %parallel_loop3A_504 : i32 to vector<16xi32>
      %parallel_loop3A_506 = arith.subi %parallel_loop3A_503, %parallel_loop3A_505 : vector<16xi32>
      %parallel_loop3A_507 = arith.constant 8388607 : i32
      %parallel_loop3A_508 = vector.broadcast %parallel_loop3A_507 : i32 to vector<16xi32>
      %parallel_loop3A_509 = arith.andi %parallel_loop3A_500, %parallel_loop3A_508 : vector<16xi32>
      %parallel_loop3A_510 = arith.constant 1065353216 : i32
      %parallel_loop3A_511 = vector.broadcast %parallel_loop3A_510 : i32 to vector<16xi32>
      %parallel_loop3A_512 = arith.ori %parallel_loop3A_509, %parallel_loop3A_511 : vector<16xi32>
      %parallel_loop3A_513 = tpu.bitcast %parallel_loop3A_512 : vector<16xi32> -> vector<16xf32>
      %parallel_loop3A_514 = arith.constant 1.41421354 : f32
      %parallel_loop3A_515 = vector.broadcast %parallel_loop3A_514 : f32 to vector<16xf32>
      %parallel_loop3A_516 = arith.cmpf oge, %parallel_loop3A_513, %parallel_loop3A_515 : vector<16xf32>
      %parallel_loop3A_517 = arith.constant 5.000000e-01 : f32
      %parallel_loop3A_518 = vector.broadcast %parallel_loop3A_517 : f32 to vector<16xf32>
      %parallel_loop3A_519 = arith.mulf %parallel_loop3A_513, %parallel_loop3A_518 : vector<16xf32>
      %parallel_loop3A_520 = arith.select %parallel_loop3A_516, %parallel_loop3A_519, %parallel_loop3A_513 : vector<16xi1>, vector<16xf32>
      %parallel_loop3A_521 = arith.constant 1 : i32
      %parallel_loop3A_522 = vector.broadcast %parallel_loop3A_521 : i32 to vector<16xi32>
      %parallel_loop3A_523 = arith.addi %parallel_loop3A_506, %parallel_loop3A_522 : vector<16xi32>
      %parallel_loop3A_524 = arith.select %parallel_loop3A_516, %parallel_loop3A_523, %parallel_loop3A_506 : vector<16xi1>, vector<16xi32>
      %parallel_loop3A_525 = arith.constant 1.000000e+00 : f32
      %parallel_loop3A_526 = vector.broadcast %parallel_loop3A_525 : f32 to vector<16xf32>
      %parallel_loop3A_527 = arith.subf %parallel_loop3A_520, %parallel_loop3A_526 : vector<16xf32>
      %parallel_loop3A_528 = arith.constant 0.120947205 : f32
      %parallel_loop3A_529 = vector.broadcast %parallel_loop3A_528 : f32 to vector<16xf32>
      %parallel_loop3A_530 = arith.mulf %parallel_loop3A_529, %parallel_loop3A_527 : vector<16xf32>
      %parallel_loop3A_531 = arith.constant -0.206254348 : f32
      %parallel_loop3A_532 = vector.broadcast %parallel_loop3A_531 : f32 to vector<16xf32>
      %parallel_loop3A_533 = arith.addf %parallel_loop3A_530, %parallel_loop3A_532 : vector<16xf32>
      %parallel_loop3A_534 = arith.mulf %parallel_loop3A_533, %parallel_loop3A_527 : vector<16xf32>
      %parallel_loop3A_535 = arith.constant 0.217217103 : f32
      %parallel_loop3A_536 = vector.broadcast %parallel_loop3A_535 : f32 to vector<16xf32>
      %parallel_loop3A_537 = arith.addf %parallel_loop3A_534, %parallel_loop3A_536 : vector<16xf32>
      %parallel_loop3A_538 = arith.mulf %parallel_loop3A_537, %parallel_loop3A_527 : vector<16xf32>
      %parallel_loop3A_539 = arith.constant -0.239137754 : f32
      %parallel_loop3A_540 = vector.broadcast %parallel_loop3A_539 : f32 to vector<16xf32>
      %parallel_loop3A_541 = arith.addf %parallel_loop3A_538, %parallel_loop3A_540 : vector<16xf32>
      %parallel_loop3A_542 = arith.mulf %parallel_loop3A_541, %parallel_loop3A_527 : vector<16xf32>
      %parallel_loop3A_543 = arith.constant 0.287742406 : f32
      %parallel_loop3A_544 = vector.broadcast %parallel_loop3A_543 : f32 to vector<16xf32>
      %parallel_loop3A_545 = arith.addf %parallel_loop3A_542, %parallel_loop3A_544 : vector<16xf32>
      %parallel_loop3A_546 = arith.mulf %parallel_loop3A_545, %parallel_loop3A_527 : vector<16xf32>
      %parallel_loop3A_547 = arith.constant -0.360691816 : f32
      %parallel_loop3A_548 = vector.broadcast %parallel_loop3A_547 : f32 to vector<16xf32>
      %parallel_loop3A_549 = arith.addf %parallel_loop3A_546, %parallel_loop3A_548 : vector<16xf32>
      %parallel_loop3A_550 = arith.mulf %parallel_loop3A_549, %parallel_loop3A_527 : vector<16xf32>
      %parallel_loop3A_551 = arith.constant 0.480918497 : f32
      %parallel_loop3A_552 = vector.broadcast %parallel_loop3A_551 : f32 to vector<16xf32>
      %parallel_loop3A_553 = arith.addf %parallel_loop3A_550, %parallel_loop3A_552 : vector<16xf32>
      %parallel_loop3A_554 = arith.mulf %parallel_loop3A_553, %parallel_loop3A_527 : vector<16xf32>
      %parallel_loop3A_555 = arith.constant -0.72134757 : f32
      %parallel_loop3A_556 = vector.broadcast %parallel_loop3A_555 : f32 to vector<16xf32>
      %parallel_loop3A_557 = arith.addf %parallel_loop3A_554, %parallel_loop3A_556 : vector<16xf32>
      %parallel_loop3A_558 = arith.mulf %parallel_loop3A_557, %parallel_loop3A_527 : vector<16xf32>
      %parallel_loop3A_559 = arith.constant 1.4426949 : f32
      %parallel_loop3A_560 = vector.broadcast %parallel_loop3A_559 : f32 to vector<16xf32>
      %parallel_loop3A_561 = arith.addf %parallel_loop3A_558, %parallel_loop3A_560 : vector<16xf32>
      %parallel_loop3A_562 = arith.mulf %parallel_loop3A_561, %parallel_loop3A_527 : vector<16xf32>
      %parallel_loop3A_563 = arith.constant 3.81468801E-10 : f32
      %parallel_loop3A_564 = vector.broadcast %parallel_loop3A_563 : f32 to vector<16xf32>
      %parallel_loop3A_565 = arith.addf %parallel_loop3A_562, %parallel_loop3A_564 : vector<16xf32>
      %parallel_loop3A_566 = arith.sitofp %parallel_loop3A_524 : vector<16xi32> to vector<16xf32>
      %parallel_loop3A_567 = arith.addf %parallel_loop3A_566, %parallel_loop3A_565 : vector<16xf32>
      %parallel_loop3A_568 = arith.constant -0.693147182 : f32
      %parallel_loop3A_569 = vector.broadcast %parallel_loop3A_568 : f32 to vector<16xf32>
      %parallel_loop3A_570 = arith.mulf %parallel_loop3A_567, %parallel_loop3A_569 : vector<16xf32>
      %parallel_loop3A_571 = arith.index_cast %parallel_loop3A_182 : i32 to index
      %parallel_loop3A_572 = arith.constant 0 : index
      %parallel_loop3A_573 = tpu.vector_load %arg5[%parallel_loop3A_571, %parallel_loop3A_572] {strides = array<i32>} : memref<640x128xf32, #tpu.memory_space<vmem>>, vector<1x16xf32>,
      %parallel_loop3A_574 = vector.shape_cast %parallel_loop3A_573 : vector<1x16xf32> to vector<16xf32>
      %parallel_loop3A_575 = arith.addf %parallel_loop3A_574, %parallel_loop3A_570 : vector<16xf32>
      %parallel_loop3A_576 = arith.cmpf ogt, %parallel_loop3A_575, %parallel_loop3A_183 : vector<16xf32>
      %parallel_loop3A_577 = arith.select %parallel_loop3A_576, %parallel_loop3A_575, %parallel_loop3A_183 : vector<16xi1>, vector<16xf32>
      %parallel_loop3A_578 = arith.constant 0 : i32
      %parallel_loop3A_579 = vector.broadcast %parallel_loop3A_578 : i32 to vector<16xi32>
      %parallel_loop3A_580 = vector.broadcast %parallel_loop3A_199 : i32 to vector<16xi32>
      %parallel_loop3A_581 = arith.addi %parallel_loop3A_579, %parallel_loop3A_580 : vector<16xi32>
      %parallel_loop3A_582 = arith.select %parallel_loop3A_576, %parallel_loop3A_581, %parallel_loop3A_191 : vector<16xi1>, vector<16xi32>
      %parallel_loop3A_583 = vector.broadcast %parallel_loop3A_201 : i32 to vector<16xi32>
      %parallel_loop3A_584 = arith.addi %mul3A_72, %parallel_loop3A_583 : vector<16xi32>
      %parallel_loop3A_585 = arith.constant 928981903 : i32
      %parallel_loop3A_586 = vector.broadcast %parallel_loop3A_585 : i32 to vector<16xi32>
      %parallel_loop3A_587 = arith.addi %parallel_loop3A_584, %parallel_loop3A_586 : vector<16xi32>
      %parallel_loop3A_588 = arith.constant 13 : i32
      %parallel_loop3A_589 = vector.broadcast %parallel_loop3A_588 : i32 to vector<16xi32>
      %parallel_loop3A_590 = arith.shli %parallel_loop3A_584, %parallel_loop3A_589 : vector<16xi32>
      %parallel_loop3A_591 = arith.constant 19 : i32
      %parallel_loop3A_592 = vector.broadcast %parallel_loop3A_591 : i32 to vector<16xi32>
      %parallel_loop3A_593 = arith.shrui %parallel_loop3A_584, %parallel_loop3A_592 : vector<16xi32>
      %parallel_loop3A_594 = arith.ori %parallel_loop3A_590, %parallel_loop3A_593 : vector<16xi32>
      %parallel_loop3A_595 = arith.xori %parallel_loop3A_594, %parallel_loop3A_587 : vector<16xi32>
      %parallel_loop3A_596 = arith.addi %parallel_loop3A_587, %parallel_loop3A_595 : vector<16xi32>
      %parallel_loop3A_597 = arith.constant 15 : i32
      %parallel_loop3A_598 = vector.broadcast %parallel_loop3A_597 : i32 to vector<16xi32>
      %parallel_loop3A_599 = arith.shli %parallel_loop3A_595, %parallel_loop3A_598 : vector<16xi32>
      %parallel_loop3A_600 = arith.constant 17 : i32
      %parallel_loop3A_601 = vector.broadcast %parallel_loop3A_600 : i32 to vector<16xi32>
      %parallel_loop3A_602 = arith.shrui %parallel_loop3A_595, %parallel_loop3A_601 : vector<16xi32>
      %parallel_loop3A_603 = arith.ori %parallel_loop3A_599, %parallel_loop3A_602 : vector<16xi32>
      %parallel_loop3A_604 = arith.xori %parallel_loop3A_603, %parallel_loop3A_596 : vector<16xi32>
      %parallel_loop3A_605 = arith.addi %parallel_loop3A_596, %parallel_loop3A_604 : vector<16xi32>
      %parallel_loop3A_606 = arith.constant 26 : i32
      %parallel_loop3A_607 = vector.broadcast %parallel_loop3A_606 : i32 to vector<16xi32>
      %parallel_loop3A_608 = arith.shli %parallel_loop3A_604, %parallel_loop3A_607 : vector<16xi32>
      %parallel_loop3A_609 = arith.constant 6 : i32
      %parallel_loop3A_610 = vector.broadcast %parallel_loop3A_609 : i32 to vector<16xi32>
      %parallel_loop3A_611 = arith.shrui %parallel_loop3A_604, %parallel_loop3A_610 : vector<16xi32>
      %parallel_loop3A_612 = arith.ori %parallel_loop3A_608, %parallel_loop3A_611 : vector<16xi32>
      %parallel_loop3A_613 = arith.xori %parallel_loop3A_612, %parallel_loop3A_605 : vector<16xi32>
      %parallel_loop3A_614 = arith.addi %parallel_loop3A_605, %parallel_loop3A_613 : vector<16xi32>
      %parallel_loop3A_615 = arith.constant 6 : i32
      %parallel_loop3A_616 = vector.broadcast %parallel_loop3A_615 : i32 to vector<16xi32>
      %parallel_loop3A_617 = arith.shli %parallel_loop3A_613, %parallel_loop3A_616 : vector<16xi32>
      %parallel_loop3A_618 = arith.constant 26 : i32
      %parallel_loop3A_619 = vector.broadcast %parallel_loop3A_618 : i32 to vector<16xi32>
      %parallel_loop3A_620 = arith.shrui %parallel_loop3A_613, %parallel_loop3A_619 : vector<16xi32>
      %parallel_loop3A_621 = arith.ori %parallel_loop3A_617, %parallel_loop3A_620 : vector<16xi32>
      %parallel_loop3A_622 = arith.xori %parallel_loop3A_621, %parallel_loop3A_614 : vector<16xi32>
      %parallel_loop3A_623 = arith.constant -841280227 : i32
      %parallel_loop3A_624 = vector.broadcast %parallel_loop3A_623 : i32 to vector<16xi32>
      %parallel_loop3A_625 = arith.addi %parallel_loop3A_614, %parallel_loop3A_624 : vector<16xi32>
      %parallel_loop3A_626 = arith.constant -514511543 : i32
      %parallel_loop3A_627 = vector.broadcast %parallel_loop3A_626 : i32 to vector<16xi32>
      %parallel_loop3A_628 = arith.addi %parallel_loop3A_622, %parallel_loop3A_627 : vector<16xi32>
      %parallel_loop3A_629 = arith.addi %parallel_loop3A_625, %parallel_loop3A_628 : vector<16xi32>
      %parallel_loop3A_630 = arith.constant 17 : i32
      %parallel_loop3A_631 = vector.broadcast %parallel_loop3A_630 : i32 to vector<16xi32>
      %parallel_loop3A_632 = arith.shli %parallel_loop3A_628, %parallel_loop3A_631 : vector<16xi32>
      %parallel_loop3A_633 = arith.constant 15 : i32
      %parallel_loop3A_634 = vector.broadcast %parallel_loop3A_633 : i32 to vector<16xi32>
      %parallel_loop3A_635 = arith.shrui %parallel_loop3A_628, %parallel_loop3A_634 : vector<16xi32>
      %parallel_loop3A_636 = arith.ori %parallel_loop3A_632, %parallel_loop3A_635 : vector<16xi32>
      %parallel_loop3A_637 = arith.xori %parallel_loop3A_636, %parallel_loop3A_629 : vector<16xi32>
      %parallel_loop3A_638 = arith.addi %parallel_loop3A_629, %parallel_loop3A_637 : vector<16xi32>
      %parallel_loop3A_639 = arith.constant 29 : i32
      %parallel_loop3A_640 = vector.broadcast %parallel_loop3A_639 : i32 to vector<16xi32>
      %parallel_loop3A_641 = arith.shli %parallel_loop3A_637, %parallel_loop3A_640 : vector<16xi32>
      %parallel_loop3A_642 = arith.constant 3 : i32
      %parallel_loop3A_643 = vector.broadcast %parallel_loop3A_642 : i32 to vector<16xi32>
      %parallel_loop3A_644 = arith.shrui %parallel_loop3A_637, %parallel_loop3A_643 : vector<16xi32>
      %parallel_loop3A_645 = arith.ori %parallel_loop3A_641, %parallel_loop3A_644 : vector<16xi32>
      %parallel_loop3A_646 = arith.xori %parallel_loop3A_645, %parallel_loop3A_638 : vector<16xi32>
      %parallel_loop3A_647 = arith.addi %parallel_loop3A_638, %parallel_loop3A_646 : vector<16xi32>
      %parallel_loop3A_648 = arith.constant 16 : i32
      %parallel_loop3A_649 = vector.broadcast %parallel_loop3A_648 : i32 to vector<16xi32>
      %parallel_loop3A_650 = arith.shli %parallel_loop3A_646, %parallel_loop3A_649 : vector<16xi32>
      %parallel_loop3A_651 = arith.constant 16 : i32
      %parallel_loop3A_652 = vector.broadcast %parallel_loop3A_651 : i32 to vector<16xi32>
      %parallel_loop3A_653 = arith.shrui %parallel_loop3A_646, %parallel_loop3A_652 : vector<16xi32>
      %parallel_loop3A_654 = arith.ori %parallel_loop3A_650, %parallel_loop3A_653 : vector<16xi32>
      %parallel_loop3A_655 = arith.xori %parallel_loop3A_654, %parallel_loop3A_647 : vector<16xi32>
      %parallel_loop3A_656 = arith.addi %parallel_loop3A_647, %parallel_loop3A_655 : vector<16xi32>
      %parallel_loop3A_657 = arith.constant 24 : i32
      %parallel_loop3A_658 = vector.broadcast %parallel_loop3A_657 : i32 to vector<16xi32>
      %parallel_loop3A_659 = arith.shli %parallel_loop3A_655, %parallel_loop3A_658 : vector<16xi32>
      %parallel_loop3A_660 = arith.constant 8 : i32
      %parallel_loop3A_661 = vector.broadcast %parallel_loop3A_660 : i32 to vector<16xi32>
      %parallel_loop3A_662 = arith.shrui %parallel_loop3A_655, %parallel_loop3A_661 : vector<16xi32>
      %parallel_loop3A_663 = arith.ori %parallel_loop3A_659, %parallel_loop3A_662 : vector<16xi32>
      %parallel_loop3A_664 = arith.xori %parallel_loop3A_663, %parallel_loop3A_656 : vector<16xi32>
      %parallel_loop3A_665 = arith.constant -514511544 : i32
      %parallel_loop3A_666 = vector.broadcast %parallel_loop3A_665 : i32 to vector<16xi32>
      %parallel_loop3A_667 = arith.addi %parallel_loop3A_656, %parallel_loop3A_666 : vector<16xi32>
      %parallel_loop3A_668 = arith.constant 928981905 : i32
      %parallel_loop3A_669 = vector.broadcast %parallel_loop3A_668 : i32 to vector<16xi32>
      %parallel_loop3A_670 = arith.addi %parallel_loop3A_664, %parallel_loop3A_669 : vector<16xi32>
      %parallel_loop3A_671 = arith.addi %parallel_loop3A_667, %parallel_loop3A_670 : vector<16xi32>
      %parallel_loop3A_672 = arith.constant 13 : i32
      %parallel_loop3A_673 = vector.broadcast %parallel_loop3A_672 : i32 to vector<16xi32>
      %parallel_loop3A_674 = arith.shli %parallel_loop3A_670, %parallel_loop3A_673 : vector<16xi32>
      %parallel_loop3A_675 = arith.constant 19 : i32
      %parallel_loop3A_676 = vector.broadcast %parallel_loop3A_675 : i32 to vector<16xi32>
      %parallel_loop3A_677 = arith.shrui %parallel_loop3A_670, %parallel_loop3A_676 : vector<16xi32>
      %parallel_loop3A_678 = arith.ori %parallel_loop3A_674, %parallel_loop3A_677 : vector<16xi32>
      %parallel_loop3A_679 = arith.xori %parallel_loop3A_678, %parallel_loop3A_671 : vector<16xi32>
      %parallel_loop3A_680 = arith.addi %parallel_loop3A_671, %parallel_loop3A_679 : vector<16xi32>
      %parallel_loop3A_681 = arith.constant 15 : i32
      %parallel_loop3A_682 = vector.broadcast %parallel_loop3A_681 : i32 to vector<16xi32>
      %parallel_loop3A_683 = arith.shli %parallel_loop3A_679, %parallel_loop3A_682 : vector<16xi32>
      %parallel_loop3A_684 = arith.constant 17 : i32
      %parallel_loop3A_685 = vector.broadcast %parallel_loop3A_684 : i32 to vector<16xi32>
      %parallel_loop3A_686 = arith.shrui %parallel_loop3A_679, %parallel_loop3A_685 : vector<16xi32>
      %parallel_loop3A_687 = arith.ori %parallel_loop3A_683, %parallel_loop3A_686 : vector<16xi32>
      %parallel_loop3A_688 = arith.xori %parallel_loop3A_687, %parallel_loop3A_680 : vector<16xi32>
      %parallel_loop3A_689 = arith.addi %parallel_loop3A_680, %parallel_loop3A_688 : vector<16xi32>
      %parallel_loop3A_690 = arith.constant 26 : i32
      %parallel_loop3A_691 = vector.broadcast %parallel_loop3A_690 : i32 to vector<16xi32>
      %parallel_loop3A_692 = arith.shli %parallel_loop3A_688, %parallel_loop3A_691 : vector<16xi32>
      %parallel_loop3A_693 = arith.constant 6 : i32
      %parallel_loop3A_694 = vector.broadcast %parallel_loop3A_693 : i32 to vector<16xi32>
      %parallel_loop3A_695 = arith.shrui %parallel_loop3A_688, %parallel_loop3A_694 : vector<16xi32>
      %parallel_loop3A_696 = arith.ori %parallel_loop3A_692, %parallel_loop3A_695 : vector<16xi32>
      %parallel_loop3A_697 = arith.xori %parallel_loop3A_696, %parallel_loop3A_689 : vector<16xi32>
      %parallel_loop3A_698 = arith.addi %parallel_loop3A_689, %parallel_loop3A_697 : vector<16xi32>
      %parallel_loop3A_699 = arith.constant 6 : i32
      %parallel_loop3A_700 = vector.broadcast %parallel_loop3A_699 : i32 to vector<16xi32>
      %parallel_loop3A_701 = arith.shli %parallel_loop3A_697, %parallel_loop3A_700 : vector<16xi32>
      %parallel_loop3A_702 = arith.constant 26 : i32
      %parallel_loop3A_703 = vector.broadcast %parallel_loop3A_702 : i32 to vector<16xi32>
      %parallel_loop3A_704 = arith.shrui %parallel_loop3A_697, %parallel_loop3A_703 : vector<16xi32>
      %parallel_loop3A_705 = arith.ori %parallel_loop3A_701, %parallel_loop3A_704 : vector<16xi32>
      %parallel_loop3A_706 = arith.xori %parallel_loop3A_705, %parallel_loop3A_698 : vector<16xi32>
      %parallel_loop3A_707 = arith.constant 928981903 : i32
      %parallel_loop3A_708 = vector.broadcast %parallel_loop3A_707 : i32 to vector<16xi32>
      %parallel_loop3A_709 = arith.addi %parallel_loop3A_698, %parallel_loop3A_708 : vector<16xi32>
      %parallel_loop3A_710 = arith.constant -841280224 : i32
      %parallel_loop3A_711 = vector.broadcast %parallel_loop3A_710 : i32 to vector<16xi32>
      %parallel_loop3A_712 = arith.addi %parallel_loop3A_706, %parallel_loop3A_711 : vector<16xi32>
      %parallel_loop3A_713 = arith.addi %parallel_loop3A_709, %parallel_loop3A_712 : vector<16xi32>
      %parallel_loop3A_714 = arith.constant 17 : i32
      %parallel_loop3A_715 = vector.broadcast %parallel_loop3A_714 : i32 to vector<16xi32>
      %parallel_loop3A_716 = arith.shli %parallel_loop3A_712, %parallel_loop3A_715 : vector<16xi32>
      %parallel_loop3A_717 = arith.constant 15 : i32
      %parallel_loop3A_718 = vector.broadcast %parallel_loop3A_717 : i32 to vector<16xi32>
      %parallel_loop3A_719 = arith.shrui %parallel_loop3A_712, %parallel_loop3A_718 : vector<16xi32>
      %parallel_loop3A_720 = arith.ori %parallel_loop3A_716, %parallel_loop3A_719 : vector<16xi32>
      %parallel_loop3A_721 = arith.xori %parallel_loop3A_720, %parallel_loop3A_713 : vector<16xi32>
      %parallel_loop3A_722 = arith.addi %parallel_loop3A_713, %parallel_loop3A_721 : vector<16xi32>
      %parallel_loop3A_723 = arith.constant 29 : i32
      %parallel_loop3A_724 = vector.broadcast %parallel_loop3A_723 : i32 to vector<16xi32>
      %parallel_loop3A_725 = arith.shli %parallel_loop3A_721, %parallel_loop3A_724 : vector<16xi32>
      %parallel_loop3A_726 = arith.constant 3 : i32
      %parallel_loop3A_727 = vector.broadcast %parallel_loop3A_726 : i32 to vector<16xi32>
      %parallel_loop3A_728 = arith.shrui %parallel_loop3A_721, %parallel_loop3A_727 : vector<16xi32>
      %parallel_loop3A_729 = arith.ori %parallel_loop3A_725, %parallel_loop3A_728 : vector<16xi32>
      %parallel_loop3A_730 = arith.xori %parallel_loop3A_729, %parallel_loop3A_722 : vector<16xi32>
      %parallel_loop3A_731 = arith.addi %parallel_loop3A_722, %parallel_loop3A_730 : vector<16xi32>
      %parallel_loop3A_732 = arith.constant 16 : i32
      %parallel_loop3A_733 = vector.broadcast %parallel_loop3A_732 : i32 to vector<16xi32>
      %parallel_loop3A_734 = arith.shli %parallel_loop3A_730, %parallel_loop3A_733 : vector<16xi32>
      %parallel_loop3A_735 = arith.constant 16 : i32
      %parallel_loop3A_736 = vector.broadcast %parallel_loop3A_735 : i32 to vector<16xi32>
      %parallel_loop3A_737 = arith.shrui %parallel_loop3A_730, %parallel_loop3A_736 : vector<16xi32>
      %parallel_loop3A_738 = arith.ori %parallel_loop3A_734, %parallel_loop3A_737 : vector<16xi32>
      %parallel_loop3A_739 = arith.xori %parallel_loop3A_738, %parallel_loop3A_731 : vector<16xi32>
      %parallel_loop3A_740 = arith.addi %parallel_loop3A_731, %parallel_loop3A_739 : vector<16xi32>
      %parallel_loop3A_741 = arith.constant 24 : i32
      %parallel_loop3A_742 = vector.broadcast %parallel_loop3A_741 : i32 to vector<16xi32>
      %parallel_loop3A_743 = arith.shli %parallel_loop3A_739, %parallel_loop3A_742 : vector<16xi32>
      %parallel_loop3A_744 = arith.constant 8 : i32
      %parallel_loop3A_745 = vector.broadcast %parallel_loop3A_744 : i32 to vector<16xi32>
      %parallel_loop3A_746 = arith.shrui %parallel_loop3A_739, %parallel_loop3A_745 : vector<16xi32>
      %parallel_loop3A_747 = arith.ori %parallel_loop3A_743, %parallel_loop3A_746 : vector<16xi32>
      %parallel_loop3A_748 = arith.xori %parallel_loop3A_747, %parallel_loop3A_740 : vector<16xi32>
      %parallel_loop3A_749 = arith.constant -841280227 : i32
      %parallel_loop3A_750 = vector.broadcast %parallel_loop3A_749 : i32 to vector<16xi32>
      %parallel_loop3A_751 = arith.addi %parallel_loop3A_740, %parallel_loop3A_750 : vector<16xi32>
      %parallel_loop3A_752 = arith.constant -514511540 : i32
      %parallel_loop3A_753 = vector.broadcast %parallel_loop3A_752 : i32 to vector<16xi32>
      %parallel_loop3A_754 = arith.addi %parallel_loop3A_748, %parallel_loop3A_753 : vector<16xi32>
      %parallel_loop3A_755 = arith.addi %parallel_loop3A_751, %parallel_loop3A_754 : vector<16xi32>
      %parallel_loop3A_756 = arith.constant 13 : i32
      %parallel_loop3A_757 = vector.broadcast %parallel_loop3A_756 : i32 to vector<16xi32>
      %parallel_loop3A_758 = arith.shli %parallel_loop3A_754, %parallel_loop3A_757 : vector<16xi32>
      %parallel_loop3A_759 = arith.constant 19 : i32
      %parallel_loop3A_760 = vector.broadcast %parallel_loop3A_759 : i32 to vector<16xi32>
      %parallel_loop3A_761 = arith.shrui %parallel_loop3A_754, %parallel_loop3A_760 : vector<16xi32>
      %parallel_loop3A_762 = arith.ori %parallel_loop3A_758, %parallel_loop3A_761 : vector<16xi32>
      %parallel_loop3A_763 = arith.xori %parallel_loop3A_762, %parallel_loop3A_755 : vector<16xi32>
      %parallel_loop3A_764 = arith.addi %parallel_loop3A_755, %parallel_loop3A_763 : vector<16xi32>
      %parallel_loop3A_765 = arith.constant 15 : i32
      %parallel_loop3A_766 = vector.broadcast %parallel_loop3A_765 : i32 to vector<16xi32>
      %parallel_loop3A_767 = arith.shli %parallel_loop3A_763, %parallel_loop3A_766 : vector<16xi32>
      %parallel_loop3A_768 = arith.constant 17 : i32
      %parallel_loop3A_769 = vector.broadcast %parallel_loop3A_768 : i32 to vector<16xi32>
      %parallel_loop3A_770 = arith.shrui %parallel_loop3A_763, %parallel_loop3A_769 : vector<16xi32>
      %parallel_loop3A_771 = arith.ori %parallel_loop3A_767, %parallel_loop3A_770 : vector<16xi32>
      %parallel_loop3A_772 = arith.xori %parallel_loop3A_771, %parallel_loop3A_764 : vector<16xi32>
      %parallel_loop3A_773 = arith.addi %parallel_loop3A_764, %parallel_loop3A_772 : vector<16xi32>
      %parallel_loop3A_774 = arith.constant 26 : i32
      %parallel_loop3A_775 = vector.broadcast %parallel_loop3A_774 : i32 to vector<16xi32>
      %parallel_loop3A_776 = arith.shli %parallel_loop3A_772, %parallel_loop3A_775 : vector<16xi32>
      %parallel_loop3A_777 = arith.constant 6 : i32
      %parallel_loop3A_778 = vector.broadcast %parallel_loop3A_777 : i32 to vector<16xi32>
      %parallel_loop3A_779 = arith.shrui %parallel_loop3A_772, %parallel_loop3A_778 : vector<16xi32>
      %parallel_loop3A_780 = arith.ori %parallel_loop3A_776, %parallel_loop3A_779 : vector<16xi32>
      %parallel_loop3A_781 = arith.xori %parallel_loop3A_780, %parallel_loop3A_773 : vector<16xi32>
      %parallel_loop3A_782 = arith.addi %parallel_loop3A_773, %parallel_loop3A_781 : vector<16xi32>
      %parallel_loop3A_783 = arith.constant 6 : i32
      %parallel_loop3A_784 = vector.broadcast %parallel_loop3A_783 : i32 to vector<16xi32>
      %parallel_loop3A_785 = arith.shli %parallel_loop3A_781, %parallel_loop3A_784 : vector<16xi32>
      %parallel_loop3A_786 = arith.constant 26 : i32
      %parallel_loop3A_787 = vector.broadcast %parallel_loop3A_786 : i32 to vector<16xi32>
      %parallel_loop3A_788 = arith.shrui %parallel_loop3A_781, %parallel_loop3A_787 : vector<16xi32>
      %parallel_loop3A_789 = arith.ori %parallel_loop3A_785, %parallel_loop3A_788 : vector<16xi32>
      %parallel_loop3A_790 = arith.xori %parallel_loop3A_789, %parallel_loop3A_782 : vector<16xi32>
      %parallel_loop3A_791 = arith.constant -514511544 : i32
      %parallel_loop3A_792 = vector.broadcast %parallel_loop3A_791 : i32 to vector<16xi32>
      %parallel_loop3A_793 = arith.addi %parallel_loop3A_782, %parallel_loop3A_792 : vector<16xi32>
      %parallel_loop3A_794 = arith.constant 928981908 : i32
      %parallel_loop3A_795 = vector.broadcast %parallel_loop3A_794 : i32 to vector<16xi32>
      %parallel_loop3A_796 = arith.addi %parallel_loop3A_790, %parallel_loop3A_795 : vector<16xi32>
      %parallel_loop3A_797 = arith.xori %parallel_loop3A_793, %parallel_loop3A_796 : vector<16xi32>
      %parallel_loop3A_798 = arith.constant 9 : i32
      %parallel_loop3A_799 = vector.broadcast %parallel_loop3A_798 : i32 to vector<16xi32>
      %parallel_loop3A_800 = arith.shrui %parallel_loop3A_797, %parallel_loop3A_799 : vector<16xi32>
      %parallel_loop3A_801 = arith.constant 1065353216 : i32
      %parallel_loop3A_802 = vector.broadcast %parallel_loop3A_801 : i32 to vector<16xi32>
      %parallel_loop3A_803 = arith.ori %parallel_loop3A_800, %parallel_loop3A_802 : vector<16xi32>
      %parallel_loop3A_804 = tpu.bitcast %parallel_loop3A_803 : vector<16xi32> -> vector<16xf32>
      %parallel_loop3A_805 = arith.constant 1.000000e+00 : f32
      %parallel_loop3A_806 = vector.broadcast %parallel_loop3A_805 : f32 to vector<16xf32>
      %parallel_loop3A_807 = arith.subf %parallel_loop3A_804, %parallel_loop3A_806 : vector<16xf32>
      %parallel_loop3A_808 = vector.broadcast %parallel_loop3A_117 : f32 to vector<16xf32>
      %parallel_loop3A_809 = arith.addf %parallel_loop3A_807, %parallel_loop3A_808 : vector<16xf32>
      %parallel_loop3A_810 = tpu.bitcast %parallel_loop3A_809 : vector<16xf32> -> vector<16xi32>
      %parallel_loop3A_811 = arith.constant 23 : i32
      %parallel_loop3A_812 = vector.broadcast %parallel_loop3A_811 : i32 to vector<16xi32>
      %parallel_loop3A_813 = arith.shrui %parallel_loop3A_810, %parallel_loop3A_812 : vector<16xi32>
      %parallel_loop3A_814 = arith.constant 127 : i32
      %parallel_loop3A_815 = vector.broadcast %parallel_loop3A_814 : i32 to vector<16xi32>
      %parallel_loop3A_816 = arith.subi %parallel_loop3A_813, %parallel_loop3A_815 : vector<16xi32>
      %parallel_loop3A_817 = arith.constant 8388607 : i32
      %parallel_loop3A_818 = vector.broadcast %parallel_loop3A_817 : i32 to vector<16xi32>
      %parallel_loop3A_819 = arith.andi %parallel_loop3A_810, %parallel_loop3A_818 : vector<16xi32>
      %parallel_loop3A_820 = arith.constant 1065353216 : i32
      %parallel_loop3A_821 = vector.broadcast %parallel_loop3A_820 : i32 to vector<16xi32>
      %parallel_loop3A_822 = arith.ori %parallel_loop3A_819, %parallel_loop3A_821 : vector<16xi32>
      %parallel_loop3A_823 = tpu.bitcast %parallel_loop3A_822 : vector<16xi32> -> vector<16xf32>
      %parallel_loop3A_824 = arith.constant 1.41421354 : f32
      %parallel_loop3A_825 = vector.broadcast %parallel_loop3A_824 : f32 to vector<16xf32>
      %parallel_loop3A_826 = arith.cmpf oge, %parallel_loop3A_823, %parallel_loop3A_825 : vector<16xf32>
      %parallel_loop3A_827 = arith.constant 5.000000e-01 : f32
      %parallel_loop3A_828 = vector.broadcast %parallel_loop3A_827 : f32 to vector<16xf32>
      %parallel_loop3A_829 = arith.mulf %parallel_loop3A_823, %parallel_loop3A_828 : vector<16xf32>
      %parallel_loop3A_830 = arith.select %parallel_loop3A_826, %parallel_loop3A_829, %parallel_loop3A_823 : vector<16xi1>, vector<16xf32>
      %parallel_loop3A_831 = arith.constant 1 : i32
      %parallel_loop3A_832 = vector.broadcast %parallel_loop3A_831 : i32 to vector<16xi32>
      %parallel_loop3A_833 = arith.addi %parallel_loop3A_816, %parallel_loop3A_832 : vector<16xi32>
      %parallel_loop3A_834 = arith.select %parallel_loop3A_826, %parallel_loop3A_833, %parallel_loop3A_816 : vector<16xi1>, vector<16xi32>
      %parallel_loop3A_835 = arith.constant 1.000000e+00 : f32
      %parallel_loop3A_836 = vector.broadcast %parallel_loop3A_835 : f32 to vector<16xf32>
      %parallel_loop3A_837 = arith.subf %parallel_loop3A_830, %parallel_loop3A_836 : vector<16xf32>
      %parallel_loop3A_838 = arith.constant 0.120947205 : f32
      %parallel_loop3A_839 = vector.broadcast %parallel_loop3A_838 : f32 to vector<16xf32>
      %parallel_loop3A_840 = arith.mulf %parallel_loop3A_839, %parallel_loop3A_837 : vector<16xf32>
      %parallel_loop3A_841 = arith.constant -0.206254348 : f32
      %parallel_loop3A_842 = vector.broadcast %parallel_loop3A_841 : f32 to vector<16xf32>
      %parallel_loop3A_843 = arith.addf %parallel_loop3A_840, %parallel_loop3A_842 : vector<16xf32>
      %parallel_loop3A_844 = arith.mulf %parallel_loop3A_843, %parallel_loop3A_837 : vector<16xf32>
      %parallel_loop3A_845 = arith.constant 0.217217103 : f32
      %parallel_loop3A_846 = vector.broadcast %parallel_loop3A_845 : f32 to vector<16xf32>
      %parallel_loop3A_847 = arith.addf %parallel_loop3A_844, %parallel_loop3A_846 : vector<16xf32>
      %parallel_loop3A_848 = arith.mulf %parallel_loop3A_847, %parallel_loop3A_837 : vector<16xf32>
      %parallel_loop3A_849 = arith.constant -0.239137754 : f32
      %parallel_loop3A_850 = vector.broadcast %parallel_loop3A_849 : f32 to vector<16xf32>
      %parallel_loop3A_851 = arith.addf %parallel_loop3A_848, %parallel_loop3A_850 : vector<16xf32>
      %parallel_loop3A_852 = arith.mulf %parallel_loop3A_851, %parallel_loop3A_837 : vector<16xf32>
      %parallel_loop3A_853 = arith.constant 0.287742406 : f32
      %parallel_loop3A_854 = vector.broadcast %parallel_loop3A_853 : f32 to vector<16xf32>
      %parallel_loop3A_855 = arith.addf %parallel_loop3A_852, %parallel_loop3A_854 : vector<16xf32>
      %parallel_loop3A_856 = arith.mulf %parallel_loop3A_855, %parallel_loop3A_837 : vector<16xf32>
      %parallel_loop3A_857 = arith.constant -0.360691816 : f32
      %parallel_loop3A_858 = vector.broadcast %parallel_loop3A_857 : f32 to vector<16xf32>
      %parallel_loop3A_859 = arith.addf %parallel_loop3A_856, %parallel_loop3A_858 : vector<16xf32>
      %parallel_loop3A_860 = arith.mulf %parallel_loop3A_859, %parallel_loop3A_837 : vector<16xf32>
      %parallel_loop3A_861 = arith.constant 0.480918497 : f32
      %parallel_loop3A_862 = vector.broadcast %parallel_loop3A_861 : f32 to vector<16xf32>
      %parallel_loop3A_863 = arith.addf %parallel_loop3A_860, %parallel_loop3A_862 : vector<16xf32>
      %parallel_loop3A_864 = arith.mulf %parallel_loop3A_863, %parallel_loop3A_837 : vector<16xf32>
      %parallel_loop3A_865 = arith.constant -0.72134757 : f32
      %parallel_loop3A_866 = vector.broadcast %parallel_loop3A_865 : f32 to vector<16xf32>
      %parallel_loop3A_867 = arith.addf %parallel_loop3A_864, %parallel_loop3A_866 : vector<16xf32>
      %parallel_loop3A_868 = arith.mulf %parallel_loop3A_867, %parallel_loop3A_837 : vector<16xf32>
      %parallel_loop3A_869 = arith.constant 1.4426949 : f32
      %parallel_loop3A_870 = vector.broadcast %parallel_loop3A_869 : f32 to vector<16xf32>
      %parallel_loop3A_871 = arith.addf %parallel_loop3A_868, %parallel_loop3A_870 : vector<16xf32>
      %parallel_loop3A_872 = arith.mulf %parallel_loop3A_871, %parallel_loop3A_837 : vector<16xf32>
      %parallel_loop3A_873 = arith.constant 3.81468801E-10 : f32
      %parallel_loop3A_874 = vector.broadcast %parallel_loop3A_873 : f32 to vector<16xf32>
      %parallel_loop3A_875 = arith.addf %parallel_loop3A_872, %parallel_loop3A_874 : vector<16xf32>
      %parallel_loop3A_876 = arith.sitofp %parallel_loop3A_834 : vector<16xi32> to vector<16xf32>
      %parallel_loop3A_877 = arith.addf %parallel_loop3A_876, %parallel_loop3A_875 : vector<16xf32>
      %parallel_loop3A_878 = arith.constant -0.693147182 : f32
      %parallel_loop3A_879 = vector.broadcast %parallel_loop3A_878 : f32 to vector<16xf32>
      %parallel_loop3A_880 = arith.mulf %parallel_loop3A_877, %parallel_loop3A_879 : vector<16xf32>
      %parallel_loop3A_881 = tpu.bitcast %parallel_loop3A_880 : vector<16xf32> -> vector<16xi32>
      %parallel_loop3A_882 = arith.constant 23 : i32
      %parallel_loop3A_883 = vector.broadcast %parallel_loop3A_882 : i32 to vector<16xi32>
      %parallel_loop3A_884 = arith.shrui %parallel_loop3A_881, %parallel_loop3A_883 : vector<16xi32>
      %parallel_loop3A_885 = arith.constant 127 : i32
      %parallel_loop3A_886 = vector.broadcast %parallel_loop3A_885 : i32 to vector<16xi32>
      %parallel_loop3A_887 = arith.subi %parallel_loop3A_884, %parallel_loop3A_886 : vector<16xi32>
      %parallel_loop3A_888 = arith.constant 8388607 : i32
      %parallel_loop3A_889 = vector.broadcast %parallel_loop3A_888 : i32 to vector<16xi32>
      %parallel_loop3A_890 = arith.andi %parallel_loop3A_881, %parallel_loop3A_889 : vector<16xi32>
      %parallel_loop3A_891 = arith.constant 1065353216 : i32
      %parallel_loop3A_892 = vector.broadcast %parallel_loop3A_891 : i32 to vector<16xi32>
      %parallel_loop3A_893 = arith.ori %parallel_loop3A_890, %parallel_loop3A_892 : vector<16xi32>
      %parallel_loop3A_894 = tpu.bitcast %parallel_loop3A_893 : vector<16xi32> -> vector<16xf32>
      %parallel_loop3A_895 = arith.constant 1.41421354 : f32
      %parallel_loop3A_896 = vector.broadcast %parallel_loop3A_895 : f32 to vector<16xf32>
      %parallel_loop3A_897 = arith.cmpf oge, %parallel_loop3A_894, %parallel_loop3A_896 : vector<16xf32>
      %parallel_loop3A_898 = arith.constant 5.000000e-01 : f32
      %parallel_loop3A_899 = vector.broadcast %parallel_loop3A_898 : f32 to vector<16xf32>
      %parallel_loop3A_900 = arith.mulf %parallel_loop3A_894, %parallel_loop3A_899 : vector<16xf32>
      %parallel_loop3A_901 = arith.select %parallel_loop3A_897, %parallel_loop3A_900, %parallel_loop3A_894 : vector<16xi1>, vector<16xf32>
      %parallel_loop3A_902 = arith.constant 1 : i32
      %parallel_loop3A_903 = vector.broadcast %parallel_loop3A_902 : i32 to vector<16xi32>
      %parallel_loop3A_904 = arith.addi %parallel_loop3A_887, %parallel_loop3A_903 : vector<16xi32>
      %parallel_loop3A_905 = arith.select %parallel_loop3A_897, %parallel_loop3A_904, %parallel_loop3A_887 : vector<16xi1>, vector<16xi32>
      %parallel_loop3A_906 = arith.constant 1.000000e+00 : f32
      %parallel_loop3A_907 = vector.broadcast %parallel_loop3A_906 : f32 to vector<16xf32>
      %parallel_loop3A_908 = arith.subf %parallel_loop3A_901, %parallel_loop3A_907 : vector<16xf32>
      %parallel_loop3A_909 = arith.constant 0.120947205 : f32
      %parallel_loop3A_910 = vector.broadcast %parallel_loop3A_909 : f32 to vector<16xf32>
      %parallel_loop3A_911 = arith.mulf %parallel_loop3A_910, %parallel_loop3A_908 : vector<16xf32>
      %parallel_loop3A_912 = arith.constant -0.206254348 : f32
      %parallel_loop3A_913 = vector.broadcast %parallel_loop3A_912 : f32 to vector<16xf32>
      %parallel_loop3A_914 = arith.addf %parallel_loop3A_911, %parallel_loop3A_913 : vector<16xf32>
      %parallel_loop3A_915 = arith.mulf %parallel_loop3A_914, %parallel_loop3A_908 : vector<16xf32>
      %parallel_loop3A_916 = arith.constant 0.217217103 : f32
      %parallel_loop3A_917 = vector.broadcast %parallel_loop3A_916 : f32 to vector<16xf32>
      %parallel_loop3A_918 = arith.addf %parallel_loop3A_915, %parallel_loop3A_917 : vector<16xf32>
      %parallel_loop3A_919 = arith.mulf %parallel_loop3A_918, %parallel_loop3A_908 : vector<16xf32>
      %parallel_loop3A_920 = arith.constant -0.239137754 : f32
      %parallel_loop3A_921 = vector.broadcast %parallel_loop3A_920 : f32 to vector<16xf32>
      %parallel_loop3A_922 = arith.addf %parallel_loop3A_919, %parallel_loop3A_921 : vector<16xf32>
      %parallel_loop3A_923 = arith.mulf %parallel_loop3A_922, %parallel_loop3A_908 : vector<16xf32>
      %parallel_loop3A_924 = arith.constant 0.287742406 : f32
      %parallel_loop3A_925 = vector.broadcast %parallel_loop3A_924 : f32 to vector<16xf32>
      %parallel_loop3A_926 = arith.addf %parallel_loop3A_923, %parallel_loop3A_925 : vector<16xf32>
      %parallel_loop3A_927 = arith.mulf %parallel_loop3A_926, %parallel_loop3A_908 : vector<16xf32>
      %parallel_loop3A_928 = arith.constant -0.360691816 : f32
      %parallel_loop3A_929 = vector.broadcast %parallel_loop3A_928 : f32 to vector<16xf32>
      %parallel_loop3A_930 = arith.addf %parallel_loop3A_927, %parallel_loop3A_929 : vector<16xf32>
      %parallel_loop3A_931 = arith.mulf %parallel_loop3A_930, %parallel_loop3A_908 : vector<16xf32>
      %parallel_loop3A_932 = arith.constant 0.480918497 : f32
      %parallel_loop3A_933 = vector.broadcast %parallel_loop3A_932 : f32 to vector<16xf32>
      %parallel_loop3A_934 = arith.addf %parallel_loop3A_931, %parallel_loop3A_933 : vector<16xf32>
      %parallel_loop3A_935 = arith.mulf %parallel_loop3A_934, %parallel_loop3A_908 : vector<16xf32>
      %parallel_loop3A_936 = arith.constant -0.72134757 : f32
      %parallel_loop3A_937 = vector.broadcast %parallel_loop3A_936 : f32 to vector<16xf32>
      %parallel_loop3A_938 = arith.addf %parallel_loop3A_935, %parallel_loop3A_937 : vector<16xf32>
      %parallel_loop3A_939 = arith.mulf %parallel_loop3A_938, %parallel_loop3A_908 : vector<16xf32>
      %parallel_loop3A_940 = arith.constant 1.4426949 : f32
      %parallel_loop3A_941 = vector.broadcast %parallel_loop3A_940 : f32 to vector<16xf32>
      %parallel_loop3A_942 = arith.addf %parallel_loop3A_939, %parallel_loop3A_941 : vector<16xf32>
      %parallel_loop3A_943 = arith.mulf %parallel_loop3A_942, %parallel_loop3A_908 : vector<16xf32>
      %parallel_loop3A_944 = arith.constant 3.81468801E-10 : f32
      %parallel_loop3A_945 = vector.broadcast %parallel_loop3A_944 : f32 to vector<16xf32>
      %parallel_loop3A_946 = arith.addf %parallel_loop3A_943, %parallel_loop3A_945 : vector<16xf32>
      %parallel_loop3A_947 = arith.sitofp %parallel_loop3A_905 : vector<16xi32> to vector<16xf32>
      %parallel_loop3A_948 = arith.addf %parallel_loop3A_947, %parallel_loop3A_946 : vector<16xf32>
      %parallel_loop3A_949 = arith.constant -0.693147182 : f32
      %parallel_loop3A_950 = vector.broadcast %parallel_loop3A_949 : f32 to vector<16xf32>
      %parallel_loop3A_951 = arith.mulf %parallel_loop3A_948, %parallel_loop3A_950 : vector<16xf32>
      %parallel_loop3A_952 = arith.index_cast %parallel_loop3A_182 : i32 to index
      %parallel_loop3A_953 = arith.constant 16 : index
      %parallel_loop3A_954 = tpu.vector_load %arg5[%parallel_loop3A_952, %parallel_loop3A_953] {strides = array<i32>} : memref<640x128xf32, #tpu.memory_space<vmem>>, vector<1x16xf32>,
      %parallel_loop3A_955 = vector.shape_cast %parallel_loop3A_954 : vector<1x16xf32> to vector<16xf32>
      %parallel_loop3A_956 = arith.addf %parallel_loop3A_955, %parallel_loop3A_951 : vector<16xf32>
      %parallel_loop3A_957 = arith.cmpf ogt, %parallel_loop3A_956, %parallel_loop3A_184 : vector<16xf32>
      %parallel_loop3A_958 = arith.select %parallel_loop3A_957, %parallel_loop3A_956, %parallel_loop3A_184 : vector<16xi1>, vector<16xf32>
      %parallel_loop3A_959 = arith.constant 0 : i32
      %parallel_loop3A_960 = vector.broadcast %parallel_loop3A_959 : i32 to vector<16xi32>
      %parallel_loop3A_961 = vector.broadcast %parallel_loop3A_199 : i32 to vector<16xi32>
      %parallel_loop3A_962 = arith.addi %parallel_loop3A_960, %parallel_loop3A_961 : vector<16xi32>
      %parallel_loop3A_963 = arith.select %parallel_loop3A_957, %parallel_loop3A_962, %parallel_loop3A_192 : vector<16xi1>, vector<16xi32>
      %parallel_loop3A_964 = vector.broadcast %parallel_loop3A_201 : i32 to vector<16xi32>
      %parallel_loop3A_965 = arith.addi %mul3A_79, %parallel_loop3A_964 : vector<16xi32>
      %parallel_loop3A_966 = arith.constant 928981903 : i32
      %parallel_loop3A_967 = vector.broadcast %parallel_loop3A_966 : i32 to vector<16xi32>
      %parallel_loop3A_968 = arith.addi %parallel_loop3A_965, %parallel_loop3A_967 : vector<16xi32>
      %parallel_loop3A_969 = arith.constant 13 : i32
      %parallel_loop3A_970 = vector.broadcast %parallel_loop3A_969 : i32 to vector<16xi32>
      %parallel_loop3A_971 = arith.shli %parallel_loop3A_965, %parallel_loop3A_970 : vector<16xi32>
      %parallel_loop3A_972 = arith.constant 19 : i32
      %parallel_loop3A_973 = vector.broadcast %parallel_loop3A_972 : i32 to vector<16xi32>
      %parallel_loop3A_974 = arith.shrui %parallel_loop3A_965, %parallel_loop3A_973 : vector<16xi32>
      %parallel_loop3A_975 = arith.ori %parallel_loop3A_971, %parallel_loop3A_974 : vector<16xi32>
      %parallel_loop3A_976 = arith.xori %parallel_loop3A_975, %parallel_loop3A_968 : vector<16xi32>
      %parallel_loop3A_977 = arith.addi %parallel_loop3A_968, %parallel_loop3A_976 : vector<16xi32>
      %parallel_loop3A_978 = arith.constant 15 : i32
      %parallel_loop3A_979 = vector.broadcast %parallel_loop3A_978 : i32 to vector<16xi32>
      %parallel_loop3A_980 = arith.shli %parallel_loop3A_976, %parallel_loop3A_979 : vector<16xi32>
      %parallel_loop3A_981 = arith.constant 17 : i32
      %parallel_loop3A_982 = vector.broadcast %parallel_loop3A_981 : i32 to vector<16xi32>
      %parallel_loop3A_983 = arith.shrui %parallel_loop3A_976, %parallel_loop3A_982 : vector<16xi32>
      %parallel_loop3A_984 = arith.ori %parallel_loop3A_980, %parallel_loop3A_983 : vector<16xi32>
      %parallel_loop3A_985 = arith.xori %parallel_loop3A_984, %parallel_loop3A_977 : vector<16xi32>
      %parallel_loop3A_986 = arith.addi %parallel_loop3A_977, %parallel_loop3A_985 : vector<16xi32>
      %parallel_loop3A_987 = arith.constant 26 : i32
      %parallel_loop3A_988 = vector.broadcast %parallel_loop3A_987 : i32 to vector<16xi32>
      %parallel_loop3A_989 = arith.shli %parallel_loop3A_985, %parallel_loop3A_988 : vector<16xi32>
      %parallel_loop3A_990 = arith.constant 6 : i32
      %parallel_loop3A_991 = vector.broadcast %parallel_loop3A_990 : i32 to vector<16xi32>
      %parallel_loop3A_992 = arith.shrui %parallel_loop3A_985, %parallel_loop3A_991 : vector<16xi32>
      %parallel_loop3A_993 = arith.ori %parallel_loop3A_989, %parallel_loop3A_992 : vector<16xi32>
      %parallel_loop3A_994 = arith.xori %parallel_loop3A_993, %parallel_loop3A_986 : vector<16xi32>
      %parallel_loop3A_995 = arith.addi %parallel_loop3A_986, %parallel_loop3A_994 : vector<16xi32>
      %parallel_loop3A_996 = arith.constant 6 : i32
      %parallel_loop3A_997 = vector.broadcast %parallel_loop3A_996 : i32 to vector<16xi32>
      %parallel_loop3A_998 = arith.shli %parallel_loop3A_994, %parallel_loop3A_997 : vector<16xi32>
      %parallel_loop3A_999 = arith.constant 26 : i32
      %parallel_loop3A_1000 = vector.broadcast %parallel_loop3A_999 : i32 to vector<16xi32>
      %parallel_loop3A_1001 = arith.shrui %parallel_loop3A_994, %parallel_loop3A_1000 : vector<16xi32>
      %parallel_loop3A_1002 = arith.ori %parallel_loop3A_998, %parallel_loop3A_1001 : vector<16xi32>
      %parallel_loop3A_1003 = arith.xori %parallel_loop3A_1002, %parallel_loop3A_995 : vector<16xi32>
      %parallel_loop3A_1004 = arith.constant -841280227 : i32
      %parallel_loop3A_1005 = vector.broadcast %parallel_loop3A_1004 : i32 to vector<16xi32>
      %parallel_loop3A_1006 = arith.addi %parallel_loop3A_995, %parallel_loop3A_1005 : vector<16xi32>
      %parallel_loop3A_1007 = arith.constant -514511543 : i32
      %parallel_loop3A_1008 = vector.broadcast %parallel_loop3A_1007 : i32 to vector<16xi32>
      %parallel_loop3A_1009 = arith.addi %parallel_loop3A_1003, %parallel_loop3A_1008 : vector<16xi32>
      %parallel_loop3A_1010 = arith.addi %parallel_loop3A_1006, %parallel_loop3A_1009 : vector<16xi32>
      %parallel_loop3A_1011 = arith.constant 17 : i32
      %parallel_loop3A_1012 = vector.broadcast %parallel_loop3A_1011 : i32 to vector<16xi32>
      %parallel_loop3A_1013 = arith.shli %parallel_loop3A_1009, %parallel_loop3A_1012 : vector<16xi32>
      %parallel_loop3A_1014 = arith.constant 15 : i32
      %parallel_loop3A_1015 = vector.broadcast %parallel_loop3A_1014 : i32 to vector<16xi32>
      %parallel_loop3A_1016 = arith.shrui %parallel_loop3A_1009, %parallel_loop3A_1015 : vector<16xi32>
      %parallel_loop3A_1017 = arith.ori %parallel_loop3A_1013, %parallel_loop3A_1016 : vector<16xi32>
      %parallel_loop3A_1018 = arith.xori %parallel_loop3A_1017, %parallel_loop3A_1010 : vector<16xi32>
      %parallel_loop3A_1019 = arith.addi %parallel_loop3A_1010, %parallel_loop3A_1018 : vector<16xi32>
      %parallel_loop3A_1020 = arith.constant 29 : i32
      %parallel_loop3A_1021 = vector.broadcast %parallel_loop3A_1020 : i32 to vector<16xi32>
      %parallel_loop3A_1022 = arith.shli %parallel_loop3A_1018, %parallel_loop3A_1021 : vector<16xi32>
      %parallel_loop3A_1023 = arith.constant 3 : i32
      %parallel_loop3A_1024 = vector.broadcast %parallel_loop3A_1023 : i32 to vector<16xi32>
      %parallel_loop3A_1025 = arith.shrui %parallel_loop3A_1018, %parallel_loop3A_1024 : vector<16xi32>
      %parallel_loop3A_1026 = arith.ori %parallel_loop3A_1022, %parallel_loop3A_1025 : vector<16xi32>
      %parallel_loop3A_1027 = arith.xori %parallel_loop3A_1026, %parallel_loop3A_1019 : vector<16xi32>
      %parallel_loop3A_1028 = arith.addi %parallel_loop3A_1019, %parallel_loop3A_1027 : vector<16xi32>
      %parallel_loop3A_1029 = arith.constant 16 : i32
      %parallel_loop3A_1030 = vector.broadcast %parallel_loop3A_1029 : i32 to vector<16xi32>
      %parallel_loop3A_1031 = arith.shli %parallel_loop3A_1027, %parallel_loop3A_1030 : vector<16xi32>
      %parallel_loop3A_1032 = arith.constant 16 : i32
      %parallel_loop3A_1033 = vector.broadcast %parallel_loop3A_1032 : i32 to vector<16xi32>
      %parallel_loop3A_1034 = arith.shrui %parallel_loop3A_1027, %parallel_loop3A_1033 : vector<16xi32>
      %parallel_loop3A_1035 = arith.ori %parallel_loop3A_1031, %parallel_loop3A_1034 : vector<16xi32>
      %parallel_loop3A_1036 = arith.xori %parallel_loop3A_1035, %parallel_loop3A_1028 : vector<16xi32>
      %parallel_loop3A_1037 = arith.addi %parallel_loop3A_1028, %parallel_loop3A_1036 : vector<16xi32>
      %parallel_loop3A_1038 = arith.constant 24 : i32
      %parallel_loop3A_1039 = vector.broadcast %parallel_loop3A_1038 : i32 to vector<16xi32>
      %parallel_loop3A_1040 = arith.shli %parallel_loop3A_1036, %parallel_loop3A_1039 : vector<16xi32>
      %parallel_loop3A_1041 = arith.constant 8 : i32
      %parallel_loop3A_1042 = vector.broadcast %parallel_loop3A_1041 : i32 to vector<16xi32>
      %parallel_loop3A_1043 = arith.shrui %parallel_loop3A_1036, %parallel_loop3A_1042 : vector<16xi32>
      %parallel_loop3A_1044 = arith.ori %parallel_loop3A_1040, %parallel_loop3A_1043 : vector<16xi32>
      %parallel_loop3A_1045 = arith.xori %parallel_loop3A_1044, %parallel_loop3A_1037 : vector<16xi32>
      %parallel_loop3A_1046 = arith.constant -514511544 : i32
      %parallel_loop3A_1047 = vector.broadcast %parallel_loop3A_1046 : i32 to vector<16xi32>
      %parallel_loop3A_1048 = arith.addi %parallel_loop3A_1037, %parallel_loop3A_1047 : vector<16xi32>
      %parallel_loop3A_1049 = arith.constant 928981905 : i32
      %parallel_loop3A_1050 = vector.broadcast %parallel_loop3A_1049 : i32 to vector<16xi32>
      %parallel_loop3A_1051 = arith.addi %parallel_loop3A_1045, %parallel_loop3A_1050 : vector<16xi32>
      %parallel_loop3A_1052 = arith.addi %parallel_loop3A_1048, %parallel_loop3A_1051 : vector<16xi32>
      %parallel_loop3A_1053 = arith.constant 13 : i32
      %parallel_loop3A_1054 = vector.broadcast %parallel_loop3A_1053 : i32 to vector<16xi32>
      %parallel_loop3A_1055 = arith.shli %parallel_loop3A_1051, %parallel_loop3A_1054 : vector<16xi32>
      %parallel_loop3A_1056 = arith.constant 19 : i32
      %parallel_loop3A_1057 = vector.broadcast %parallel_loop3A_1056 : i32 to vector<16xi32>
      %parallel_loop3A_1058 = arith.shrui %parallel_loop3A_1051, %parallel_loop3A_1057 : vector<16xi32>
      %parallel_loop3A_1059 = arith.ori %parallel_loop3A_1055, %parallel_loop3A_1058 : vector<16xi32>
      %parallel_loop3A_1060 = arith.xori %parallel_loop3A_1059, %parallel_loop3A_1052 : vector<16xi32>
      %parallel_loop3A_1061 = arith.addi %parallel_loop3A_1052, %parallel_loop3A_1060 : vector<16xi32>
      %parallel_loop3A_1062 = arith.constant 15 : i32
      %parallel_loop3A_1063 = vector.broadcast %parallel_loop3A_1062 : i32 to vector<16xi32>
      %parallel_loop3A_1064 = arith.shli %parallel_loop3A_1060, %parallel_loop3A_1063 : vector<16xi32>
      %parallel_loop3A_1065 = arith.constant 17 : i32
      %parallel_loop3A_1066 = vector.broadcast %parallel_loop3A_1065 : i32 to vector<16xi32>
      %parallel_loop3A_1067 = arith.shrui %parallel_loop3A_1060, %parallel_loop3A_1066 : vector<16xi32>
      %parallel_loop3A_1068 = arith.ori %parallel_loop3A_1064, %parallel_loop3A_1067 : vector<16xi32>
      %parallel_loop3A_1069 = arith.xori %parallel_loop3A_1068, %parallel_loop3A_1061 : vector<16xi32>
      %parallel_loop3A_1070 = arith.addi %parallel_loop3A_1061, %parallel_loop3A_1069 : vector<16xi32>
      %parallel_loop3A_1071 = arith.constant 26 : i32
      %parallel_loop3A_1072 = vector.broadcast %parallel_loop3A_1071 : i32 to vector<16xi32>
      %parallel_loop3A_1073 = arith.shli %parallel_loop3A_1069, %parallel_loop3A_1072 : vector<16xi32>
      %parallel_loop3A_1074 = arith.constant 6 : i32
      %parallel_loop3A_1075 = vector.broadcast %parallel_loop3A_1074 : i32 to vector<16xi32>
      %parallel_loop3A_1076 = arith.shrui %parallel_loop3A_1069, %parallel_loop3A_1075 : vector<16xi32>
      %parallel_loop3A_1077 = arith.ori %parallel_loop3A_1073, %parallel_loop3A_1076 : vector<16xi32>
      %parallel_loop3A_1078 = arith.xori %parallel_loop3A_1077, %parallel_loop3A_1070 : vector<16xi32>
      %parallel_loop3A_1079 = arith.addi %parallel_loop3A_1070, %parallel_loop3A_1078 : vector<16xi32>
      %parallel_loop3A_1080 = arith.constant 6 : i32
      %parallel_loop3A_1081 = vector.broadcast %parallel_loop3A_1080 : i32 to vector<16xi32>
      %parallel_loop3A_1082 = arith.shli %parallel_loop3A_1078, %parallel_loop3A_1081 : vector<16xi32>
      %parallel_loop3A_1083 = arith.constant 26 : i32
      %parallel_loop3A_1084 = vector.broadcast %parallel_loop3A_1083 : i32 to vector<16xi32>
      %parallel_loop3A_1085 = arith.shrui %parallel_loop3A_1078, %parallel_loop3A_1084 : vector<16xi32>
      %parallel_loop3A_1086 = arith.ori %parallel_loop3A_1082, %parallel_loop3A_1085 : vector<16xi32>
      %parallel_loop3A_1087 = arith.xori %parallel_loop3A_1086, %parallel_loop3A_1079 : vector<16xi32>
      %parallel_loop3A_1088 = arith.constant 928981903 : i32
      %parallel_loop3A_1089 = vector.broadcast %parallel_loop3A_1088 : i32 to vector<16xi32>
      %parallel_loop3A_1090 = arith.addi %parallel_loop3A_1079, %parallel_loop3A_1089 : vector<16xi32>
      %parallel_loop3A_1091 = arith.constant -841280224 : i32
      %parallel_loop3A_1092 = vector.broadcast %parallel_loop3A_1091 : i32 to vector<16xi32>
      %parallel_loop3A_1093 = arith.addi %parallel_loop3A_1087, %parallel_loop3A_1092 : vector<16xi32>
      %parallel_loop3A_1094 = arith.addi %parallel_loop3A_1090, %parallel_loop3A_1093 : vector<16xi32>
      %parallel_loop3A_1095 = arith.constant 17 : i32
      %parallel_loop3A_1096 = vector.broadcast %parallel_loop3A_1095 : i32 to vector<16xi32>
      %parallel_loop3A_1097 = arith.shli %parallel_loop3A_1093, %parallel_loop3A_1096 : vector<16xi32>
      %parallel_loop3A_1098 = arith.constant 15 : i32
      %parallel_loop3A_1099 = vector.broadcast %parallel_loop3A_1098 : i32 to vector<16xi32>
      %parallel_loop3A_1100 = arith.shrui %parallel_loop3A_1093, %parallel_loop3A_1099 : vector<16xi32>
      %parallel_loop3A_1101 = arith.ori %parallel_loop3A_1097, %parallel_loop3A_1100 : vector<16xi32>
      %parallel_loop3A_1102 = arith.xori %parallel_loop3A_1101, %parallel_loop3A_1094 : vector<16xi32>
      %parallel_loop3A_1103 = arith.addi %parallel_loop3A_1094, %parallel_loop3A_1102 : vector<16xi32>
      %parallel_loop3A_1104 = arith.constant 29 : i32
      %parallel_loop3A_1105 = vector.broadcast %parallel_loop3A_1104 : i32 to vector<16xi32>
      %parallel_loop3A_1106 = arith.shli %parallel_loop3A_1102, %parallel_loop3A_1105 : vector<16xi32>
      %parallel_loop3A_1107 = arith.constant 3 : i32
      %parallel_loop3A_1108 = vector.broadcast %parallel_loop3A_1107 : i32 to vector<16xi32>
      %parallel_loop3A_1109 = arith.shrui %parallel_loop3A_1102, %parallel_loop3A_1108 : vector<16xi32>
      %parallel_loop3A_1110 = arith.ori %parallel_loop3A_1106, %parallel_loop3A_1109 : vector<16xi32>
      %parallel_loop3A_1111 = arith.xori %parallel_loop3A_1110, %parallel_loop3A_1103 : vector<16xi32>
      %parallel_loop3A_1112 = arith.addi %parallel_loop3A_1103, %parallel_loop3A_1111 : vector<16xi32>
      %parallel_loop3A_1113 = arith.constant 16 : i32
      %parallel_loop3A_1114 = vector.broadcast %parallel_loop3A_1113 : i32 to vector<16xi32>
      %parallel_loop3A_1115 = arith.shli %parallel_loop3A_1111, %parallel_loop3A_1114 : vector<16xi32>
      %parallel_loop3A_1116 = arith.constant 16 : i32
      %parallel_loop3A_1117 = vector.broadcast %parallel_loop3A_1116 : i32 to vector<16xi32>
      %parallel_loop3A_1118 = arith.shrui %parallel_loop3A_1111, %parallel_loop3A_1117 : vector<16xi32>
      %parallel_loop3A_1119 = arith.ori %parallel_loop3A_1115, %parallel_loop3A_1118 : vector<16xi32>
      %parallel_loop3A_1120 = arith.xori %parallel_loop3A_1119, %parallel_loop3A_1112 : vector<16xi32>
      %parallel_loop3A_1121 = arith.addi %parallel_loop3A_1112, %parallel_loop3A_1120 : vector<16xi32>
      %parallel_loop3A_1122 = arith.constant 24 : i32
      %parallel_loop3A_1123 = vector.broadcast %parallel_loop3A_1122 : i32 to vector<16xi32>
      %parallel_loop3A_1124 = arith.shli %parallel_loop3A_1120, %parallel_loop3A_1123 : vector<16xi32>
      %parallel_loop3A_1125 = arith.constant 8 : i32
      %parallel_loop3A_1126 = vector.broadcast %parallel_loop3A_1125 : i32 to vector<16xi32>
      %parallel_loop3A_1127 = arith.shrui %parallel_loop3A_1120, %parallel_loop3A_1126 : vector<16xi32>
      %parallel_loop3A_1128 = arith.ori %parallel_loop3A_1124, %parallel_loop3A_1127 : vector<16xi32>
      %parallel_loop3A_1129 = arith.xori %parallel_loop3A_1128, %parallel_loop3A_1121 : vector<16xi32>
      %parallel_loop3A_1130 = arith.constant -841280227 : i32
      %parallel_loop3A_1131 = vector.broadcast %parallel_loop3A_1130 : i32 to vector<16xi32>
      %parallel_loop3A_1132 = arith.addi %parallel_loop3A_1121, %parallel_loop3A_1131 : vector<16xi32>
      %parallel_loop3A_1133 = arith.constant -514511540 : i32
      %parallel_loop3A_1134 = vector.broadcast %parallel_loop3A_1133 : i32 to vector<16xi32>
      %parallel_loop3A_1135 = arith.addi %parallel_loop3A_1129, %parallel_loop3A_1134 : vector<16xi32>
      %parallel_loop3A_1136 = arith.addi %parallel_loop3A_1132, %parallel_loop3A_1135 : vector<16xi32>
      %parallel_loop3A_1137 = arith.constant 13 : i32
      %parallel_loop3A_1138 = vector.broadcast %parallel_loop3A_1137 : i32 to vector<16xi32>
      %parallel_loop3A_1139 = arith.shli %parallel_loop3A_1135, %parallel_loop3A_1138 : vector<16xi32>
      %parallel_loop3A_1140 = arith.constant 19 : i32
      %parallel_loop3A_1141 = vector.broadcast %parallel_loop3A_1140 : i32 to vector<16xi32>
      %parallel_loop3A_1142 = arith.shrui %parallel_loop3A_1135, %parallel_loop3A_1141 : vector<16xi32>
      %parallel_loop3A_1143 = arith.ori %parallel_loop3A_1139, %parallel_loop3A_1142 : vector<16xi32>
      %parallel_loop3A_1144 = arith.xori %parallel_loop3A_1143, %parallel_loop3A_1136 : vector<16xi32>
      %parallel_loop3A_1145 = arith.addi %parallel_loop3A_1136, %parallel_loop3A_1144 : vector<16xi32>
      %parallel_loop3A_1146 = arith.constant 15 : i32
      %parallel_loop3A_1147 = vector.broadcast %parallel_loop3A_1146 : i32 to vector<16xi32>
      %parallel_loop3A_1148 = arith.shli %parallel_loop3A_1144, %parallel_loop3A_1147 : vector<16xi32>
      %parallel_loop3A_1149 = arith.constant 17 : i32
      %parallel_loop3A_1150 = vector.broadcast %parallel_loop3A_1149 : i32 to vector<16xi32>
      %parallel_loop3A_1151 = arith.shrui %parallel_loop3A_1144, %parallel_loop3A_1150 : vector<16xi32>
      %parallel_loop3A_1152 = arith.ori %parallel_loop3A_1148, %parallel_loop3A_1151 : vector<16xi32>
      %parallel_loop3A_1153 = arith.xori %parallel_loop3A_1152, %parallel_loop3A_1145 : vector<16xi32>
      %parallel_loop3A_1154 = arith.addi %parallel_loop3A_1145, %parallel_loop3A_1153 : vector<16xi32>
      %parallel_loop3A_1155 = arith.constant 26 : i32
      %parallel_loop3A_1156 = vector.broadcast %parallel_loop3A_1155 : i32 to vector<16xi32>
      %parallel_loop3A_1157 = arith.shli %parallel_loop3A_1153, %parallel_loop3A_1156 : vector<16xi32>
      %parallel_loop3A_1158 = arith.constant 6 : i32
      %parallel_loop3A_1159 = vector.broadcast %parallel_loop3A_1158 : i32 to vector<16xi32>
      %parallel_loop3A_1160 = arith.shrui %parallel_loop3A_1153, %parallel_loop3A_1159 : vector<16xi32>
      %parallel_loop3A_1161 = arith.ori %parallel_loop3A_1157, %parallel_loop3A_1160 : vector<16xi32>
      %parallel_loop3A_1162 = arith.xori %parallel_loop3A_1161, %parallel_loop3A_1154 : vector<16xi32>
      %parallel_loop3A_1163 = arith.addi %parallel_loop3A_1154, %parallel_loop3A_1162 : vector<16xi32>
      %parallel_loop3A_1164 = arith.constant 6 : i32
      %parallel_loop3A_1165 = vector.broadcast %parallel_loop3A_1164 : i32 to vector<16xi32>
      %parallel_loop3A_1166 = arith.shli %parallel_loop3A_1162, %parallel_loop3A_1165 : vector<16xi32>
      %parallel_loop3A_1167 = arith.constant 26 : i32
      %parallel_loop3A_1168 = vector.broadcast %parallel_loop3A_1167 : i32 to vector<16xi32>
      %parallel_loop3A_1169 = arith.shrui %parallel_loop3A_1162, %parallel_loop3A_1168 : vector<16xi32>
      %parallel_loop3A_1170 = arith.ori %parallel_loop3A_1166, %parallel_loop3A_1169 : vector<16xi32>
      %parallel_loop3A_1171 = arith.xori %parallel_loop3A_1170, %parallel_loop3A_1163 : vector<16xi32>
      %parallel_loop3A_1172 = arith.constant -514511544 : i32
      %parallel_loop3A_1173 = vector.broadcast %parallel_loop3A_1172 : i32 to vector<16xi32>
      %parallel_loop3A_1174 = arith.addi %parallel_loop3A_1163, %parallel_loop3A_1173 : vector<16xi32>
      %parallel_loop3A_1175 = arith.constant 928981908 : i32
      %parallel_loop3A_1176 = vector.broadcast %parallel_loop3A_1175 : i32 to vector<16xi32>
      %parallel_loop3A_1177 = arith.addi %parallel_loop3A_1171, %parallel_loop3A_1176 : vector<16xi32>
      %parallel_loop3A_1178 = arith.xori %parallel_loop3A_1174, %parallel_loop3A_1177 : vector<16xi32>
      %parallel_loop3A_1179 = arith.constant 9 : i32
      %parallel_loop3A_1180 = vector.broadcast %parallel_loop3A_1179 : i32 to vector<16xi32>
      %parallel_loop3A_1181 = arith.shrui %parallel_loop3A_1178, %parallel_loop3A_1180 : vector<16xi32>
      %parallel_loop3A_1182 = arith.constant 1065353216 : i32
      %parallel_loop3A_1183 = vector.broadcast %parallel_loop3A_1182 : i32 to vector<16xi32>
      %parallel_loop3A_1184 = arith.ori %parallel_loop3A_1181, %parallel_loop3A_1183 : vector<16xi32>
      %parallel_loop3A_1185 = tpu.bitcast %parallel_loop3A_1184 : vector<16xi32> -> vector<16xf32>
      %parallel_loop3A_1186 = arith.constant 1.000000e+00 : f32
      %parallel_loop3A_1187 = vector.broadcast %parallel_loop3A_1186 : f32 to vector<16xf32>
      %parallel_loop3A_1188 = arith.subf %parallel_loop3A_1185, %parallel_loop3A_1187 : vector<16xf32>
      %parallel_loop3A_1189 = vector.broadcast %parallel_loop3A_117 : f32 to vector<16xf32>
      %parallel_loop3A_1190 = arith.addf %parallel_loop3A_1188, %parallel_loop3A_1189 : vector<16xf32>
      %parallel_loop3A_1191 = tpu.bitcast %parallel_loop3A_1190 : vector<16xf32> -> vector<16xi32>
      %parallel_loop3A_1192 = arith.constant 23 : i32
      %parallel_loop3A_1193 = vector.broadcast %parallel_loop3A_1192 : i32 to vector<16xi32>
      %parallel_loop3A_1194 = arith.shrui %parallel_loop3A_1191, %parallel_loop3A_1193 : vector<16xi32>
      %parallel_loop3A_1195 = arith.constant 127 : i32
      %parallel_loop3A_1196 = vector.broadcast %parallel_loop3A_1195 : i32 to vector<16xi32>
      %parallel_loop3A_1197 = arith.subi %parallel_loop3A_1194, %parallel_loop3A_1196 : vector<16xi32>
      %parallel_loop3A_1198 = arith.constant 8388607 : i32
      %parallel_loop3A_1199 = vector.broadcast %parallel_loop3A_1198 : i32 to vector<16xi32>
      %parallel_loop3A_1200 = arith.andi %parallel_loop3A_1191, %parallel_loop3A_1199 : vector<16xi32>
      %parallel_loop3A_1201 = arith.constant 1065353216 : i32
      %parallel_loop3A_1202 = vector.broadcast %parallel_loop3A_1201 : i32 to vector<16xi32>
      %parallel_loop3A_1203 = arith.ori %parallel_loop3A_1200, %parallel_loop3A_1202 : vector<16xi32>
      %parallel_loop3A_1204 = tpu.bitcast %parallel_loop3A_1203 : vector<16xi32> -> vector<16xf32>
      %parallel_loop3A_1205 = arith.constant 1.41421354 : f32
      %parallel_loop3A_1206 = vector.broadcast %parallel_loop3A_1205 : f32 to vector<16xf32>
      %parallel_loop3A_1207 = arith.cmpf oge, %parallel_loop3A_1204, %parallel_loop3A_1206 : vector<16xf32>
      %parallel_loop3A_1208 = arith.constant 5.000000e-01 : f32
      %parallel_loop3A_1209 = vector.broadcast %parallel_loop3A_1208 : f32 to vector<16xf32>
      %parallel_loop3A_1210 = arith.mulf %parallel_loop3A_1204, %parallel_loop3A_1209 : vector<16xf32>
      %parallel_loop3A_1211 = arith.select %parallel_loop3A_1207, %parallel_loop3A_1210, %parallel_loop3A_1204 : vector<16xi1>, vector<16xf32>
      %parallel_loop3A_1212 = arith.constant 1 : i32
      %parallel_loop3A_1213 = vector.broadcast %parallel_loop3A_1212 : i32 to vector<16xi32>
      %parallel_loop3A_1214 = arith.addi %parallel_loop3A_1197, %parallel_loop3A_1213 : vector<16xi32>
      %parallel_loop3A_1215 = arith.select %parallel_loop3A_1207, %parallel_loop3A_1214, %parallel_loop3A_1197 : vector<16xi1>, vector<16xi32>
      %parallel_loop3A_1216 = arith.constant 1.000000e+00 : f32
      %parallel_loop3A_1217 = vector.broadcast %parallel_loop3A_1216 : f32 to vector<16xf32>
      %parallel_loop3A_1218 = arith.subf %parallel_loop3A_1211, %parallel_loop3A_1217 : vector<16xf32>
      %parallel_loop3A_1219 = arith.constant 0.120947205 : f32
      %parallel_loop3A_1220 = vector.broadcast %parallel_loop3A_1219 : f32 to vector<16xf32>
      %parallel_loop3A_1221 = arith.mulf %parallel_loop3A_1220, %parallel_loop3A_1218 : vector<16xf32>
      %parallel_loop3A_1222 = arith.constant -0.206254348 : f32
      %parallel_loop3A_1223 = vector.broadcast %parallel_loop3A_1222 : f32 to vector<16xf32>
      %parallel_loop3A_1224 = arith.addf %parallel_loop3A_1221, %parallel_loop3A_1223 : vector<16xf32>
      %parallel_loop3A_1225 = arith.mulf %parallel_loop3A_1224, %parallel_loop3A_1218 : vector<16xf32>
      %parallel_loop3A_1226 = arith.constant 0.217217103 : f32
      %parallel_loop3A_1227 = vector.broadcast %parallel_loop3A_1226 : f32 to vector<16xf32>
      %parallel_loop3A_1228 = arith.addf %parallel_loop3A_1225, %parallel_loop3A_1227 : vector<16xf32>
      %parallel_loop3A_1229 = arith.mulf %parallel_loop3A_1228, %parallel_loop3A_1218 : vector<16xf32>
      %parallel_loop3A_1230 = arith.constant -0.239137754 : f32
      %parallel_loop3A_1231 = vector.broadcast %parallel_loop3A_1230 : f32 to vector<16xf32>
      %parallel_loop3A_1232 = arith.addf %parallel_loop3A_1229, %parallel_loop3A_1231 : vector<16xf32>
      %parallel_loop3A_1233 = arith.mulf %parallel_loop3A_1232, %parallel_loop3A_1218 : vector<16xf32>
      %parallel_loop3A_1234 = arith.constant 0.287742406 : f32
      %parallel_loop3A_1235 = vector.broadcast %parallel_loop3A_1234 : f32 to vector<16xf32>
      %parallel_loop3A_1236 = arith.addf %parallel_loop3A_1233, %parallel_loop3A_1235 : vector<16xf32>
      %parallel_loop3A_1237 = arith.mulf %parallel_loop3A_1236, %parallel_loop3A_1218 : vector<16xf32>
      %parallel_loop3A_1238 = arith.constant -0.360691816 : f32
      %parallel_loop3A_1239 = vector.broadcast %parallel_loop3A_1238 : f32 to vector<16xf32>
      %parallel_loop3A_1240 = arith.addf %parallel_loop3A_1237, %parallel_loop3A_1239 : vector<16xf32>
      %parallel_loop3A_1241 = arith.mulf %parallel_loop3A_1240, %parallel_loop3A_1218 : vector<16xf32>
      %parallel_loop3A_1242 = arith.constant 0.480918497 : f32
      %parallel_loop3A_1243 = vector.broadcast %parallel_loop3A_1242 : f32 to vector<16xf32>
      %parallel_loop3A_1244 = arith.addf %parallel_loop3A_1241, %parallel_loop3A_1243 : vector<16xf32>
      %parallel_loop3A_1245 = arith.mulf %parallel_loop3A_1244, %parallel_loop3A_1218 : vector<16xf32>
      %parallel_loop3A_1246 = arith.constant -0.72134757 : f32
      %parallel_loop3A_1247 = vector.broadcast %parallel_loop3A_1246 : f32 to vector<16xf32>
      %parallel_loop3A_1248 = arith.addf %parallel_loop3A_1245, %parallel_loop3A_1247 : vector<16xf32>
      %parallel_loop3A_1249 = arith.mulf %parallel_loop3A_1248, %parallel_loop3A_1218 : vector<16xf32>
      %parallel_loop3A_1250 = arith.constant 1.4426949 : f32
      %parallel_loop3A_1251 = vector.broadcast %parallel_loop3A_1250 : f32 to vector<16xf32>
      %parallel_loop3A_1252 = arith.addf %parallel_loop3A_1249, %parallel_loop3A_1251 : vector<16xf32>
      %parallel_loop3A_1253 = arith.mulf %parallel_loop3A_1252, %parallel_loop3A_1218 : vector<16xf32>
      %parallel_loop3A_1254 = arith.constant 3.81468801E-10 : f32
      %parallel_loop3A_1255 = vector.broadcast %parallel_loop3A_1254 : f32 to vector<16xf32>
      %parallel_loop3A_1256 = arith.addf %parallel_loop3A_1253, %parallel_loop3A_1255 : vector<16xf32>
      %parallel_loop3A_1257 = arith.sitofp %parallel_loop3A_1215 : vector<16xi32> to vector<16xf32>
      %parallel_loop3A_1258 = arith.addf %parallel_loop3A_1257, %parallel_loop3A_1256 : vector<16xf32>
      %parallel_loop3A_1259 = arith.constant -0.693147182 : f32
      %parallel_loop3A_1260 = vector.broadcast %parallel_loop3A_1259 : f32 to vector<16xf32>
      %parallel_loop3A_1261 = arith.mulf %parallel_loop3A_1258, %parallel_loop3A_1260 : vector<16xf32>
      %parallel_loop3A_1262 = tpu.bitcast %parallel_loop3A_1261 : vector<16xf32> -> vector<16xi32>
      %parallel_loop3A_1263 = arith.constant 23 : i32
      %parallel_loop3A_1264 = vector.broadcast %parallel_loop3A_1263 : i32 to vector<16xi32>
      %parallel_loop3A_1265 = arith.shrui %parallel_loop3A_1262, %parallel_loop3A_1264 : vector<16xi32>
      %parallel_loop3A_1266 = arith.constant 127 : i32
      %parallel_loop3A_1267 = vector.broadcast %parallel_loop3A_1266 : i32 to vector<16xi32>
      %parallel_loop3A_1268 = arith.subi %parallel_loop3A_1265, %parallel_loop3A_1267 : vector<16xi32>
      %parallel_loop3A_1269 = arith.constant 8388607 : i32
      %parallel_loop3A_1270 = vector.broadcast %parallel_loop3A_1269 : i32 to vector<16xi32>
      %parallel_loop3A_1271 = arith.andi %parallel_loop3A_1262, %parallel_loop3A_1270 : vector<16xi32>
      %parallel_loop3A_1272 = arith.constant 1065353216 : i32
      %parallel_loop3A_1273 = vector.broadcast %parallel_loop3A_1272 : i32 to vector<16xi32>
      %parallel_loop3A_1274 = arith.ori %parallel_loop3A_1271, %parallel_loop3A_1273 : vector<16xi32>
      %parallel_loop3A_1275 = tpu.bitcast %parallel_loop3A_1274 : vector<16xi32> -> vector<16xf32>
      %parallel_loop3A_1276 = arith.constant 1.41421354 : f32
      %parallel_loop3A_1277 = vector.broadcast %parallel_loop3A_1276 : f32 to vector<16xf32>
      %parallel_loop3A_1278 = arith.cmpf oge, %parallel_loop3A_1275, %parallel_loop3A_1277 : vector<16xf32>
      %parallel_loop3A_1279 = arith.constant 5.000000e-01 : f32
      %parallel_loop3A_1280 = vector.broadcast %parallel_loop3A_1279 : f32 to vector<16xf32>
      %parallel_loop3A_1281 = arith.mulf %parallel_loop3A_1275, %parallel_loop3A_1280 : vector<16xf32>
      %parallel_loop3A_1282 = arith.select %parallel_loop3A_1278, %parallel_loop3A_1281, %parallel_loop3A_1275 : vector<16xi1>, vector<16xf32>
      %parallel_loop3A_1283 = arith.constant 1 : i32
      %parallel_loop3A_1284 = vector.broadcast %parallel_loop3A_1283 : i32 to vector<16xi32>
      %parallel_loop3A_1285 = arith.addi %parallel_loop3A_1268, %parallel_loop3A_1284 : vector<16xi32>
      %parallel_loop3A_1286 = arith.select %parallel_loop3A_1278, %parallel_loop3A_1285, %parallel_loop3A_1268 : vector<16xi1>, vector<16xi32>
      %parallel_loop3A_1287 = arith.constant 1.000000e+00 : f32
      %parallel_loop3A_1288 = vector.broadcast %parallel_loop3A_1287 : f32 to vector<16xf32>
      %parallel_loop3A_1289 = arith.subf %parallel_loop3A_1282, %parallel_loop3A_1288 : vector<16xf32>
      %parallel_loop3A_1290 = arith.constant 0.120947205 : f32
      %parallel_loop3A_1291 = vector.broadcast %parallel_loop3A_1290 : f32 to vector<16xf32>
      %parallel_loop3A_1292 = arith.mulf %parallel_loop3A_1291, %parallel_loop3A_1289 : vector<16xf32>
      %parallel_loop3A_1293 = arith.constant -0.206254348 : f32
      %parallel_loop3A_1294 = vector.broadcast %parallel_loop3A_1293 : f32 to vector<16xf32>
      %parallel_loop3A_1295 = arith.addf %parallel_loop3A_1292, %parallel_loop3A_1294 : vector<16xf32>
      %parallel_loop3A_1296 = arith.mulf %parallel_loop3A_1295, %parallel_loop3A_1289 : vector<16xf32>
      %parallel_loop3A_1297 = arith.constant 0.217217103 : f32
      %parallel_loop3A_1298 = vector.broadcast %parallel_loop3A_1297 : f32 to vector<16xf32>
      %parallel_loop3A_1299 = arith.addf %parallel_loop3A_1296, %parallel_loop3A_1298 : vector<16xf32>
      %parallel_loop3A_1300 = arith.mulf %parallel_loop3A_1299, %parallel_loop3A_1289 : vector<16xf32>
      %parallel_loop3A_1301 = arith.constant -0.239137754 : f32
      %parallel_loop3A_1302 = vector.broadcast %parallel_loop3A_1301 : f32 to vector<16xf32>
      %parallel_loop3A_1303 = arith.addf %parallel_loop3A_1300, %parallel_loop3A_1302 : vector<16xf32>
      %parallel_loop3A_1304 = arith.mulf %parallel_loop3A_1303, %parallel_loop3A_1289 : vector<16xf32>
      %parallel_loop3A_1305 = arith.constant 0.287742406 : f32
      %parallel_loop3A_1306 = vector.broadcast %parallel_loop3A_1305 : f32 to vector<16xf32>
      %parallel_loop3A_1307 = arith.addf %parallel_loop3A_1304, %parallel_loop3A_1306 : vector<16xf32>
      %parallel_loop3A_1308 = arith.mulf %parallel_loop3A_1307, %parallel_loop3A_1289 : vector<16xf32>
      %parallel_loop3A_1309 = arith.constant -0.360691816 : f32
      %parallel_loop3A_1310 = vector.broadcast %parallel_loop3A_1309 : f32 to vector<16xf32>
      %parallel_loop3A_1311 = arith.addf %parallel_loop3A_1308, %parallel_loop3A_1310 : vector<16xf32>
      %parallel_loop3A_1312 = arith.mulf %parallel_loop3A_1311, %parallel_loop3A_1289 : vector<16xf32>
      %parallel_loop3A_1313 = arith.constant 0.480918497 : f32
      %parallel_loop3A_1314 = vector.broadcast %parallel_loop3A_1313 : f32 to vector<16xf32>
      %parallel_loop3A_1315 = arith.addf %parallel_loop3A_1312, %parallel_loop3A_1314 : vector<16xf32>
      %parallel_loop3A_1316 = arith.mulf %parallel_loop3A_1315, %parallel_loop3A_1289 : vector<16xf32>
      %parallel_loop3A_1317 = arith.constant -0.72134757 : f32
      %parallel_loop3A_1318 = vector.broadcast %parallel_loop3A_1317 : f32 to vector<16xf32>
      %parallel_loop3A_1319 = arith.addf %parallel_loop3A_1316, %parallel_loop3A_1318 : vector<16xf32>
      %parallel_loop3A_1320 = arith.mulf %parallel_loop3A_1319, %parallel_loop3A_1289 : vector<16xf32>
      %parallel_loop3A_1321 = arith.constant 1.4426949 : f32
      %parallel_loop3A_1322 = vector.broadcast %parallel_loop3A_1321 : f32 to vector<16xf32>
      %parallel_loop3A_1323 = arith.addf %parallel_loop3A_1320, %parallel_loop3A_1322 : vector<16xf32>
      %parallel_loop3A_1324 = arith.mulf %parallel_loop3A_1323, %parallel_loop3A_1289 : vector<16xf32>
      %parallel_loop3A_1325 = arith.constant 3.81468801E-10 : f32
      %parallel_loop3A_1326 = vector.broadcast %parallel_loop3A_1325 : f32 to vector<16xf32>
      %parallel_loop3A_1327 = arith.addf %parallel_loop3A_1324, %parallel_loop3A_1326 : vector<16xf32>
      %parallel_loop3A_1328 = arith.sitofp %parallel_loop3A_1286 : vector<16xi32> to vector<16xf32>
      %parallel_loop3A_1329 = arith.addf %parallel_loop3A_1328, %parallel_loop3A_1327 : vector<16xf32>
      %parallel_loop3A_1330 = arith.constant -0.693147182 : f32
      %parallel_loop3A_1331 = vector.broadcast %parallel_loop3A_1330 : f32 to vector<16xf32>
      %parallel_loop3A_1332 = arith.mulf %parallel_loop3A_1329, %parallel_loop3A_1331 : vector<16xf32>
      %parallel_loop3A_1333 = arith.index_cast %parallel_loop3A_182 : i32 to index
      %parallel_loop3A_1334 = arith.constant 32 : index
      %parallel_loop3A_1335 = tpu.vector_load %arg5[%parallel_loop3A_1333, %parallel_loop3A_1334] {strides = array<i32>} : memref<640x128xf32, #tpu.memory_space<vmem>>, vector<1x16xf32>,
      %parallel_loop3A_1336 = vector.shape_cast %parallel_loop3A_1335 : vector<1x16xf32> to vector<16xf32>
      %parallel_loop3A_1337 = arith.addf %parallel_loop3A_1336, %parallel_loop3A_1332 : vector<16xf32>
      %parallel_loop3A_1338 = arith.cmpf ogt, %parallel_loop3A_1337, %parallel_loop3A_185 : vector<16xf32>
      %parallel_loop3A_1339 = arith.select %parallel_loop3A_1338, %parallel_loop3A_1337, %parallel_loop3A_185 : vector<16xi1>, vector<16xf32>
      %parallel_loop3A_1340 = arith.constant 0 : i32
      %parallel_loop3A_1341 = vector.broadcast %parallel_loop3A_1340 : i32 to vector<16xi32>
      %parallel_loop3A_1342 = vector.broadcast %parallel_loop3A_199 : i32 to vector<16xi32>
      %parallel_loop3A_1343 = arith.addi %parallel_loop3A_1341, %parallel_loop3A_1342 : vector<16xi32>
      %parallel_loop3A_1344 = arith.select %parallel_loop3A_1338, %parallel_loop3A_1343, %parallel_loop3A_193 : vector<16xi1>, vector<16xi32>
      %parallel_loop3A_1345 = vector.broadcast %parallel_loop3A_201 : i32 to vector<16xi32>
      %parallel_loop3A_1346 = arith.addi %mul3A_86, %parallel_loop3A_1345 : vector<16xi32>
      %parallel_loop3A_1347 = arith.constant 928981903 : i32
      %parallel_loop3A_1348 = vector.broadcast %parallel_loop3A_1347 : i32 to vector<16xi32>
      %parallel_loop3A_1349 = arith.addi %parallel_loop3A_1346, %parallel_loop3A_1348 : vector<16xi32>
      %parallel_loop3A_1350 = arith.constant 13 : i32
      %parallel_loop3A_1351 = vector.broadcast %parallel_loop3A_1350 : i32 to vector<16xi32>
      %parallel_loop3A_1352 = arith.shli %parallel_loop3A_1346, %parallel_loop3A_1351 : vector<16xi32>
      %parallel_loop3A_1353 = arith.constant 19 : i32
      %parallel_loop3A_1354 = vector.broadcast %parallel_loop3A_1353 : i32 to vector<16xi32>
      %parallel_loop3A_1355 = arith.shrui %parallel_loop3A_1346, %parallel_loop3A_1354 : vector<16xi32>
      %parallel_loop3A_1356 = arith.ori %parallel_loop3A_1352, %parallel_loop3A_1355 : vector<16xi32>
      %parallel_loop3A_1357 = arith.xori %parallel_loop3A_1356, %parallel_loop3A_1349 : vector<16xi32>
      %parallel_loop3A_1358 = arith.addi %parallel_loop3A_1349, %parallel_loop3A_1357 : vector<16xi32>
      %parallel_loop3A_1359 = arith.constant 15 : i32
      %parallel_loop3A_1360 = vector.broadcast %parallel_loop3A_1359 : i32 to vector<16xi32>
      %parallel_loop3A_1361 = arith.shli %parallel_loop3A_1357, %parallel_loop3A_1360 : vector<16xi32>
      %parallel_loop3A_1362 = arith.constant 17 : i32
      %parallel_loop3A_1363 = vector.broadcast %parallel_loop3A_1362 : i32 to vector<16xi32>
      %parallel_loop3A_1364 = arith.shrui %parallel_loop3A_1357, %parallel_loop3A_1363 : vector<16xi32>
      %parallel_loop3A_1365 = arith.ori %parallel_loop3A_1361, %parallel_loop3A_1364 : vector<16xi32>
      %parallel_loop3A_1366 = arith.xori %parallel_loop3A_1365, %parallel_loop3A_1358 : vector<16xi32>
      %parallel_loop3A_1367 = arith.addi %parallel_loop3A_1358, %parallel_loop3A_1366 : vector<16xi32>
      %parallel_loop3A_1368 = arith.constant 26 : i32
      %parallel_loop3A_1369 = vector.broadcast %parallel_loop3A_1368 : i32 to vector<16xi32>
      %parallel_loop3A_1370 = arith.shli %parallel_loop3A_1366, %parallel_loop3A_1369 : vector<16xi32>
      %parallel_loop3A_1371 = arith.constant 6 : i32
      %parallel_loop3A_1372 = vector.broadcast %parallel_loop3A_1371 : i32 to vector<16xi32>
      %parallel_loop3A_1373 = arith.shrui %parallel_loop3A_1366, %parallel_loop3A_1372 : vector<16xi32>
      %parallel_loop3A_1374 = arith.ori %parallel_loop3A_1370, %parallel_loop3A_1373 : vector<16xi32>
      %parallel_loop3A_1375 = arith.xori %parallel_loop3A_1374, %parallel_loop3A_1367 : vector<16xi32>
      %parallel_loop3A_1376 = arith.addi %parallel_loop3A_1367, %parallel_loop3A_1375 : vector<16xi32>
      %parallel_loop3A_1377 = arith.constant 6 : i32
      %parallel_loop3A_1378 = vector.broadcast %parallel_loop3A_1377 : i32 to vector<16xi32>
      %parallel_loop3A_1379 = arith.shli %parallel_loop3A_1375, %parallel_loop3A_1378 : vector<16xi32>
      %parallel_loop3A_1380 = arith.constant 26 : i32
      %parallel_loop3A_1381 = vector.broadcast %parallel_loop3A_1380 : i32 to vector<16xi32>
      %parallel_loop3A_1382 = arith.shrui %parallel_loop3A_1375, %parallel_loop3A_1381 : vector<16xi32>
      %parallel_loop3A_1383 = arith.ori %parallel_loop3A_1379, %parallel_loop3A_1382 : vector<16xi32>
      %parallel_loop3A_1384 = arith.xori %parallel_loop3A_1383, %parallel_loop3A_1376 : vector<16xi32>
      %parallel_loop3A_1385 = arith.constant -841280227 : i32
      %parallel_loop3A_1386 = vector.broadcast %parallel_loop3A_1385 : i32 to vector<16xi32>
      %parallel_loop3A_1387 = arith.addi %parallel_loop3A_1376, %parallel_loop3A_1386 : vector<16xi32>
      %parallel_loop3A_1388 = arith.constant -514511543 : i32
      %parallel_loop3A_1389 = vector.broadcast %parallel_loop3A_1388 : i32 to vector<16xi32>
      %parallel_loop3A_1390 = arith.addi %parallel_loop3A_1384, %parallel_loop3A_1389 : vector<16xi32>
      %parallel_loop3A_1391 = arith.addi %parallel_loop3A_1387, %parallel_loop3A_1390 : vector<16xi32>
      %parallel_loop3A_1392 = arith.constant 17 : i32
      %parallel_loop3A_1393 = vector.broadcast %parallel_loop3A_1392 : i32 to vector<16xi32>
      %parallel_loop3A_1394 = arith.shli %parallel_loop3A_1390, %parallel_loop3A_1393 : vector<16xi32>
      %parallel_loop3A_1395 = arith.constant 15 : i32
      %parallel_loop3A_1396 = vector.broadcast %parallel_loop3A_1395 : i32 to vector<16xi32>
      %parallel_loop3A_1397 = arith.shrui %parallel_loop3A_1390, %parallel_loop3A_1396 : vector<16xi32>
      %parallel_loop3A_1398 = arith.ori %parallel_loop3A_1394, %parallel_loop3A_1397 : vector<16xi32>
      %parallel_loop3A_1399 = arith.xori %parallel_loop3A_1398, %parallel_loop3A_1391 : vector<16xi32>
      %parallel_loop3A_1400 = arith.addi %parallel_loop3A_1391, %parallel_loop3A_1399 : vector<16xi32>
      %parallel_loop3A_1401 = arith.constant 29 : i32
      %parallel_loop3A_1402 = vector.broadcast %parallel_loop3A_1401 : i32 to vector<16xi32>
      %parallel_loop3A_1403 = arith.shli %parallel_loop3A_1399, %parallel_loop3A_1402 : vector<16xi32>
      %parallel_loop3A_1404 = arith.constant 3 : i32
      %parallel_loop3A_1405 = vector.broadcast %parallel_loop3A_1404 : i32 to vector<16xi32>
      %parallel_loop3A_1406 = arith.shrui %parallel_loop3A_1399, %parallel_loop3A_1405 : vector<16xi32>
      %parallel_loop3A_1407 = arith.ori %parallel_loop3A_1403, %parallel_loop3A_1406 : vector<16xi32>
      %parallel_loop3A_1408 = arith.xori %parallel_loop3A_1407, %parallel_loop3A_1400 : vector<16xi32>
      %parallel_loop3A_1409 = arith.addi %parallel_loop3A_1400, %parallel_loop3A_1408 : vector<16xi32>
      %parallel_loop3A_1410 = arith.constant 16 : i32
      %parallel_loop3A_1411 = vector.broadcast %parallel_loop3A_1410 : i32 to vector<16xi32>
      %parallel_loop3A_1412 = arith.shli %parallel_loop3A_1408, %parallel_loop3A_1411 : vector<16xi32>
      %parallel_loop3A_1413 = arith.constant 16 : i32
      %parallel_loop3A_1414 = vector.broadcast %parallel_loop3A_1413 : i32 to vector<16xi32>
      %parallel_loop3A_1415 = arith.shrui %parallel_loop3A_1408, %parallel_loop3A_1414 : vector<16xi32>
      %parallel_loop3A_1416 = arith.ori %parallel_loop3A_1412, %parallel_loop3A_1415 : vector<16xi32>
      %parallel_loop3A_1417 = arith.xori %parallel_loop3A_1416, %parallel_loop3A_1409 : vector<16xi32>
      %parallel_loop3A_1418 = arith.addi %parallel_loop3A_1409, %parallel_loop3A_1417 : vector<16xi32>
      %parallel_loop3A_1419 = arith.constant 24 : i32
      %parallel_loop3A_1420 = vector.broadcast %parallel_loop3A_1419 : i32 to vector<16xi32>
      %parallel_loop3A_1421 = arith.shli %parallel_loop3A_1417, %parallel_loop3A_1420 : vector<16xi32>
      %parallel_loop3A_1422 = arith.constant 8 : i32
      %parallel_loop3A_1423 = vector.broadcast %parallel_loop3A_1422 : i32 to vector<16xi32>
      %parallel_loop3A_1424 = arith.shrui %parallel_loop3A_1417, %parallel_loop3A_1423 : vector<16xi32>
      %parallel_loop3A_1425 = arith.ori %parallel_loop3A_1421, %parallel_loop3A_1424 : vector<16xi32>
      %parallel_loop3A_1426 = arith.xori %parallel_loop3A_1425, %parallel_loop3A_1418 : vector<16xi32>
      %parallel_loop3A_1427 = arith.constant -514511544 : i32
      %parallel_loop3A_1428 = vector.broadcast %parallel_loop3A_1427 : i32 to vector<16xi32>
      %parallel_loop3A_1429 = arith.addi %parallel_loop3A_1418, %parallel_loop3A_1428 : vector<16xi32>
      %parallel_loop3A_1430 = arith.constant 928981905 : i32
      %parallel_loop3A_1431 = vector.broadcast %parallel_loop3A_1430 : i32 to vector<16xi32>
      %parallel_loop3A_1432 = arith.addi %parallel_loop3A_1426, %parallel_loop3A_1431 : vector<16xi32>
      %parallel_loop3A_1433 = arith.addi %parallel_loop3A_1429, %parallel_loop3A_1432 : vector<16xi32>
      %parallel_loop3A_1434 = arith.constant 13 : i32
      %parallel_loop3A_1435 = vector.broadcast %parallel_loop3A_1434 : i32 to vector<16xi32>
      %parallel_loop3A_1436 = arith.shli %parallel_loop3A_1432, %parallel_loop3A_1435 : vector<16xi32>
      %parallel_loop3A_1437 = arith.constant 19 : i32
      %parallel_loop3A_1438 = vector.broadcast %parallel_loop3A_1437 : i32 to vector<16xi32>
      %parallel_loop3A_1439 = arith.shrui %parallel_loop3A_1432, %parallel_loop3A_1438 : vector<16xi32>
      %parallel_loop3A_1440 = arith.ori %parallel_loop3A_1436, %parallel_loop3A_1439 : vector<16xi32>
      %parallel_loop3A_1441 = arith.xori %parallel_loop3A_1440, %parallel_loop3A_1433 : vector<16xi32>
      %parallel_loop3A_1442 = arith.addi %parallel_loop3A_1433, %parallel_loop3A_1441 : vector<16xi32>
      %parallel_loop3A_1443 = arith.constant 15 : i32
      %parallel_loop3A_1444 = vector.broadcast %parallel_loop3A_1443 : i32 to vector<16xi32>
      %parallel_loop3A_1445 = arith.shli %parallel_loop3A_1441, %parallel_loop3A_1444 : vector<16xi32>
      %parallel_loop3A_1446 = arith.constant 17 : i32
      %parallel_loop3A_1447 = vector.broadcast %parallel_loop3A_1446 : i32 to vector<16xi32>
      %parallel_loop3A_1448 = arith.shrui %parallel_loop3A_1441, %parallel_loop3A_1447 : vector<16xi32>
      %parallel_loop3A_1449 = arith.ori %parallel_loop3A_1445, %parallel_loop3A_1448 : vector<16xi32>
      %parallel_loop3A_1450 = arith.xori %parallel_loop3A_1449, %parallel_loop3A_1442 : vector<16xi32>
      %parallel_loop3A_1451 = arith.addi %parallel_loop3A_1442, %parallel_loop3A_1450 : vector<16xi32>
      %parallel_loop3A_1452 = arith.constant 26 : i32
      %parallel_loop3A_1453 = vector.broadcast %parallel_loop3A_1452 : i32 to vector<16xi32>
      %parallel_loop3A_1454 = arith.shli %parallel_loop3A_1450, %parallel_loop3A_1453 : vector<16xi32>
      %parallel_loop3A_1455 = arith.constant 6 : i32
      %parallel_loop3A_1456 = vector.broadcast %parallel_loop3A_1455 : i32 to vector<16xi32>
      %parallel_loop3A_1457 = arith.shrui %parallel_loop3A_1450, %parallel_loop3A_1456 : vector<16xi32>
      %parallel_loop3A_1458 = arith.ori %parallel_loop3A_1454, %parallel_loop3A_1457 : vector<16xi32>
      %parallel_loop3A_1459 = arith.xori %parallel_loop3A_1458, %parallel_loop3A_1451 : vector<16xi32>
      %parallel_loop3A_1460 = arith.addi %parallel_loop3A_1451, %parallel_loop3A_1459 : vector<16xi32>
      %parallel_loop3A_1461 = arith.constant 6 : i32
      %parallel_loop3A_1462 = vector.broadcast %parallel_loop3A_1461 : i32 to vector<16xi32>
      %parallel_loop3A_1463 = arith.shli %parallel_loop3A_1459, %parallel_loop3A_1462 : vector<16xi32>
      %parallel_loop3A_1464 = arith.constant 26 : i32
      %parallel_loop3A_1465 = vector.broadcast %parallel_loop3A_1464 : i32 to vector<16xi32>
      %parallel_loop3A_1466 = arith.shrui %parallel_loop3A_1459, %parallel_loop3A_1465 : vector<16xi32>
      %parallel_loop3A_1467 = arith.ori %parallel_loop3A_1463, %parallel_loop3A_1466 : vector<16xi32>
      %parallel_loop3A_1468 = arith.xori %parallel_loop3A_1467, %parallel_loop3A_1460 : vector<16xi32>
      %parallel_loop3A_1469 = arith.constant 928981903 : i32
      %parallel_loop3A_1470 = vector.broadcast %parallel_loop3A_1469 : i32 to vector<16xi32>
      %parallel_loop3A_1471 = arith.addi %parallel_loop3A_1460, %parallel_loop3A_1470 : vector<16xi32>
      %parallel_loop3A_1472 = arith.constant -841280224 : i32
      %parallel_loop3A_1473 = vector.broadcast %parallel_loop3A_1472 : i32 to vector<16xi32>
      %parallel_loop3A_1474 = arith.addi %parallel_loop3A_1468, %parallel_loop3A_1473 : vector<16xi32>
      %parallel_loop3A_1475 = arith.addi %parallel_loop3A_1471, %parallel_loop3A_1474 : vector<16xi32>
      %parallel_loop3A_1476 = arith.constant 17 : i32
      %parallel_loop3A_1477 = vector.broadcast %parallel_loop3A_1476 : i32 to vector<16xi32>
      %parallel_loop3A_1478 = arith.shli %parallel_loop3A_1474, %parallel_loop3A_1477 : vector<16xi32>
      %parallel_loop3A_1479 = arith.constant 15 : i32
      %parallel_loop3A_1480 = vector.broadcast %parallel_loop3A_1479 : i32 to vector<16xi32>
      %parallel_loop3A_1481 = arith.shrui %parallel_loop3A_1474, %parallel_loop3A_1480 : vector<16xi32>
      %parallel_loop3A_1482 = arith.ori %parallel_loop3A_1478, %parallel_loop3A_1481 : vector<16xi32>
      %parallel_loop3A_1483 = arith.xori %parallel_loop3A_1482, %parallel_loop3A_1475 : vector<16xi32>
      %parallel_loop3A_1484 = arith.addi %parallel_loop3A_1475, %parallel_loop3A_1483 : vector<16xi32>
      %parallel_loop3A_1485 = arith.constant 29 : i32
      %parallel_loop3A_1486 = vector.broadcast %parallel_loop3A_1485 : i32 to vector<16xi32>
      %parallel_loop3A_1487 = arith.shli %parallel_loop3A_1483, %parallel_loop3A_1486 : vector<16xi32>
      %parallel_loop3A_1488 = arith.constant 3 : i32
      %parallel_loop3A_1489 = vector.broadcast %parallel_loop3A_1488 : i32 to vector<16xi32>
      %parallel_loop3A_1490 = arith.shrui %parallel_loop3A_1483, %parallel_loop3A_1489 : vector<16xi32>
      %parallel_loop3A_1491 = arith.ori %parallel_loop3A_1487, %parallel_loop3A_1490 : vector<16xi32>
      %parallel_loop3A_1492 = arith.xori %parallel_loop3A_1491, %parallel_loop3A_1484 : vector<16xi32>
      %parallel_loop3A_1493 = arith.addi %parallel_loop3A_1484, %parallel_loop3A_1492 : vector<16xi32>
      %parallel_loop3A_1494 = arith.constant 16 : i32
      %parallel_loop3A_1495 = vector.broadcast %parallel_loop3A_1494 : i32 to vector<16xi32>
      %parallel_loop3A_1496 = arith.shli %parallel_loop3A_1492, %parallel_loop3A_1495 : vector<16xi32>
      %parallel_loop3A_1497 = arith.constant 16 : i32
      %parallel_loop3A_1498 = vector.broadcast %parallel_loop3A_1497 : i32 to vector<16xi32>
      %parallel_loop3A_1499 = arith.shrui %parallel_loop3A_1492, %parallel_loop3A_1498 : vector<16xi32>
      %parallel_loop3A_1500 = arith.ori %parallel_loop3A_1496, %parallel_loop3A_1499 : vector<16xi32>
      %parallel_loop3A_1501 = arith.xori %parallel_loop3A_1500, %parallel_loop3A_1493 : vector<16xi32>
      %parallel_loop3A_1502 = arith.addi %parallel_loop3A_1493, %parallel_loop3A_1501 : vector<16xi32>
      %parallel_loop3A_1503 = arith.constant 24 : i32
      %parallel_loop3A_1504 = vector.broadcast %parallel_loop3A_1503 : i32 to vector<16xi32>
      %parallel_loop3A_1505 = arith.shli %parallel_loop3A_1501, %parallel_loop3A_1504 : vector<16xi32>
      %parallel_loop3A_1506 = arith.constant 8 : i32
      %parallel_loop3A_1507 = vector.broadcast %parallel_loop3A_1506 : i32 to vector<16xi32>
      %parallel_loop3A_1508 = arith.shrui %parallel_loop3A_1501, %parallel_loop3A_1507 : vector<16xi32>
      %parallel_loop3A_1509 = arith.ori %parallel_loop3A_1505, %parallel_loop3A_1508 : vector<16xi32>
      %parallel_loop3A_1510 = arith.xori %parallel_loop3A_1509, %parallel_loop3A_1502 : vector<16xi32>
      %parallel_loop3A_1511 = arith.constant -841280227 : i32
      %parallel_loop3A_1512 = vector.broadcast %parallel_loop3A_1511 : i32 to vector<16xi32>
      %parallel_loop3A_1513 = arith.addi %parallel_loop3A_1502, %parallel_loop3A_1512 : vector<16xi32>
      %parallel_loop3A_1514 = arith.constant -514511540 : i32
      %parallel_loop3A_1515 = vector.broadcast %parallel_loop3A_1514 : i32 to vector<16xi32>
      %parallel_loop3A_1516 = arith.addi %parallel_loop3A_1510, %parallel_loop3A_1515 : vector<16xi32>
      %parallel_loop3A_1517 = arith.addi %parallel_loop3A_1513, %parallel_loop3A_1516 : vector<16xi32>
      %parallel_loop3A_1518 = arith.constant 13 : i32
      %parallel_loop3A_1519 = vector.broadcast %parallel_loop3A_1518 : i32 to vector<16xi32>
      %parallel_loop3A_1520 = arith.shli %parallel_loop3A_1516, %parallel_loop3A_1519 : vector<16xi32>
      %parallel_loop3A_1521 = arith.constant 19 : i32
      %parallel_loop3A_1522 = vector.broadcast %parallel_loop3A_1521 : i32 to vector<16xi32>
      %parallel_loop3A_1523 = arith.shrui %parallel_loop3A_1516, %parallel_loop3A_1522 : vector<16xi32>
      %parallel_loop3A_1524 = arith.ori %parallel_loop3A_1520, %parallel_loop3A_1523 : vector<16xi32>
      %parallel_loop3A_1525 = arith.xori %parallel_loop3A_1524, %parallel_loop3A_1517 : vector<16xi32>
      %parallel_loop3A_1526 = arith.addi %parallel_loop3A_1517, %parallel_loop3A_1525 : vector<16xi32>
      %parallel_loop3A_1527 = arith.constant 15 : i32
      %parallel_loop3A_1528 = vector.broadcast %parallel_loop3A_1527 : i32 to vector<16xi32>
      %parallel_loop3A_1529 = arith.shli %parallel_loop3A_1525, %parallel_loop3A_1528 : vector<16xi32>
      %parallel_loop3A_1530 = arith.constant 17 : i32
      %parallel_loop3A_1531 = vector.broadcast %parallel_loop3A_1530 : i32 to vector<16xi32>
      %parallel_loop3A_1532 = arith.shrui %parallel_loop3A_1525, %parallel_loop3A_1531 : vector<16xi32>
      %parallel_loop3A_1533 = arith.ori %parallel_loop3A_1529, %parallel_loop3A_1532 : vector<16xi32>
      %parallel_loop3A_1534 = arith.xori %parallel_loop3A_1533, %parallel_loop3A_1526 : vector<16xi32>
      %parallel_loop3A_1535 = arith.addi %parallel_loop3A_1526, %parallel_loop3A_1534 : vector<16xi32>
      %parallel_loop3A_1536 = arith.constant 26 : i32
      %parallel_loop3A_1537 = vector.broadcast %parallel_loop3A_1536 : i32 to vector<16xi32>
      %parallel_loop3A_1538 = arith.shli %parallel_loop3A_1534, %parallel_loop3A_1537 : vector<16xi32>
      %parallel_loop3A_1539 = arith.constant 6 : i32
      %parallel_loop3A_1540 = vector.broadcast %parallel_loop3A_1539 : i32 to vector<16xi32>
      %parallel_loop3A_1541 = arith.shrui %parallel_loop3A_1534, %parallel_loop3A_1540 : vector<16xi32>
      %parallel_loop3A_1542 = arith.ori %parallel_loop3A_1538, %parallel_loop3A_1541 : vector<16xi32>
      %parallel_loop3A_1543 = arith.xori %parallel_loop3A_1542, %parallel_loop3A_1535 : vector<16xi32>
      %parallel_loop3A_1544 = arith.addi %parallel_loop3A_1535, %parallel_loop3A_1543 : vector<16xi32>
      %parallel_loop3A_1545 = arith.constant 6 : i32
      %parallel_loop3A_1546 = vector.broadcast %parallel_loop3A_1545 : i32 to vector<16xi32>
      %parallel_loop3A_1547 = arith.shli %parallel_loop3A_1543, %parallel_loop3A_1546 : vector<16xi32>
      %parallel_loop3A_1548 = arith.constant 26 : i32
      %parallel_loop3A_1549 = vector.broadcast %parallel_loop3A_1548 : i32 to vector<16xi32>
      %parallel_loop3A_1550 = arith.shrui %parallel_loop3A_1543, %parallel_loop3A_1549 : vector<16xi32>
      %parallel_loop3A_1551 = arith.ori %parallel_loop3A_1547, %parallel_loop3A_1550 : vector<16xi32>
      %parallel_loop3A_1552 = arith.xori %parallel_loop3A_1551, %parallel_loop3A_1544 : vector<16xi32>
      %parallel_loop3A_1553 = arith.constant -514511544 : i32
      %parallel_loop3A_1554 = vector.broadcast %parallel_loop3A_1553 : i32 to vector<16xi32>
      %parallel_loop3A_1555 = arith.addi %parallel_loop3A_1544, %parallel_loop3A_1554 : vector<16xi32>
      %parallel_loop3A_1556 = arith.constant 928981908 : i32
      %parallel_loop3A_1557 = vector.broadcast %parallel_loop3A_1556 : i32 to vector<16xi32>
      %parallel_loop3A_1558 = arith.addi %parallel_loop3A_1552, %parallel_loop3A_1557 : vector<16xi32>
      %parallel_loop3A_1559 = arith.xori %parallel_loop3A_1555, %parallel_loop3A_1558 : vector<16xi32>
      %parallel_loop3A_1560 = arith.constant 9 : i32
      %parallel_loop3A_1561 = vector.broadcast %parallel_loop3A_1560 : i32 to vector<16xi32>
      %parallel_loop3A_1562 = arith.shrui %parallel_loop3A_1559, %parallel_loop3A_1561 : vector<16xi32>
      %parallel_loop3A_1563 = arith.constant 1065353216 : i32
      %parallel_loop3A_1564 = vector.broadcast %parallel_loop3A_1563 : i32 to vector<16xi32>
      %parallel_loop3A_1565 = arith.ori %parallel_loop3A_1562, %parallel_loop3A_1564 : vector<16xi32>
      %parallel_loop3A_1566 = tpu.bitcast %parallel_loop3A_1565 : vector<16xi32> -> vector<16xf32>
      %parallel_loop3A_1567 = arith.constant 1.000000e+00 : f32
      %parallel_loop3A_1568 = vector.broadcast %parallel_loop3A_1567 : f32 to vector<16xf32>
      %parallel_loop3A_1569 = arith.subf %parallel_loop3A_1566, %parallel_loop3A_1568 : vector<16xf32>
      %parallel_loop3A_1570 = vector.broadcast %parallel_loop3A_117 : f32 to vector<16xf32>
      %parallel_loop3A_1571 = arith.addf %parallel_loop3A_1569, %parallel_loop3A_1570 : vector<16xf32>
      %parallel_loop3A_1572 = tpu.bitcast %parallel_loop3A_1571 : vector<16xf32> -> vector<16xi32>
      %parallel_loop3A_1573 = arith.constant 23 : i32
      %parallel_loop3A_1574 = vector.broadcast %parallel_loop3A_1573 : i32 to vector<16xi32>
      %parallel_loop3A_1575 = arith.shrui %parallel_loop3A_1572, %parallel_loop3A_1574 : vector<16xi32>
      %parallel_loop3A_1576 = arith.constant 127 : i32
      %parallel_loop3A_1577 = vector.broadcast %parallel_loop3A_1576 : i32 to vector<16xi32>
      %parallel_loop3A_1578 = arith.subi %parallel_loop3A_1575, %parallel_loop3A_1577 : vector<16xi32>
      %parallel_loop3A_1579 = arith.constant 8388607 : i32
      %parallel_loop3A_1580 = vector.broadcast %parallel_loop3A_1579 : i32 to vector<16xi32>
      %parallel_loop3A_1581 = arith.andi %parallel_loop3A_1572, %parallel_loop3A_1580 : vector<16xi32>
      %parallel_loop3A_1582 = arith.constant 1065353216 : i32
      %parallel_loop3A_1583 = vector.broadcast %parallel_loop3A_1582 : i32 to vector<16xi32>
      %parallel_loop3A_1584 = arith.ori %parallel_loop3A_1581, %parallel_loop3A_1583 : vector<16xi32>
      %parallel_loop3A_1585 = tpu.bitcast %parallel_loop3A_1584 : vector<16xi32> -> vector<16xf32>
      %parallel_loop3A_1586 = arith.constant 1.41421354 : f32
      %parallel_loop3A_1587 = vector.broadcast %parallel_loop3A_1586 : f32 to vector<16xf32>
      %parallel_loop3A_1588 = arith.cmpf oge, %parallel_loop3A_1585, %parallel_loop3A_1587 : vector<16xf32>
      %parallel_loop3A_1589 = arith.constant 5.000000e-01 : f32
      %parallel_loop3A_1590 = vector.broadcast %parallel_loop3A_1589 : f32 to vector<16xf32>
      %parallel_loop3A_1591 = arith.mulf %parallel_loop3A_1585, %parallel_loop3A_1590 : vector<16xf32>
      %parallel_loop3A_1592 = arith.select %parallel_loop3A_1588, %parallel_loop3A_1591, %parallel_loop3A_1585 : vector<16xi1>, vector<16xf32>
      %parallel_loop3A_1593 = arith.constant 1 : i32
      %parallel_loop3A_1594 = vector.broadcast %parallel_loop3A_1593 : i32 to vector<16xi32>
      %parallel_loop3A_1595 = arith.addi %parallel_loop3A_1578, %parallel_loop3A_1594 : vector<16xi32>
      %parallel_loop3A_1596 = arith.select %parallel_loop3A_1588, %parallel_loop3A_1595, %parallel_loop3A_1578 : vector<16xi1>, vector<16xi32>
      %parallel_loop3A_1597 = arith.constant 1.000000e+00 : f32
      %parallel_loop3A_1598 = vector.broadcast %parallel_loop3A_1597 : f32 to vector<16xf32>
      %parallel_loop3A_1599 = arith.subf %parallel_loop3A_1592, %parallel_loop3A_1598 : vector<16xf32>
      %parallel_loop3A_1600 = arith.constant 0.120947205 : f32
      %parallel_loop3A_1601 = vector.broadcast %parallel_loop3A_1600 : f32 to vector<16xf32>
      %parallel_loop3A_1602 = arith.mulf %parallel_loop3A_1601, %parallel_loop3A_1599 : vector<16xf32>
      %parallel_loop3A_1603 = arith.constant -0.206254348 : f32
      %parallel_loop3A_1604 = vector.broadcast %parallel_loop3A_1603 : f32 to vector<16xf32>
      %parallel_loop3A_1605 = arith.addf %parallel_loop3A_1602, %parallel_loop3A_1604 : vector<16xf32>
      %parallel_loop3A_1606 = arith.mulf %parallel_loop3A_1605, %parallel_loop3A_1599 : vector<16xf32>
      %parallel_loop3A_1607 = arith.constant 0.217217103 : f32
      %parallel_loop3A_1608 = vector.broadcast %parallel_loop3A_1607 : f32 to vector<16xf32>
      %parallel_loop3A_1609 = arith.addf %parallel_loop3A_1606, %parallel_loop3A_1608 : vector<16xf32>
      %parallel_loop3A_1610 = arith.mulf %parallel_loop3A_1609, %parallel_loop3A_1599 : vector<16xf32>
      %parallel_loop3A_1611 = arith.constant -0.239137754 : f32
      %parallel_loop3A_1612 = vector.broadcast %parallel_loop3A_1611 : f32 to vector<16xf32>
      %parallel_loop3A_1613 = arith.addf %parallel_loop3A_1610, %parallel_loop3A_1612 : vector<16xf32>
      %parallel_loop3A_1614 = arith.mulf %parallel_loop3A_1613, %parallel_loop3A_1599 : vector<16xf32>
      %parallel_loop3A_1615 = arith.constant 0.287742406 : f32
      %parallel_loop3A_1616 = vector.broadcast %parallel_loop3A_1615 : f32 to vector<16xf32>
      %parallel_loop3A_1617 = arith.addf %parallel_loop3A_1614, %parallel_loop3A_1616 : vector<16xf32>
      %parallel_loop3A_1618 = arith.mulf %parallel_loop3A_1617, %parallel_loop3A_1599 : vector<16xf32>
      %parallel_loop3A_1619 = arith.constant -0.360691816 : f32
      %parallel_loop3A_1620 = vector.broadcast %parallel_loop3A_1619 : f32 to vector<16xf32>
      %parallel_loop3A_1621 = arith.addf %parallel_loop3A_1618, %parallel_loop3A_1620 : vector<16xf32>
      %parallel_loop3A_1622 = arith.mulf %parallel_loop3A_1621, %parallel_loop3A_1599 : vector<16xf32>
      %parallel_loop3A_1623 = arith.constant 0.480918497 : f32
      %parallel_loop3A_1624 = vector.broadcast %parallel_loop3A_1623 : f32 to vector<16xf32>
      %parallel_loop3A_1625 = arith.addf %parallel_loop3A_1622, %parallel_loop3A_1624 : vector<16xf32>
      %parallel_loop3A_1626 = arith.mulf %parallel_loop3A_1625, %parallel_loop3A_1599 : vector<16xf32>
      %parallel_loop3A_1627 = arith.constant -0.72134757 : f32
      %parallel_loop3A_1628 = vector.broadcast %parallel_loop3A_1627 : f32 to vector<16xf32>
      %parallel_loop3A_1629 = arith.addf %parallel_loop3A_1626, %parallel_loop3A_1628 : vector<16xf32>
      %parallel_loop3A_1630 = arith.mulf %parallel_loop3A_1629, %parallel_loop3A_1599 : vector<16xf32>
      %parallel_loop3A_1631 = arith.constant 1.4426949 : f32
      %parallel_loop3A_1632 = vector.broadcast %parallel_loop3A_1631 : f32 to vector<16xf32>
      %parallel_loop3A_1633 = arith.addf %parallel_loop3A_1630, %parallel_loop3A_1632 : vector<16xf32>
      %parallel_loop3A_1634 = arith.mulf %parallel_loop3A_1633, %parallel_loop3A_1599 : vector<16xf32>
      %parallel_loop3A_1635 = arith.constant 3.81468801E-10 : f32
      %parallel_loop3A_1636 = vector.broadcast %parallel_loop3A_1635 : f32 to vector<16xf32>
      %parallel_loop3A_1637 = arith.addf %parallel_loop3A_1634, %parallel_loop3A_1636 : vector<16xf32>
      %parallel_loop3A_1638 = arith.sitofp %parallel_loop3A_1596 : vector<16xi32> to vector<16xf32>
      %parallel_loop3A_1639 = arith.addf %parallel_loop3A_1638, %parallel_loop3A_1637 : vector<16xf32>
      %parallel_loop3A_1640 = arith.constant -0.693147182 : f32
      %parallel_loop3A_1641 = vector.broadcast %parallel_loop3A_1640 : f32 to vector<16xf32>
      %parallel_loop3A_1642 = arith.mulf %parallel_loop3A_1639, %parallel_loop3A_1641 : vector<16xf32>
      %parallel_loop3A_1643 = tpu.bitcast %parallel_loop3A_1642 : vector<16xf32> -> vector<16xi32>
      %parallel_loop3A_1644 = arith.constant 23 : i32
      %parallel_loop3A_1645 = vector.broadcast %parallel_loop3A_1644 : i32 to vector<16xi32>
      %parallel_loop3A_1646 = arith.shrui %parallel_loop3A_1643, %parallel_loop3A_1645 : vector<16xi32>
      %parallel_loop3A_1647 = arith.constant 127 : i32
      %parallel_loop3A_1648 = vector.broadcast %parallel_loop3A_1647 : i32 to vector<16xi32>
      %parallel_loop3A_1649 = arith.subi %parallel_loop3A_1646, %parallel_loop3A_1648 : vector<16xi32>
      %parallel_loop3A_1650 = arith.constant 8388607 : i32
      %parallel_loop3A_1651 = vector.broadcast %parallel_loop3A_1650 : i32 to vector<16xi32>
      %parallel_loop3A_1652 = arith.andi %parallel_loop3A_1643, %parallel_loop3A_1651 : vector<16xi32>
      %parallel_loop3A_1653 = arith.constant 1065353216 : i32
      %parallel_loop3A_1654 = vector.broadcast %parallel_loop3A_1653 : i32 to vector<16xi32>
      %parallel_loop3A_1655 = arith.ori %parallel_loop3A_1652, %parallel_loop3A_1654 : vector<16xi32>
      %parallel_loop3A_1656 = tpu.bitcast %parallel_loop3A_1655 : vector<16xi32> -> vector<16xf32>
      %parallel_loop3A_1657 = arith.constant 1.41421354 : f32
      %parallel_loop3A_1658 = vector.broadcast %parallel_loop3A_1657 : f32 to vector<16xf32>
      %parallel_loop3A_1659 = arith.cmpf oge, %parallel_loop3A_1656, %parallel_loop3A_1658 : vector<16xf32>
      %parallel_loop3A_1660 = arith.constant 5.000000e-01 : f32
      %parallel_loop3A_1661 = vector.broadcast %parallel_loop3A_1660 : f32 to vector<16xf32>
      %parallel_loop3A_1662 = arith.mulf %parallel_loop3A_1656, %parallel_loop3A_1661 : vector<16xf32>
      %parallel_loop3A_1663 = arith.select %parallel_loop3A_1659, %parallel_loop3A_1662, %parallel_loop3A_1656 : vector<16xi1>, vector<16xf32>
      %parallel_loop3A_1664 = arith.constant 1 : i32
      %parallel_loop3A_1665 = vector.broadcast %parallel_loop3A_1664 : i32 to vector<16xi32>
      %parallel_loop3A_1666 = arith.addi %parallel_loop3A_1649, %parallel_loop3A_1665 : vector<16xi32>
      %parallel_loop3A_1667 = arith.select %parallel_loop3A_1659, %parallel_loop3A_1666, %parallel_loop3A_1649 : vector<16xi1>, vector<16xi32>
      %parallel_loop3A_1668 = arith.constant 1.000000e+00 : f32
      %parallel_loop3A_1669 = vector.broadcast %parallel_loop3A_1668 : f32 to vector<16xf32>
      %parallel_loop3A_1670 = arith.subf %parallel_loop3A_1663, %parallel_loop3A_1669 : vector<16xf32>
      %parallel_loop3A_1671 = arith.constant 0.120947205 : f32
      %parallel_loop3A_1672 = vector.broadcast %parallel_loop3A_1671 : f32 to vector<16xf32>
      %parallel_loop3A_1673 = arith.mulf %parallel_loop3A_1672, %parallel_loop3A_1670 : vector<16xf32>
      %parallel_loop3A_1674 = arith.constant -0.206254348 : f32
      %parallel_loop3A_1675 = vector.broadcast %parallel_loop3A_1674 : f32 to vector<16xf32>
      %parallel_loop3A_1676 = arith.addf %parallel_loop3A_1673, %parallel_loop3A_1675 : vector<16xf32>
      %parallel_loop3A_1677 = arith.mulf %parallel_loop3A_1676, %parallel_loop3A_1670 : vector<16xf32>
      %parallel_loop3A_1678 = arith.constant 0.217217103 : f32
      %parallel_loop3A_1679 = vector.broadcast %parallel_loop3A_1678 : f32 to vector<16xf32>
      %parallel_loop3A_1680 = arith.addf %parallel_loop3A_1677, %parallel_loop3A_1679 : vector<16xf32>
      %parallel_loop3A_1681 = arith.mulf %parallel_loop3A_1680, %parallel_loop3A_1670 : vector<16xf32>
      %parallel_loop3A_1682 = arith.constant -0.239137754 : f32
      %parallel_loop3A_1683 = vector.broadcast %parallel_loop3A_1682 : f32 to vector<16xf32>
      %parallel_loop3A_1684 = arith.addf %parallel_loop3A_1681, %parallel_loop3A_1683 : vector<16xf32>
      %parallel_loop3A_1685 = arith.mulf %parallel_loop3A_1684, %parallel_loop3A_1670 : vector<16xf32>
      %parallel_loop3A_1686 = arith.constant 0.287742406 : f32
      %parallel_loop3A_1687 = vector.broadcast %parallel_loop3A_1686 : f32 to vector<16xf32>
      %parallel_loop3A_1688 = arith.addf %parallel_loop3A_1685, %parallel_loop3A_1687 : vector<16xf32>
      %parallel_loop3A_1689 = arith.mulf %parallel_loop3A_1688, %parallel_loop3A_1670 : vector<16xf32>
      %parallel_loop3A_1690 = arith.constant -0.360691816 : f32
      %parallel_loop3A_1691 = vector.broadcast %parallel_loop3A_1690 : f32 to vector<16xf32>
      %parallel_loop3A_1692 = arith.addf %parallel_loop3A_1689, %parallel_loop3A_1691 : vector<16xf32>
      %parallel_loop3A_1693 = arith.mulf %parallel_loop3A_1692, %parallel_loop3A_1670 : vector<16xf32>
      %parallel_loop3A_1694 = arith.constant 0.480918497 : f32
      %parallel_loop3A_1695 = vector.broadcast %parallel_loop3A_1694 : f32 to vector<16xf32>
      %parallel_loop3A_1696 = arith.addf %parallel_loop3A_1693, %parallel_loop3A_1695 : vector<16xf32>
      %parallel_loop3A_1697 = arith.mulf %parallel_loop3A_1696, %parallel_loop3A_1670 : vector<16xf32>
      %parallel_loop3A_1698 = arith.constant -0.72134757 : f32
      %parallel_loop3A_1699 = vector.broadcast %parallel_loop3A_1698 : f32 to vector<16xf32>
      %parallel_loop3A_1700 = arith.addf %parallel_loop3A_1697, %parallel_loop3A_1699 : vector<16xf32>
      %parallel_loop3A_1701 = arith.mulf %parallel_loop3A_1700, %parallel_loop3A_1670 : vector<16xf32>
      %parallel_loop3A_1702 = arith.constant 1.4426949 : f32
      %parallel_loop3A_1703 = vector.broadcast %parallel_loop3A_1702 : f32 to vector<16xf32>
      %parallel_loop3A_1704 = arith.addf %parallel_loop3A_1701, %parallel_loop3A_1703 : vector<16xf32>
      %parallel_loop3A_1705 = arith.mulf %parallel_loop3A_1704, %parallel_loop3A_1670 : vector<16xf32>
      %parallel_loop3A_1706 = arith.constant 3.81468801E-10 : f32
      %parallel_loop3A_1707 = vector.broadcast %parallel_loop3A_1706 : f32 to vector<16xf32>
      %parallel_loop3A_1708 = arith.addf %parallel_loop3A_1705, %parallel_loop3A_1707 : vector<16xf32>
      %parallel_loop3A_1709 = arith.sitofp %parallel_loop3A_1667 : vector<16xi32> to vector<16xf32>
      %parallel_loop3A_1710 = arith.addf %parallel_loop3A_1709, %parallel_loop3A_1708 : vector<16xf32>
      %parallel_loop3A_1711 = arith.constant -0.693147182 : f32
      %parallel_loop3A_1712 = vector.broadcast %parallel_loop3A_1711 : f32 to vector<16xf32>
      %parallel_loop3A_1713 = arith.mulf %parallel_loop3A_1710, %parallel_loop3A_1712 : vector<16xf32>
      %parallel_loop3A_1714 = arith.index_cast %parallel_loop3A_182 : i32 to index
      %parallel_loop3A_1715 = arith.constant 48 : index
      %parallel_loop3A_1716 = tpu.vector_load %arg5[%parallel_loop3A_1714, %parallel_loop3A_1715] {strides = array<i32>} : memref<640x128xf32, #tpu.memory_space<vmem>>, vector<1x16xf32>,
      %parallel_loop3A_1717 = vector.shape_cast %parallel_loop3A_1716 : vector<1x16xf32> to vector<16xf32>
      %parallel_loop3A_1718 = arith.addf %parallel_loop3A_1717, %parallel_loop3A_1713 : vector<16xf32>
      %parallel_loop3A_1719 = arith.cmpf ogt, %parallel_loop3A_1718, %parallel_loop3A_186 : vector<16xf32>
      %parallel_loop3A_1720 = arith.select %parallel_loop3A_1719, %parallel_loop3A_1718, %parallel_loop3A_186 : vector<16xi1>, vector<16xf32>
      %parallel_loop3A_1721 = arith.constant 0 : i32
      %parallel_loop3A_1722 = vector.broadcast %parallel_loop3A_1721 : i32 to vector<16xi32>
      %parallel_loop3A_1723 = vector.broadcast %parallel_loop3A_199 : i32 to vector<16xi32>
      %parallel_loop3A_1724 = arith.addi %parallel_loop3A_1722, %parallel_loop3A_1723 : vector<16xi32>
      %parallel_loop3A_1725 = arith.select %parallel_loop3A_1719, %parallel_loop3A_1724, %parallel_loop3A_194 : vector<16xi1>, vector<16xi32>
      %parallel_loop3A_1726 = vector.broadcast %parallel_loop3A_201 : i32 to vector<16xi32>
      %parallel_loop3A_1727 = arith.addi %mul3A_93, %parallel_loop3A_1726 : vector<16xi32>
      %parallel_loop3A_1728 = arith.constant 928981903 : i32
      %parallel_loop3A_1729 = vector.broadcast %parallel_loop3A_1728 : i32 to vector<16xi32>
      %parallel_loop3A_1730 = arith.addi %parallel_loop3A_1727, %parallel_loop3A_1729 : vector<16xi32>
      %parallel_loop3A_1731 = arith.constant 13 : i32
      %parallel_loop3A_1732 = vector.broadcast %parallel_loop3A_1731 : i32 to vector<16xi32>
      %parallel_loop3A_1733 = arith.shli %parallel_loop3A_1727, %parallel_loop3A_1732 : vector<16xi32>
      %parallel_loop3A_1734 = arith.constant 19 : i32
      %parallel_loop3A_1735 = vector.broadcast %parallel_loop3A_1734 : i32 to vector<16xi32>
      %parallel_loop3A_1736 = arith.shrui %parallel_loop3A_1727, %parallel_loop3A_1735 : vector<16xi32>
      %parallel_loop3A_1737 = arith.ori %parallel_loop3A_1733, %parallel_loop3A_1736 : vector<16xi32>
      %parallel_loop3A_1738 = arith.xori %parallel_loop3A_1737, %parallel_loop3A_1730 : vector<16xi32>
      %parallel_loop3A_1739 = arith.addi %parallel_loop3A_1730, %parallel_loop3A_1738 : vector<16xi32>
      %parallel_loop3A_1740 = arith.constant 15 : i32
      %parallel_loop3A_1741 = vector.broadcast %parallel_loop3A_1740 : i32 to vector<16xi32>
      %parallel_loop3A_1742 = arith.shli %parallel_loop3A_1738, %parallel_loop3A_1741 : vector<16xi32>
      %parallel_loop3A_1743 = arith.constant 17 : i32
      %parallel_loop3A_1744 = vector.broadcast %parallel_loop3A_1743 : i32 to vector<16xi32>
      %parallel_loop3A_1745 = arith.shrui %parallel_loop3A_1738, %parallel_loop3A_1744 : vector<16xi32>
      %parallel_loop3A_1746 = arith.ori %parallel_loop3A_1742, %parallel_loop3A_1745 : vector<16xi32>
      %parallel_loop3A_1747 = arith.xori %parallel_loop3A_1746, %parallel_loop3A_1739 : vector<16xi32>
      %parallel_loop3A_1748 = arith.addi %parallel_loop3A_1739, %parallel_loop3A_1747 : vector<16xi32>
      %parallel_loop3A_1749 = arith.constant 26 : i32
      %parallel_loop3A_1750 = vector.broadcast %parallel_loop3A_1749 : i32 to vector<16xi32>
      %parallel_loop3A_1751 = arith.shli %parallel_loop3A_1747, %parallel_loop3A_1750 : vector<16xi32>
      %parallel_loop3A_1752 = arith.constant 6 : i32
      %parallel_loop3A_1753 = vector.broadcast %parallel_loop3A_1752 : i32 to vector<16xi32>
      %parallel_loop3A_1754 = arith.shrui %parallel_loop3A_1747, %parallel_loop3A_1753 : vector<16xi32>
      %parallel_loop3A_1755 = arith.ori %parallel_loop3A_1751, %parallel_loop3A_1754 : vector<16xi32>
      %parallel_loop3A_1756 = arith.xori %parallel_loop3A_1755, %parallel_loop3A_1748 : vector<16xi32>
      %parallel_loop3A_1757 = arith.addi %parallel_loop3A_1748, %parallel_loop3A_1756 : vector<16xi32>
      %parallel_loop3A_1758 = arith.constant 6 : i32
      %parallel_loop3A_1759 = vector.broadcast %parallel_loop3A_1758 : i32 to vector<16xi32>
      %parallel_loop3A_1760 = arith.shli %parallel_loop3A_1756, %parallel_loop3A_1759 : vector<16xi32>
      %parallel_loop3A_1761 = arith.constant 26 : i32
      %parallel_loop3A_1762 = vector.broadcast %parallel_loop3A_1761 : i32 to vector<16xi32>
      %parallel_loop3A_1763 = arith.shrui %parallel_loop3A_1756, %parallel_loop3A_1762 : vector<16xi32>
      %parallel_loop3A_1764 = arith.ori %parallel_loop3A_1760, %parallel_loop3A_1763 : vector<16xi32>
      %parallel_loop3A_1765 = arith.xori %parallel_loop3A_1764, %parallel_loop3A_1757 : vector<16xi32>
      %parallel_loop3A_1766 = arith.constant -841280227 : i32
      %parallel_loop3A_1767 = vector.broadcast %parallel_loop3A_1766 : i32 to vector<16xi32>
      %parallel_loop3A_1768 = arith.addi %parallel_loop3A_1757, %parallel_loop3A_1767 : vector<16xi32>
      %parallel_loop3A_1769 = arith.constant -514511543 : i32
      %parallel_loop3A_1770 = vector.broadcast %parallel_loop3A_1769 : i32 to vector<16xi32>
      %parallel_loop3A_1771 = arith.addi %parallel_loop3A_1765, %parallel_loop3A_1770 : vector<16xi32>
      %parallel_loop3A_1772 = arith.addi %parallel_loop3A_1768, %parallel_loop3A_1771 : vector<16xi32>
      %parallel_loop3A_1773 = arith.constant 17 : i32
      %parallel_loop3A_1774 = vector.broadcast %parallel_loop3A_1773 : i32 to vector<16xi32>
      %parallel_loop3A_1775 = arith.shli %parallel_loop3A_1771, %parallel_loop3A_1774 : vector<16xi32>
      %parallel_loop3A_1776 = arith.constant 15 : i32
      %parallel_loop3A_1777 = vector.broadcast %parallel_loop3A_1776 : i32 to vector<16xi32>
      %parallel_loop3A_1778 = arith.shrui %parallel_loop3A_1771, %parallel_loop3A_1777 : vector<16xi32>
      %parallel_loop3A_1779 = arith.ori %parallel_loop3A_1775, %parallel_loop3A_1778 : vector<16xi32>
      %parallel_loop3A_1780 = arith.xori %parallel_loop3A_1779, %parallel_loop3A_1772 : vector<16xi32>
      %parallel_loop3A_1781 = arith.addi %parallel_loop3A_1772, %parallel_loop3A_1780 : vector<16xi32>
      %parallel_loop3A_1782 = arith.constant 29 : i32
      %parallel_loop3A_1783 = vector.broadcast %parallel_loop3A_1782 : i32 to vector<16xi32>
      %parallel_loop3A_1784 = arith.shli %parallel_loop3A_1780, %parallel_loop3A_1783 : vector<16xi32>
      %parallel_loop3A_1785 = arith.constant 3 : i32
      %parallel_loop3A_1786 = vector.broadcast %parallel_loop3A_1785 : i32 to vector<16xi32>
      %parallel_loop3A_1787 = arith.shrui %parallel_loop3A_1780, %parallel_loop3A_1786 : vector<16xi32>
      %parallel_loop3A_1788 = arith.ori %parallel_loop3A_1784, %parallel_loop3A_1787 : vector<16xi32>
      %parallel_loop3A_1789 = arith.xori %parallel_loop3A_1788, %parallel_loop3A_1781 : vector<16xi32>
      %parallel_loop3A_1790 = arith.addi %parallel_loop3A_1781, %parallel_loop3A_1789 : vector<16xi32>
      %parallel_loop3A_1791 = arith.constant 16 : i32
      %parallel_loop3A_1792 = vector.broadcast %parallel_loop3A_1791 : i32 to vector<16xi32>
      %parallel_loop3A_1793 = arith.shli %parallel_loop3A_1789, %parallel_loop3A_1792 : vector<16xi32>
      %parallel_loop3A_1794 = arith.constant 16 : i32
      %parallel_loop3A_1795 = vector.broadcast %parallel_loop3A_1794 : i32 to vector<16xi32>
      %parallel_loop3A_1796 = arith.shrui %parallel_loop3A_1789, %parallel_loop3A_1795 : vector<16xi32>
      %parallel_loop3A_1797 = arith.ori %parallel_loop3A_1793, %parallel_loop3A_1796 : vector<16xi32>
      %parallel_loop3A_1798 = arith.xori %parallel_loop3A_1797, %parallel_loop3A_1790 : vector<16xi32>
      %parallel_loop3A_1799 = arith.addi %parallel_loop3A_1790, %parallel_loop3A_1798 : vector<16xi32>
      %parallel_loop3A_1800 = arith.constant 24 : i32
      %parallel_loop3A_1801 = vector.broadcast %parallel_loop3A_1800 : i32 to vector<16xi32>
      %parallel_loop3A_1802 = arith.shli %parallel_loop3A_1798, %parallel_loop3A_1801 : vector<16xi32>
      %parallel_loop3A_1803 = arith.constant 8 : i32
      %parallel_loop3A_1804 = vector.broadcast %parallel_loop3A_1803 : i32 to vector<16xi32>
      %parallel_loop3A_1805 = arith.shrui %parallel_loop3A_1798, %parallel_loop3A_1804 : vector<16xi32>
      %parallel_loop3A_1806 = arith.ori %parallel_loop3A_1802, %parallel_loop3A_1805 : vector<16xi32>
      %parallel_loop3A_1807 = arith.xori %parallel_loop3A_1806, %parallel_loop3A_1799 : vector<16xi32>
      %parallel_loop3A_1808 = arith.constant -514511544 : i32
      %parallel_loop3A_1809 = vector.broadcast %parallel_loop3A_1808 : i32 to vector<16xi32>
      %parallel_loop3A_1810 = arith.addi %parallel_loop3A_1799, %parallel_loop3A_1809 : vector<16xi32>
      %parallel_loop3A_1811 = arith.constant 928981905 : i32
      %parallel_loop3A_1812 = vector.broadcast %parallel_loop3A_1811 : i32 to vector<16xi32>
      %parallel_loop3A_1813 = arith.addi %parallel_loop3A_1807, %parallel_loop3A_1812 : vector<16xi32>
      %parallel_loop3A_1814 = arith.addi %parallel_loop3A_1810, %parallel_loop3A_1813 : vector<16xi32>
      %parallel_loop3A_1815 = arith.constant 13 : i32
      %parallel_loop3A_1816 = vector.broadcast %parallel_loop3A_1815 : i32 to vector<16xi32>
      %parallel_loop3A_1817 = arith.shli %parallel_loop3A_1813, %parallel_loop3A_1816 : vector<16xi32>
      %parallel_loop3A_1818 = arith.constant 19 : i32
      %parallel_loop3A_1819 = vector.broadcast %parallel_loop3A_1818 : i32 to vector<16xi32>
      %parallel_loop3A_1820 = arith.shrui %parallel_loop3A_1813, %parallel_loop3A_1819 : vector<16xi32>
      %parallel_loop3A_1821 = arith.ori %parallel_loop3A_1817, %parallel_loop3A_1820 : vector<16xi32>
      %parallel_loop3A_1822 = arith.xori %parallel_loop3A_1821, %parallel_loop3A_1814 : vector<16xi32>
      %parallel_loop3A_1823 = arith.addi %parallel_loop3A_1814, %parallel_loop3A_1822 : vector<16xi32>
      %parallel_loop3A_1824 = arith.constant 15 : i32
      %parallel_loop3A_1825 = vector.broadcast %parallel_loop3A_1824 : i32 to vector<16xi32>
      %parallel_loop3A_1826 = arith.shli %parallel_loop3A_1822, %parallel_loop3A_1825 : vector<16xi32>
      %parallel_loop3A_1827 = arith.constant 17 : i32
      %parallel_loop3A_1828 = vector.broadcast %parallel_loop3A_1827 : i32 to vector<16xi32>
      %parallel_loop3A_1829 = arith.shrui %parallel_loop3A_1822, %parallel_loop3A_1828 : vector<16xi32>
      %parallel_loop3A_1830 = arith.ori %parallel_loop3A_1826, %parallel_loop3A_1829 : vector<16xi32>
      %parallel_loop3A_1831 = arith.xori %parallel_loop3A_1830, %parallel_loop3A_1823 : vector<16xi32>
      %parallel_loop3A_1832 = arith.addi %parallel_loop3A_1823, %parallel_loop3A_1831 : vector<16xi32>
      %parallel_loop3A_1833 = arith.constant 26 : i32
      %parallel_loop3A_1834 = vector.broadcast %parallel_loop3A_1833 : i32 to vector<16xi32>
      %parallel_loop3A_1835 = arith.shli %parallel_loop3A_1831, %parallel_loop3A_1834 : vector<16xi32>
      %parallel_loop3A_1836 = arith.constant 6 : i32
      %parallel_loop3A_1837 = vector.broadcast %parallel_loop3A_1836 : i32 to vector<16xi32>
      %parallel_loop3A_1838 = arith.shrui %parallel_loop3A_1831, %parallel_loop3A_1837 : vector<16xi32>
      %parallel_loop3A_1839 = arith.ori %parallel_loop3A_1835, %parallel_loop3A_1838 : vector<16xi32>
      %parallel_loop3A_1840 = arith.xori %parallel_loop3A_1839, %parallel_loop3A_1832 : vector<16xi32>
      %parallel_loop3A_1841 = arith.addi %parallel_loop3A_1832, %parallel_loop3A_1840 : vector<16xi32>
      %parallel_loop3A_1842 = arith.constant 6 : i32
      %parallel_loop3A_1843 = vector.broadcast %parallel_loop3A_1842 : i32 to vector<16xi32>
      %parallel_loop3A_1844 = arith.shli %parallel_loop3A_1840, %parallel_loop3A_1843 : vector<16xi32>
      %parallel_loop3A_1845 = arith.constant 26 : i32
      %parallel_loop3A_1846 = vector.broadcast %parallel_loop3A_1845 : i32 to vector<16xi32>
      %parallel_loop3A_1847 = arith.shrui %parallel_loop3A_1840, %parallel_loop3A_1846 : vector<16xi32>
      %parallel_loop3A_1848 = arith.ori %parallel_loop3A_1844, %parallel_loop3A_1847 : vector<16xi32>
      %parallel_loop3A_1849 = arith.xori %parallel_loop3A_1848, %parallel_loop3A_1841 : vector<16xi32>
      %parallel_loop3A_1850 = arith.constant 928981903 : i32
      %parallel_loop3A_1851 = vector.broadcast %parallel_loop3A_1850 : i32 to vector<16xi32>
      %parallel_loop3A_1852 = arith.addi %parallel_loop3A_1841, %parallel_loop3A_1851 : vector<16xi32>
      %parallel_loop3A_1853 = arith.constant -841280224 : i32
      %parallel_loop3A_1854 = vector.broadcast %parallel_loop3A_1853 : i32 to vector<16xi32>
      %parallel_loop3A_1855 = arith.addi %parallel_loop3A_1849, %parallel_loop3A_1854 : vector<16xi32>
      %parallel_loop3A_1856 = arith.addi %parallel_loop3A_1852, %parallel_loop3A_1855 : vector<16xi32>
      %parallel_loop3A_1857 = arith.constant 17 : i32
      %parallel_loop3A_1858 = vector.broadcast %parallel_loop3A_1857 : i32 to vector<16xi32>
      %parallel_loop3A_1859 = arith.shli %parallel_loop3A_1855, %parallel_loop3A_1858 : vector<16xi32>
      %parallel_loop3A_1860 = arith.constant 15 : i32
      %parallel_loop3A_1861 = vector.broadcast %parallel_loop3A_1860 : i32 to vector<16xi32>
      %parallel_loop3A_1862 = arith.shrui %parallel_loop3A_1855, %parallel_loop3A_1861 : vector<16xi32>
      %parallel_loop3A_1863 = arith.ori %parallel_loop3A_1859, %parallel_loop3A_1862 : vector<16xi32>
      %parallel_loop3A_1864 = arith.xori %parallel_loop3A_1863, %parallel_loop3A_1856 : vector<16xi32>
      %parallel_loop3A_1865 = arith.addi %parallel_loop3A_1856, %parallel_loop3A_1864 : vector<16xi32>
      %parallel_loop3A_1866 = arith.constant 29 : i32
      %parallel_loop3A_1867 = vector.broadcast %parallel_loop3A_1866 : i32 to vector<16xi32>
      %parallel_loop3A_1868 = arith.shli %parallel_loop3A_1864, %parallel_loop3A_1867 : vector<16xi32>
      %parallel_loop3A_1869 = arith.constant 3 : i32
      %parallel_loop3A_1870 = vector.broadcast %parallel_loop3A_1869 : i32 to vector<16xi32>
      %parallel_loop3A_1871 = arith.shrui %parallel_loop3A_1864, %parallel_loop3A_1870 : vector<16xi32>
      %parallel_loop3A_1872 = arith.ori %parallel_loop3A_1868, %parallel_loop3A_1871 : vector<16xi32>
      %parallel_loop3A_1873 = arith.xori %parallel_loop3A_1872, %parallel_loop3A_1865 : vector<16xi32>
      %parallel_loop3A_1874 = arith.addi %parallel_loop3A_1865, %parallel_loop3A_1873 : vector<16xi32>
      %parallel_loop3A_1875 = arith.constant 16 : i32
      %parallel_loop3A_1876 = vector.broadcast %parallel_loop3A_1875 : i32 to vector<16xi32>
      %parallel_loop3A_1877 = arith.shli %parallel_loop3A_1873, %parallel_loop3A_1876 : vector<16xi32>
      %parallel_loop3A_1878 = arith.constant 16 : i32
      %parallel_loop3A_1879 = vector.broadcast %parallel_loop3A_1878 : i32 to vector<16xi32>
      %parallel_loop3A_1880 = arith.shrui %parallel_loop3A_1873, %parallel_loop3A_1879 : vector<16xi32>
      %parallel_loop3A_1881 = arith.ori %parallel_loop3A_1877, %parallel_loop3A_1880 : vector<16xi32>
      %parallel_loop3A_1882 = arith.xori %parallel_loop3A_1881, %parallel_loop3A_1874 : vector<16xi32>
      %parallel_loop3A_1883 = arith.addi %parallel_loop3A_1874, %parallel_loop3A_1882 : vector<16xi32>
      %parallel_loop3A_1884 = arith.constant 24 : i32
      %parallel_loop3A_1885 = vector.broadcast %parallel_loop3A_1884 : i32 to vector<16xi32>
      %parallel_loop3A_1886 = arith.shli %parallel_loop3A_1882, %parallel_loop3A_1885 : vector<16xi32>
      %parallel_loop3A_1887 = arith.constant 8 : i32
      %parallel_loop3A_1888 = vector.broadcast %parallel_loop3A_1887 : i32 to vector<16xi32>
      %parallel_loop3A_1889 = arith.shrui %parallel_loop3A_1882, %parallel_loop3A_1888 : vector<16xi32>
      %parallel_loop3A_1890 = arith.ori %parallel_loop3A_1886, %parallel_loop3A_1889 : vector<16xi32>
      %parallel_loop3A_1891 = arith.xori %parallel_loop3A_1890, %parallel_loop3A_1883 : vector<16xi32>
      %parallel_loop3A_1892 = arith.constant -841280227 : i32
      %parallel_loop3A_1893 = vector.broadcast %parallel_loop3A_1892 : i32 to vector<16xi32>
      %parallel_loop3A_1894 = arith.addi %parallel_loop3A_1883, %parallel_loop3A_1893 : vector<16xi32>
      %parallel_loop3A_1895 = arith.constant -514511540 : i32
      %parallel_loop3A_1896 = vector.broadcast %parallel_loop3A_1895 : i32 to vector<16xi32>
      %parallel_loop3A_1897 = arith.addi %parallel_loop3A_1891, %parallel_loop3A_1896 : vector<16xi32>
      %parallel_loop3A_1898 = arith.addi %parallel_loop3A_1894, %parallel_loop3A_1897 : vector<16xi32>
      %parallel_loop3A_1899 = arith.constant 13 : i32
      %parallel_loop3A_1900 = vector.broadcast %parallel_loop3A_1899 : i32 to vector<16xi32>
      %parallel_loop3A_1901 = arith.shli %parallel_loop3A_1897, %parallel_loop3A_1900 : vector<16xi32>
      %parallel_loop3A_1902 = arith.constant 19 : i32
      %parallel_loop3A_1903 = vector.broadcast %parallel_loop3A_1902 : i32 to vector<16xi32>
      %parallel_loop3A_1904 = arith.shrui %parallel_loop3A_1897, %parallel_loop3A_1903 : vector<16xi32>
      %parallel_loop3A_1905 = arith.ori %parallel_loop3A_1901, %parallel_loop3A_1904 : vector<16xi32>
      %parallel_loop3A_1906 = arith.xori %parallel_loop3A_1905, %parallel_loop3A_1898 : vector<16xi32>
      %parallel_loop3A_1907 = arith.addi %parallel_loop3A_1898, %parallel_loop3A_1906 : vector<16xi32>
      %parallel_loop3A_1908 = arith.constant 15 : i32
      %parallel_loop3A_1909 = vector.broadcast %parallel_loop3A_1908 : i32 to vector<16xi32>
      %parallel_loop3A_1910 = arith.shli %parallel_loop3A_1906, %parallel_loop3A_1909 : vector<16xi32>
      %parallel_loop3A_1911 = arith.constant 17 : i32
      %parallel_loop3A_1912 = vector.broadcast %parallel_loop3A_1911 : i32 to vector<16xi32>
      %parallel_loop3A_1913 = arith.shrui %parallel_loop3A_1906, %parallel_loop3A_1912 : vector<16xi32>
      %parallel_loop3A_1914 = arith.ori %parallel_loop3A_1910, %parallel_loop3A_1913 : vector<16xi32>
      %parallel_loop3A_1915 = arith.xori %parallel_loop3A_1914, %parallel_loop3A_1907 : vector<16xi32>
      %parallel_loop3A_1916 = arith.addi %parallel_loop3A_1907, %parallel_loop3A_1915 : vector<16xi32>
      %parallel_loop3A_1917 = arith.constant 26 : i32
      %parallel_loop3A_1918 = vector.broadcast %parallel_loop3A_1917 : i32 to vector<16xi32>
      %parallel_loop3A_1919 = arith.shli %parallel_loop3A_1915, %parallel_loop3A_1918 : vector<16xi32>
      %parallel_loop3A_1920 = arith.constant 6 : i32
      %parallel_loop3A_1921 = vector.broadcast %parallel_loop3A_1920 : i32 to vector<16xi32>
      %parallel_loop3A_1922 = arith.shrui %parallel_loop3A_1915, %parallel_loop3A_1921 : vector<16xi32>
      %parallel_loop3A_1923 = arith.ori %parallel_loop3A_1919, %parallel_loop3A_1922 : vector<16xi32>
      %parallel_loop3A_1924 = arith.xori %parallel_loop3A_1923, %parallel_loop3A_1916 : vector<16xi32>
      %parallel_loop3A_1925 = arith.addi %parallel_loop3A_1916, %parallel_loop3A_1924 : vector<16xi32>
      %parallel_loop3A_1926 = arith.constant 6 : i32
      %parallel_loop3A_1927 = vector.broadcast %parallel_loop3A_1926 : i32 to vector<16xi32>
      %parallel_loop3A_1928 = arith.shli %parallel_loop3A_1924, %parallel_loop3A_1927 : vector<16xi32>
      %parallel_loop3A_1929 = arith.constant 26 : i32
      %parallel_loop3A_1930 = vector.broadcast %parallel_loop3A_1929 : i32 to vector<16xi32>
      %parallel_loop3A_1931 = arith.shrui %parallel_loop3A_1924, %parallel_loop3A_1930 : vector<16xi32>
      %parallel_loop3A_1932 = arith.ori %parallel_loop3A_1928, %parallel_loop3A_1931 : vector<16xi32>
      %parallel_loop3A_1933 = arith.xori %parallel_loop3A_1932, %parallel_loop3A_1925 : vector<16xi32>
      %parallel_loop3A_1934 = arith.constant -514511544 : i32
      %parallel_loop3A_1935 = vector.broadcast %parallel_loop3A_1934 : i32 to vector<16xi32>
      %parallel_loop3A_1936 = arith.addi %parallel_loop3A_1925, %parallel_loop3A_1935 : vector<16xi32>
      %parallel_loop3A_1937 = arith.constant 928981908 : i32
      %parallel_loop3A_1938 = vector.broadcast %parallel_loop3A_1937 : i32 to vector<16xi32>
      %parallel_loop3A_1939 = arith.addi %parallel_loop3A_1933, %parallel_loop3A_1938 : vector<16xi32>
      %parallel_loop3A_1940 = arith.xori %parallel_loop3A_1936, %parallel_loop3A_1939 : vector<16xi32>
      %parallel_loop3A_1941 = arith.constant 9 : i32
      %parallel_loop3A_1942 = vector.broadcast %parallel_loop3A_1941 : i32 to vector<16xi32>
      %parallel_loop3A_1943 = arith.shrui %parallel_loop3A_1940, %parallel_loop3A_1942 : vector<16xi32>
      %parallel_loop3A_1944 = arith.constant 1065353216 : i32
      %parallel_loop3A_1945 = vector.broadcast %parallel_loop3A_1944 : i32 to vector<16xi32>
      %parallel_loop3A_1946 = arith.ori %parallel_loop3A_1943, %parallel_loop3A_1945 : vector<16xi32>
      %parallel_loop3A_1947 = tpu.bitcast %parallel_loop3A_1946 : vector<16xi32> -> vector<16xf32>
      %parallel_loop3A_1948 = arith.constant 1.000000e+00 : f32
      %parallel_loop3A_1949 = vector.broadcast %parallel_loop3A_1948 : f32 to vector<16xf32>
      %parallel_loop3A_1950 = arith.subf %parallel_loop3A_1947, %parallel_loop3A_1949 : vector<16xf32>
      %parallel_loop3A_1951 = vector.broadcast %parallel_loop3A_117 : f32 to vector<16xf32>
      %parallel_loop3A_1952 = arith.addf %parallel_loop3A_1950, %parallel_loop3A_1951 : vector<16xf32>
      %parallel_loop3A_1953 = tpu.bitcast %parallel_loop3A_1952 : vector<16xf32> -> vector<16xi32>
      %parallel_loop3A_1954 = arith.constant 23 : i32
      %parallel_loop3A_1955 = vector.broadcast %parallel_loop3A_1954 : i32 to vector<16xi32>
      %parallel_loop3A_1956 = arith.shrui %parallel_loop3A_1953, %parallel_loop3A_1955 : vector<16xi32>
      %parallel_loop3A_1957 = arith.constant 127 : i32
      %parallel_loop3A_1958 = vector.broadcast %parallel_loop3A_1957 : i32 to vector<16xi32>
      %parallel_loop3A_1959 = arith.subi %parallel_loop3A_1956, %parallel_loop3A_1958 : vector<16xi32>
      %parallel_loop3A_1960 = arith.constant 8388607 : i32
      %parallel_loop3A_1961 = vector.broadcast %parallel_loop3A_1960 : i32 to vector<16xi32>
      %parallel_loop3A_1962 = arith.andi %parallel_loop3A_1953, %parallel_loop3A_1961 : vector<16xi32>
      %parallel_loop3A_1963 = arith.constant 1065353216 : i32
      %parallel_loop3A_1964 = vector.broadcast %parallel_loop3A_1963 : i32 to vector<16xi32>
      %parallel_loop3A_1965 = arith.ori %parallel_loop3A_1962, %parallel_loop3A_1964 : vector<16xi32>
      %parallel_loop3A_1966 = tpu.bitcast %parallel_loop3A_1965 : vector<16xi32> -> vector<16xf32>
      %parallel_loop3A_1967 = arith.constant 1.41421354 : f32
      %parallel_loop3A_1968 = vector.broadcast %parallel_loop3A_1967 : f32 to vector<16xf32>
      %parallel_loop3A_1969 = arith.cmpf oge, %parallel_loop3A_1966, %parallel_loop3A_1968 : vector<16xf32>
      %parallel_loop3A_1970 = arith.constant 5.000000e-01 : f32
      %parallel_loop3A_1971 = vector.broadcast %parallel_loop3A_1970 : f32 to vector<16xf32>
      %parallel_loop3A_1972 = arith.mulf %parallel_loop3A_1966, %parallel_loop3A_1971 : vector<16xf32>
      %parallel_loop3A_1973 = arith.select %parallel_loop3A_1969, %parallel_loop3A_1972, %parallel_loop3A_1966 : vector<16xi1>, vector<16xf32>
      %parallel_loop3A_1974 = arith.constant 1 : i32
      %parallel_loop3A_1975 = vector.broadcast %parallel_loop3A_1974 : i32 to vector<16xi32>
      %parallel_loop3A_1976 = arith.addi %parallel_loop3A_1959, %parallel_loop3A_1975 : vector<16xi32>
      %parallel_loop3A_1977 = arith.select %parallel_loop3A_1969, %parallel_loop3A_1976, %parallel_loop3A_1959 : vector<16xi1>, vector<16xi32>
      %parallel_loop3A_1978 = arith.constant 1.000000e+00 : f32
      %parallel_loop3A_1979 = vector.broadcast %parallel_loop3A_1978 : f32 to vector<16xf32>
      %parallel_loop3A_1980 = arith.subf %parallel_loop3A_1973, %parallel_loop3A_1979 : vector<16xf32>
      %parallel_loop3A_1981 = arith.constant 0.120947205 : f32
      %parallel_loop3A_1982 = vector.broadcast %parallel_loop3A_1981 : f32 to vector<16xf32>
      %parallel_loop3A_1983 = arith.mulf %parallel_loop3A_1982, %parallel_loop3A_1980 : vector<16xf32>
      %parallel_loop3A_1984 = arith.constant -0.206254348 : f32
      %parallel_loop3A_1985 = vector.broadcast %parallel_loop3A_1984 : f32 to vector<16xf32>
      %parallel_loop3A_1986 = arith.addf %parallel_loop3A_1983, %parallel_loop3A_1985 : vector<16xf32>
      %parallel_loop3A_1987 = arith.mulf %parallel_loop3A_1986, %parallel_loop3A_1980 : vector<16xf32>
      %parallel_loop3A_1988 = arith.constant 0.217217103 : f32
      %parallel_loop3A_1989 = vector.broadcast %parallel_loop3A_1988 : f32 to vector<16xf32>
      %parallel_loop3A_1990 = arith.addf %parallel_loop3A_1987, %parallel_loop3A_1989 : vector<16xf32>
      %parallel_loop3A_1991 = arith.mulf %parallel_loop3A_1990, %parallel_loop3A_1980 : vector<16xf32>
      %parallel_loop3A_1992 = arith.constant -0.239137754 : f32
      %parallel_loop3A_1993 = vector.broadcast %parallel_loop3A_1992 : f32 to vector<16xf32>
      %parallel_loop3A_1994 = arith.addf %parallel_loop3A_1991, %parallel_loop3A_1993 : vector<16xf32>
      %parallel_loop3A_1995 = arith.mulf %parallel_loop3A_1994, %parallel_loop3A_1980 : vector<16xf32>
      %parallel_loop3A_1996 = arith.constant 0.287742406 : f32
      %parallel_loop3A_1997 = vector.broadcast %parallel_loop3A_1996 : f32 to vector<16xf32>
      %parallel_loop3A_1998 = arith.addf %parallel_loop3A_1995, %parallel_loop3A_1997 : vector<16xf32>
      %parallel_loop3A_1999 = arith.mulf %parallel_loop3A_1998, %parallel_loop3A_1980 : vector<16xf32>
      %parallel_loop3A_2000 = arith.constant -0.360691816 : f32
      %parallel_loop3A_2001 = vector.broadcast %parallel_loop3A_2000 : f32 to vector<16xf32>
      %parallel_loop3A_2002 = arith.addf %parallel_loop3A_1999, %parallel_loop3A_2001 : vector<16xf32>
      %parallel_loop3A_2003 = arith.mulf %parallel_loop3A_2002, %parallel_loop3A_1980 : vector<16xf32>
      %parallel_loop3A_2004 = arith.constant 0.480918497 : f32
      %parallel_loop3A_2005 = vector.broadcast %parallel_loop3A_2004 : f32 to vector<16xf32>
      %parallel_loop3A_2006 = arith.addf %parallel_loop3A_2003, %parallel_loop3A_2005 : vector<16xf32>
      %parallel_loop3A_2007 = arith.mulf %parallel_loop3A_2006, %parallel_loop3A_1980 : vector<16xf32>
      %parallel_loop3A_2008 = arith.constant -0.72134757 : f32
      %parallel_loop3A_2009 = vector.broadcast %parallel_loop3A_2008 : f32 to vector<16xf32>
      %parallel_loop3A_2010 = arith.addf %parallel_loop3A_2007, %parallel_loop3A_2009 : vector<16xf32>
      %parallel_loop3A_2011 = arith.mulf %parallel_loop3A_2010, %parallel_loop3A_1980 : vector<16xf32>
      %parallel_loop3A_2012 = arith.constant 1.4426949 : f32
      %parallel_loop3A_2013 = vector.broadcast %parallel_loop3A_2012 : f32 to vector<16xf32>
      %parallel_loop3A_2014 = arith.addf %parallel_loop3A_2011, %parallel_loop3A_2013 : vector<16xf32>
      %parallel_loop3A_2015 = arith.mulf %parallel_loop3A_2014, %parallel_loop3A_1980 : vector<16xf32>
      %parallel_loop3A_2016 = arith.constant 3.81468801E-10 : f32
      %parallel_loop3A_2017 = vector.broadcast %parallel_loop3A_2016 : f32 to vector<16xf32>
      %parallel_loop3A_2018 = arith.addf %parallel_loop3A_2015, %parallel_loop3A_2017 : vector<16xf32>
      %parallel_loop3A_2019 = arith.sitofp %parallel_loop3A_1977 : vector<16xi32> to vector<16xf32>
      %parallel_loop3A_2020 = arith.addf %parallel_loop3A_2019, %parallel_loop3A_2018 : vector<16xf32>
      %parallel_loop3A_2021 = arith.constant -0.693147182 : f32
      %parallel_loop3A_2022 = vector.broadcast %parallel_loop3A_2021 : f32 to vector<16xf32>
      %parallel_loop3A_2023 = arith.mulf %parallel_loop3A_2020, %parallel_loop3A_2022 : vector<16xf32>
      %parallel_loop3A_2024 = tpu.bitcast %parallel_loop3A_2023 : vector<16xf32> -> vector<16xi32>
      %parallel_loop3A_2025 = arith.constant 23 : i32
      %parallel_loop3A_2026 = vector.broadcast %parallel_loop3A_2025 : i32 to vector<16xi32>
      %parallel_loop3A_2027 = arith.shrui %parallel_loop3A_2024, %parallel_loop3A_2026 : vector<16xi32>
      %parallel_loop3A_2028 = arith.constant 127 : i32
      %parallel_loop3A_2029 = vector.broadcast %parallel_loop3A_2028 : i32 to vector<16xi32>
      %parallel_loop3A_2030 = arith.subi %parallel_loop3A_2027, %parallel_loop3A_2029 : vector<16xi32>
      %parallel_loop3A_2031 = arith.constant 8388607 : i32
      %parallel_loop3A_2032 = vector.broadcast %parallel_loop3A_2031 : i32 to vector<16xi32>
      %parallel_loop3A_2033 = arith.andi %parallel_loop3A_2024, %parallel_loop3A_2032 : vector<16xi32>
      %parallel_loop3A_2034 = arith.constant 1065353216 : i32
      %parallel_loop3A_2035 = vector.broadcast %parallel_loop3A_2034 : i32 to vector<16xi32>
      %parallel_loop3A_2036 = arith.ori %parallel_loop3A_2033, %parallel_loop3A_2035 : vector<16xi32>
      %parallel_loop3A_2037 = tpu.bitcast %parallel_loop3A_2036 : vector<16xi32> -> vector<16xf32>
      %parallel_loop3A_2038 = arith.constant 1.41421354 : f32
      %parallel_loop3A_2039 = vector.broadcast %parallel_loop3A_2038 : f32 to vector<16xf32>
      %parallel_loop3A_2040 = arith.cmpf oge, %parallel_loop3A_2037, %parallel_loop3A_2039 : vector<16xf32>
      %parallel_loop3A_2041 = arith.constant 5.000000e-01 : f32
      %parallel_loop3A_2042 = vector.broadcast %parallel_loop3A_2041 : f32 to vector<16xf32>
      %parallel_loop3A_2043 = arith.mulf %parallel_loop3A_2037, %parallel_loop3A_2042 : vector<16xf32>
      %parallel_loop3A_2044 = arith.select %parallel_loop3A_2040, %parallel_loop3A_2043, %parallel_loop3A_2037 : vector<16xi1>, vector<16xf32>
      %parallel_loop3A_2045 = arith.constant 1 : i32
      %parallel_loop3A_2046 = vector.broadcast %parallel_loop3A_2045 : i32 to vector<16xi32>
      %parallel_loop3A_2047 = arith.addi %parallel_loop3A_2030, %parallel_loop3A_2046 : vector<16xi32>
      %parallel_loop3A_2048 = arith.select %parallel_loop3A_2040, %parallel_loop3A_2047, %parallel_loop3A_2030 : vector<16xi1>, vector<16xi32>
      %parallel_loop3A_2049 = arith.constant 1.000000e+00 : f32
      %parallel_loop3A_2050 = vector.broadcast %parallel_loop3A_2049 : f32 to vector<16xf32>
      %parallel_loop3A_2051 = arith.subf %parallel_loop3A_2044, %parallel_loop3A_2050 : vector<16xf32>
      %parallel_loop3A_2052 = arith.constant 0.120947205 : f32
      %parallel_loop3A_2053 = vector.broadcast %parallel_loop3A_2052 : f32 to vector<16xf32>
      %parallel_loop3A_2054 = arith.mulf %parallel_loop3A_2053, %parallel_loop3A_2051 : vector<16xf32>
      %parallel_loop3A_2055 = arith.constant -0.206254348 : f32
      %parallel_loop3A_2056 = vector.broadcast %parallel_loop3A_2055 : f32 to vector<16xf32>
      %parallel_loop3A_2057 = arith.addf %parallel_loop3A_2054, %parallel_loop3A_2056 : vector<16xf32>
      %parallel_loop3A_2058 = arith.mulf %parallel_loop3A_2057, %parallel_loop3A_2051 : vector<16xf32>
      %parallel_loop3A_2059 = arith.constant 0.217217103 : f32
      %parallel_loop3A_2060 = vector.broadcast %parallel_loop3A_2059 : f32 to vector<16xf32>
      %parallel_loop3A_2061 = arith.addf %parallel_loop3A_2058, %parallel_loop3A_2060 : vector<16xf32>
      %parallel_loop3A_2062 = arith.mulf %parallel_loop3A_2061, %parallel_loop3A_2051 : vector<16xf32>
      %parallel_loop3A_2063 = arith.constant -0.239137754 : f32
      %parallel_loop3A_2064 = vector.broadcast %parallel_loop3A_2063 : f32 to vector<16xf32>
      %parallel_loop3A_2065 = arith.addf %parallel_loop3A_2062, %parallel_loop3A_2064 : vector<16xf32>
      %parallel_loop3A_2066 = arith.mulf %parallel_loop3A_2065, %parallel_loop3A_2051 : vector<16xf32>
      %parallel_loop3A_2067 = arith.constant 0.287742406 : f32
      %parallel_loop3A_2068 = vector.broadcast %parallel_loop3A_2067 : f32 to vector<16xf32>
      %parallel_loop3A_2069 = arith.addf %parallel_loop3A_2066, %parallel_loop3A_2068 : vector<16xf32>
      %parallel_loop3A_2070 = arith.mulf %parallel_loop3A_2069, %parallel_loop3A_2051 : vector<16xf32>
      %parallel_loop3A_2071 = arith.constant -0.360691816 : f32
      %parallel_loop3A_2072 = vector.broadcast %parallel_loop3A_2071 : f32 to vector<16xf32>
      %parallel_loop3A_2073 = arith.addf %parallel_loop3A_2070, %parallel_loop3A_2072 : vector<16xf32>
      %parallel_loop3A_2074 = arith.mulf %parallel_loop3A_2073, %parallel_loop3A_2051 : vector<16xf32>
      %parallel_loop3A_2075 = arith.constant 0.480918497 : f32
      %parallel_loop3A_2076 = vector.broadcast %parallel_loop3A_2075 : f32 to vector<16xf32>
      %parallel_loop3A_2077 = arith.addf %parallel_loop3A_2074, %parallel_loop3A_2076 : vector<16xf32>
      %parallel_loop3A_2078 = arith.mulf %parallel_loop3A_2077, %parallel_loop3A_2051 : vector<16xf32>
      %parallel_loop3A_2079 = arith.constant -0.72134757 : f32
      %parallel_loop3A_2080 = vector.broadcast %parallel_loop3A_2079 : f32 to vector<16xf32>
      %parallel_loop3A_2081 = arith.addf %parallel_loop3A_2078, %parallel_loop3A_2080 : vector<16xf32>
      %parallel_loop3A_2082 = arith.mulf %parallel_loop3A_2081, %parallel_loop3A_2051 : vector<16xf32>
      %parallel_loop3A_2083 = arith.constant 1.4426949 : f32
      %parallel_loop3A_2084 = vector.broadcast %parallel_loop3A_2083 : f32 to vector<16xf32>
      %parallel_loop3A_2085 = arith.addf %parallel_loop3A_2082, %parallel_loop3A_2084 : vector<16xf32>
      %parallel_loop3A_2086 = arith.mulf %parallel_loop3A_2085, %parallel_loop3A_2051 : vector<16xf32>
      %parallel_loop3A_2087 = arith.constant 3.81468801E-10 : f32
      %parallel_loop3A_2088 = vector.broadcast %parallel_loop3A_2087 : f32 to vector<16xf32>
      %parallel_loop3A_2089 = arith.addf %parallel_loop3A_2086, %parallel_loop3A_2088 : vector<16xf32>
      %parallel_loop3A_2090 = arith.sitofp %parallel_loop3A_2048 : vector<16xi32> to vector<16xf32>
      %parallel_loop3A_2091 = arith.addf %parallel_loop3A_2090, %parallel_loop3A_2089 : vector<16xf32>
      %parallel_loop3A_2092 = arith.constant -0.693147182 : f32
      %parallel_loop3A_2093 = vector.broadcast %parallel_loop3A_2092 : f32 to vector<16xf32>
      %parallel_loop3A_2094 = arith.mulf %parallel_loop3A_2091, %parallel_loop3A_2093 : vector<16xf32>
      %parallel_loop3A_2095 = arith.index_cast %parallel_loop3A_182 : i32 to index
      %parallel_loop3A_2096 = arith.constant 64 : index
      %parallel_loop3A_2097 = tpu.vector_load %arg5[%parallel_loop3A_2095, %parallel_loop3A_2096] {strides = array<i32>} : memref<640x128xf32, #tpu.memory_space<vmem>>, vector<1x16xf32>,
      %parallel_loop3A_2098 = vector.shape_cast %parallel_loop3A_2097 : vector<1x16xf32> to vector<16xf32>
      %parallel_loop3A_2099 = arith.addf %parallel_loop3A_2098, %parallel_loop3A_2094 : vector<16xf32>
      %parallel_loop3A_2100 = arith.cmpf ogt, %parallel_loop3A_2099, %parallel_loop3A_187 : vector<16xf32>
      %parallel_loop3A_2101 = arith.select %parallel_loop3A_2100, %parallel_loop3A_2099, %parallel_loop3A_187 : vector<16xi1>, vector<16xf32>
      %parallel_loop3A_2102 = arith.constant 0 : i32
      %parallel_loop3A_2103 = vector.broadcast %parallel_loop3A_2102 : i32 to vector<16xi32>
      %parallel_loop3A_2104 = vector.broadcast %parallel_loop3A_199 : i32 to vector<16xi32>
      %parallel_loop3A_2105 = arith.addi %parallel_loop3A_2103, %parallel_loop3A_2104 : vector<16xi32>
      %parallel_loop3A_2106 = arith.select %parallel_loop3A_2100, %parallel_loop3A_2105, %parallel_loop3A_195 : vector<16xi1>, vector<16xi32>
      %parallel_loop3A_2107 = vector.broadcast %parallel_loop3A_201 : i32 to vector<16xi32>
      %parallel_loop3A_2108 = arith.addi %mul3A_100, %parallel_loop3A_2107 : vector<16xi32>
      %parallel_loop3A_2109 = arith.constant 928981903 : i32
      %parallel_loop3A_2110 = vector.broadcast %parallel_loop3A_2109 : i32 to vector<16xi32>
      %parallel_loop3A_2111 = arith.addi %parallel_loop3A_2108, %parallel_loop3A_2110 : vector<16xi32>
      %parallel_loop3A_2112 = arith.constant 13 : i32
      %parallel_loop3A_2113 = vector.broadcast %parallel_loop3A_2112 : i32 to vector<16xi32>
      %parallel_loop3A_2114 = arith.shli %parallel_loop3A_2108, %parallel_loop3A_2113 : vector<16xi32>
      %parallel_loop3A_2115 = arith.constant 19 : i32
      %parallel_loop3A_2116 = vector.broadcast %parallel_loop3A_2115 : i32 to vector<16xi32>
      %parallel_loop3A_2117 = arith.shrui %parallel_loop3A_2108, %parallel_loop3A_2116 : vector<16xi32>
      %parallel_loop3A_2118 = arith.ori %parallel_loop3A_2114, %parallel_loop3A_2117 : vector<16xi32>
      %parallel_loop3A_2119 = arith.xori %parallel_loop3A_2118, %parallel_loop3A_2111 : vector<16xi32>
      %parallel_loop3A_2120 = arith.addi %parallel_loop3A_2111, %parallel_loop3A_2119 : vector<16xi32>
      %parallel_loop3A_2121 = arith.constant 15 : i32
      %parallel_loop3A_2122 = vector.broadcast %parallel_loop3A_2121 : i32 to vector<16xi32>
      %parallel_loop3A_2123 = arith.shli %parallel_loop3A_2119, %parallel_loop3A_2122 : vector<16xi32>
      %parallel_loop3A_2124 = arith.constant 17 : i32
      %parallel_loop3A_2125 = vector.broadcast %parallel_loop3A_2124 : i32 to vector<16xi32>
      %parallel_loop3A_2126 = arith.shrui %parallel_loop3A_2119, %parallel_loop3A_2125 : vector<16xi32>
      %parallel_loop3A_2127 = arith.ori %parallel_loop3A_2123, %parallel_loop3A_2126 : vector<16xi32>
      %parallel_loop3A_2128 = arith.xori %parallel_loop3A_2127, %parallel_loop3A_2120 : vector<16xi32>
      %parallel_loop3A_2129 = arith.addi %parallel_loop3A_2120, %parallel_loop3A_2128 : vector<16xi32>
      %parallel_loop3A_2130 = arith.constant 26 : i32
      %parallel_loop3A_2131 = vector.broadcast %parallel_loop3A_2130 : i32 to vector<16xi32>
      %parallel_loop3A_2132 = arith.shli %parallel_loop3A_2128, %parallel_loop3A_2131 : vector<16xi32>
      %parallel_loop3A_2133 = arith.constant 6 : i32
      %parallel_loop3A_2134 = vector.broadcast %parallel_loop3A_2133 : i32 to vector<16xi32>
      %parallel_loop3A_2135 = arith.shrui %parallel_loop3A_2128, %parallel_loop3A_2134 : vector<16xi32>
      %parallel_loop3A_2136 = arith.ori %parallel_loop3A_2132, %parallel_loop3A_2135 : vector<16xi32>
      %parallel_loop3A_2137 = arith.xori %parallel_loop3A_2136, %parallel_loop3A_2129 : vector<16xi32>
      %parallel_loop3A_2138 = arith.addi %parallel_loop3A_2129, %parallel_loop3A_2137 : vector<16xi32>
      %parallel_loop3A_2139 = arith.constant 6 : i32
      %parallel_loop3A_2140 = vector.broadcast %parallel_loop3A_2139 : i32 to vector<16xi32>
      %parallel_loop3A_2141 = arith.shli %parallel_loop3A_2137, %parallel_loop3A_2140 : vector<16xi32>
      %parallel_loop3A_2142 = arith.constant 26 : i32
      %parallel_loop3A_2143 = vector.broadcast %parallel_loop3A_2142 : i32 to vector<16xi32>
      %parallel_loop3A_2144 = arith.shrui %parallel_loop3A_2137, %parallel_loop3A_2143 : vector<16xi32>
      %parallel_loop3A_2145 = arith.ori %parallel_loop3A_2141, %parallel_loop3A_2144 : vector<16xi32>
      %parallel_loop3A_2146 = arith.xori %parallel_loop3A_2145, %parallel_loop3A_2138 : vector<16xi32>
      %parallel_loop3A_2147 = arith.constant -841280227 : i32
      %parallel_loop3A_2148 = vector.broadcast %parallel_loop3A_2147 : i32 to vector<16xi32>
      %parallel_loop3A_2149 = arith.addi %parallel_loop3A_2138, %parallel_loop3A_2148 : vector<16xi32>
      %parallel_loop3A_2150 = arith.constant -514511543 : i32
      %parallel_loop3A_2151 = vector.broadcast %parallel_loop3A_2150 : i32 to vector<16xi32>
      %parallel_loop3A_2152 = arith.addi %parallel_loop3A_2146, %parallel_loop3A_2151 : vector<16xi32>
      %parallel_loop3A_2153 = arith.addi %parallel_loop3A_2149, %parallel_loop3A_2152 : vector<16xi32>
      %parallel_loop3A_2154 = arith.constant 17 : i32
      %parallel_loop3A_2155 = vector.broadcast %parallel_loop3A_2154 : i32 to vector<16xi32>
      %parallel_loop3A_2156 = arith.shli %parallel_loop3A_2152, %parallel_loop3A_2155 : vector<16xi32>
      %parallel_loop3A_2157 = arith.constant 15 : i32
      %parallel_loop3A_2158 = vector.broadcast %parallel_loop3A_2157 : i32 to vector<16xi32>
      %parallel_loop3A_2159 = arith.shrui %parallel_loop3A_2152, %parallel_loop3A_2158 : vector<16xi32>
      %parallel_loop3A_2160 = arith.ori %parallel_loop3A_2156, %parallel_loop3A_2159 : vector<16xi32>
      %parallel_loop3A_2161 = arith.xori %parallel_loop3A_2160, %parallel_loop3A_2153 : vector<16xi32>
      %parallel_loop3A_2162 = arith.addi %parallel_loop3A_2153, %parallel_loop3A_2161 : vector<16xi32>
      %parallel_loop3A_2163 = arith.constant 29 : i32
      %parallel_loop3A_2164 = vector.broadcast %parallel_loop3A_2163 : i32 to vector<16xi32>
      %parallel_loop3A_2165 = arith.shli %parallel_loop3A_2161, %parallel_loop3A_2164 : vector<16xi32>
      %parallel_loop3A_2166 = arith.constant 3 : i32
      %parallel_loop3A_2167 = vector.broadcast %parallel_loop3A_2166 : i32 to vector<16xi32>
      %parallel_loop3A_2168 = arith.shrui %parallel_loop3A_2161, %parallel_loop3A_2167 : vector<16xi32>
      %parallel_loop3A_2169 = arith.ori %parallel_loop3A_2165, %parallel_loop3A_2168 : vector<16xi32>
      %parallel_loop3A_2170 = arith.xori %parallel_loop3A_2169, %parallel_loop3A_2162 : vector<16xi32>
      %parallel_loop3A_2171 = arith.addi %parallel_loop3A_2162, %parallel_loop3A_2170 : vector<16xi32>
      %parallel_loop3A_2172 = arith.constant 16 : i32
      %parallel_loop3A_2173 = vector.broadcast %parallel_loop3A_2172 : i32 to vector<16xi32>
      %parallel_loop3A_2174 = arith.shli %parallel_loop3A_2170, %parallel_loop3A_2173 : vector<16xi32>
      %parallel_loop3A_2175 = arith.constant 16 : i32
      %parallel_loop3A_2176 = vector.broadcast %parallel_loop3A_2175 : i32 to vector<16xi32>
      %parallel_loop3A_2177 = arith.shrui %parallel_loop3A_2170, %parallel_loop3A_2176 : vector<16xi32>
      %parallel_loop3A_2178 = arith.ori %parallel_loop3A_2174, %parallel_loop3A_2177 : vector<16xi32>
      %parallel_loop3A_2179 = arith.xori %parallel_loop3A_2178, %parallel_loop3A_2171 : vector<16xi32>
      %parallel_loop3A_2180 = arith.addi %parallel_loop3A_2171, %parallel_loop3A_2179 : vector<16xi32>
      %parallel_loop3A_2181 = arith.constant 24 : i32
      %parallel_loop3A_2182 = vector.broadcast %parallel_loop3A_2181 : i32 to vector<16xi32>
      %parallel_loop3A_2183 = arith.shli %parallel_loop3A_2179, %parallel_loop3A_2182 : vector<16xi32>
      %parallel_loop3A_2184 = arith.constant 8 : i32
      %parallel_loop3A_2185 = vector.broadcast %parallel_loop3A_2184 : i32 to vector<16xi32>
      %parallel_loop3A_2186 = arith.shrui %parallel_loop3A_2179, %parallel_loop3A_2185 : vector<16xi32>
      %parallel_loop3A_2187 = arith.ori %parallel_loop3A_2183, %parallel_loop3A_2186 : vector<16xi32>
      %parallel_loop3A_2188 = arith.xori %parallel_loop3A_2187, %parallel_loop3A_2180 : vector<16xi32>
      %parallel_loop3A_2189 = arith.constant -514511544 : i32
      %parallel_loop3A_2190 = vector.broadcast %parallel_loop3A_2189 : i32 to vector<16xi32>
      %parallel_loop3A_2191 = arith.addi %parallel_loop3A_2180, %parallel_loop3A_2190 : vector<16xi32>
      %parallel_loop3A_2192 = arith.constant 928981905 : i32
      %parallel_loop3A_2193 = vector.broadcast %parallel_loop3A_2192 : i32 to vector<16xi32>
      %parallel_loop3A_2194 = arith.addi %parallel_loop3A_2188, %parallel_loop3A_2193 : vector<16xi32>
      %parallel_loop3A_2195 = arith.addi %parallel_loop3A_2191, %parallel_loop3A_2194 : vector<16xi32>
      %parallel_loop3A_2196 = arith.constant 13 : i32
      %parallel_loop3A_2197 = vector.broadcast %parallel_loop3A_2196 : i32 to vector<16xi32>
      %parallel_loop3A_2198 = arith.shli %parallel_loop3A_2194, %parallel_loop3A_2197 : vector<16xi32>
      %parallel_loop3A_2199 = arith.constant 19 : i32
      %parallel_loop3A_2200 = vector.broadcast %parallel_loop3A_2199 : i32 to vector<16xi32>
      %parallel_loop3A_2201 = arith.shrui %parallel_loop3A_2194, %parallel_loop3A_2200 : vector<16xi32>
      %parallel_loop3A_2202 = arith.ori %parallel_loop3A_2198, %parallel_loop3A_2201 : vector<16xi32>
      %parallel_loop3A_2203 = arith.xori %parallel_loop3A_2202, %parallel_loop3A_2195 : vector<16xi32>
      %parallel_loop3A_2204 = arith.addi %parallel_loop3A_2195, %parallel_loop3A_2203 : vector<16xi32>
      %parallel_loop3A_2205 = arith.constant 15 : i32
      %parallel_loop3A_2206 = vector.broadcast %parallel_loop3A_2205 : i32 to vector<16xi32>
      %parallel_loop3A_2207 = arith.shli %parallel_loop3A_2203, %parallel_loop3A_2206 : vector<16xi32>
      %parallel_loop3A_2208 = arith.constant 17 : i32
      %parallel_loop3A_2209 = vector.broadcast %parallel_loop3A_2208 : i32 to vector<16xi32>
      %parallel_loop3A_2210 = arith.shrui %parallel_loop3A_2203, %parallel_loop3A_2209 : vector<16xi32>
      %parallel_loop3A_2211 = arith.ori %parallel_loop3A_2207, %parallel_loop3A_2210 : vector<16xi32>
      %parallel_loop3A_2212 = arith.xori %parallel_loop3A_2211, %parallel_loop3A_2204 : vector<16xi32>
      %parallel_loop3A_2213 = arith.addi %parallel_loop3A_2204, %parallel_loop3A_2212 : vector<16xi32>
      %parallel_loop3A_2214 = arith.constant 26 : i32
      %parallel_loop3A_2215 = vector.broadcast %parallel_loop3A_2214 : i32 to vector<16xi32>
      %parallel_loop3A_2216 = arith.shli %parallel_loop3A_2212, %parallel_loop3A_2215 : vector<16xi32>
      %parallel_loop3A_2217 = arith.constant 6 : i32
      %parallel_loop3A_2218 = vector.broadcast %parallel_loop3A_2217 : i32 to vector<16xi32>
      %parallel_loop3A_2219 = arith.shrui %parallel_loop3A_2212, %parallel_loop3A_2218 : vector<16xi32>
      %parallel_loop3A_2220 = arith.ori %parallel_loop3A_2216, %parallel_loop3A_2219 : vector<16xi32>
      %parallel_loop3A_2221 = arith.xori %parallel_loop3A_2220, %parallel_loop3A_2213 : vector<16xi32>
      %parallel_loop3A_2222 = arith.addi %parallel_loop3A_2213, %parallel_loop3A_2221 : vector<16xi32>
      %parallel_loop3A_2223 = arith.constant 6 : i32
      %parallel_loop3A_2224 = vector.broadcast %parallel_loop3A_2223 : i32 to vector<16xi32>
      %parallel_loop3A_2225 = arith.shli %parallel_loop3A_2221, %parallel_loop3A_2224 : vector<16xi32>
      %parallel_loop3A_2226 = arith.constant 26 : i32
      %parallel_loop3A_2227 = vector.broadcast %parallel_loop3A_2226 : i32 to vector<16xi32>
      %parallel_loop3A_2228 = arith.shrui %parallel_loop3A_2221, %parallel_loop3A_2227 : vector<16xi32>
      %parallel_loop3A_2229 = arith.ori %parallel_loop3A_2225, %parallel_loop3A_2228 : vector<16xi32>
      %parallel_loop3A_2230 = arith.xori %parallel_loop3A_2229, %parallel_loop3A_2222 : vector<16xi32>
      %parallel_loop3A_2231 = arith.constant 928981903 : i32
      %parallel_loop3A_2232 = vector.broadcast %parallel_loop3A_2231 : i32 to vector<16xi32>
      %parallel_loop3A_2233 = arith.addi %parallel_loop3A_2222, %parallel_loop3A_2232 : vector<16xi32>
      %parallel_loop3A_2234 = arith.constant -841280224 : i32
      %parallel_loop3A_2235 = vector.broadcast %parallel_loop3A_2234 : i32 to vector<16xi32>
      %parallel_loop3A_2236 = arith.addi %parallel_loop3A_2230, %parallel_loop3A_2235 : vector<16xi32>
      %parallel_loop3A_2237 = arith.addi %parallel_loop3A_2233, %parallel_loop3A_2236 : vector<16xi32>
      %parallel_loop3A_2238 = arith.constant 17 : i32
      %parallel_loop3A_2239 = vector.broadcast %parallel_loop3A_2238 : i32 to vector<16xi32>
      %parallel_loop3A_2240 = arith.shli %parallel_loop3A_2236, %parallel_loop3A_2239 : vector<16xi32>
      %parallel_loop3A_2241 = arith.constant 15 : i32
      %parallel_loop3A_2242 = vector.broadcast %parallel_loop3A_2241 : i32 to vector<16xi32>
      %parallel_loop3A_2243 = arith.shrui %parallel_loop3A_2236, %parallel_loop3A_2242 : vector<16xi32>
      %parallel_loop3A_2244 = arith.ori %parallel_loop3A_2240, %parallel_loop3A_2243 : vector<16xi32>
      %parallel_loop3A_2245 = arith.xori %parallel_loop3A_2244, %parallel_loop3A_2237 : vector<16xi32>
      %parallel_loop3A_2246 = arith.addi %parallel_loop3A_2237, %parallel_loop3A_2245 : vector<16xi32>
      %parallel_loop3A_2247 = arith.constant 29 : i32
      %parallel_loop3A_2248 = vector.broadcast %parallel_loop3A_2247 : i32 to vector<16xi32>
      %parallel_loop3A_2249 = arith.shli %parallel_loop3A_2245, %parallel_loop3A_2248 : vector<16xi32>
      %parallel_loop3A_2250 = arith.constant 3 : i32
      %parallel_loop3A_2251 = vector.broadcast %parallel_loop3A_2250 : i32 to vector<16xi32>
      %parallel_loop3A_2252 = arith.shrui %parallel_loop3A_2245, %parallel_loop3A_2251 : vector<16xi32>
      %parallel_loop3A_2253 = arith.ori %parallel_loop3A_2249, %parallel_loop3A_2252 : vector<16xi32>
      %parallel_loop3A_2254 = arith.xori %parallel_loop3A_2253, %parallel_loop3A_2246 : vector<16xi32>
      %parallel_loop3A_2255 = arith.addi %parallel_loop3A_2246, %parallel_loop3A_2254 : vector<16xi32>
      %parallel_loop3A_2256 = arith.constant 16 : i32
      %parallel_loop3A_2257 = vector.broadcast %parallel_loop3A_2256 : i32 to vector<16xi32>
      %parallel_loop3A_2258 = arith.shli %parallel_loop3A_2254, %parallel_loop3A_2257 : vector<16xi32>
      %parallel_loop3A_2259 = arith.constant 16 : i32
      %parallel_loop3A_2260 = vector.broadcast %parallel_loop3A_2259 : i32 to vector<16xi32>
      %parallel_loop3A_2261 = arith.shrui %parallel_loop3A_2254, %parallel_loop3A_2260 : vector<16xi32>
      %parallel_loop3A_2262 = arith.ori %parallel_loop3A_2258, %parallel_loop3A_2261 : vector<16xi32>
      %parallel_loop3A_2263 = arith.xori %parallel_loop3A_2262, %parallel_loop3A_2255 : vector<16xi32>
      %parallel_loop3A_2264 = arith.addi %parallel_loop3A_2255, %parallel_loop3A_2263 : vector<16xi32>
      %parallel_loop3A_2265 = arith.constant 24 : i32
      %parallel_loop3A_2266 = vector.broadcast %parallel_loop3A_2265 : i32 to vector<16xi32>
      %parallel_loop3A_2267 = arith.shli %parallel_loop3A_2263, %parallel_loop3A_2266 : vector<16xi32>
      %parallel_loop3A_2268 = arith.constant 8 : i32
      %parallel_loop3A_2269 = vector.broadcast %parallel_loop3A_2268 : i32 to vector<16xi32>
      %parallel_loop3A_2270 = arith.shrui %parallel_loop3A_2263, %parallel_loop3A_2269 : vector<16xi32>
      %parallel_loop3A_2271 = arith.ori %parallel_loop3A_2267, %parallel_loop3A_2270 : vector<16xi32>
      %parallel_loop3A_2272 = arith.xori %parallel_loop3A_2271, %parallel_loop3A_2264 : vector<16xi32>
      %parallel_loop3A_2273 = arith.constant -841280227 : i32
      %parallel_loop3A_2274 = vector.broadcast %parallel_loop3A_2273 : i32 to vector<16xi32>
      %parallel_loop3A_2275 = arith.addi %parallel_loop3A_2264, %parallel_loop3A_2274 : vector<16xi32>
      %parallel_loop3A_2276 = arith.constant -514511540 : i32
      %parallel_loop3A_2277 = vector.broadcast %parallel_loop3A_2276 : i32 to vector<16xi32>
      %parallel_loop3A_2278 = arith.addi %parallel_loop3A_2272, %parallel_loop3A_2277 : vector<16xi32>
      %parallel_loop3A_2279 = arith.addi %parallel_loop3A_2275, %parallel_loop3A_2278 : vector<16xi32>
      %parallel_loop3A_2280 = arith.constant 13 : i32
      %parallel_loop3A_2281 = vector.broadcast %parallel_loop3A_2280 : i32 to vector<16xi32>
      %parallel_loop3A_2282 = arith.shli %parallel_loop3A_2278, %parallel_loop3A_2281 : vector<16xi32>
      %parallel_loop3A_2283 = arith.constant 19 : i32
      %parallel_loop3A_2284 = vector.broadcast %parallel_loop3A_2283 : i32 to vector<16xi32>
      %parallel_loop3A_2285 = arith.shrui %parallel_loop3A_2278, %parallel_loop3A_2284 : vector<16xi32>
      %parallel_loop3A_2286 = arith.ori %parallel_loop3A_2282, %parallel_loop3A_2285 : vector<16xi32>
      %parallel_loop3A_2287 = arith.xori %parallel_loop3A_2286, %parallel_loop3A_2279 : vector<16xi32>
      %parallel_loop3A_2288 = arith.addi %parallel_loop3A_2279, %parallel_loop3A_2287 : vector<16xi32>
      %parallel_loop3A_2289 = arith.constant 15 : i32
      %parallel_loop3A_2290 = vector.broadcast %parallel_loop3A_2289 : i32 to vector<16xi32>
      %parallel_loop3A_2291 = arith.shli %parallel_loop3A_2287, %parallel_loop3A_2290 : vector<16xi32>
      %parallel_loop3A_2292 = arith.constant 17 : i32
      %parallel_loop3A_2293 = vector.broadcast %parallel_loop3A_2292 : i32 to vector<16xi32>
      %parallel_loop3A_2294 = arith.shrui %parallel_loop3A_2287, %parallel_loop3A_2293 : vector<16xi32>
      %parallel_loop3A_2295 = arith.ori %parallel_loop3A_2291, %parallel_loop3A_2294 : vector<16xi32>
      %parallel_loop3A_2296 = arith.xori %parallel_loop3A_2295, %parallel_loop3A_2288 : vector<16xi32>
      %parallel_loop3A_2297 = arith.addi %parallel_loop3A_2288, %parallel_loop3A_2296 : vector<16xi32>
      %parallel_loop3A_2298 = arith.constant 26 : i32
      %parallel_loop3A_2299 = vector.broadcast %parallel_loop3A_2298 : i32 to vector<16xi32>
      %parallel_loop3A_2300 = arith.shli %parallel_loop3A_2296, %parallel_loop3A_2299 : vector<16xi32>
      %parallel_loop3A_2301 = arith.constant 6 : i32
      %parallel_loop3A_2302 = vector.broadcast %parallel_loop3A_2301 : i32 to vector<16xi32>
      %parallel_loop3A_2303 = arith.shrui %parallel_loop3A_2296, %parallel_loop3A_2302 : vector<16xi32>
      %parallel_loop3A_2304 = arith.ori %parallel_loop3A_2300, %parallel_loop3A_2303 : vector<16xi32>
      %parallel_loop3A_2305 = arith.xori %parallel_loop3A_2304, %parallel_loop3A_2297 : vector<16xi32>
      %parallel_loop3A_2306 = arith.addi %parallel_loop3A_2297, %parallel_loop3A_2305 : vector<16xi32>
      %parallel_loop3A_2307 = arith.constant 6 : i32
      %parallel_loop3A_2308 = vector.broadcast %parallel_loop3A_2307 : i32 to vector<16xi32>
      %parallel_loop3A_2309 = arith.shli %parallel_loop3A_2305, %parallel_loop3A_2308 : vector<16xi32>
      %parallel_loop3A_2310 = arith.constant 26 : i32
      %parallel_loop3A_2311 = vector.broadcast %parallel_loop3A_2310 : i32 to vector<16xi32>
      %parallel_loop3A_2312 = arith.shrui %parallel_loop3A_2305, %parallel_loop3A_2311 : vector<16xi32>
      %parallel_loop3A_2313 = arith.ori %parallel_loop3A_2309, %parallel_loop3A_2312 : vector<16xi32>
      %parallel_loop3A_2314 = arith.xori %parallel_loop3A_2313, %parallel_loop3A_2306 : vector<16xi32>
      %parallel_loop3A_2315 = arith.constant -514511544 : i32
      %parallel_loop3A_2316 = vector.broadcast %parallel_loop3A_2315 : i32 to vector<16xi32>
      %parallel_loop3A_2317 = arith.addi %parallel_loop3A_2306, %parallel_loop3A_2316 : vector<16xi32>
      %parallel_loop3A_2318 = arith.constant 928981908 : i32
      %parallel_loop3A_2319 = vector.broadcast %parallel_loop3A_2318 : i32 to vector<16xi32>
      %parallel_loop3A_2320 = arith.addi %parallel_loop3A_2314, %parallel_loop3A_2319 : vector<16xi32>
      %parallel_loop3A_2321 = arith.xori %parallel_loop3A_2317, %parallel_loop3A_2320 : vector<16xi32>
      %parallel_loop3A_2322 = arith.constant 9 : i32
      %parallel_loop3A_2323 = vector.broadcast %parallel_loop3A_2322 : i32 to vector<16xi32>
      %parallel_loop3A_2324 = arith.shrui %parallel_loop3A_2321, %parallel_loop3A_2323 : vector<16xi32>
      %parallel_loop3A_2325 = arith.constant 1065353216 : i32
      %parallel_loop3A_2326 = vector.broadcast %parallel_loop3A_2325 : i32 to vector<16xi32>
      %parallel_loop3A_2327 = arith.ori %parallel_loop3A_2324, %parallel_loop3A_2326 : vector<16xi32>
      %parallel_loop3A_2328 = tpu.bitcast %parallel_loop3A_2327 : vector<16xi32> -> vector<16xf32>
      %parallel_loop3A_2329 = arith.constant 1.000000e+00 : f32
      %parallel_loop3A_2330 = vector.broadcast %parallel_loop3A_2329 : f32 to vector<16xf32>
      %parallel_loop3A_2331 = arith.subf %parallel_loop3A_2328, %parallel_loop3A_2330 : vector<16xf32>
      %parallel_loop3A_2332 = vector.broadcast %parallel_loop3A_117 : f32 to vector<16xf32>
      %parallel_loop3A_2333 = arith.addf %parallel_loop3A_2331, %parallel_loop3A_2332 : vector<16xf32>
      %parallel_loop3A_2334 = tpu.bitcast %parallel_loop3A_2333 : vector<16xf32> -> vector<16xi32>
      %parallel_loop3A_2335 = arith.constant 23 : i32
      %parallel_loop3A_2336 = vector.broadcast %parallel_loop3A_2335 : i32 to vector<16xi32>
      %parallel_loop3A_2337 = arith.shrui %parallel_loop3A_2334, %parallel_loop3A_2336 : vector<16xi32>
      %parallel_loop3A_2338 = arith.constant 127 : i32
      %parallel_loop3A_2339 = vector.broadcast %parallel_loop3A_2338 : i32 to vector<16xi32>
      %parallel_loop3A_2340 = arith.subi %parallel_loop3A_2337, %parallel_loop3A_2339 : vector<16xi32>
      %parallel_loop3A_2341 = arith.constant 8388607 : i32
      %parallel_loop3A_2342 = vector.broadcast %parallel_loop3A_2341 : i32 to vector<16xi32>
      %parallel_loop3A_2343 = arith.andi %parallel_loop3A_2334, %parallel_loop3A_2342 : vector<16xi32>
      %parallel_loop3A_2344 = arith.constant 1065353216 : i32
      %parallel_loop3A_2345 = vector.broadcast %parallel_loop3A_2344 : i32 to vector<16xi32>
      %parallel_loop3A_2346 = arith.ori %parallel_loop3A_2343, %parallel_loop3A_2345 : vector<16xi32>
      %parallel_loop3A_2347 = tpu.bitcast %parallel_loop3A_2346 : vector<16xi32> -> vector<16xf32>
      %parallel_loop3A_2348 = arith.constant 1.41421354 : f32
      %parallel_loop3A_2349 = vector.broadcast %parallel_loop3A_2348 : f32 to vector<16xf32>
      %parallel_loop3A_2350 = arith.cmpf oge, %parallel_loop3A_2347, %parallel_loop3A_2349 : vector<16xf32>
      %parallel_loop3A_2351 = arith.constant 5.000000e-01 : f32
      %parallel_loop3A_2352 = vector.broadcast %parallel_loop3A_2351 : f32 to vector<16xf32>
      %parallel_loop3A_2353 = arith.mulf %parallel_loop3A_2347, %parallel_loop3A_2352 : vector<16xf32>
      %parallel_loop3A_2354 = arith.select %parallel_loop3A_2350, %parallel_loop3A_2353, %parallel_loop3A_2347 : vector<16xi1>, vector<16xf32>
      %parallel_loop3A_2355 = arith.constant 1 : i32
      %parallel_loop3A_2356 = vector.broadcast %parallel_loop3A_2355 : i32 to vector<16xi32>
      %parallel_loop3A_2357 = arith.addi %parallel_loop3A_2340, %parallel_loop3A_2356 : vector<16xi32>
      %parallel_loop3A_2358 = arith.select %parallel_loop3A_2350, %parallel_loop3A_2357, %parallel_loop3A_2340 : vector<16xi1>, vector<16xi32>
      %parallel_loop3A_2359 = arith.constant 1.000000e+00 : f32
      %parallel_loop3A_2360 = vector.broadcast %parallel_loop3A_2359 : f32 to vector<16xf32>
      %parallel_loop3A_2361 = arith.subf %parallel_loop3A_2354, %parallel_loop3A_2360 : vector<16xf32>
      %parallel_loop3A_2362 = arith.constant 0.120947205 : f32
      %parallel_loop3A_2363 = vector.broadcast %parallel_loop3A_2362 : f32 to vector<16xf32>
      %parallel_loop3A_2364 = arith.mulf %parallel_loop3A_2363, %parallel_loop3A_2361 : vector<16xf32>
      %parallel_loop3A_2365 = arith.constant -0.206254348 : f32
      %parallel_loop3A_2366 = vector.broadcast %parallel_loop3A_2365 : f32 to vector<16xf32>
      %parallel_loop3A_2367 = arith.addf %parallel_loop3A_2364, %parallel_loop3A_2366 : vector<16xf32>
      %parallel_loop3A_2368 = arith.mulf %parallel_loop3A_2367, %parallel_loop3A_2361 : vector<16xf32>
      %parallel_loop3A_2369 = arith.constant 0.217217103 : f32
      %parallel_loop3A_2370 = vector.broadcast %parallel_loop3A_2369 : f32 to vector<16xf32>
      %parallel_loop3A_2371 = arith.addf %parallel_loop3A_2368, %parallel_loop3A_2370 : vector<16xf32>
      %parallel_loop3A_2372 = arith.mulf %parallel_loop3A_2371, %parallel_loop3A_2361 : vector<16xf32>
      %parallel_loop3A_2373 = arith.constant -0.239137754 : f32
      %parallel_loop3A_2374 = vector.broadcast %parallel_loop3A_2373 : f32 to vector<16xf32>
      %parallel_loop3A_2375 = arith.addf %parallel_loop3A_2372, %parallel_loop3A_2374 : vector<16xf32>
      %parallel_loop3A_2376 = arith.mulf %parallel_loop3A_2375, %parallel_loop3A_2361 : vector<16xf32>
      %parallel_loop3A_2377 = arith.constant 0.287742406 : f32
      %parallel_loop3A_2378 = vector.broadcast %parallel_loop3A_2377 : f32 to vector<16xf32>
      %parallel_loop3A_2379 = arith.addf %parallel_loop3A_2376, %parallel_loop3A_2378 : vector<16xf32>
      %parallel_loop3A_2380 = arith.mulf %parallel_loop3A_2379, %parallel_loop3A_2361 : vector<16xf32>
      %parallel_loop3A_2381 = arith.constant -0.360691816 : f32
      %parallel_loop3A_2382 = vector.broadcast %parallel_loop3A_2381 : f32 to vector<16xf32>
      %parallel_loop3A_2383 = arith.addf %parallel_loop3A_2380, %parallel_loop3A_2382 : vector<16xf32>
      %parallel_loop3A_2384 = arith.mulf %parallel_loop3A_2383, %parallel_loop3A_2361 : vector<16xf32>
      %parallel_loop3A_2385 = arith.constant 0.480918497 : f32
      %parallel_loop3A_2386 = vector.broadcast %parallel_loop3A_2385 : f32 to vector<16xf32>
      %parallel_loop3A_2387 = arith.addf %parallel_loop3A_2384, %parallel_loop3A_2386 : vector<16xf32>
      %parallel_loop3A_2388 = arith.mulf %parallel_loop3A_2387, %parallel_loop3A_2361 : vector<16xf32>
      %parallel_loop3A_2389 = arith.constant -0.72134757 : f32
      %parallel_loop3A_2390 = vector.broadcast %parallel_loop3A_2389 : f32 to vector<16xf32>
      %parallel_loop3A_2391 = arith.addf %parallel_loop3A_2388, %parallel_loop3A_2390 : vector<16xf32>
      %parallel_loop3A_2392 = arith.mulf %parallel_loop3A_2391, %parallel_loop3A_2361 : vector<16xf32>
      %parallel_loop3A_2393 = arith.constant 1.4426949 : f32
      %parallel_loop3A_2394 = vector.broadcast %parallel_loop3A_2393 : f32 to vector<16xf32>
      %parallel_loop3A_2395 = arith.addf %parallel_loop3A_2392, %parallel_loop3A_2394 : vector<16xf32>
      %parallel_loop3A_2396 = arith.mulf %parallel_loop3A_2395, %parallel_loop3A_2361 : vector<16xf32>
      %parallel_loop3A_2397 = arith.constant 3.81468801E-10 : f32
      %parallel_loop3A_2398 = vector.broadcast %parallel_loop3A_2397 : f32 to vector<16xf32>
      %parallel_loop3A_2399 = arith.addf %parallel_loop3A_2396, %parallel_loop3A_2398 : vector<16xf32>
      %parallel_loop3A_2400 = arith.sitofp %parallel_loop3A_2358 : vector<16xi32> to vector<16xf32>
      %parallel_loop3A_2401 = arith.addf %parallel_loop3A_2400, %parallel_loop3A_2399 : vector<16xf32>
      %parallel_loop3A_2402 = arith.constant -0.693147182 : f32
      %parallel_loop3A_2403 = vector.broadcast %parallel_loop3A_2402 : f32 to vector<16xf32>
      %parallel_loop3A_2404 = arith.mulf %parallel_loop3A_2401, %parallel_loop3A_2403 : vector<16xf32>
      %parallel_loop3A_2405 = tpu.bitcast %parallel_loop3A_2404 : vector<16xf32> -> vector<16xi32>
      %parallel_loop3A_2406 = arith.constant 23 : i32
      %parallel_loop3A_2407 = vector.broadcast %parallel_loop3A_2406 : i32 to vector<16xi32>
      %parallel_loop3A_2408 = arith.shrui %parallel_loop3A_2405, %parallel_loop3A_2407 : vector<16xi32>
      %parallel_loop3A_2409 = arith.constant 127 : i32
      %parallel_loop3A_2410 = vector.broadcast %parallel_loop3A_2409 : i32 to vector<16xi32>
      %parallel_loop3A_2411 = arith.subi %parallel_loop3A_2408, %parallel_loop3A_2410 : vector<16xi32>
      %parallel_loop3A_2412 = arith.constant 8388607 : i32
      %parallel_loop3A_2413 = vector.broadcast %parallel_loop3A_2412 : i32 to vector<16xi32>
      %parallel_loop3A_2414 = arith.andi %parallel_loop3A_2405, %parallel_loop3A_2413 : vector<16xi32>
      %parallel_loop3A_2415 = arith.constant 1065353216 : i32
      %parallel_loop3A_2416 = vector.broadcast %parallel_loop3A_2415 : i32 to vector<16xi32>
      %parallel_loop3A_2417 = arith.ori %parallel_loop3A_2414, %parallel_loop3A_2416 : vector<16xi32>
      %parallel_loop3A_2418 = tpu.bitcast %parallel_loop3A_2417 : vector<16xi32> -> vector<16xf32>
      %parallel_loop3A_2419 = arith.constant 1.41421354 : f32
      %parallel_loop3A_2420 = vector.broadcast %parallel_loop3A_2419 : f32 to vector<16xf32>
      %parallel_loop3A_2421 = arith.cmpf oge, %parallel_loop3A_2418, %parallel_loop3A_2420 : vector<16xf32>
      %parallel_loop3A_2422 = arith.constant 5.000000e-01 : f32
      %parallel_loop3A_2423 = vector.broadcast %parallel_loop3A_2422 : f32 to vector<16xf32>
      %parallel_loop3A_2424 = arith.mulf %parallel_loop3A_2418, %parallel_loop3A_2423 : vector<16xf32>
      %parallel_loop3A_2425 = arith.select %parallel_loop3A_2421, %parallel_loop3A_2424, %parallel_loop3A_2418 : vector<16xi1>, vector<16xf32>
      %parallel_loop3A_2426 = arith.constant 1 : i32
      %parallel_loop3A_2427 = vector.broadcast %parallel_loop3A_2426 : i32 to vector<16xi32>
      %parallel_loop3A_2428 = arith.addi %parallel_loop3A_2411, %parallel_loop3A_2427 : vector<16xi32>
      %parallel_loop3A_2429 = arith.select %parallel_loop3A_2421, %parallel_loop3A_2428, %parallel_loop3A_2411 : vector<16xi1>, vector<16xi32>
      %parallel_loop3A_2430 = arith.constant 1.000000e+00 : f32
      %parallel_loop3A_2431 = vector.broadcast %parallel_loop3A_2430 : f32 to vector<16xf32>
      %parallel_loop3A_2432 = arith.subf %parallel_loop3A_2425, %parallel_loop3A_2431 : vector<16xf32>
      %parallel_loop3A_2433 = arith.constant 0.120947205 : f32
      %parallel_loop3A_2434 = vector.broadcast %parallel_loop3A_2433 : f32 to vector<16xf32>
      %parallel_loop3A_2435 = arith.mulf %parallel_loop3A_2434, %parallel_loop3A_2432 : vector<16xf32>
      %parallel_loop3A_2436 = arith.constant -0.206254348 : f32
      %parallel_loop3A_2437 = vector.broadcast %parallel_loop3A_2436 : f32 to vector<16xf32>
      %parallel_loop3A_2438 = arith.addf %parallel_loop3A_2435, %parallel_loop3A_2437 : vector<16xf32>
      %parallel_loop3A_2439 = arith.mulf %parallel_loop3A_2438, %parallel_loop3A_2432 : vector<16xf32>
      %parallel_loop3A_2440 = arith.constant 0.217217103 : f32
      %parallel_loop3A_2441 = vector.broadcast %parallel_loop3A_2440 : f32 to vector<16xf32>
      %parallel_loop3A_2442 = arith.addf %parallel_loop3A_2439, %parallel_loop3A_2441 : vector<16xf32>
      %parallel_loop3A_2443 = arith.mulf %parallel_loop3A_2442, %parallel_loop3A_2432 : vector<16xf32>
      %parallel_loop3A_2444 = arith.constant -0.239137754 : f32
      %parallel_loop3A_2445 = vector.broadcast %parallel_loop3A_2444 : f32 to vector<16xf32>
      %parallel_loop3A_2446 = arith.addf %parallel_loop3A_2443, %parallel_loop3A_2445 : vector<16xf32>
      %parallel_loop3A_2447 = arith.mulf %parallel_loop3A_2446, %parallel_loop3A_2432 : vector<16xf32>
      %parallel_loop3A_2448 = arith.constant 0.287742406 : f32
      %parallel_loop3A_2449 = vector.broadcast %parallel_loop3A_2448 : f32 to vector<16xf32>
      %parallel_loop3A_2450 = arith.addf %parallel_loop3A_2447, %parallel_loop3A_2449 : vector<16xf32>
      %parallel_loop3A_2451 = arith.mulf %parallel_loop3A_2450, %parallel_loop3A_2432 : vector<16xf32>
      %parallel_loop3A_2452 = arith.constant -0.360691816 : f32
      %parallel_loop3A_2453 = vector.broadcast %parallel_loop3A_2452 : f32 to vector<16xf32>
      %parallel_loop3A_2454 = arith.addf %parallel_loop3A_2451, %parallel_loop3A_2453 : vector<16xf32>
      %parallel_loop3A_2455 = arith.mulf %parallel_loop3A_2454, %parallel_loop3A_2432 : vector<16xf32>
      %parallel_loop3A_2456 = arith.constant 0.480918497 : f32
      %parallel_loop3A_2457 = vector.broadcast %parallel_loop3A_2456 : f32 to vector<16xf32>
      %parallel_loop3A_2458 = arith.addf %parallel_loop3A_2455, %parallel_loop3A_2457 : vector<16xf32>
      %parallel_loop3A_2459 = arith.mulf %parallel_loop3A_2458, %parallel_loop3A_2432 : vector<16xf32>
      %parallel_loop3A_2460 = arith.constant -0.72134757 : f32
      %parallel_loop3A_2461 = vector.broadcast %parallel_loop3A_2460 : f32 to vector<16xf32>
      %parallel_loop3A_2462 = arith.addf %parallel_loop3A_2459, %parallel_loop3A_2461 : vector<16xf32>
      %parallel_loop3A_2463 = arith.mulf %parallel_loop3A_2462, %parallel_loop3A_2432 : vector<16xf32>
      %parallel_loop3A_2464 = arith.constant 1.4426949 : f32
      %parallel_loop3A_2465 = vector.broadcast %parallel_loop3A_2464 : f32 to vector<16xf32>
      %parallel_loop3A_2466 = arith.addf %parallel_loop3A_2463, %parallel_loop3A_2465 : vector<16xf32>
      %parallel_loop3A_2467 = arith.mulf %parallel_loop3A_2466, %parallel_loop3A_2432 : vector<16xf32>
      %parallel_loop3A_2468 = arith.constant 3.81468801E-10 : f32
      %parallel_loop3A_2469 = vector.broadcast %parallel_loop3A_2468 : f32 to vector<16xf32>
      %parallel_loop3A_2470 = arith.addf %parallel_loop3A_2467, %parallel_loop3A_2469 : vector<16xf32>
      %parallel_loop3A_2471 = arith.sitofp %parallel_loop3A_2429 : vector<16xi32> to vector<16xf32>
      %parallel_loop3A_2472 = arith.addf %parallel_loop3A_2471, %parallel_loop3A_2470 : vector<16xf32>
      %parallel_loop3A_2473 = arith.constant -0.693147182 : f32
      %parallel_loop3A_2474 = vector.broadcast %parallel_loop3A_2473 : f32 to vector<16xf32>
      %parallel_loop3A_2475 = arith.mulf %parallel_loop3A_2472, %parallel_loop3A_2474 : vector<16xf32>
      %parallel_loop3A_2476 = arith.index_cast %parallel_loop3A_182 : i32 to index
      %parallel_loop3A_2477 = arith.constant 80 : index
      %parallel_loop3A_2478 = tpu.vector_load %arg5[%parallel_loop3A_2476, %parallel_loop3A_2477] {strides = array<i32>} : memref<640x128xf32, #tpu.memory_space<vmem>>, vector<1x16xf32>,
      %parallel_loop3A_2479 = vector.shape_cast %parallel_loop3A_2478 : vector<1x16xf32> to vector<16xf32>
      %parallel_loop3A_2480 = arith.addf %parallel_loop3A_2479, %parallel_loop3A_2475 : vector<16xf32>
      %parallel_loop3A_2481 = arith.cmpf ogt, %parallel_loop3A_2480, %parallel_loop3A_188 : vector<16xf32>
      %parallel_loop3A_2482 = arith.select %parallel_loop3A_2481, %parallel_loop3A_2480, %parallel_loop3A_188 : vector<16xi1>, vector<16xf32>
      %parallel_loop3A_2483 = arith.constant 0 : i32
      %parallel_loop3A_2484 = vector.broadcast %parallel_loop3A_2483 : i32 to vector<16xi32>
      %parallel_loop3A_2485 = vector.broadcast %parallel_loop3A_199 : i32 to vector<16xi32>
      %parallel_loop3A_2486 = arith.addi %parallel_loop3A_2484, %parallel_loop3A_2485 : vector<16xi32>
      %parallel_loop3A_2487 = arith.select %parallel_loop3A_2481, %parallel_loop3A_2486, %parallel_loop3A_196 : vector<16xi1>, vector<16xi32>
      %parallel_loop3A_2488 = vector.broadcast %parallel_loop3A_201 : i32 to vector<16xi32>
      %parallel_loop3A_2489 = arith.addi %mul3A_107, %parallel_loop3A_2488 : vector<16xi32>
      %parallel_loop3A_2490 = arith.constant 928981903 : i32
      %parallel_loop3A_2491 = vector.broadcast %parallel_loop3A_2490 : i32 to vector<16xi32>
      %parallel_loop3A_2492 = arith.addi %parallel_loop3A_2489, %parallel_loop3A_2491 : vector<16xi32>
      %parallel_loop3A_2493 = arith.constant 13 : i32
      %parallel_loop3A_2494 = vector.broadcast %parallel_loop3A_2493 : i32 to vector<16xi32>
      %parallel_loop3A_2495 = arith.shli %parallel_loop3A_2489, %parallel_loop3A_2494 : vector<16xi32>
      %parallel_loop3A_2496 = arith.constant 19 : i32
      %parallel_loop3A_2497 = vector.broadcast %parallel_loop3A_2496 : i32 to vector<16xi32>
      %parallel_loop3A_2498 = arith.shrui %parallel_loop3A_2489, %parallel_loop3A_2497 : vector<16xi32>
      %parallel_loop3A_2499 = arith.ori %parallel_loop3A_2495, %parallel_loop3A_2498 : vector<16xi32>
      %parallel_loop3A_2500 = arith.xori %parallel_loop3A_2499, %parallel_loop3A_2492 : vector<16xi32>
      %parallel_loop3A_2501 = arith.addi %parallel_loop3A_2492, %parallel_loop3A_2500 : vector<16xi32>
      %parallel_loop3A_2502 = arith.constant 15 : i32
      %parallel_loop3A_2503 = vector.broadcast %parallel_loop3A_2502 : i32 to vector<16xi32>
      %parallel_loop3A_2504 = arith.shli %parallel_loop3A_2500, %parallel_loop3A_2503 : vector<16xi32>
      %parallel_loop3A_2505 = arith.constant 17 : i32
      %parallel_loop3A_2506 = vector.broadcast %parallel_loop3A_2505 : i32 to vector<16xi32>
      %parallel_loop3A_2507 = arith.shrui %parallel_loop3A_2500, %parallel_loop3A_2506 : vector<16xi32>
      %parallel_loop3A_2508 = arith.ori %parallel_loop3A_2504, %parallel_loop3A_2507 : vector<16xi32>
      %parallel_loop3A_2509 = arith.xori %parallel_loop3A_2508, %parallel_loop3A_2501 : vector<16xi32>
      %parallel_loop3A_2510 = arith.addi %parallel_loop3A_2501, %parallel_loop3A_2509 : vector<16xi32>
      %parallel_loop3A_2511 = arith.constant 26 : i32
      %parallel_loop3A_2512 = vector.broadcast %parallel_loop3A_2511 : i32 to vector<16xi32>
      %parallel_loop3A_2513 = arith.shli %parallel_loop3A_2509, %parallel_loop3A_2512 : vector<16xi32>
      %parallel_loop3A_2514 = arith.constant 6 : i32
      %parallel_loop3A_2515 = vector.broadcast %parallel_loop3A_2514 : i32 to vector<16xi32>
      %parallel_loop3A_2516 = arith.shrui %parallel_loop3A_2509, %parallel_loop3A_2515 : vector<16xi32>
      %parallel_loop3A_2517 = arith.ori %parallel_loop3A_2513, %parallel_loop3A_2516 : vector<16xi32>
      %parallel_loop3A_2518 = arith.xori %parallel_loop3A_2517, %parallel_loop3A_2510 : vector<16xi32>
      %parallel_loop3A_2519 = arith.addi %parallel_loop3A_2510, %parallel_loop3A_2518 : vector<16xi32>
      %parallel_loop3A_2520 = arith.constant 6 : i32
      %parallel_loop3A_2521 = vector.broadcast %parallel_loop3A_2520 : i32 to vector<16xi32>
      %parallel_loop3A_2522 = arith.shli %parallel_loop3A_2518, %parallel_loop3A_2521 : vector<16xi32>
      %parallel_loop3A_2523 = arith.constant 26 : i32
      %parallel_loop3A_2524 = vector.broadcast %parallel_loop3A_2523 : i32 to vector<16xi32>
      %parallel_loop3A_2525 = arith.shrui %parallel_loop3A_2518, %parallel_loop3A_2524 : vector<16xi32>
      %parallel_loop3A_2526 = arith.ori %parallel_loop3A_2522, %parallel_loop3A_2525 : vector<16xi32>
      %parallel_loop3A_2527 = arith.xori %parallel_loop3A_2526, %parallel_loop3A_2519 : vector<16xi32>
      %parallel_loop3A_2528 = arith.constant -841280227 : i32
      %parallel_loop3A_2529 = vector.broadcast %parallel_loop3A_2528 : i32 to vector<16xi32>
      %parallel_loop3A_2530 = arith.addi %parallel_loop3A_2519, %parallel_loop3A_2529 : vector<16xi32>
      %parallel_loop3A_2531 = arith.constant -514511543 : i32
      %parallel_loop3A_2532 = vector.broadcast %parallel_loop3A_2531 : i32 to vector<16xi32>
      %parallel_loop3A_2533 = arith.addi %parallel_loop3A_2527, %parallel_loop3A_2532 : vector<16xi32>
      %parallel_loop3A_2534 = arith.addi %parallel_loop3A_2530, %parallel_loop3A_2533 : vector<16xi32>
      %parallel_loop3A_2535 = arith.constant 17 : i32
      %parallel_loop3A_2536 = vector.broadcast %parallel_loop3A_2535 : i32 to vector<16xi32>
      %parallel_loop3A_2537 = arith.shli %parallel_loop3A_2533, %parallel_loop3A_2536 : vector<16xi32>
      %parallel_loop3A_2538 = arith.constant 15 : i32
      %parallel_loop3A_2539 = vector.broadcast %parallel_loop3A_2538 : i32 to vector<16xi32>
      %parallel_loop3A_2540 = arith.shrui %parallel_loop3A_2533, %parallel_loop3A_2539 : vector<16xi32>
      %parallel_loop3A_2541 = arith.ori %parallel_loop3A_2537, %parallel_loop3A_2540 : vector<16xi32>
      %parallel_loop3A_2542 = arith.xori %parallel_loop3A_2541, %parallel_loop3A_2534 : vector<16xi32>
      %parallel_loop3A_2543 = arith.addi %parallel_loop3A_2534, %parallel_loop3A_2542 : vector<16xi32>
      %parallel_loop3A_2544 = arith.constant 29 : i32
      %parallel_loop3A_2545 = vector.broadcast %parallel_loop3A_2544 : i32 to vector<16xi32>
      %parallel_loop3A_2546 = arith.shli %parallel_loop3A_2542, %parallel_loop3A_2545 : vector<16xi32>
      %parallel_loop3A_2547 = arith.constant 3 : i32
      %parallel_loop3A_2548 = vector.broadcast %parallel_loop3A_2547 : i32 to vector<16xi32>
      %parallel_loop3A_2549 = arith.shrui %parallel_loop3A_2542, %parallel_loop3A_2548 : vector<16xi32>
      %parallel_loop3A_2550 = arith.ori %parallel_loop3A_2546, %parallel_loop3A_2549 : vector<16xi32>
      %parallel_loop3A_2551 = arith.xori %parallel_loop3A_2550, %parallel_loop3A_2543 : vector<16xi32>
      %parallel_loop3A_2552 = arith.addi %parallel_loop3A_2543, %parallel_loop3A_2551 : vector<16xi32>
      %parallel_loop3A_2553 = arith.constant 16 : i32
      %parallel_loop3A_2554 = vector.broadcast %parallel_loop3A_2553 : i32 to vector<16xi32>
      %parallel_loop3A_2555 = arith.shli %parallel_loop3A_2551, %parallel_loop3A_2554 : vector<16xi32>
      %parallel_loop3A_2556 = arith.constant 16 : i32
      %parallel_loop3A_2557 = vector.broadcast %parallel_loop3A_2556 : i32 to vector<16xi32>
      %parallel_loop3A_2558 = arith.shrui %parallel_loop3A_2551, %parallel_loop3A_2557 : vector<16xi32>
      %parallel_loop3A_2559 = arith.ori %parallel_loop3A_2555, %parallel_loop3A_2558 : vector<16xi32>
      %parallel_loop3A_2560 = arith.xori %parallel_loop3A_2559, %parallel_loop3A_2552 : vector<16xi32>
      %parallel_loop3A_2561 = arith.addi %parallel_loop3A_2552, %parallel_loop3A_2560 : vector<16xi32>
      %parallel_loop3A_2562 = arith.constant 24 : i32
      %parallel_loop3A_2563 = vector.broadcast %parallel_loop3A_2562 : i32 to vector<16xi32>
      %parallel_loop3A_2564 = arith.shli %parallel_loop3A_2560, %parallel_loop3A_2563 : vector<16xi32>
      %parallel_loop3A_2565 = arith.constant 8 : i32
      %parallel_loop3A_2566 = vector.broadcast %parallel_loop3A_2565 : i32 to vector<16xi32>
      %parallel_loop3A_2567 = arith.shrui %parallel_loop3A_2560, %parallel_loop3A_2566 : vector<16xi32>
      %parallel_loop3A_2568 = arith.ori %parallel_loop3A_2564, %parallel_loop3A_2567 : vector<16xi32>
      %parallel_loop3A_2569 = arith.xori %parallel_loop3A_2568, %parallel_loop3A_2561 : vector<16xi32>
      %parallel_loop3A_2570 = arith.constant -514511544 : i32
      %parallel_loop3A_2571 = vector.broadcast %parallel_loop3A_2570 : i32 to vector<16xi32>
      %parallel_loop3A_2572 = arith.addi %parallel_loop3A_2561, %parallel_loop3A_2571 : vector<16xi32>
      %parallel_loop3A_2573 = arith.constant 928981905 : i32
      %parallel_loop3A_2574 = vector.broadcast %parallel_loop3A_2573 : i32 to vector<16xi32>
      %parallel_loop3A_2575 = arith.addi %parallel_loop3A_2569, %parallel_loop3A_2574 : vector<16xi32>
      %parallel_loop3A_2576 = arith.addi %parallel_loop3A_2572, %parallel_loop3A_2575 : vector<16xi32>
      %parallel_loop3A_2577 = arith.constant 13 : i32
      %parallel_loop3A_2578 = vector.broadcast %parallel_loop3A_2577 : i32 to vector<16xi32>
      %parallel_loop3A_2579 = arith.shli %parallel_loop3A_2575, %parallel_loop3A_2578 : vector<16xi32>
      %parallel_loop3A_2580 = arith.constant 19 : i32
      %parallel_loop3A_2581 = vector.broadcast %parallel_loop3A_2580 : i32 to vector<16xi32>
      %parallel_loop3A_2582 = arith.shrui %parallel_loop3A_2575, %parallel_loop3A_2581 : vector<16xi32>
      %parallel_loop3A_2583 = arith.ori %parallel_loop3A_2579, %parallel_loop3A_2582 : vector<16xi32>
      %parallel_loop3A_2584 = arith.xori %parallel_loop3A_2583, %parallel_loop3A_2576 : vector<16xi32>
      %parallel_loop3A_2585 = arith.addi %parallel_loop3A_2576, %parallel_loop3A_2584 : vector<16xi32>
      %parallel_loop3A_2586 = arith.constant 15 : i32
      %parallel_loop3A_2587 = vector.broadcast %parallel_loop3A_2586 : i32 to vector<16xi32>
      %parallel_loop3A_2588 = arith.shli %parallel_loop3A_2584, %parallel_loop3A_2587 : vector<16xi32>
      %parallel_loop3A_2589 = arith.constant 17 : i32
      %parallel_loop3A_2590 = vector.broadcast %parallel_loop3A_2589 : i32 to vector<16xi32>
      %parallel_loop3A_2591 = arith.shrui %parallel_loop3A_2584, %parallel_loop3A_2590 : vector<16xi32>
      %parallel_loop3A_2592 = arith.ori %parallel_loop3A_2588, %parallel_loop3A_2591 : vector<16xi32>
      %parallel_loop3A_2593 = arith.xori %parallel_loop3A_2592, %parallel_loop3A_2585 : vector<16xi32>
      %parallel_loop3A_2594 = arith.addi %parallel_loop3A_2585, %parallel_loop3A_2593 : vector<16xi32>
      %parallel_loop3A_2595 = arith.constant 26 : i32
      %parallel_loop3A_2596 = vector.broadcast %parallel_loop3A_2595 : i32 to vector<16xi32>
      %parallel_loop3A_2597 = arith.shli %parallel_loop3A_2593, %parallel_loop3A_2596 : vector<16xi32>
      %parallel_loop3A_2598 = arith.constant 6 : i32
      %parallel_loop3A_2599 = vector.broadcast %parallel_loop3A_2598 : i32 to vector<16xi32>
      %parallel_loop3A_2600 = arith.shrui %parallel_loop3A_2593, %parallel_loop3A_2599 : vector<16xi32>
      %parallel_loop3A_2601 = arith.ori %parallel_loop3A_2597, %parallel_loop3A_2600 : vector<16xi32>
      %parallel_loop3A_2602 = arith.xori %parallel_loop3A_2601, %parallel_loop3A_2594 : vector<16xi32>
      %parallel_loop3A_2603 = arith.addi %parallel_loop3A_2594, %parallel_loop3A_2602 : vector<16xi32>
      %parallel_loop3A_2604 = arith.constant 6 : i32
      %parallel_loop3A_2605 = vector.broadcast %parallel_loop3A_2604 : i32 to vector<16xi32>
      %parallel_loop3A_2606 = arith.shli %parallel_loop3A_2602, %parallel_loop3A_2605 : vector<16xi32>
      %parallel_loop3A_2607 = arith.constant 26 : i32
      %parallel_loop3A_2608 = vector.broadcast %parallel_loop3A_2607 : i32 to vector<16xi32>
      %parallel_loop3A_2609 = arith.shrui %parallel_loop3A_2602, %parallel_loop3A_2608 : vector<16xi32>
      %parallel_loop3A_2610 = arith.ori %parallel_loop3A_2606, %parallel_loop3A_2609 : vector<16xi32>
      %parallel_loop3A_2611 = arith.xori %parallel_loop3A_2610, %parallel_loop3A_2603 : vector<16xi32>
      %parallel_loop3A_2612 = arith.constant 928981903 : i32
      %parallel_loop3A_2613 = vector.broadcast %parallel_loop3A_2612 : i32 to vector<16xi32>
      %parallel_loop3A_2614 = arith.addi %parallel_loop3A_2603, %parallel_loop3A_2613 : vector<16xi32>
      %parallel_loop3A_2615 = arith.constant -841280224 : i32
      %parallel_loop3A_2616 = vector.broadcast %parallel_loop3A_2615 : i32 to vector<16xi32>
      %parallel_loop3A_2617 = arith.addi %parallel_loop3A_2611, %parallel_loop3A_2616 : vector<16xi32>
      %parallel_loop3A_2618 = arith.addi %parallel_loop3A_2614, %parallel_loop3A_2617 : vector<16xi32>
      %parallel_loop3A_2619 = arith.constant 17 : i32
      %parallel_loop3A_2620 = vector.broadcast %parallel_loop3A_2619 : i32 to vector<16xi32>
      %parallel_loop3A_2621 = arith.shli %parallel_loop3A_2617, %parallel_loop3A_2620 : vector<16xi32>
      %parallel_loop3A_2622 = arith.constant 15 : i32
      %parallel_loop3A_2623 = vector.broadcast %parallel_loop3A_2622 : i32 to vector<16xi32>
      %parallel_loop3A_2624 = arith.shrui %parallel_loop3A_2617, %parallel_loop3A_2623 : vector<16xi32>
      %parallel_loop3A_2625 = arith.ori %parallel_loop3A_2621, %parallel_loop3A_2624 : vector<16xi32>
      %parallel_loop3A_2626 = arith.xori %parallel_loop3A_2625, %parallel_loop3A_2618 : vector<16xi32>
      %parallel_loop3A_2627 = arith.addi %parallel_loop3A_2618, %parallel_loop3A_2626 : vector<16xi32>
      %parallel_loop3A_2628 = arith.constant 29 : i32
      %parallel_loop3A_2629 = vector.broadcast %parallel_loop3A_2628 : i32 to vector<16xi32>
      %parallel_loop3A_2630 = arith.shli %parallel_loop3A_2626, %parallel_loop3A_2629 : vector<16xi32>
      %parallel_loop3A_2631 = arith.constant 3 : i32
      %parallel_loop3A_2632 = vector.broadcast %parallel_loop3A_2631 : i32 to vector<16xi32>
      %parallel_loop3A_2633 = arith.shrui %parallel_loop3A_2626, %parallel_loop3A_2632 : vector<16xi32>
      %parallel_loop3A_2634 = arith.ori %parallel_loop3A_2630, %parallel_loop3A_2633 : vector<16xi32>
      %parallel_loop3A_2635 = arith.xori %parallel_loop3A_2634, %parallel_loop3A_2627 : vector<16xi32>
      %parallel_loop3A_2636 = arith.addi %parallel_loop3A_2627, %parallel_loop3A_2635 : vector<16xi32>
      %parallel_loop3A_2637 = arith.constant 16 : i32
      %parallel_loop3A_2638 = vector.broadcast %parallel_loop3A_2637 : i32 to vector<16xi32>
      %parallel_loop3A_2639 = arith.shli %parallel_loop3A_2635, %parallel_loop3A_2638 : vector<16xi32>
      %parallel_loop3A_2640 = arith.constant 16 : i32
      %parallel_loop3A_2641 = vector.broadcast %parallel_loop3A_2640 : i32 to vector<16xi32>
      %parallel_loop3A_2642 = arith.shrui %parallel_loop3A_2635, %parallel_loop3A_2641 : vector<16xi32>
      %parallel_loop3A_2643 = arith.ori %parallel_loop3A_2639, %parallel_loop3A_2642 : vector<16xi32>
      %parallel_loop3A_2644 = arith.xori %parallel_loop3A_2643, %parallel_loop3A_2636 : vector<16xi32>
      %parallel_loop3A_2645 = arith.addi %parallel_loop3A_2636, %parallel_loop3A_2644 : vector<16xi32>
      %parallel_loop3A_2646 = arith.constant 24 : i32
      %parallel_loop3A_2647 = vector.broadcast %parallel_loop3A_2646 : i32 to vector<16xi32>
      %parallel_loop3A_2648 = arith.shli %parallel_loop3A_2644, %parallel_loop3A_2647 : vector<16xi32>
      %parallel_loop3A_2649 = arith.constant 8 : i32
      %parallel_loop3A_2650 = vector.broadcast %parallel_loop3A_2649 : i32 to vector<16xi32>
      %parallel_loop3A_2651 = arith.shrui %parallel_loop3A_2644, %parallel_loop3A_2650 : vector<16xi32>
      %parallel_loop3A_2652 = arith.ori %parallel_loop3A_2648, %parallel_loop3A_2651 : vector<16xi32>
      %parallel_loop3A_2653 = arith.xori %parallel_loop3A_2652, %parallel_loop3A_2645 : vector<16xi32>
      %parallel_loop3A_2654 = arith.constant -841280227 : i32
      %parallel_loop3A_2655 = vector.broadcast %parallel_loop3A_2654 : i32 to vector<16xi32>
      %parallel_loop3A_2656 = arith.addi %parallel_loop3A_2645, %parallel_loop3A_2655 : vector<16xi32>
      %parallel_loop3A_2657 = arith.constant -514511540 : i32
      %parallel_loop3A_2658 = vector.broadcast %parallel_loop3A_2657 : i32 to vector<16xi32>
      %parallel_loop3A_2659 = arith.addi %parallel_loop3A_2653, %parallel_loop3A_2658 : vector<16xi32>
      %parallel_loop3A_2660 = arith.addi %parallel_loop3A_2656, %parallel_loop3A_2659 : vector<16xi32>
      %parallel_loop3A_2661 = arith.constant 13 : i32
      %parallel_loop3A_2662 = vector.broadcast %parallel_loop3A_2661 : i32 to vector<16xi32>
      %parallel_loop3A_2663 = arith.shli %parallel_loop3A_2659, %parallel_loop3A_2662 : vector<16xi32>
      %parallel_loop3A_2664 = arith.constant 19 : i32
      %parallel_loop3A_2665 = vector.broadcast %parallel_loop3A_2664 : i32 to vector<16xi32>
      %parallel_loop3A_2666 = arith.shrui %parallel_loop3A_2659, %parallel_loop3A_2665 : vector<16xi32>
      %parallel_loop3A_2667 = arith.ori %parallel_loop3A_2663, %parallel_loop3A_2666 : vector<16xi32>
      %parallel_loop3A_2668 = arith.xori %parallel_loop3A_2667, %parallel_loop3A_2660 : vector<16xi32>
      %parallel_loop3A_2669 = arith.addi %parallel_loop3A_2660, %parallel_loop3A_2668 : vector<16xi32>
      %parallel_loop3A_2670 = arith.constant 15 : i32
      %parallel_loop3A_2671 = vector.broadcast %parallel_loop3A_2670 : i32 to vector<16xi32>
      %parallel_loop3A_2672 = arith.shli %parallel_loop3A_2668, %parallel_loop3A_2671 : vector<16xi32>
      %parallel_loop3A_2673 = arith.constant 17 : i32
      %parallel_loop3A_2674 = vector.broadcast %parallel_loop3A_2673 : i32 to vector<16xi32>
      %parallel_loop3A_2675 = arith.shrui %parallel_loop3A_2668, %parallel_loop3A_2674 : vector<16xi32>
      %parallel_loop3A_2676 = arith.ori %parallel_loop3A_2672, %parallel_loop3A_2675 : vector<16xi32>
      %parallel_loop3A_2677 = arith.xori %parallel_loop3A_2676, %parallel_loop3A_2669 : vector<16xi32>
      %parallel_loop3A_2678 = arith.addi %parallel_loop3A_2669, %parallel_loop3A_2677 : vector<16xi32>
      %parallel_loop3A_2679 = arith.constant 26 : i32
      %parallel_loop3A_2680 = vector.broadcast %parallel_loop3A_2679 : i32 to vector<16xi32>
      %parallel_loop3A_2681 = arith.shli %parallel_loop3A_2677, %parallel_loop3A_2680 : vector<16xi32>
      %parallel_loop3A_2682 = arith.constant 6 : i32
      %parallel_loop3A_2683 = vector.broadcast %parallel_loop3A_2682 : i32 to vector<16xi32>
      %parallel_loop3A_2684 = arith.shrui %parallel_loop3A_2677, %parallel_loop3A_2683 : vector<16xi32>
      %parallel_loop3A_2685 = arith.ori %parallel_loop3A_2681, %parallel_loop3A_2684 : vector<16xi32>
      %parallel_loop3A_2686 = arith.xori %parallel_loop3A_2685, %parallel_loop3A_2678 : vector<16xi32>
      %parallel_loop3A_2687 = arith.addi %parallel_loop3A_2678, %parallel_loop3A_2686 : vector<16xi32>
      %parallel_loop3A_2688 = arith.constant 6 : i32
      %parallel_loop3A_2689 = vector.broadcast %parallel_loop3A_2688 : i32 to vector<16xi32>
      %parallel_loop3A_2690 = arith.shli %parallel_loop3A_2686, %parallel_loop3A_2689 : vector<16xi32>
      %parallel_loop3A_2691 = arith.constant 26 : i32
      %parallel_loop3A_2692 = vector.broadcast %parallel_loop3A_2691 : i32 to vector<16xi32>
      %parallel_loop3A_2693 = arith.shrui %parallel_loop3A_2686, %parallel_loop3A_2692 : vector<16xi32>
      %parallel_loop3A_2694 = arith.ori %parallel_loop3A_2690, %parallel_loop3A_2693 : vector<16xi32>
      %parallel_loop3A_2695 = arith.xori %parallel_loop3A_2694, %parallel_loop3A_2687 : vector<16xi32>
      %parallel_loop3A_2696 = arith.constant -514511544 : i32
      %parallel_loop3A_2697 = vector.broadcast %parallel_loop3A_2696 : i32 to vector<16xi32>
      %parallel_loop3A_2698 = arith.addi %parallel_loop3A_2687, %parallel_loop3A_2697 : vector<16xi32>
      %parallel_loop3A_2699 = arith.constant 928981908 : i32
      %parallel_loop3A_2700 = vector.broadcast %parallel_loop3A_2699 : i32 to vector<16xi32>
      %parallel_loop3A_2701 = arith.addi %parallel_loop3A_2695, %parallel_loop3A_2700 : vector<16xi32>
      %parallel_loop3A_2702 = arith.xori %parallel_loop3A_2698, %parallel_loop3A_2701 : vector<16xi32>
      %parallel_loop3A_2703 = arith.constant 9 : i32
      %parallel_loop3A_2704 = vector.broadcast %parallel_loop3A_2703 : i32 to vector<16xi32>
      %parallel_loop3A_2705 = arith.shrui %parallel_loop3A_2702, %parallel_loop3A_2704 : vector<16xi32>
      %parallel_loop3A_2706 = arith.constant 1065353216 : i32
      %parallel_loop3A_2707 = vector.broadcast %parallel_loop3A_2706 : i32 to vector<16xi32>
      %parallel_loop3A_2708 = arith.ori %parallel_loop3A_2705, %parallel_loop3A_2707 : vector<16xi32>
      %parallel_loop3A_2709 = tpu.bitcast %parallel_loop3A_2708 : vector<16xi32> -> vector<16xf32>
      %parallel_loop3A_2710 = arith.constant 1.000000e+00 : f32
      %parallel_loop3A_2711 = vector.broadcast %parallel_loop3A_2710 : f32 to vector<16xf32>
      %parallel_loop3A_2712 = arith.subf %parallel_loop3A_2709, %parallel_loop3A_2711 : vector<16xf32>
      %parallel_loop3A_2713 = vector.broadcast %parallel_loop3A_117 : f32 to vector<16xf32>
      %parallel_loop3A_2714 = arith.addf %parallel_loop3A_2712, %parallel_loop3A_2713 : vector<16xf32>
      %parallel_loop3A_2715 = tpu.bitcast %parallel_loop3A_2714 : vector<16xf32> -> vector<16xi32>
      %parallel_loop3A_2716 = arith.constant 23 : i32
      %parallel_loop3A_2717 = vector.broadcast %parallel_loop3A_2716 : i32 to vector<16xi32>
      %parallel_loop3A_2718 = arith.shrui %parallel_loop3A_2715, %parallel_loop3A_2717 : vector<16xi32>
      %parallel_loop3A_2719 = arith.constant 127 : i32
      %parallel_loop3A_2720 = vector.broadcast %parallel_loop3A_2719 : i32 to vector<16xi32>
      %parallel_loop3A_2721 = arith.subi %parallel_loop3A_2718, %parallel_loop3A_2720 : vector<16xi32>
      %parallel_loop3A_2722 = arith.constant 8388607 : i32
      %parallel_loop3A_2723 = vector.broadcast %parallel_loop3A_2722 : i32 to vector<16xi32>
      %parallel_loop3A_2724 = arith.andi %parallel_loop3A_2715, %parallel_loop3A_2723 : vector<16xi32>
      %parallel_loop3A_2725 = arith.constant 1065353216 : i32
      %parallel_loop3A_2726 = vector.broadcast %parallel_loop3A_2725 : i32 to vector<16xi32>
      %parallel_loop3A_2727 = arith.ori %parallel_loop3A_2724, %parallel_loop3A_2726 : vector<16xi32>
      %parallel_loop3A_2728 = tpu.bitcast %parallel_loop3A_2727 : vector<16xi32> -> vector<16xf32>
      %parallel_loop3A_2729 = arith.constant 1.41421354 : f32
      %parallel_loop3A_2730 = vector.broadcast %parallel_loop3A_2729 : f32 to vector<16xf32>
      %parallel_loop3A_2731 = arith.cmpf oge, %parallel_loop3A_2728, %parallel_loop3A_2730 : vector<16xf32>
      %parallel_loop3A_2732 = arith.constant 5.000000e-01 : f32
      %parallel_loop3A_2733 = vector.broadcast %parallel_loop3A_2732 : f32 to vector<16xf32>
      %parallel_loop3A_2734 = arith.mulf %parallel_loop3A_2728, %parallel_loop3A_2733 : vector<16xf32>
      %parallel_loop3A_2735 = arith.select %parallel_loop3A_2731, %parallel_loop3A_2734, %parallel_loop3A_2728 : vector<16xi1>, vector<16xf32>
      %parallel_loop3A_2736 = arith.constant 1 : i32
      %parallel_loop3A_2737 = vector.broadcast %parallel_loop3A_2736 : i32 to vector<16xi32>
      %parallel_loop3A_2738 = arith.addi %parallel_loop3A_2721, %parallel_loop3A_2737 : vector<16xi32>
      %parallel_loop3A_2739 = arith.select %parallel_loop3A_2731, %parallel_loop3A_2738, %parallel_loop3A_2721 : vector<16xi1>, vector<16xi32>
      %parallel_loop3A_2740 = arith.constant 1.000000e+00 : f32
      %parallel_loop3A_2741 = vector.broadcast %parallel_loop3A_2740 : f32 to vector<16xf32>
      %parallel_loop3A_2742 = arith.subf %parallel_loop3A_2735, %parallel_loop3A_2741 : vector<16xf32>
      %parallel_loop3A_2743 = arith.constant 0.120947205 : f32
      %parallel_loop3A_2744 = vector.broadcast %parallel_loop3A_2743 : f32 to vector<16xf32>
      %parallel_loop3A_2745 = arith.mulf %parallel_loop3A_2744, %parallel_loop3A_2742 : vector<16xf32>
      %parallel_loop3A_2746 = arith.constant -0.206254348 : f32
      %parallel_loop3A_2747 = vector.broadcast %parallel_loop3A_2746 : f32 to vector<16xf32>
      %parallel_loop3A_2748 = arith.addf %parallel_loop3A_2745, %parallel_loop3A_2747 : vector<16xf32>
      %parallel_loop3A_2749 = arith.mulf %parallel_loop3A_2748, %parallel_loop3A_2742 : vector<16xf32>
      %parallel_loop3A_2750 = arith.constant 0.217217103 : f32
      %parallel_loop3A_2751 = vector.broadcast %parallel_loop3A_2750 : f32 to vector<16xf32>
      %parallel_loop3A_2752 = arith.addf %parallel_loop3A_2749, %parallel_loop3A_2751 : vector<16xf32>
      %parallel_loop3A_2753 = arith.mulf %parallel_loop3A_2752, %parallel_loop3A_2742 : vector<16xf32>
      %parallel_loop3A_2754 = arith.constant -0.239137754 : f32
      %parallel_loop3A_2755 = vector.broadcast %parallel_loop3A_2754 : f32 to vector<16xf32>
      %parallel_loop3A_2756 = arith.addf %parallel_loop3A_2753, %parallel_loop3A_2755 : vector<16xf32>
      %parallel_loop3A_2757 = arith.mulf %parallel_loop3A_2756, %parallel_loop3A_2742 : vector<16xf32>
      %parallel_loop3A_2758 = arith.constant 0.287742406 : f32
      %parallel_loop3A_2759 = vector.broadcast %parallel_loop3A_2758 : f32 to vector<16xf32>
      %parallel_loop3A_2760 = arith.addf %parallel_loop3A_2757, %parallel_loop3A_2759 : vector<16xf32>
      %parallel_loop3A_2761 = arith.mulf %parallel_loop3A_2760, %parallel_loop3A_2742 : vector<16xf32>
      %parallel_loop3A_2762 = arith.constant -0.360691816 : f32
      %parallel_loop3A_2763 = vector.broadcast %parallel_loop3A_2762 : f32 to vector<16xf32>
      %parallel_loop3A_2764 = arith.addf %parallel_loop3A_2761, %parallel_loop3A_2763 : vector<16xf32>
      %parallel_loop3A_2765 = arith.mulf %parallel_loop3A_2764, %parallel_loop3A_2742 : vector<16xf32>
      %parallel_loop3A_2766 = arith.constant 0.480918497 : f32
      %parallel_loop3A_2767 = vector.broadcast %parallel_loop3A_2766 : f32 to vector<16xf32>
      %parallel_loop3A_2768 = arith.addf %parallel_loop3A_2765, %parallel_loop3A_2767 : vector<16xf32>
      %parallel_loop3A_2769 = arith.mulf %parallel_loop3A_2768, %parallel_loop3A_2742 : vector<16xf32>
      %parallel_loop3A_2770 = arith.constant -0.72134757 : f32
      %parallel_loop3A_2771 = vector.broadcast %parallel_loop3A_2770 : f32 to vector<16xf32>
      %parallel_loop3A_2772 = arith.addf %parallel_loop3A_2769, %parallel_loop3A_2771 : vector<16xf32>
      %parallel_loop3A_2773 = arith.mulf %parallel_loop3A_2772, %parallel_loop3A_2742 : vector<16xf32>
      %parallel_loop3A_2774 = arith.constant 1.4426949 : f32
      %parallel_loop3A_2775 = vector.broadcast %parallel_loop3A_2774 : f32 to vector<16xf32>
      %parallel_loop3A_2776 = arith.addf %parallel_loop3A_2773, %parallel_loop3A_2775 : vector<16xf32>
      %parallel_loop3A_2777 = arith.mulf %parallel_loop3A_2776, %parallel_loop3A_2742 : vector<16xf32>
      %parallel_loop3A_2778 = arith.constant 3.81468801E-10 : f32
      %parallel_loop3A_2779 = vector.broadcast %parallel_loop3A_2778 : f32 to vector<16xf32>
      %parallel_loop3A_2780 = arith.addf %parallel_loop3A_2777, %parallel_loop3A_2779 : vector<16xf32>
      %parallel_loop3A_2781 = arith.sitofp %parallel_loop3A_2739 : vector<16xi32> to vector<16xf32>
      %parallel_loop3A_2782 = arith.addf %parallel_loop3A_2781, %parallel_loop3A_2780 : vector<16xf32>
      %parallel_loop3A_2783 = arith.constant -0.693147182 : f32
      %parallel_loop3A_2784 = vector.broadcast %parallel_loop3A_2783 : f32 to vector<16xf32>
      %parallel_loop3A_2785 = arith.mulf %parallel_loop3A_2782, %parallel_loop3A_2784 : vector<16xf32>
      %parallel_loop3A_2786 = tpu.bitcast %parallel_loop3A_2785 : vector<16xf32> -> vector<16xi32>
      %parallel_loop3A_2787 = arith.constant 23 : i32
      %parallel_loop3A_2788 = vector.broadcast %parallel_loop3A_2787 : i32 to vector<16xi32>
      %parallel_loop3A_2789 = arith.shrui %parallel_loop3A_2786, %parallel_loop3A_2788 : vector<16xi32>
      %parallel_loop3A_2790 = arith.constant 127 : i32
      %parallel_loop3A_2791 = vector.broadcast %parallel_loop3A_2790 : i32 to vector<16xi32>
      %parallel_loop3A_2792 = arith.subi %parallel_loop3A_2789, %parallel_loop3A_2791 : vector<16xi32>
      %parallel_loop3A_2793 = arith.constant 8388607 : i32
      %parallel_loop3A_2794 = vector.broadcast %parallel_loop3A_2793 : i32 to vector<16xi32>
      %parallel_loop3A_2795 = arith.andi %parallel_loop3A_2786, %parallel_loop3A_2794 : vector<16xi32>
      %parallel_loop3A_2796 = arith.constant 1065353216 : i32
      %parallel_loop3A_2797 = vector.broadcast %parallel_loop3A_2796 : i32 to vector<16xi32>
      %parallel_loop3A_2798 = arith.ori %parallel_loop3A_2795, %parallel_loop3A_2797 : vector<16xi32>
      %parallel_loop3A_2799 = tpu.bitcast %parallel_loop3A_2798 : vector<16xi32> -> vector<16xf32>
      %parallel_loop3A_2800 = arith.constant 1.41421354 : f32
      %parallel_loop3A_2801 = vector.broadcast %parallel_loop3A_2800 : f32 to vector<16xf32>
      %parallel_loop3A_2802 = arith.cmpf oge, %parallel_loop3A_2799, %parallel_loop3A_2801 : vector<16xf32>
      %parallel_loop3A_2803 = arith.constant 5.000000e-01 : f32
      %parallel_loop3A_2804 = vector.broadcast %parallel_loop3A_2803 : f32 to vector<16xf32>
      %parallel_loop3A_2805 = arith.mulf %parallel_loop3A_2799, %parallel_loop3A_2804 : vector<16xf32>
      %parallel_loop3A_2806 = arith.select %parallel_loop3A_2802, %parallel_loop3A_2805, %parallel_loop3A_2799 : vector<16xi1>, vector<16xf32>
      %parallel_loop3A_2807 = arith.constant 1 : i32
      %parallel_loop3A_2808 = vector.broadcast %parallel_loop3A_2807 : i32 to vector<16xi32>
      %parallel_loop3A_2809 = arith.addi %parallel_loop3A_2792, %parallel_loop3A_2808 : vector<16xi32>
      %parallel_loop3A_2810 = arith.select %parallel_loop3A_2802, %parallel_loop3A_2809, %parallel_loop3A_2792 : vector<16xi1>, vector<16xi32>
      %parallel_loop3A_2811 = arith.constant 1.000000e+00 : f32
      %parallel_loop3A_2812 = vector.broadcast %parallel_loop3A_2811 : f32 to vector<16xf32>
      %parallel_loop3A_2813 = arith.subf %parallel_loop3A_2806, %parallel_loop3A_2812 : vector<16xf32>
      %parallel_loop3A_2814 = arith.constant 0.120947205 : f32
      %parallel_loop3A_2815 = vector.broadcast %parallel_loop3A_2814 : f32 to vector<16xf32>
      %parallel_loop3A_2816 = arith.mulf %parallel_loop3A_2815, %parallel_loop3A_2813 : vector<16xf32>
      %parallel_loop3A_2817 = arith.constant -0.206254348 : f32
      %parallel_loop3A_2818 = vector.broadcast %parallel_loop3A_2817 : f32 to vector<16xf32>
      %parallel_loop3A_2819 = arith.addf %parallel_loop3A_2816, %parallel_loop3A_2818 : vector<16xf32>
      %parallel_loop3A_2820 = arith.mulf %parallel_loop3A_2819, %parallel_loop3A_2813 : vector<16xf32>
      %parallel_loop3A_2821 = arith.constant 0.217217103 : f32
      %parallel_loop3A_2822 = vector.broadcast %parallel_loop3A_2821 : f32 to vector<16xf32>
      %parallel_loop3A_2823 = arith.addf %parallel_loop3A_2820, %parallel_loop3A_2822 : vector<16xf32>
      %parallel_loop3A_2824 = arith.mulf %parallel_loop3A_2823, %parallel_loop3A_2813 : vector<16xf32>
      %parallel_loop3A_2825 = arith.constant -0.239137754 : f32
      %parallel_loop3A_2826 = vector.broadcast %parallel_loop3A_2825 : f32 to vector<16xf32>
      %parallel_loop3A_2827 = arith.addf %parallel_loop3A_2824, %parallel_loop3A_2826 : vector<16xf32>
      %parallel_loop3A_2828 = arith.mulf %parallel_loop3A_2827, %parallel_loop3A_2813 : vector<16xf32>
      %parallel_loop3A_2829 = arith.constant 0.287742406 : f32
      %parallel_loop3A_2830 = vector.broadcast %parallel_loop3A_2829 : f32 to vector<16xf32>
      %parallel_loop3A_2831 = arith.addf %parallel_loop3A_2828, %parallel_loop3A_2830 : vector<16xf32>
      %parallel_loop3A_2832 = arith.mulf %parallel_loop3A_2831, %parallel_loop3A_2813 : vector<16xf32>
      %parallel_loop3A_2833 = arith.constant -0.360691816 : f32
      %parallel_loop3A_2834 = vector.broadcast %parallel_loop3A_2833 : f32 to vector<16xf32>
      %parallel_loop3A_2835 = arith.addf %parallel_loop3A_2832, %parallel_loop3A_2834 : vector<16xf32>
      %parallel_loop3A_2836 = arith.mulf %parallel_loop3A_2835, %parallel_loop3A_2813 : vector<16xf32>
      %parallel_loop3A_2837 = arith.constant 0.480918497 : f32
      %parallel_loop3A_2838 = vector.broadcast %parallel_loop3A_2837 : f32 to vector<16xf32>
      %parallel_loop3A_2839 = arith.addf %parallel_loop3A_2836, %parallel_loop3A_2838 : vector<16xf32>
      %parallel_loop3A_2840 = arith.mulf %parallel_loop3A_2839, %parallel_loop3A_2813 : vector<16xf32>
      %parallel_loop3A_2841 = arith.constant -0.72134757 : f32
      %parallel_loop3A_2842 = vector.broadcast %parallel_loop3A_2841 : f32 to vector<16xf32>
      %parallel_loop3A_2843 = arith.addf %parallel_loop3A_2840, %parallel_loop3A_2842 : vector<16xf32>
      %parallel_loop3A_2844 = arith.mulf %parallel_loop3A_2843, %parallel_loop3A_2813 : vector<16xf32>
      %parallel_loop3A_2845 = arith.constant 1.4426949 : f32
      %parallel_loop3A_2846 = vector.broadcast %parallel_loop3A_2845 : f32 to vector<16xf32>
      %parallel_loop3A_2847 = arith.addf %parallel_loop3A_2844, %parallel_loop3A_2846 : vector<16xf32>
      %parallel_loop3A_2848 = arith.mulf %parallel_loop3A_2847, %parallel_loop3A_2813 : vector<16xf32>
      %parallel_loop3A_2849 = arith.constant 3.81468801E-10 : f32
      %parallel_loop3A_2850 = vector.broadcast %parallel_loop3A_2849 : f32 to vector<16xf32>
      %parallel_loop3A_2851 = arith.addf %parallel_loop3A_2848, %parallel_loop3A_2850 : vector<16xf32>
      %parallel_loop3A_2852 = arith.sitofp %parallel_loop3A_2810 : vector<16xi32> to vector<16xf32>
      %parallel_loop3A_2853 = arith.addf %parallel_loop3A_2852, %parallel_loop3A_2851 : vector<16xf32>
      %parallel_loop3A_2854 = arith.constant -0.693147182 : f32
      %parallel_loop3A_2855 = vector.broadcast %parallel_loop3A_2854 : f32 to vector<16xf32>
      %parallel_loop3A_2856 = arith.mulf %parallel_loop3A_2853, %parallel_loop3A_2855 : vector<16xf32>
      %parallel_loop3A_2857 = arith.index_cast %parallel_loop3A_182 : i32 to index
      %parallel_loop3A_2858 = arith.constant 96 : index
      %parallel_loop3A_2859 = tpu.vector_load %arg5[%parallel_loop3A_2857, %parallel_loop3A_2858] {strides = array<i32>} : memref<640x128xf32, #tpu.memory_space<vmem>>, vector<1x16xf32>,
      %parallel_loop3A_2860 = vector.shape_cast %parallel_loop3A_2859 : vector<1x16xf32> to vector<16xf32>
      %parallel_loop3A_2861 = arith.addf %parallel_loop3A_2860, %parallel_loop3A_2856 : vector<16xf32>
      %parallel_loop3A_2862 = arith.cmpf ogt, %parallel_loop3A_2861, %parallel_loop3A_189 : vector<16xf32>
      %parallel_loop3A_2863 = arith.select %parallel_loop3A_2862, %parallel_loop3A_2861, %parallel_loop3A_189 : vector<16xi1>, vector<16xf32>
      %parallel_loop3A_2864 = arith.constant 0 : i32
      %parallel_loop3A_2865 = vector.broadcast %parallel_loop3A_2864 : i32 to vector<16xi32>
      %parallel_loop3A_2866 = vector.broadcast %parallel_loop3A_199 : i32 to vector<16xi32>
      %parallel_loop3A_2867 = arith.addi %parallel_loop3A_2865, %parallel_loop3A_2866 : vector<16xi32>
      %parallel_loop3A_2868 = arith.select %parallel_loop3A_2862, %parallel_loop3A_2867, %parallel_loop3A_197 : vector<16xi1>, vector<16xi32>
      %parallel_loop3A_2869 = vector.broadcast %parallel_loop3A_201 : i32 to vector<16xi32>
      %parallel_loop3A_2870 = arith.addi %mul3A_114, %parallel_loop3A_2869 : vector<16xi32>
      %parallel_loop3A_2871 = arith.constant 928981903 : i32
      %parallel_loop3A_2872 = vector.broadcast %parallel_loop3A_2871 : i32 to vector<16xi32>
      %parallel_loop3A_2873 = arith.addi %parallel_loop3A_2870, %parallel_loop3A_2872 : vector<16xi32>
      %parallel_loop3A_2874 = arith.constant 13 : i32
      %parallel_loop3A_2875 = vector.broadcast %parallel_loop3A_2874 : i32 to vector<16xi32>
      %parallel_loop3A_2876 = arith.shli %parallel_loop3A_2870, %parallel_loop3A_2875 : vector<16xi32>
      %parallel_loop3A_2877 = arith.constant 19 : i32
      %parallel_loop3A_2878 = vector.broadcast %parallel_loop3A_2877 : i32 to vector<16xi32>
      %parallel_loop3A_2879 = arith.shrui %parallel_loop3A_2870, %parallel_loop3A_2878 : vector<16xi32>
      %parallel_loop3A_2880 = arith.ori %parallel_loop3A_2876, %parallel_loop3A_2879 : vector<16xi32>
      %parallel_loop3A_2881 = arith.xori %parallel_loop3A_2880, %parallel_loop3A_2873 : vector<16xi32>
      %parallel_loop3A_2882 = arith.addi %parallel_loop3A_2873, %parallel_loop3A_2881 : vector<16xi32>
      %parallel_loop3A_2883 = arith.constant 15 : i32
      %parallel_loop3A_2884 = vector.broadcast %parallel_loop3A_2883 : i32 to vector<16xi32>
      %parallel_loop3A_2885 = arith.shli %parallel_loop3A_2881, %parallel_loop3A_2884 : vector<16xi32>
      %parallel_loop3A_2886 = arith.constant 17 : i32
      %parallel_loop3A_2887 = vector.broadcast %parallel_loop3A_2886 : i32 to vector<16xi32>
      %parallel_loop3A_2888 = arith.shrui %parallel_loop3A_2881, %parallel_loop3A_2887 : vector<16xi32>
      %parallel_loop3A_2889 = arith.ori %parallel_loop3A_2885, %parallel_loop3A_2888 : vector<16xi32>
      %parallel_loop3A_2890 = arith.xori %parallel_loop3A_2889, %parallel_loop3A_2882 : vector<16xi32>
      %parallel_loop3A_2891 = arith.addi %parallel_loop3A_2882, %parallel_loop3A_2890 : vector<16xi32>
      %parallel_loop3A_2892 = arith.constant 26 : i32
      %parallel_loop3A_2893 = vector.broadcast %parallel_loop3A_2892 : i32 to vector<16xi32>
      %parallel_loop3A_2894 = arith.shli %parallel_loop3A_2890, %parallel_loop3A_2893 : vector<16xi32>
      %parallel_loop3A_2895 = arith.constant 6 : i32
      %parallel_loop3A_2896 = vector.broadcast %parallel_loop3A_2895 : i32 to vector<16xi32>
      %parallel_loop3A_2897 = arith.shrui %parallel_loop3A_2890, %parallel_loop3A_2896 : vector<16xi32>
      %parallel_loop3A_2898 = arith.ori %parallel_loop3A_2894, %parallel_loop3A_2897 : vector<16xi32>
      %parallel_loop3A_2899 = arith.xori %parallel_loop3A_2898, %parallel_loop3A_2891 : vector<16xi32>
      %parallel_loop3A_2900 = arith.addi %parallel_loop3A_2891, %parallel_loop3A_2899 : vector<16xi32>
      %parallel_loop3A_2901 = arith.constant 6 : i32
      %parallel_loop3A_2902 = vector.broadcast %parallel_loop3A_2901 : i32 to vector<16xi32>
      %parallel_loop3A_2903 = arith.shli %parallel_loop3A_2899, %parallel_loop3A_2902 : vector<16xi32>
      %parallel_loop3A_2904 = arith.constant 26 : i32
      %parallel_loop3A_2905 = vector.broadcast %parallel_loop3A_2904 : i32 to vector<16xi32>
      %parallel_loop3A_2906 = arith.shrui %parallel_loop3A_2899, %parallel_loop3A_2905 : vector<16xi32>
      %parallel_loop3A_2907 = arith.ori %parallel_loop3A_2903, %parallel_loop3A_2906 : vector<16xi32>
      %parallel_loop3A_2908 = arith.xori %parallel_loop3A_2907, %parallel_loop3A_2900 : vector<16xi32>
      %parallel_loop3A_2909 = arith.constant -841280227 : i32
      %parallel_loop3A_2910 = vector.broadcast %parallel_loop3A_2909 : i32 to vector<16xi32>
      %parallel_loop3A_2911 = arith.addi %parallel_loop3A_2900, %parallel_loop3A_2910 : vector<16xi32>
      %parallel_loop3A_2912 = arith.constant -514511543 : i32
      %parallel_loop3A_2913 = vector.broadcast %parallel_loop3A_2912 : i32 to vector<16xi32>
      %parallel_loop3A_2914 = arith.addi %parallel_loop3A_2908, %parallel_loop3A_2913 : vector<16xi32>
      %parallel_loop3A_2915 = arith.addi %parallel_loop3A_2911, %parallel_loop3A_2914 : vector<16xi32>
      %parallel_loop3A_2916 = arith.constant 17 : i32
      %parallel_loop3A_2917 = vector.broadcast %parallel_loop3A_2916 : i32 to vector<16xi32>
      %parallel_loop3A_2918 = arith.shli %parallel_loop3A_2914, %parallel_loop3A_2917 : vector<16xi32>
      %parallel_loop3A_2919 = arith.constant 15 : i32
      %parallel_loop3A_2920 = vector.broadcast %parallel_loop3A_2919 : i32 to vector<16xi32>
      %parallel_loop3A_2921 = arith.shrui %parallel_loop3A_2914, %parallel_loop3A_2920 : vector<16xi32>
      %parallel_loop3A_2922 = arith.ori %parallel_loop3A_2918, %parallel_loop3A_2921 : vector<16xi32>
      %parallel_loop3A_2923 = arith.xori %parallel_loop3A_2922, %parallel_loop3A_2915 : vector<16xi32>
      %parallel_loop3A_2924 = arith.addi %parallel_loop3A_2915, %parallel_loop3A_2923 : vector<16xi32>
      %parallel_loop3A_2925 = arith.constant 29 : i32
      %parallel_loop3A_2926 = vector.broadcast %parallel_loop3A_2925 : i32 to vector<16xi32>
      %parallel_loop3A_2927 = arith.shli %parallel_loop3A_2923, %parallel_loop3A_2926 : vector<16xi32>
      %parallel_loop3A_2928 = arith.constant 3 : i32
      %parallel_loop3A_2929 = vector.broadcast %parallel_loop3A_2928 : i32 to vector<16xi32>
      %parallel_loop3A_2930 = arith.shrui %parallel_loop3A_2923, %parallel_loop3A_2929 : vector<16xi32>
      %parallel_loop3A_2931 = arith.ori %parallel_loop3A_2927, %parallel_loop3A_2930 : vector<16xi32>
      %parallel_loop3A_2932 = arith.xori %parallel_loop3A_2931, %parallel_loop3A_2924 : vector<16xi32>
      %parallel_loop3A_2933 = arith.addi %parallel_loop3A_2924, %parallel_loop3A_2932 : vector<16xi32>
      %parallel_loop3A_2934 = arith.constant 16 : i32
      %parallel_loop3A_2935 = vector.broadcast %parallel_loop3A_2934 : i32 to vector<16xi32>
      %parallel_loop3A_2936 = arith.shli %parallel_loop3A_2932, %parallel_loop3A_2935 : vector<16xi32>
      %parallel_loop3A_2937 = arith.constant 16 : i32
      %parallel_loop3A_2938 = vector.broadcast %parallel_loop3A_2937 : i32 to vector<16xi32>
      %parallel_loop3A_2939 = arith.shrui %parallel_loop3A_2932, %parallel_loop3A_2938 : vector<16xi32>
      %parallel_loop3A_2940 = arith.ori %parallel_loop3A_2936, %parallel_loop3A_2939 : vector<16xi32>
      %parallel_loop3A_2941 = arith.xori %parallel_loop3A_2940, %parallel_loop3A_2933 : vector<16xi32>
      %parallel_loop3A_2942 = arith.addi %parallel_loop3A_2933, %parallel_loop3A_2941 : vector<16xi32>
      %parallel_loop3A_2943 = arith.constant 24 : i32
      %parallel_loop3A_2944 = vector.broadcast %parallel_loop3A_2943 : i32 to vector<16xi32>
      %parallel_loop3A_2945 = arith.shli %parallel_loop3A_2941, %parallel_loop3A_2944 : vector<16xi32>
      %parallel_loop3A_2946 = arith.constant 8 : i32
      %parallel_loop3A_2947 = vector.broadcast %parallel_loop3A_2946 : i32 to vector<16xi32>
      %parallel_loop3A_2948 = arith.shrui %parallel_loop3A_2941, %parallel_loop3A_2947 : vector<16xi32>
      %parallel_loop3A_2949 = arith.ori %parallel_loop3A_2945, %parallel_loop3A_2948 : vector<16xi32>
      %parallel_loop3A_2950 = arith.xori %parallel_loop3A_2949, %parallel_loop3A_2942 : vector<16xi32>
      %parallel_loop3A_2951 = arith.constant -514511544 : i32
      %parallel_loop3A_2952 = vector.broadcast %parallel_loop3A_2951 : i32 to vector<16xi32>
      %parallel_loop3A_2953 = arith.addi %parallel_loop3A_2942, %parallel_loop3A_2952 : vector<16xi32>
      %parallel_loop3A_2954 = arith.constant 928981905 : i32
      %parallel_loop3A_2955 = vector.broadcast %parallel_loop3A_2954 : i32 to vector<16xi32>
      %parallel_loop3A_2956 = arith.addi %parallel_loop3A_2950, %parallel_loop3A_2955 : vector<16xi32>
      %parallel_loop3A_2957 = arith.addi %parallel_loop3A_2953, %parallel_loop3A_2956 : vector<16xi32>
      %parallel_loop3A_2958 = arith.constant 13 : i32
      %parallel_loop3A_2959 = vector.broadcast %parallel_loop3A_2958 : i32 to vector<16xi32>
      %parallel_loop3A_2960 = arith.shli %parallel_loop3A_2956, %parallel_loop3A_2959 : vector<16xi32>
      %parallel_loop3A_2961 = arith.constant 19 : i32
      %parallel_loop3A_2962 = vector.broadcast %parallel_loop3A_2961 : i32 to vector<16xi32>
      %parallel_loop3A_2963 = arith.shrui %parallel_loop3A_2956, %parallel_loop3A_2962 : vector<16xi32>
      %parallel_loop3A_2964 = arith.ori %parallel_loop3A_2960, %parallel_loop3A_2963 : vector<16xi32>
      %parallel_loop3A_2965 = arith.xori %parallel_loop3A_2964, %parallel_loop3A_2957 : vector<16xi32>
      %parallel_loop3A_2966 = arith.addi %parallel_loop3A_2957, %parallel_loop3A_2965 : vector<16xi32>
      %parallel_loop3A_2967 = arith.constant 15 : i32
      %parallel_loop3A_2968 = vector.broadcast %parallel_loop3A_2967 : i32 to vector<16xi32>
      %parallel_loop3A_2969 = arith.shli %parallel_loop3A_2965, %parallel_loop3A_2968 : vector<16xi32>
      %parallel_loop3A_2970 = arith.constant 17 : i32
      %parallel_loop3A_2971 = vector.broadcast %parallel_loop3A_2970 : i32 to vector<16xi32>
      %parallel_loop3A_2972 = arith.shrui %parallel_loop3A_2965, %parallel_loop3A_2971 : vector<16xi32>
      %parallel_loop3A_2973 = arith.ori %parallel_loop3A_2969, %parallel_loop3A_2972 : vector<16xi32>
      %parallel_loop3A_2974 = arith.xori %parallel_loop3A_2973, %parallel_loop3A_2966 : vector<16xi32>
      %parallel_loop3A_2975 = arith.addi %parallel_loop3A_2966, %parallel_loop3A_2974 : vector<16xi32>
      %parallel_loop3A_2976 = arith.constant 26 : i32
      %parallel_loop3A_2977 = vector.broadcast %parallel_loop3A_2976 : i32 to vector<16xi32>
      %parallel_loop3A_2978 = arith.shli %parallel_loop3A_2974, %parallel_loop3A_2977 : vector<16xi32>
      %parallel_loop3A_2979 = arith.constant 6 : i32
      %parallel_loop3A_2980 = vector.broadcast %parallel_loop3A_2979 : i32 to vector<16xi32>
      %parallel_loop3A_2981 = arith.shrui %parallel_loop3A_2974, %parallel_loop3A_2980 : vector<16xi32>
      %parallel_loop3A_2982 = arith.ori %parallel_loop3A_2978, %parallel_loop3A_2981 : vector<16xi32>
      %parallel_loop3A_2983 = arith.xori %parallel_loop3A_2982, %parallel_loop3A_2975 : vector<16xi32>
      %parallel_loop3A_2984 = arith.addi %parallel_loop3A_2975, %parallel_loop3A_2983 : vector<16xi32>
      %parallel_loop3A_2985 = arith.constant 6 : i32
      %parallel_loop3A_2986 = vector.broadcast %parallel_loop3A_2985 : i32 to vector<16xi32>
      %parallel_loop3A_2987 = arith.shli %parallel_loop3A_2983, %parallel_loop3A_2986 : vector<16xi32>
      %parallel_loop3A_2988 = arith.constant 26 : i32
      %parallel_loop3A_2989 = vector.broadcast %parallel_loop3A_2988 : i32 to vector<16xi32>
      %parallel_loop3A_2990 = arith.shrui %parallel_loop3A_2983, %parallel_loop3A_2989 : vector<16xi32>
      %parallel_loop3A_2991 = arith.ori %parallel_loop3A_2987, %parallel_loop3A_2990 : vector<16xi32>
      %parallel_loop3A_2992 = arith.xori %parallel_loop3A_2991, %parallel_loop3A_2984 : vector<16xi32>
      %parallel_loop3A_2993 = arith.constant 928981903 : i32
      %parallel_loop3A_2994 = vector.broadcast %parallel_loop3A_2993 : i32 to vector<16xi32>
      %parallel_loop3A_2995 = arith.addi %parallel_loop3A_2984, %parallel_loop3A_2994 : vector<16xi32>
      %parallel_loop3A_2996 = arith.constant -841280224 : i32
      %parallel_loop3A_2997 = vector.broadcast %parallel_loop3A_2996 : i32 to vector<16xi32>
      %parallel_loop3A_2998 = arith.addi %parallel_loop3A_2992, %parallel_loop3A_2997 : vector<16xi32>
      %parallel_loop3A_2999 = arith.addi %parallel_loop3A_2995, %parallel_loop3A_2998 : vector<16xi32>
      %parallel_loop3A_3000 = arith.constant 17 : i32
      %parallel_loop3A_3001 = vector.broadcast %parallel_loop3A_3000 : i32 to vector<16xi32>
      %parallel_loop3A_3002 = arith.shli %parallel_loop3A_2998, %parallel_loop3A_3001 : vector<16xi32>
      %parallel_loop3A_3003 = arith.constant 15 : i32
      %parallel_loop3A_3004 = vector.broadcast %parallel_loop3A_3003 : i32 to vector<16xi32>
      %parallel_loop3A_3005 = arith.shrui %parallel_loop3A_2998, %parallel_loop3A_3004 : vector<16xi32>
      %parallel_loop3A_3006 = arith.ori %parallel_loop3A_3002, %parallel_loop3A_3005 : vector<16xi32>
      %parallel_loop3A_3007 = arith.xori %parallel_loop3A_3006, %parallel_loop3A_2999 : vector<16xi32>
      %parallel_loop3A_3008 = arith.addi %parallel_loop3A_2999, %parallel_loop3A_3007 : vector<16xi32>
      %parallel_loop3A_3009 = arith.constant 29 : i32
      %parallel_loop3A_3010 = vector.broadcast %parallel_loop3A_3009 : i32 to vector<16xi32>
      %parallel_loop3A_3011 = arith.shli %parallel_loop3A_3007, %parallel_loop3A_3010 : vector<16xi32>
      %parallel_loop3A_3012 = arith.constant 3 : i32
      %parallel_loop3A_3013 = vector.broadcast %parallel_loop3A_3012 : i32 to vector<16xi32>
      %parallel_loop3A_3014 = arith.shrui %parallel_loop3A_3007, %parallel_loop3A_3013 : vector<16xi32>
      %parallel_loop3A_3015 = arith.ori %parallel_loop3A_3011, %parallel_loop3A_3014 : vector<16xi32>
      %parallel_loop3A_3016 = arith.xori %parallel_loop3A_3015, %parallel_loop3A_3008 : vector<16xi32>
      %parallel_loop3A_3017 = arith.addi %parallel_loop3A_3008, %parallel_loop3A_3016 : vector<16xi32>
      %parallel_loop3A_3018 = arith.constant 16 : i32
      %parallel_loop3A_3019 = vector.broadcast %parallel_loop3A_3018 : i32 to vector<16xi32>
      %parallel_loop3A_3020 = arith.shli %parallel_loop3A_3016, %parallel_loop3A_3019 : vector<16xi32>
      %parallel_loop3A_3021 = arith.constant 16 : i32
      %parallel_loop3A_3022 = vector.broadcast %parallel_loop3A_3021 : i32 to vector<16xi32>
      %parallel_loop3A_3023 = arith.shrui %parallel_loop3A_3016, %parallel_loop3A_3022 : vector<16xi32>
      %parallel_loop3A_3024 = arith.ori %parallel_loop3A_3020, %parallel_loop3A_3023 : vector<16xi32>
      %parallel_loop3A_3025 = arith.xori %parallel_loop3A_3024, %parallel_loop3A_3017 : vector<16xi32>
      %parallel_loop3A_3026 = arith.addi %parallel_loop3A_3017, %parallel_loop3A_3025 : vector<16xi32>
      %parallel_loop3A_3027 = arith.constant 24 : i32
      %parallel_loop3A_3028 = vector.broadcast %parallel_loop3A_3027 : i32 to vector<16xi32>
      %parallel_loop3A_3029 = arith.shli %parallel_loop3A_3025, %parallel_loop3A_3028 : vector<16xi32>
      %parallel_loop3A_3030 = arith.constant 8 : i32
      %parallel_loop3A_3031 = vector.broadcast %parallel_loop3A_3030 : i32 to vector<16xi32>
      %parallel_loop3A_3032 = arith.shrui %parallel_loop3A_3025, %parallel_loop3A_3031 : vector<16xi32>
      %parallel_loop3A_3033 = arith.ori %parallel_loop3A_3029, %parallel_loop3A_3032 : vector<16xi32>
      %parallel_loop3A_3034 = arith.xori %parallel_loop3A_3033, %parallel_loop3A_3026 : vector<16xi32>
      %parallel_loop3A_3035 = arith.constant -841280227 : i32
      %parallel_loop3A_3036 = vector.broadcast %parallel_loop3A_3035 : i32 to vector<16xi32>
      %parallel_loop3A_3037 = arith.addi %parallel_loop3A_3026, %parallel_loop3A_3036 : vector<16xi32>
      %parallel_loop3A_3038 = arith.constant -514511540 : i32
      %parallel_loop3A_3039 = vector.broadcast %parallel_loop3A_3038 : i32 to vector<16xi32>
      %parallel_loop3A_3040 = arith.addi %parallel_loop3A_3034, %parallel_loop3A_3039 : vector<16xi32>
      %parallel_loop3A_3041 = arith.addi %parallel_loop3A_3037, %parallel_loop3A_3040 : vector<16xi32>
      %parallel_loop3A_3042 = arith.constant 13 : i32
      %parallel_loop3A_3043 = vector.broadcast %parallel_loop3A_3042 : i32 to vector<16xi32>
      %parallel_loop3A_3044 = arith.shli %parallel_loop3A_3040, %parallel_loop3A_3043 : vector<16xi32>
      %parallel_loop3A_3045 = arith.constant 19 : i32
      %parallel_loop3A_3046 = vector.broadcast %parallel_loop3A_3045 : i32 to vector<16xi32>
      %parallel_loop3A_3047 = arith.shrui %parallel_loop3A_3040, %parallel_loop3A_3046 : vector<16xi32>
      %parallel_loop3A_3048 = arith.ori %parallel_loop3A_3044, %parallel_loop3A_3047 : vector<16xi32>
      %parallel_loop3A_3049 = arith.xori %parallel_loop3A_3048, %parallel_loop3A_3041 : vector<16xi32>
      %parallel_loop3A_3050 = arith.addi %parallel_loop3A_3041, %parallel_loop3A_3049 : vector<16xi32>
      %parallel_loop3A_3051 = arith.constant 15 : i32
      %parallel_loop3A_3052 = vector.broadcast %parallel_loop3A_3051 : i32 to vector<16xi32>
      %parallel_loop3A_3053 = arith.shli %parallel_loop3A_3049, %parallel_loop3A_3052 : vector<16xi32>
      %parallel_loop3A_3054 = arith.constant 17 : i32
      %parallel_loop3A_3055 = vector.broadcast %parallel_loop3A_3054 : i32 to vector<16xi32>
      %parallel_loop3A_3056 = arith.shrui %parallel_loop3A_3049, %parallel_loop3A_3055 : vector<16xi32>
      %parallel_loop3A_3057 = arith.ori %parallel_loop3A_3053, %parallel_loop3A_3056 : vector<16xi32>
      %parallel_loop3A_3058 = arith.xori %parallel_loop3A_3057, %parallel_loop3A_3050 : vector<16xi32>
      %parallel_loop3A_3059 = arith.addi %parallel_loop3A_3050, %parallel_loop3A_3058 : vector<16xi32>
      %parallel_loop3A_3060 = arith.constant 26 : i32
      %parallel_loop3A_3061 = vector.broadcast %parallel_loop3A_3060 : i32 to vector<16xi32>
      %parallel_loop3A_3062 = arith.shli %parallel_loop3A_3058, %parallel_loop3A_3061 : vector<16xi32>
      %parallel_loop3A_3063 = arith.constant 6 : i32
      %parallel_loop3A_3064 = vector.broadcast %parallel_loop3A_3063 : i32 to vector<16xi32>
      %parallel_loop3A_3065 = arith.shrui %parallel_loop3A_3058, %parallel_loop3A_3064 : vector<16xi32>
      %parallel_loop3A_3066 = arith.ori %parallel_loop3A_3062, %parallel_loop3A_3065 : vector<16xi32>
      %parallel_loop3A_3067 = arith.xori %parallel_loop3A_3066, %parallel_loop3A_3059 : vector<16xi32>
      %parallel_loop3A_3068 = arith.addi %parallel_loop3A_3059, %parallel_loop3A_3067 : vector<16xi32>
      %parallel_loop3A_3069 = arith.constant 6 : i32
      %parallel_loop3A_3070 = vector.broadcast %parallel_loop3A_3069 : i32 to vector<16xi32>
      %parallel_loop3A_3071 = arith.shli %parallel_loop3A_3067, %parallel_loop3A_3070 : vector<16xi32>
      %parallel_loop3A_3072 = arith.constant 26 : i32
      %parallel_loop3A_3073 = vector.broadcast %parallel_loop3A_3072 : i32 to vector<16xi32>
      %parallel_loop3A_3074 = arith.shrui %parallel_loop3A_3067, %parallel_loop3A_3073 : vector<16xi32>
      %parallel_loop3A_3075 = arith.ori %parallel_loop3A_3071, %parallel_loop3A_3074 : vector<16xi32>
      %parallel_loop3A_3076 = arith.xori %parallel_loop3A_3075, %parallel_loop3A_3068 : vector<16xi32>
      %parallel_loop3A_3077 = arith.constant -514511544 : i32
      %parallel_loop3A_3078 = vector.broadcast %parallel_loop3A_3077 : i32 to vector<16xi32>
      %parallel_loop3A_3079 = arith.addi %parallel_loop3A_3068, %parallel_loop3A_3078 : vector<16xi32>
      %parallel_loop3A_3080 = arith.constant 928981908 : i32
      %parallel_loop3A_3081 = vector.broadcast %parallel_loop3A_3080 : i32 to vector<16xi32>
      %parallel_loop3A_3082 = arith.addi %parallel_loop3A_3076, %parallel_loop3A_3081 : vector<16xi32>
      %parallel_loop3A_3083 = arith.xori %parallel_loop3A_3079, %parallel_loop3A_3082 : vector<16xi32>
      %parallel_loop3A_3084 = arith.constant 9 : i32
      %parallel_loop3A_3085 = vector.broadcast %parallel_loop3A_3084 : i32 to vector<16xi32>
      %parallel_loop3A_3086 = arith.shrui %parallel_loop3A_3083, %parallel_loop3A_3085 : vector<16xi32>
      %parallel_loop3A_3087 = arith.constant 1065353216 : i32
      %parallel_loop3A_3088 = vector.broadcast %parallel_loop3A_3087 : i32 to vector<16xi32>
      %parallel_loop3A_3089 = arith.ori %parallel_loop3A_3086, %parallel_loop3A_3088 : vector<16xi32>
      %parallel_loop3A_3090 = tpu.bitcast %parallel_loop3A_3089 : vector<16xi32> -> vector<16xf32>
      %parallel_loop3A_3091 = arith.constant 1.000000e+00 : f32
      %parallel_loop3A_3092 = vector.broadcast %parallel_loop3A_3091 : f32 to vector<16xf32>
      %parallel_loop3A_3093 = arith.subf %parallel_loop3A_3090, %parallel_loop3A_3092 : vector<16xf32>
      %parallel_loop3A_3094 = vector.broadcast %parallel_loop3A_117 : f32 to vector<16xf32>
      %parallel_loop3A_3095 = arith.addf %parallel_loop3A_3093, %parallel_loop3A_3094 : vector<16xf32>
      %parallel_loop3A_3096 = tpu.bitcast %parallel_loop3A_3095 : vector<16xf32> -> vector<16xi32>
      %parallel_loop3A_3097 = arith.constant 23 : i32
      %parallel_loop3A_3098 = vector.broadcast %parallel_loop3A_3097 : i32 to vector<16xi32>
      %parallel_loop3A_3099 = arith.shrui %parallel_loop3A_3096, %parallel_loop3A_3098 : vector<16xi32>
      %parallel_loop3A_3100 = arith.constant 127 : i32
      %parallel_loop3A_3101 = vector.broadcast %parallel_loop3A_3100 : i32 to vector<16xi32>
      %parallel_loop3A_3102 = arith.subi %parallel_loop3A_3099, %parallel_loop3A_3101 : vector<16xi32>
      %parallel_loop3A_3103 = arith.constant 8388607 : i32
      %parallel_loop3A_3104 = vector.broadcast %parallel_loop3A_3103 : i32 to vector<16xi32>
      %parallel_loop3A_3105 = arith.andi %parallel_loop3A_3096, %parallel_loop3A_3104 : vector<16xi32>
      %parallel_loop3A_3106 = arith.constant 1065353216 : i32
      %parallel_loop3A_3107 = vector.broadcast %parallel_loop3A_3106 : i32 to vector<16xi32>
      %parallel_loop3A_3108 = arith.ori %parallel_loop3A_3105, %parallel_loop3A_3107 : vector<16xi32>
      %parallel_loop3A_3109 = tpu.bitcast %parallel_loop3A_3108 : vector<16xi32> -> vector<16xf32>
      %parallel_loop3A_3110 = arith.constant 1.41421354 : f32
      %parallel_loop3A_3111 = vector.broadcast %parallel_loop3A_3110 : f32 to vector<16xf32>
      %parallel_loop3A_3112 = arith.cmpf oge, %parallel_loop3A_3109, %parallel_loop3A_3111 : vector<16xf32>
      %parallel_loop3A_3113 = arith.constant 5.000000e-01 : f32
      %parallel_loop3A_3114 = vector.broadcast %parallel_loop3A_3113 : f32 to vector<16xf32>
      %parallel_loop3A_3115 = arith.mulf %parallel_loop3A_3109, %parallel_loop3A_3114 : vector<16xf32>
      %parallel_loop3A_3116 = arith.select %parallel_loop3A_3112, %parallel_loop3A_3115, %parallel_loop3A_3109 : vector<16xi1>, vector<16xf32>
      %parallel_loop3A_3117 = arith.constant 1 : i32
      %parallel_loop3A_3118 = vector.broadcast %parallel_loop3A_3117 : i32 to vector<16xi32>
      %parallel_loop3A_3119 = arith.addi %parallel_loop3A_3102, %parallel_loop3A_3118 : vector<16xi32>
      %parallel_loop3A_3120 = arith.select %parallel_loop3A_3112, %parallel_loop3A_3119, %parallel_loop3A_3102 : vector<16xi1>, vector<16xi32>
      %parallel_loop3A_3121 = arith.constant 1.000000e+00 : f32
      %parallel_loop3A_3122 = vector.broadcast %parallel_loop3A_3121 : f32 to vector<16xf32>
      %parallel_loop3A_3123 = arith.subf %parallel_loop3A_3116, %parallel_loop3A_3122 : vector<16xf32>
      %parallel_loop3A_3124 = arith.constant 0.120947205 : f32
      %parallel_loop3A_3125 = vector.broadcast %parallel_loop3A_3124 : f32 to vector<16xf32>
      %parallel_loop3A_3126 = arith.mulf %parallel_loop3A_3125, %parallel_loop3A_3123 : vector<16xf32>
      %parallel_loop3A_3127 = arith.constant -0.206254348 : f32
      %parallel_loop3A_3128 = vector.broadcast %parallel_loop3A_3127 : f32 to vector<16xf32>
      %parallel_loop3A_3129 = arith.addf %parallel_loop3A_3126, %parallel_loop3A_3128 : vector<16xf32>
      %parallel_loop3A_3130 = arith.mulf %parallel_loop3A_3129, %parallel_loop3A_3123 : vector<16xf32>
      %parallel_loop3A_3131 = arith.constant 0.217217103 : f32
      %parallel_loop3A_3132 = vector.broadcast %parallel_loop3A_3131 : f32 to vector<16xf32>
      %parallel_loop3A_3133 = arith.addf %parallel_loop3A_3130, %parallel_loop3A_3132 : vector<16xf32>
      %parallel_loop3A_3134 = arith.mulf %parallel_loop3A_3133, %parallel_loop3A_3123 : vector<16xf32>
      %parallel_loop3A_3135 = arith.constant -0.239137754 : f32
      %parallel_loop3A_3136 = vector.broadcast %parallel_loop3A_3135 : f32 to vector<16xf32>
      %parallel_loop3A_3137 = arith.addf %parallel_loop3A_3134, %parallel_loop3A_3136 : vector<16xf32>
      %parallel_loop3A_3138 = arith.mulf %parallel_loop3A_3137, %parallel_loop3A_3123 : vector<16xf32>
      %parallel_loop3A_3139 = arith.constant 0.287742406 : f32
      %parallel_loop3A_3140 = vector.broadcast %parallel_loop3A_3139 : f32 to vector<16xf32>
      %parallel_loop3A_3141 = arith.addf %parallel_loop3A_3138, %parallel_loop3A_3140 : vector<16xf32>
      %parallel_loop3A_3142 = arith.mulf %parallel_loop3A_3141, %parallel_loop3A_3123 : vector<16xf32>
      %parallel_loop3A_3143 = arith.constant -0.360691816 : f32
      %parallel_loop3A_3144 = vector.broadcast %parallel_loop3A_3143 : f32 to vector<16xf32>
      %parallel_loop3A_3145 = arith.addf %parallel_loop3A_3142, %parallel_loop3A_3144 : vector<16xf32>
      %parallel_loop3A_3146 = arith.mulf %parallel_loop3A_3145, %parallel_loop3A_3123 : vector<16xf32>
      %parallel_loop3A_3147 = arith.constant 0.480918497 : f32
      %parallel_loop3A_3148 = vector.broadcast %parallel_loop3A_3147 : f32 to vector<16xf32>
      %parallel_loop3A_3149 = arith.addf %parallel_loop3A_3146, %parallel_loop3A_3148 : vector<16xf32>
      %parallel_loop3A_3150 = arith.mulf %parallel_loop3A_3149, %parallel_loop3A_3123 : vector<16xf32>
      %parallel_loop3A_3151 = arith.constant -0.72134757 : f32
      %parallel_loop3A_3152 = vector.broadcast %parallel_loop3A_3151 : f32 to vector<16xf32>
      %parallel_loop3A_3153 = arith.addf %parallel_loop3A_3150, %parallel_loop3A_3152 : vector<16xf32>
      %parallel_loop3A_3154 = arith.mulf %parallel_loop3A_3153, %parallel_loop3A_3123 : vector<16xf32>
      %parallel_loop3A_3155 = arith.constant 1.4426949 : f32
      %parallel_loop3A_3156 = vector.broadcast %parallel_loop3A_3155 : f32 to vector<16xf32>
      %parallel_loop3A_3157 = arith.addf %parallel_loop3A_3154, %parallel_loop3A_3156 : vector<16xf32>
      %parallel_loop3A_3158 = arith.mulf %parallel_loop3A_3157, %parallel_loop3A_3123 : vector<16xf32>
      %parallel_loop3A_3159 = arith.constant 3.81468801E-10 : f32
      %parallel_loop3A_3160 = vector.broadcast %parallel_loop3A_3159 : f32 to vector<16xf32>
      %parallel_loop3A_3161 = arith.addf %parallel_loop3A_3158, %parallel_loop3A_3160 : vector<16xf32>
      %parallel_loop3A_3162 = arith.sitofp %parallel_loop3A_3120 : vector<16xi32> to vector<16xf32>
      %parallel_loop3A_3163 = arith.addf %parallel_loop3A_3162, %parallel_loop3A_3161 : vector<16xf32>
      %parallel_loop3A_3164 = arith.constant -0.693147182 : f32
      %parallel_loop3A_3165 = vector.broadcast %parallel_loop3A_3164 : f32 to vector<16xf32>
      %parallel_loop3A_3166 = arith.mulf %parallel_loop3A_3163, %parallel_loop3A_3165 : vector<16xf32>
      %parallel_loop3A_3167 = tpu.bitcast %parallel_loop3A_3166 : vector<16xf32> -> vector<16xi32>
      %parallel_loop3A_3168 = arith.constant 23 : i32
      %parallel_loop3A_3169 = vector.broadcast %parallel_loop3A_3168 : i32 to vector<16xi32>
      %parallel_loop3A_3170 = arith.shrui %parallel_loop3A_3167, %parallel_loop3A_3169 : vector<16xi32>
      %parallel_loop3A_3171 = arith.constant 127 : i32
      %parallel_loop3A_3172 = vector.broadcast %parallel_loop3A_3171 : i32 to vector<16xi32>
      %parallel_loop3A_3173 = arith.subi %parallel_loop3A_3170, %parallel_loop3A_3172 : vector<16xi32>
      %parallel_loop3A_3174 = arith.constant 8388607 : i32
      %parallel_loop3A_3175 = vector.broadcast %parallel_loop3A_3174 : i32 to vector<16xi32>
      %parallel_loop3A_3176 = arith.andi %parallel_loop3A_3167, %parallel_loop3A_3175 : vector<16xi32>
      %parallel_loop3A_3177 = arith.constant 1065353216 : i32
      %parallel_loop3A_3178 = vector.broadcast %parallel_loop3A_3177 : i32 to vector<16xi32>
      %parallel_loop3A_3179 = arith.ori %parallel_loop3A_3176, %parallel_loop3A_3178 : vector<16xi32>
      %parallel_loop3A_3180 = tpu.bitcast %parallel_loop3A_3179 : vector<16xi32> -> vector<16xf32>
      %parallel_loop3A_3181 = arith.constant 1.41421354 : f32
      %parallel_loop3A_3182 = vector.broadcast %parallel_loop3A_3181 : f32 to vector<16xf32>
      %parallel_loop3A_3183 = arith.cmpf oge, %parallel_loop3A_3180, %parallel_loop3A_3182 : vector<16xf32>
      %parallel_loop3A_3184 = arith.constant 5.000000e-01 : f32
      %parallel_loop3A_3185 = vector.broadcast %parallel_loop3A_3184 : f32 to vector<16xf32>
      %parallel_loop3A_3186 = arith.mulf %parallel_loop3A_3180, %parallel_loop3A_3185 : vector<16xf32>
      %parallel_loop3A_3187 = arith.select %parallel_loop3A_3183, %parallel_loop3A_3186, %parallel_loop3A_3180 : vector<16xi1>, vector<16xf32>
      %parallel_loop3A_3188 = arith.constant 1 : i32
      %parallel_loop3A_3189 = vector.broadcast %parallel_loop3A_3188 : i32 to vector<16xi32>
      %parallel_loop3A_3190 = arith.addi %parallel_loop3A_3173, %parallel_loop3A_3189 : vector<16xi32>
      %parallel_loop3A_3191 = arith.select %parallel_loop3A_3183, %parallel_loop3A_3190, %parallel_loop3A_3173 : vector<16xi1>, vector<16xi32>
      %parallel_loop3A_3192 = arith.constant 1.000000e+00 : f32
      %parallel_loop3A_3193 = vector.broadcast %parallel_loop3A_3192 : f32 to vector<16xf32>
      %parallel_loop3A_3194 = arith.subf %parallel_loop3A_3187, %parallel_loop3A_3193 : vector<16xf32>
      %parallel_loop3A_3195 = arith.constant 0.120947205 : f32
      %parallel_loop3A_3196 = vector.broadcast %parallel_loop3A_3195 : f32 to vector<16xf32>
      %parallel_loop3A_3197 = arith.mulf %parallel_loop3A_3196, %parallel_loop3A_3194 : vector<16xf32>
      %parallel_loop3A_3198 = arith.constant -0.206254348 : f32
      %parallel_loop3A_3199 = vector.broadcast %parallel_loop3A_3198 : f32 to vector<16xf32>
      %parallel_loop3A_3200 = arith.addf %parallel_loop3A_3197, %parallel_loop3A_3199 : vector<16xf32>
      %parallel_loop3A_3201 = arith.mulf %parallel_loop3A_3200, %parallel_loop3A_3194 : vector<16xf32>
      %parallel_loop3A_3202 = arith.constant 0.217217103 : f32
      %parallel_loop3A_3203 = vector.broadcast %parallel_loop3A_3202 : f32 to vector<16xf32>
      %parallel_loop3A_3204 = arith.addf %parallel_loop3A_3201, %parallel_loop3A_3203 : vector<16xf32>
      %parallel_loop3A_3205 = arith.mulf %parallel_loop3A_3204, %parallel_loop3A_3194 : vector<16xf32>
      %parallel_loop3A_3206 = arith.constant -0.239137754 : f32
      %parallel_loop3A_3207 = vector.broadcast %parallel_loop3A_3206 : f32 to vector<16xf32>
      %parallel_loop3A_3208 = arith.addf %parallel_loop3A_3205, %parallel_loop3A_3207 : vector<16xf32>
      %parallel_loop3A_3209 = arith.mulf %parallel_loop3A_3208, %parallel_loop3A_3194 : vector<16xf32>
      %parallel_loop3A_3210 = arith.constant 0.287742406 : f32
      %parallel_loop3A_3211 = vector.broadcast %parallel_loop3A_3210 : f32 to vector<16xf32>
      %parallel_loop3A_3212 = arith.addf %parallel_loop3A_3209, %parallel_loop3A_3211 : vector<16xf32>
      %parallel_loop3A_3213 = arith.mulf %parallel_loop3A_3212, %parallel_loop3A_3194 : vector<16xf32>
      %parallel_loop3A_3214 = arith.constant -0.360691816 : f32
      %parallel_loop3A_3215 = vector.broadcast %parallel_loop3A_3214 : f32 to vector<16xf32>
      %parallel_loop3A_3216 = arith.addf %parallel_loop3A_3213, %parallel_loop3A_3215 : vector<16xf32>
      %parallel_loop3A_3217 = arith.mulf %parallel_loop3A_3216, %parallel_loop3A_3194 : vector<16xf32>
      %parallel_loop3A_3218 = arith.constant 0.480918497 : f32
      %parallel_loop3A_3219 = vector.broadcast %parallel_loop3A_3218 : f32 to vector<16xf32>
      %parallel_loop3A_3220 = arith.addf %parallel_loop3A_3217, %parallel_loop3A_3219 : vector<16xf32>
      %parallel_loop3A_3221 = arith.mulf %parallel_loop3A_3220, %parallel_loop3A_3194 : vector<16xf32>
      %parallel_loop3A_3222 = arith.constant -0.72134757 : f32
      %parallel_loop3A_3223 = vector.broadcast %parallel_loop3A_3222 : f32 to vector<16xf32>
      %parallel_loop3A_3224 = arith.addf %parallel_loop3A_3221, %parallel_loop3A_3223 : vector<16xf32>
      %parallel_loop3A_3225 = arith.mulf %parallel_loop3A_3224, %parallel_loop3A_3194 : vector<16xf32>
      %parallel_loop3A_3226 = arith.constant 1.4426949 : f32
      %parallel_loop3A_3227 = vector.broadcast %parallel_loop3A_3226 : f32 to vector<16xf32>
      %parallel_loop3A_3228 = arith.addf %parallel_loop3A_3225, %parallel_loop3A_3227 : vector<16xf32>
      %parallel_loop3A_3229 = arith.mulf %parallel_loop3A_3228, %parallel_loop3A_3194 : vector<16xf32>
      %parallel_loop3A_3230 = arith.constant 3.81468801E-10 : f32
      %parallel_loop3A_3231 = vector.broadcast %parallel_loop3A_3230 : f32 to vector<16xf32>
      %parallel_loop3A_3232 = arith.addf %parallel_loop3A_3229, %parallel_loop3A_3231 : vector<16xf32>
      %parallel_loop3A_3233 = arith.sitofp %parallel_loop3A_3191 : vector<16xi32> to vector<16xf32>
      %parallel_loop3A_3234 = arith.addf %parallel_loop3A_3233, %parallel_loop3A_3232 : vector<16xf32>
      %parallel_loop3A_3235 = arith.constant -0.693147182 : f32
      %parallel_loop3A_3236 = vector.broadcast %parallel_loop3A_3235 : f32 to vector<16xf32>
      %parallel_loop3A_3237 = arith.mulf %parallel_loop3A_3234, %parallel_loop3A_3236 : vector<16xf32>
      %parallel_loop3A_3238 = arith.index_cast %parallel_loop3A_182 : i32 to index
      %parallel_loop3A_3239 = arith.constant 112 : index
      %parallel_loop3A_3240 = tpu.vector_load %arg5[%parallel_loop3A_3238, %parallel_loop3A_3239] {strides = array<i32>} : memref<640x128xf32, #tpu.memory_space<vmem>>, vector<1x16xf32>,
      %parallel_loop3A_3241 = vector.shape_cast %parallel_loop3A_3240 : vector<1x16xf32> to vector<16xf32>
      %parallel_loop3A_3242 = arith.addf %parallel_loop3A_3241, %parallel_loop3A_3237 : vector<16xf32>
      %parallel_loop3A_3243 = arith.cmpf ogt, %parallel_loop3A_3242, %parallel_loop3A_190 : vector<16xf32>
      %parallel_loop3A_3244 = arith.select %parallel_loop3A_3243, %parallel_loop3A_3242, %parallel_loop3A_190 : vector<16xi1>, vector<16xf32>
      %parallel_loop3A_3245 = arith.constant 0 : i32
      %parallel_loop3A_3246 = vector.broadcast %parallel_loop3A_3245 : i32 to vector<16xi32>
      %parallel_loop3A_3247 = vector.broadcast %parallel_loop3A_199 : i32 to vector<16xi32>
      %parallel_loop3A_3248 = arith.addi %parallel_loop3A_3246, %parallel_loop3A_3247 : vector<16xi32>
      %parallel_loop3A_3249 = arith.select %parallel_loop3A_3243, %parallel_loop3A_3248, %parallel_loop3A_198 : vector<16xi1>, vector<16xi32>
      scf.yield %parallel_loop3A_577, %parallel_loop3A_958, %parallel_loop3A_1339, %parallel_loop3A_1720, %parallel_loop3A_2101, %parallel_loop3A_2482, %parallel_loop3A_2863, %parallel_loop3A_3244, %parallel_loop3A_582, %parallel_loop3A_963, %parallel_loop3A_1344, %parallel_loop3A_1725, %parallel_loop3A_2106, %parallel_loop3A_2487, %parallel_loop3A_2868, %parallel_loop3A_3249 : vector<16xf32>, vector<16xf32>, vector<16xf32>, vector<16xf32>, vector<16xf32>, vector<16xf32>, vector<16xf32>, vector<16xf32>, vector<16xi32>, vector<16xi32>, vector<16xi32>, vector<16xi32>, vector<16xi32>, vector<16xi32>, vector<16xi32>, vector<16xi32>
    } {sc.loop_unroll_factor = 4 : i64, sc.parallel_access}
    %swap3A = arith.constant 0 : index
    %swap3A_119 = tpu.vector_load %arg6[%swap3A] {strides = array<i32>} : memref<128xf32, #tpu.memory_space<vmem>>, vector<16xf32>,
    %swap3A_120 = vector.shape_cast %swap3A_119 : vector<16xf32> to vector<16xf32>
    %swap3A_121 = vector.shape_cast %parallel_loop3A_118#0 : vector<16xf32> to vector<16xf32>
    tpu.vector_store %arg6[%swap3A], %swap3A_121 {strides = array<i32>} : memref<128xf32, #tpu.memory_space<vmem>>, vector<16xf32>,
    %swap3A_122 = arith.constant 0 : index
    %swap3A_123 = tpu.vector_load %arg7[%swap3A_122] {strides = array<i32>} : memref<128xi32, #tpu.memory_space<vmem>>, vector<16xi32>,
    %swap3A_124 = vector.shape_cast %swap3A_123 : vector<16xi32> to vector<16xi32>
    %swap3A_125 = vector.shape_cast %parallel_loop3A_118#8 : vector<16xi32> to vector<16xi32>
    tpu.vector_store %arg7[%swap3A_122], %swap3A_125 {strides = array<i32>} : memref<128xi32, #tpu.memory_space<vmem>>, vector<16xi32>,
    %swap3A_126 = arith.constant 16 : index
    %swap3A_127 = tpu.vector_load %arg6[%swap3A_126] {strides = array<i32>} : memref<128xf32, #tpu.memory_space<vmem>>, vector<16xf32>,
    %swap3A_128 = vector.shape_cast %swap3A_127 : vector<16xf32> to vector<16xf32>
    %swap3A_129 = vector.shape_cast %parallel_loop3A_118#1 : vector<16xf32> to vector<16xf32>
    tpu.vector_store %arg6[%swap3A_126], %swap3A_129 {strides = array<i32>} : memref<128xf32, #tpu.memory_space<vmem>>, vector<16xf32>,
    %swap3A_130 = arith.constant 16 : index
    %swap3A_131 = tpu.vector_load %arg7[%swap3A_130] {strides = array<i32>} : memref<128xi32, #tpu.memory_space<vmem>>, vector<16xi32>,
    %swap3A_132 = vector.shape_cast %swap3A_131 : vector<16xi32> to vector<16xi32>
    %swap3A_133 = vector.shape_cast %parallel_loop3A_118#9 : vector<16xi32> to vector<16xi32>
    tpu.vector_store %arg7[%swap3A_130], %swap3A_133 {strides = array<i32>} : memref<128xi32, #tpu.memory_space<vmem>>, vector<16xi32>,
    %swap3A_134 = arith.constant 32 : index
    %swap3A_135 = tpu.vector_load %arg6[%swap3A_134] {strides = array<i32>} : memref<128xf32, #tpu.memory_space<vmem>>, vector<16xf32>,
    %swap3A_136 = vector.shape_cast %swap3A_135 : vector<16xf32> to vector<16xf32>
    %swap3A_137 = vector.shape_cast %parallel_loop3A_118#2 : vector<16xf32> to vector<16xf32>
    tpu.vector_store %arg6[%swap3A_134], %swap3A_137 {strides = array<i32>} : memref<128xf32, #tpu.memory_space<vmem>>, vector<16xf32>,
    %swap3A_138 = arith.constant 32 : index
    %swap3A_139 = tpu.vector_load %arg7[%swap3A_138] {strides = array<i32>} : memref<128xi32, #tpu.memory_space<vmem>>, vector<16xi32>,
    %swap3A_140 = vector.shape_cast %swap3A_139 : vector<16xi32> to vector<16xi32>
    %swap3A_141 = vector.shape_cast %parallel_loop3A_118#10 : vector<16xi32> to vector<16xi32>
    tpu.vector_store %arg7[%swap3A_138], %swap3A_141 {strides = array<i32>} : memref<128xi32, #tpu.memory_space<vmem>>, vector<16xi32>,
    %swap3A_142 = arith.constant 48 : index
    %swap3A_143 = tpu.vector_load %arg6[%swap3A_142] {strides = array<i32>} : memref<128xf32, #tpu.memory_space<vmem>>, vector<16xf32>,
    %swap3A_144 = vector.shape_cast %swap3A_143 : vector<16xf32> to vector<16xf32>
    %swap3A_145 = vector.shape_cast %parallel_loop3A_118#3 : vector<16xf32> to vector<16xf32>
    tpu.vector_store %arg6[%swap3A_142], %swap3A_145 {strides = array<i32>} : memref<128xf32, #tpu.memory_space<vmem>>, vector<16xf32>,
    %swap3A_146 = arith.constant 48 : index
    %swap3A_147 = tpu.vector_load %arg7[%swap3A_146] {strides = array<i32>} : memref<128xi32, #tpu.memory_space<vmem>>, vector<16xi32>,
    %swap3A_148 = vector.shape_cast %swap3A_147 : vector<16xi32> to vector<16xi32>
    %swap3A_149 = vector.shape_cast %parallel_loop3A_118#11 : vector<16xi32> to vector<16xi32>
    tpu.vector_store %arg7[%swap3A_146], %swap3A_149 {strides = array<i32>} : memref<128xi32, #tpu.memory_space<vmem>>, vector<16xi32>,
    %swap3A_150 = arith.constant 64 : index
    %swap3A_151 = tpu.vector_load %arg6[%swap3A_150] {strides = array<i32>} : memref<128xf32, #tpu.memory_space<vmem>>, vector<16xf32>,
    %swap3A_152 = vector.shape_cast %swap3A_151 : vector<16xf32> to vector<16xf32>
    %swap3A_153 = vector.shape_cast %parallel_loop3A_118#4 : vector<16xf32> to vector<16xf32>
    tpu.vector_store %arg6[%swap3A_150], %swap3A_153 {strides = array<i32>} : memref<128xf32, #tpu.memory_space<vmem>>, vector<16xf32>,
    %swap3A_154 = arith.constant 64 : index
    %swap3A_155 = tpu.vector_load %arg7[%swap3A_154] {strides = array<i32>} : memref<128xi32, #tpu.memory_space<vmem>>, vector<16xi32>,
    %swap3A_156 = vector.shape_cast %swap3A_155 : vector<16xi32> to vector<16xi32>
    %swap3A_157 = vector.shape_cast %parallel_loop3A_118#12 : vector<16xi32> to vector<16xi32>
    tpu.vector_store %arg7[%swap3A_154], %swap3A_157 {strides = array<i32>} : memref<128xi32, #tpu.memory_space<vmem>>, vector<16xi32>,
    %swap3A_158 = arith.constant 80 : index
    %swap3A_159 = tpu.vector_load %arg6[%swap3A_158] {strides = array<i32>} : memref<128xf32, #tpu.memory_space<vmem>>, vector<16xf32>,
    %swap3A_160 = vector.shape_cast %swap3A_159 : vector<16xf32> to vector<16xf32>
    %swap3A_161 = vector.shape_cast %parallel_loop3A_118#5 : vector<16xf32> to vector<16xf32>
    tpu.vector_store %arg6[%swap3A_158], %swap3A_161 {strides = array<i32>} : memref<128xf32, #tpu.memory_space<vmem>>, vector<16xf32>,
    %swap3A_162 = arith.constant 80 : index
    %swap3A_163 = tpu.vector_load %arg7[%swap3A_162] {strides = array<i32>} : memref<128xi32, #tpu.memory_space<vmem>>, vector<16xi32>,
    %swap3A_164 = vector.shape_cast %swap3A_163 : vector<16xi32> to vector<16xi32>
    %swap3A_165 = vector.shape_cast %parallel_loop3A_118#13 : vector<16xi32> to vector<16xi32>
    tpu.vector_store %arg7[%swap3A_162], %swap3A_165 {strides = array<i32>} : memref<128xi32, #tpu.memory_space<vmem>>, vector<16xi32>,
    %swap3A_166 = arith.constant 96 : index
    %swap3A_167 = tpu.vector_load %arg6[%swap3A_166] {strides = array<i32>} : memref<128xf32, #tpu.memory_space<vmem>>, vector<16xf32>,
    %swap3A_168 = vector.shape_cast %swap3A_167 : vector<16xf32> to vector<16xf32>
    %swap3A_169 = vector.shape_cast %parallel_loop3A_118#6 : vector<16xf32> to vector<16xf32>
    tpu.vector_store %arg6[%swap3A_166], %swap3A_169 {strides = array<i32>} : memref<128xf32, #tpu.memory_space<vmem>>, vector<16xf32>,
    %swap3A_170 = arith.constant 96 : index
    %swap3A_171 = tpu.vector_load %arg7[%swap3A_170] {strides = array<i32>} : memref<128xi32, #tpu.memory_space<vmem>>, vector<16xi32>,
    %swap3A_172 = vector.shape_cast %swap3A_171 : vector<16xi32> to vector<16xi32>
    %swap3A_173 = vector.shape_cast %parallel_loop3A_118#14 : vector<16xi32> to vector<16xi32>
    tpu.vector_store %arg7[%swap3A_170], %swap3A_173 {strides = array<i32>} : memref<128xi32, #tpu.memory_space<vmem>>, vector<16xi32>,
    %swap3A_174 = arith.constant 112 : index
    %swap3A_175 = tpu.vector_load %arg6[%swap3A_174] {strides = array<i32>} : memref<128xf32, #tpu.memory_space<vmem>>, vector<16xf32>,
    %swap3A_176 = vector.shape_cast %swap3A_175 : vector<16xf32> to vector<16xf32>
    %swap3A_177 = vector.shape_cast %parallel_loop3A_118#7 : vector<16xf32> to vector<16xf32>
    tpu.vector_store %arg6[%swap3A_174], %swap3A_177 {strides = array<i32>} : memref<128xf32, #tpu.memory_space<vmem>>, vector<16xf32>,
    %swap3A_178 = arith.constant 112 : index
    %swap3A_179 = tpu.vector_load %arg7[%swap3A_178] {strides = array<i32>} : memref<128xi32, #tpu.memory_space<vmem>>, vector<16xi32>,
    %swap3A_180 = vector.shape_cast %swap3A_179 : vector<16xi32> to vector<16xi32>
    %swap3A_181 = vector.shape_cast %parallel_loop3A_118#15 : vector<16xi32> to vector<16xi32>
    tpu.vector_store %arg7[%swap3A_178], %swap3A_181 {strides = array<i32>} : memref<128xi32, #tpu.memory_space<vmem>>, vector<16xi32>,
    "tpu.region"() ({
      %run_scoped3A = tpu.sem_alloc : memref<!tpu.dma_semaphore, #tpu.memory_space<semaphore_mem>>
      %dma_start3A_182 = arith.constant 0 : i32
      %dma_start3A_183 = tpu.memref_slice %arg3[%add3A, %dma_start3A_182] : memref<32x128xf32, #tpu.memory_space<hbm>> -> memref<1x128xf32, #tpu.memory_space<hbm>>
      %dma_start3A_184 = tpu.memref_squeeze %dma_start3A_183 : memref<1x128xf32, #tpu.memory_space<hbm>> -> memref<128xf32, #tpu.memory_space<hbm>>
      %dma_start3A_185 = arith.constant 0 : i32
      %dma_start3A_186 = tpu.memref_slice %arg3[%add3A, %dma_start3A_185] : memref<32x128xf32, #tpu.memory_space<hbm>> -> memref<1x128xf32, #tpu.memory_space<hbm>>
      %dma_start3A_187 = tpu.memref_squeeze %dma_start3A_186 : memref<1x128xf32, #tpu.memory_space<hbm>> -> memref<128xf32, #tpu.memory_space<hbm>>
      tpu.enqueue_dma source(%arg6 : memref<128xf32, #tpu.memory_space<vmem>>) target(%dma_start3A_187 : memref<128xf32, #tpu.memory_space<hbm>>) target_semaphore(%run_scoped3A : memref<!tpu.dma_semaphore, #tpu.memory_space<semaphore_mem>>)
      %dma_wait3A_188 = arith.constant 0 : i32
      %dma_wait3A_189 = tpu.memref_slice %arg3[%add3A, %dma_wait3A_188] : memref<32x128xf32, #tpu.memory_space<hbm>> -> memref<1x128xf32, #tpu.memory_space<hbm>>
      %dma_wait3A_190 = tpu.memref_squeeze %dma_wait3A_189 : memref<1x128xf32, #tpu.memory_space<hbm>> -> memref<128xf32, #tpu.memory_space<hbm>>
      %dma_wait3A_191 = arith.constant 0 : i32
      %dma_wait3A_192 = tpu.memref_slice %arg3[%add3A, %dma_wait3A_191] : memref<32x128xf32, #tpu.memory_space<hbm>> -> memref<1x128xf32, #tpu.memory_space<hbm>>
      %dma_wait3A_193 = tpu.memref_squeeze %dma_wait3A_192 : memref<1x128xf32, #tpu.memory_space<hbm>> -> memref<128xf32, #tpu.memory_space<hbm>>
      tpu.wait_dma2 semaphore(%run_scoped3A : memref<!tpu.dma_semaphore, #tpu.memory_space<semaphore_mem>>) src(%arg6 : memref<128xf32, #tpu.memory_space<vmem>>) dst(%dma_wait3A_193 : memref<128xf32, #tpu.memory_space<hbm>>)
      tpu.yield
    }) : () -> ()
    "tpu.region"() ({
      %run_scoped3A = tpu.sem_alloc : memref<!tpu.dma_semaphore, #tpu.memory_space<semaphore_mem>>
      %dma_start3A_182 = arith.constant 0 : i32
      %dma_start3A_183 = tpu.memref_slice %arg4[%add3A, %dma_start3A_182] : memref<32x128xi32, #tpu.memory_space<hbm>> -> memref<1x128xi32, #tpu.memory_space<hbm>>
      %dma_start3A_184 = tpu.memref_squeeze %dma_start3A_183 : memref<1x128xi32, #tpu.memory_space<hbm>> -> memref<128xi32, #tpu.memory_space<hbm>>
      %dma_start3A_185 = arith.constant 0 : i32
      %dma_start3A_186 = tpu.memref_slice %arg4[%add3A, %dma_start3A_185] : memref<32x128xi32, #tpu.memory_space<hbm>> -> memref<1x128xi32, #tpu.memory_space<hbm>>
      %dma_start3A_187 = tpu.memref_squeeze %dma_start3A_186 : memref<1x128xi32, #tpu.memory_space<hbm>> -> memref<128xi32, #tpu.memory_space<hbm>>
      tpu.enqueue_dma source(%arg7 : memref<128xi32, #tpu.memory_space<vmem>>) target(%dma_start3A_187 : memref<128xi32, #tpu.memory_space<hbm>>) target_semaphore(%run_scoped3A : memref<!tpu.dma_semaphore, #tpu.memory_space<semaphore_mem>>)
      %dma_wait3A_188 = arith.constant 0 : i32
      %dma_wait3A_189 = tpu.memref_slice %arg4[%add3A, %dma_wait3A_188] : memref<32x128xi32, #tpu.memory_space<hbm>> -> memref<1x128xi32, #tpu.memory_space<hbm>>
      %dma_wait3A_190 = tpu.memref_squeeze %dma_wait3A_189 : memref<1x128xi32, #tpu.memory_space<hbm>> -> memref<128xi32, #tpu.memory_space<hbm>>
      %dma_wait3A_191 = arith.constant 0 : i32
      %dma_wait3A_192 = tpu.memref_slice %arg4[%add3A, %dma_wait3A_191] : memref<32x128xi32, #tpu.memory_space<hbm>> -> memref<1x128xi32, #tpu.memory_space<hbm>>
      %dma_wait3A_193 = tpu.memref_squeeze %dma_wait3A_192 : memref<1x128xi32, #tpu.memory_space<hbm>> -> memref<128xi32, #tpu.memory_space<hbm>>
      tpu.wait_dma2 semaphore(%run_scoped3A : memref<!tpu.dma_semaphore, #tpu.memory_space<semaphore_mem>>) src(%arg7 : memref<128xi32, #tpu.memory_space<vmem>>) dst(%dma_wait3A_193 : memref<128xi32, #tpu.memory_space<hbm>>)
      tpu.yield
    }) : () -> ()
    return
  }
}

module attributes {stable_mosaic.version = 14 : i64} {
  func.func @_merge_body(%arg0: memref<32x128xf32, #tpu.memory_space<vmem>>, %arg1: memref<32x128xi32, #tpu.memory_space<vmem>>, %arg2: memref<128x1xi32, #tpu.memory_space<vmem>>, %arg3: memref<128x1xf32, #tpu.memory_space<vmem>>, %arg4: memref<128x1xi32, #tpu.memory_space<vmem>>) attributes {dimension_semantics = [], scalar_prefetch = 0 : i64, scratch_operands = 0 : i64, tpu.core_type = #tpu.core_type<tc>} {
    %get3A = arith.constant 0 : index
    %get3A_0 = arith.constant 0 : index
    %get3A_1 = vector.load %arg0[%get3A, %get3A_0] : memref<32x128xf32, #tpu.memory_space<vmem>>, vector<32x128xf32>
    %transpose3A = tpu.transpose %get3A_1, [1, 0] : vector<32x128xf32> -> vector<128x32xf32>
    %get3A_2 = arith.constant 0 : index
    %get3A_3 = arith.constant 0 : index
    %get3A_4 = vector.load %arg1[%get3A_2, %get3A_3] : memref<32x128xi32, #tpu.memory_space<vmem>>, vector<32x128xi32>
    %transpose3A_5 = tpu.transpose %get3A_4, [1, 0] : vector<32x128xi32> -> vector<128x32xi32>
    %reduce_max3A = arith.constant dense<0xFF800000> : vector<128xf32>
    %reduce_max3A_6 = vector.multi_reduction <maximumf>, %transpose3A, %reduce_max3A [1] : vector<128x32xf32> to vector<128xf32>
    %broadcast_in_dim3A = vector.shape_cast %reduce_max3A_6 : vector<128xf32> to vector<128x1xf32>
    %eq3A = vector.broadcast %broadcast_in_dim3A : vector<128x1xf32> to vector<128x32xf32>
    %eq3A_7 = arith.cmpf oeq, %transpose3A, %eq3A : vector<128x32xf32>
    %jit3A = arith.constant 2147483647 : i32
    %broadcast_in_dim3A_8 = vector.broadcast %jit3A : i32 to vector<128x32xi32>
    %select_n3A = arith.select %eq3A_7, %transpose3A_5, %broadcast_in_dim3A_8 : vector<128x32xi1>, vector<128x32xi32>
    %reduce_min3A = arith.constant dense<2147483647> : vector<128xi32>
    %reduce_min3A_9 = vector.multi_reduction <minsi>, %select_n3A, %reduce_min3A [1] : vector<128x32xi32> to vector<128xi32>
    %broadcast_in_dim3A_10 = vector.shape_cast %reduce_min3A_9 : vector<128xi32> to vector<128x1xi32>
    %get3A_11 = arith.constant 0 : index
    %get3A_12 = arith.constant 0 : index
    %get3A_13 = vector.load %arg3[%get3A_11, %get3A_12] : memref<128x1xf32, #tpu.memory_space<vmem>>, vector<128x1xf32>
    %gt3A = arith.cmpf ogt, %broadcast_in_dim3A, %get3A_13 : vector<128x1xf32>
    %get3A_14 = arith.constant 0 : index
    %get3A_15 = arith.constant 0 : index
    %get3A_16 = vector.load %arg2[%get3A_14, %get3A_15] : memref<128x1xi32, #tpu.memory_space<vmem>>, vector<128x1xi32>
    %select_n3A_17 = arith.select %gt3A, %broadcast_in_dim3A_10, %get3A_16 : vector<128x1xi1>, vector<128x1xi32>
    %swap3A = arith.constant 0 : index
    %swap3A_18 = arith.constant 0 : index
    %swap3A_19 = vector.load %arg4[%swap3A, %swap3A_18] : memref<128x1xi32, #tpu.memory_space<vmem>>, vector<128x1xi32>
    tpu.vector_store %arg4[%swap3A, %swap3A_18], %select_n3A_17 {strides = array<i32>} : memref<128x1xi32, #tpu.memory_space<vmem>>, vector<128x1xi32>,
    return
  }
}

module attributes {stable_mosaic.version = 14 : i64} {
  func.func @_tc_body(%arg0: i32, %arg1: memref<2048x128xf32, #tpu.memory_space<vmem>>, %arg2: memref<128x1xi32, #tpu.memory_space<vmem>>, %arg3: memref<128x1xf32, #tpu.memory_space<vmem>>, %arg4: memref<128x128xf32, #tpu.memory_space<vmem>>, %arg5: memref<128x128xi32, #tpu.memory_space<vmem>>, %arg6: memref<128x2048xi32, #tpu.memory_space<vmem>>, %arg7: memref<128x128xf32, #tpu.memory_space<vmem>>) attributes {dimension_semantics = [#tpu.dimension_semantics<arbitrary>], iteration_bounds = array<i64: 39>, scalar_prefetch = 0 : i64, scratch_operands = 4 : i64, tpu.core_type = #tpu.core_type<tc>, window_params = [{transform_indices = @transform_0, window_bounds = array<i64: 2048, 128>}, {pipeline_mode = #tpu.pipeline_mode<synchronous>, transform_indices = @transform_1, window_bounds = array<i64: 128, 1>}, {pipeline_mode = #tpu.pipeline_mode<synchronous>, transform_indices = @transform_2, window_bounds = array<i64: 128, 1>}]} {
    %eq3A = arith.constant 0 : i32
    %eq3A_0 = arith.cmpi eq, %arg0, %eq3A : i32
    %convert_element_type3A = arith.extui %eq3A_0 : i1 to i32
    %cond3A = arith.constant 0 : i32
    %cond3A_1 = arith.cmpi ne, %convert_element_type3A, %cond3A : i32
    scf.if %cond3A_1 {
      %broadcast_in_dim3A = arith.constant 0xFF800000 : f32
      %broadcast_in_dim3A_427 = vector.broadcast %broadcast_in_dim3A : f32 to vector<128x128xf32>
      %swap3A_428 = arith.constant 0 : index
      %swap3A_429 = arith.constant 0 : index
      %swap3A_430 = vector.load %arg4[%swap3A_428, %swap3A_429] : memref<128x128xf32, #tpu.memory_space<vmem>>, vector<128x128xf32>
      tpu.vector_store %arg4[%swap3A_428, %swap3A_429], %broadcast_in_dim3A_427 {strides = array<i32>} : memref<128x128xf32, #tpu.memory_space<vmem>>, vector<128x128xf32>,
      %broadcast_in_dim3A_431 = arith.constant 0 : i32
      %broadcast_in_dim3A_432 = vector.broadcast %broadcast_in_dim3A_431 : i32 to vector<128x128xi32>
      %swap3A_433 = arith.constant 0 : index
      %swap3A_434 = arith.constant 0 : index
      %swap3A_435 = vector.load %arg5[%swap3A_433, %swap3A_434] : memref<128x128xi32, #tpu.memory_space<vmem>>, vector<128x128xi32>
      tpu.vector_store %arg5[%swap3A_433, %swap3A_434], %broadcast_in_dim3A_432 {strides = array<i32>} : memref<128x128xi32, #tpu.memory_space<vmem>>, vector<128x128xi32>,
      %iota3A_436 = tpu.iota {dimensions = array<i32: 0>} : vector<128x2048xi32>
      %iota3A_437 = tpu.iota {dimensions = array<i32: 1>} : vector<128x2048xi32>
      %mul3A_438 = arith.constant 100000 : i32
      %mul3A_439 = vector.broadcast %mul3A_438 : i32 to vector<128x2048xi32>
      %mul3A_440 = arith.muli %iota3A_436, %mul3A_439 : vector<128x2048xi32>
      %add3A_441 = arith.addi %mul3A_440, %iota3A_437 : vector<128x2048xi32>
      %add3A_442 = arith.constant -841280227 : i32
      %add3A_443 = vector.broadcast %add3A_442 : i32 to vector<128x2048xi32>
      %add3A_444 = arith.addi %add3A_441, %add3A_443 : vector<128x2048xi32>
      %swap3A_445 = arith.constant 0 : index
      %swap3A_446 = arith.constant 0 : index
      %swap3A_447 = vector.load %arg6[%swap3A_445, %swap3A_446] : memref<128x2048xi32, #tpu.memory_space<vmem>>, vector<128x2048xi32>
      tpu.vector_store %arg6[%swap3A_445, %swap3A_446], %add3A_444 {strides = array<i32>} : memref<128x2048xi32, #tpu.memory_space<vmem>>, vector<128x2048xi32>,
      %iota3A_448 = tpu.iota {dimensions = array<i32: 0>} : vector<128x128xi32>
      %iota3A_449 = tpu.iota {dimensions = array<i32: 1>} : vector<128x128xi32>
      %eq3A_450 = arith.cmpi eq, %iota3A_448, %iota3A_449 : vector<128x128xi32>
      %jit3A = arith.constant 1.000000e+00 : f32
      %jit3A_451 = arith.constant 0.000000e+00 : f32
      %broadcast_in_dim3A_452 = vector.broadcast %jit3A : f32 to vector<128x128xf32>
      %broadcast_in_dim3A_453 = vector.broadcast %jit3A_451 : f32 to vector<128x128xf32>
      %select_n3A_454 = arith.select %eq3A_450, %broadcast_in_dim3A_452, %broadcast_in_dim3A_453 : vector<128x128xi1>, vector<128x128xf32>
      %swap3A_455 = arith.constant 0 : index
      %swap3A_456 = arith.constant 0 : index
      %swap3A_457 = vector.load %arg7[%swap3A_455, %swap3A_456] : memref<128x128xf32, #tpu.memory_space<vmem>>, vector<128x128xf32>
      tpu.vector_store %arg7[%swap3A_455, %swap3A_456], %select_n3A_454 {strides = array<i32>} : memref<128x128xf32, #tpu.memory_space<vmem>>, vector<128x128xf32>,
    } else {
    }
    %get3A = arith.constant 0 : index
    %get3A_2 = arith.constant 0 : index
    %get3A_3 = vector.load %arg6[%get3A, %get3A_2] : memref<128x2048xi32, #tpu.memory_space<vmem>>, vector<128x2048xi32>
    %mul3A = arith.constant 2048 : i32
    %mul3A_4 = arith.muli %arg0, %mul3A : i32
    %add3A = vector.broadcast %mul3A_4 : i32 to vector<128x2048xi32>
    %add3A_5 = arith.addi %get3A_3, %add3A : vector<128x2048xi32>
    %add3A_6 = arith.constant 928981903 : i32
    %add3A_7 = vector.broadcast %add3A_6 : i32 to vector<128x2048xi32>
    %add3A_8 = arith.addi %add3A_5, %add3A_7 : vector<128x2048xi32>
    %shift_left3A = arith.constant 13 : i32
    %shift_left3A_9 = vector.broadcast %shift_left3A : i32 to vector<128x2048xi32>
    %shift_left3A_10 = arith.shli %add3A_5, %shift_left3A_9 : vector<128x2048xi32>
    %shift_right_logical3A = arith.constant 19 : i32
    %shift_right_logical3A_11 = vector.broadcast %shift_right_logical3A : i32 to vector<128x2048xi32>
    %shift_right_logical3A_12 = arith.shrui %add3A_5, %shift_right_logical3A_11 : vector<128x2048xi32>
    %or3A = arith.ori %shift_left3A_10, %shift_right_logical3A_12 : vector<128x2048xi32>
    %xor3A = arith.xori %or3A, %add3A_8 : vector<128x2048xi32>
    %add3A_13 = arith.addi %add3A_8, %xor3A : vector<128x2048xi32>
    %shift_left3A_14 = arith.constant 15 : i32
    %shift_left3A_15 = vector.broadcast %shift_left3A_14 : i32 to vector<128x2048xi32>
    %shift_left3A_16 = arith.shli %xor3A, %shift_left3A_15 : vector<128x2048xi32>
    %shift_right_logical3A_17 = arith.constant 17 : i32
    %shift_right_logical3A_18 = vector.broadcast %shift_right_logical3A_17 : i32 to vector<128x2048xi32>
    %shift_right_logical3A_19 = arith.shrui %xor3A, %shift_right_logical3A_18 : vector<128x2048xi32>
    %or3A_20 = arith.ori %shift_left3A_16, %shift_right_logical3A_19 : vector<128x2048xi32>
    %xor3A_21 = arith.xori %or3A_20, %add3A_13 : vector<128x2048xi32>
    %add3A_22 = arith.addi %add3A_13, %xor3A_21 : vector<128x2048xi32>
    %shift_left3A_23 = arith.constant 26 : i32
    %shift_left3A_24 = vector.broadcast %shift_left3A_23 : i32 to vector<128x2048xi32>
    %shift_left3A_25 = arith.shli %xor3A_21, %shift_left3A_24 : vector<128x2048xi32>
    %shift_right_logical3A_26 = arith.constant 6 : i32
    %shift_right_logical3A_27 = vector.broadcast %shift_right_logical3A_26 : i32 to vector<128x2048xi32>
    %shift_right_logical3A_28 = arith.shrui %xor3A_21, %shift_right_logical3A_27 : vector<128x2048xi32>
    %or3A_29 = arith.ori %shift_left3A_25, %shift_right_logical3A_28 : vector<128x2048xi32>
    %xor3A_30 = arith.xori %or3A_29, %add3A_22 : vector<128x2048xi32>
    %add3A_31 = arith.addi %add3A_22, %xor3A_30 : vector<128x2048xi32>
    %shift_left3A_32 = arith.constant 6 : i32
    %shift_left3A_33 = vector.broadcast %shift_left3A_32 : i32 to vector<128x2048xi32>
    %shift_left3A_34 = arith.shli %xor3A_30, %shift_left3A_33 : vector<128x2048xi32>
    %shift_right_logical3A_35 = arith.constant 26 : i32
    %shift_right_logical3A_36 = vector.broadcast %shift_right_logical3A_35 : i32 to vector<128x2048xi32>
    %shift_right_logical3A_37 = arith.shrui %xor3A_30, %shift_right_logical3A_36 : vector<128x2048xi32>
    %or3A_38 = arith.ori %shift_left3A_34, %shift_right_logical3A_37 : vector<128x2048xi32>
    %xor3A_39 = arith.xori %or3A_38, %add3A_31 : vector<128x2048xi32>
    %add3A_40 = arith.constant -841280227 : i32
    %add3A_41 = vector.broadcast %add3A_40 : i32 to vector<128x2048xi32>
    %add3A_42 = arith.addi %add3A_31, %add3A_41 : vector<128x2048xi32>
    %add3A_43 = arith.constant -514511543 : i32
    %add3A_44 = vector.broadcast %add3A_43 : i32 to vector<128x2048xi32>
    %add3A_45 = arith.addi %xor3A_39, %add3A_44 : vector<128x2048xi32>
    %add3A_46 = arith.addi %add3A_42, %add3A_45 : vector<128x2048xi32>
    %shift_left3A_47 = arith.constant 17 : i32
    %shift_left3A_48 = vector.broadcast %shift_left3A_47 : i32 to vector<128x2048xi32>
    %shift_left3A_49 = arith.shli %add3A_45, %shift_left3A_48 : vector<128x2048xi32>
    %shift_right_logical3A_50 = arith.constant 15 : i32
    %shift_right_logical3A_51 = vector.broadcast %shift_right_logical3A_50 : i32 to vector<128x2048xi32>
    %shift_right_logical3A_52 = arith.shrui %add3A_45, %shift_right_logical3A_51 : vector<128x2048xi32>
    %or3A_53 = arith.ori %shift_left3A_49, %shift_right_logical3A_52 : vector<128x2048xi32>
    %xor3A_54 = arith.xori %or3A_53, %add3A_46 : vector<128x2048xi32>
    %add3A_55 = arith.addi %add3A_46, %xor3A_54 : vector<128x2048xi32>
    %shift_left3A_56 = arith.constant 29 : i32
    %shift_left3A_57 = vector.broadcast %shift_left3A_56 : i32 to vector<128x2048xi32>
    %shift_left3A_58 = arith.shli %xor3A_54, %shift_left3A_57 : vector<128x2048xi32>
    %shift_right_logical3A_59 = arith.constant 3 : i32
    %shift_right_logical3A_60 = vector.broadcast %shift_right_logical3A_59 : i32 to vector<128x2048xi32>
    %shift_right_logical3A_61 = arith.shrui %xor3A_54, %shift_right_logical3A_60 : vector<128x2048xi32>
    %or3A_62 = arith.ori %shift_left3A_58, %shift_right_logical3A_61 : vector<128x2048xi32>
    %xor3A_63 = arith.xori %or3A_62, %add3A_55 : vector<128x2048xi32>
    %add3A_64 = arith.addi %add3A_55, %xor3A_63 : vector<128x2048xi32>
    %shift_left3A_65 = arith.constant 16 : i32
    %shift_left3A_66 = vector.broadcast %shift_left3A_65 : i32 to vector<128x2048xi32>
    %shift_left3A_67 = arith.shli %xor3A_63, %shift_left3A_66 : vector<128x2048xi32>
    %shift_right_logical3A_68 = arith.constant 16 : i32
    %shift_right_logical3A_69 = vector.broadcast %shift_right_logical3A_68 : i32 to vector<128x2048xi32>
    %shift_right_logical3A_70 = arith.shrui %xor3A_63, %shift_right_logical3A_69 : vector<128x2048xi32>
    %or3A_71 = arith.ori %shift_left3A_67, %shift_right_logical3A_70 : vector<128x2048xi32>
    %xor3A_72 = arith.xori %or3A_71, %add3A_64 : vector<128x2048xi32>
    %add3A_73 = arith.addi %add3A_64, %xor3A_72 : vector<128x2048xi32>
    %shift_left3A_74 = arith.constant 24 : i32
    %shift_left3A_75 = vector.broadcast %shift_left3A_74 : i32 to vector<128x2048xi32>
    %shift_left3A_76 = arith.shli %xor3A_72, %shift_left3A_75 : vector<128x2048xi32>
    %shift_right_logical3A_77 = arith.constant 8 : i32
    %shift_right_logical3A_78 = vector.broadcast %shift_right_logical3A_77 : i32 to vector<128x2048xi32>
    %shift_right_logical3A_79 = arith.shrui %xor3A_72, %shift_right_logical3A_78 : vector<128x2048xi32>
    %or3A_80 = arith.ori %shift_left3A_76, %shift_right_logical3A_79 : vector<128x2048xi32>
    %xor3A_81 = arith.xori %or3A_80, %add3A_73 : vector<128x2048xi32>
    %add3A_82 = arith.constant -514511544 : i32
    %add3A_83 = vector.broadcast %add3A_82 : i32 to vector<128x2048xi32>
    %add3A_84 = arith.addi %add3A_73, %add3A_83 : vector<128x2048xi32>
    %add3A_85 = arith.constant 928981905 : i32
    %add3A_86 = vector.broadcast %add3A_85 : i32 to vector<128x2048xi32>
    %add3A_87 = arith.addi %xor3A_81, %add3A_86 : vector<128x2048xi32>
    %add3A_88 = arith.addi %add3A_84, %add3A_87 : vector<128x2048xi32>
    %shift_left3A_89 = arith.constant 13 : i32
    %shift_left3A_90 = vector.broadcast %shift_left3A_89 : i32 to vector<128x2048xi32>
    %shift_left3A_91 = arith.shli %add3A_87, %shift_left3A_90 : vector<128x2048xi32>
    %shift_right_logical3A_92 = arith.constant 19 : i32
    %shift_right_logical3A_93 = vector.broadcast %shift_right_logical3A_92 : i32 to vector<128x2048xi32>
    %shift_right_logical3A_94 = arith.shrui %add3A_87, %shift_right_logical3A_93 : vector<128x2048xi32>
    %or3A_95 = arith.ori %shift_left3A_91, %shift_right_logical3A_94 : vector<128x2048xi32>
    %xor3A_96 = arith.xori %or3A_95, %add3A_88 : vector<128x2048xi32>
    %add3A_97 = arith.addi %add3A_88, %xor3A_96 : vector<128x2048xi32>
    %shift_left3A_98 = arith.constant 15 : i32
    %shift_left3A_99 = vector.broadcast %shift_left3A_98 : i32 to vector<128x2048xi32>
    %shift_left3A_100 = arith.shli %xor3A_96, %shift_left3A_99 : vector<128x2048xi32>
    %shift_right_logical3A_101 = arith.constant 17 : i32
    %shift_right_logical3A_102 = vector.broadcast %shift_right_logical3A_101 : i32 to vector<128x2048xi32>
    %shift_right_logical3A_103 = arith.shrui %xor3A_96, %shift_right_logical3A_102 : vector<128x2048xi32>
    %or3A_104 = arith.ori %shift_left3A_100, %shift_right_logical3A_103 : vector<128x2048xi32>
    %xor3A_105 = arith.xori %or3A_104, %add3A_97 : vector<128x2048xi32>
    %add3A_106 = arith.addi %add3A_97, %xor3A_105 : vector<128x2048xi32>
    %shift_left3A_107 = arith.constant 26 : i32
    %shift_left3A_108 = vector.broadcast %shift_left3A_107 : i32 to vector<128x2048xi32>
    %shift_left3A_109 = arith.shli %xor3A_105, %shift_left3A_108 : vector<128x2048xi32>
    %shift_right_logical3A_110 = arith.constant 6 : i32
    %shift_right_logical3A_111 = vector.broadcast %shift_right_logical3A_110 : i32 to vector<128x2048xi32>
    %shift_right_logical3A_112 = arith.shrui %xor3A_105, %shift_right_logical3A_111 : vector<128x2048xi32>
    %or3A_113 = arith.ori %shift_left3A_109, %shift_right_logical3A_112 : vector<128x2048xi32>
    %xor3A_114 = arith.xori %or3A_113, %add3A_106 : vector<128x2048xi32>
    %add3A_115 = arith.addi %add3A_106, %xor3A_114 : vector<128x2048xi32>
    %shift_left3A_116 = arith.constant 6 : i32
    %shift_left3A_117 = vector.broadcast %shift_left3A_116 : i32 to vector<128x2048xi32>
    %shift_left3A_118 = arith.shli %xor3A_114, %shift_left3A_117 : vector<128x2048xi32>
    %shift_right_logical3A_119 = arith.constant 26 : i32
    %shift_right_logical3A_120 = vector.broadcast %shift_right_logical3A_119 : i32 to vector<128x2048xi32>
    %shift_right_logical3A_121 = arith.shrui %xor3A_114, %shift_right_logical3A_120 : vector<128x2048xi32>
    %or3A_122 = arith.ori %shift_left3A_118, %shift_right_logical3A_121 : vector<128x2048xi32>
    %xor3A_123 = arith.xori %or3A_122, %add3A_115 : vector<128x2048xi32>
    %add3A_124 = arith.constant 928981903 : i32
    %add3A_125 = vector.broadcast %add3A_124 : i32 to vector<128x2048xi32>
    %add3A_126 = arith.addi %add3A_115, %add3A_125 : vector<128x2048xi32>
    %add3A_127 = arith.constant -841280224 : i32
    %add3A_128 = vector.broadcast %add3A_127 : i32 to vector<128x2048xi32>
    %add3A_129 = arith.addi %xor3A_123, %add3A_128 : vector<128x2048xi32>
    %add3A_130 = arith.addi %add3A_126, %add3A_129 : vector<128x2048xi32>
    %shift_left3A_131 = arith.constant 17 : i32
    %shift_left3A_132 = vector.broadcast %shift_left3A_131 : i32 to vector<128x2048xi32>
    %shift_left3A_133 = arith.shli %add3A_129, %shift_left3A_132 : vector<128x2048xi32>
    %shift_right_logical3A_134 = arith.constant 15 : i32
    %shift_right_logical3A_135 = vector.broadcast %shift_right_logical3A_134 : i32 to vector<128x2048xi32>
    %shift_right_logical3A_136 = arith.shrui %add3A_129, %shift_right_logical3A_135 : vector<128x2048xi32>
    %or3A_137 = arith.ori %shift_left3A_133, %shift_right_logical3A_136 : vector<128x2048xi32>
    %xor3A_138 = arith.xori %or3A_137, %add3A_130 : vector<128x2048xi32>
    %add3A_139 = arith.addi %add3A_130, %xor3A_138 : vector<128x2048xi32>
    %shift_left3A_140 = arith.constant 29 : i32
    %shift_left3A_141 = vector.broadcast %shift_left3A_140 : i32 to vector<128x2048xi32>
    %shift_left3A_142 = arith.shli %xor3A_138, %shift_left3A_141 : vector<128x2048xi32>
    %shift_right_logical3A_143 = arith.constant 3 : i32
    %shift_right_logical3A_144 = vector.broadcast %shift_right_logical3A_143 : i32 to vector<128x2048xi32>
    %shift_right_logical3A_145 = arith.shrui %xor3A_138, %shift_right_logical3A_144 : vector<128x2048xi32>
    %or3A_146 = arith.ori %shift_left3A_142, %shift_right_logical3A_145 : vector<128x2048xi32>
    %xor3A_147 = arith.xori %or3A_146, %add3A_139 : vector<128x2048xi32>
    %add3A_148 = arith.addi %add3A_139, %xor3A_147 : vector<128x2048xi32>
    %shift_left3A_149 = arith.constant 16 : i32
    %shift_left3A_150 = vector.broadcast %shift_left3A_149 : i32 to vector<128x2048xi32>
    %shift_left3A_151 = arith.shli %xor3A_147, %shift_left3A_150 : vector<128x2048xi32>
    %shift_right_logical3A_152 = arith.constant 16 : i32
    %shift_right_logical3A_153 = vector.broadcast %shift_right_logical3A_152 : i32 to vector<128x2048xi32>
    %shift_right_logical3A_154 = arith.shrui %xor3A_147, %shift_right_logical3A_153 : vector<128x2048xi32>
    %or3A_155 = arith.ori %shift_left3A_151, %shift_right_logical3A_154 : vector<128x2048xi32>
    %xor3A_156 = arith.xori %or3A_155, %add3A_148 : vector<128x2048xi32>
    %add3A_157 = arith.addi %add3A_148, %xor3A_156 : vector<128x2048xi32>
    %shift_left3A_158 = arith.constant 24 : i32
    %shift_left3A_159 = vector.broadcast %shift_left3A_158 : i32 to vector<128x2048xi32>
    %shift_left3A_160 = arith.shli %xor3A_156, %shift_left3A_159 : vector<128x2048xi32>
    %shift_right_logical3A_161 = arith.constant 8 : i32
    %shift_right_logical3A_162 = vector.broadcast %shift_right_logical3A_161 : i32 to vector<128x2048xi32>
    %shift_right_logical3A_163 = arith.shrui %xor3A_156, %shift_right_logical3A_162 : vector<128x2048xi32>
    %or3A_164 = arith.ori %shift_left3A_160, %shift_right_logical3A_163 : vector<128x2048xi32>
    %xor3A_165 = arith.xori %or3A_164, %add3A_157 : vector<128x2048xi32>
    %add3A_166 = arith.constant -841280227 : i32
    %add3A_167 = vector.broadcast %add3A_166 : i32 to vector<128x2048xi32>
    %add3A_168 = arith.addi %add3A_157, %add3A_167 : vector<128x2048xi32>
    %add3A_169 = arith.constant -514511540 : i32
    %add3A_170 = vector.broadcast %add3A_169 : i32 to vector<128x2048xi32>
    %add3A_171 = arith.addi %xor3A_165, %add3A_170 : vector<128x2048xi32>
    %add3A_172 = arith.addi %add3A_168, %add3A_171 : vector<128x2048xi32>
    %shift_left3A_173 = arith.constant 13 : i32
    %shift_left3A_174 = vector.broadcast %shift_left3A_173 : i32 to vector<128x2048xi32>
    %shift_left3A_175 = arith.shli %add3A_171, %shift_left3A_174 : vector<128x2048xi32>
    %shift_right_logical3A_176 = arith.constant 19 : i32
    %shift_right_logical3A_177 = vector.broadcast %shift_right_logical3A_176 : i32 to vector<128x2048xi32>
    %shift_right_logical3A_178 = arith.shrui %add3A_171, %shift_right_logical3A_177 : vector<128x2048xi32>
    %or3A_179 = arith.ori %shift_left3A_175, %shift_right_logical3A_178 : vector<128x2048xi32>
    %xor3A_180 = arith.xori %or3A_179, %add3A_172 : vector<128x2048xi32>
    %add3A_181 = arith.addi %add3A_172, %xor3A_180 : vector<128x2048xi32>
    %shift_left3A_182 = arith.constant 15 : i32
    %shift_left3A_183 = vector.broadcast %shift_left3A_182 : i32 to vector<128x2048xi32>
    %shift_left3A_184 = arith.shli %xor3A_180, %shift_left3A_183 : vector<128x2048xi32>
    %shift_right_logical3A_185 = arith.constant 17 : i32
    %shift_right_logical3A_186 = vector.broadcast %shift_right_logical3A_185 : i32 to vector<128x2048xi32>
    %shift_right_logical3A_187 = arith.shrui %xor3A_180, %shift_right_logical3A_186 : vector<128x2048xi32>
    %or3A_188 = arith.ori %shift_left3A_184, %shift_right_logical3A_187 : vector<128x2048xi32>
    %xor3A_189 = arith.xori %or3A_188, %add3A_181 : vector<128x2048xi32>
    %add3A_190 = arith.addi %add3A_181, %xor3A_189 : vector<128x2048xi32>
    %shift_left3A_191 = arith.constant 26 : i32
    %shift_left3A_192 = vector.broadcast %shift_left3A_191 : i32 to vector<128x2048xi32>
    %shift_left3A_193 = arith.shli %xor3A_189, %shift_left3A_192 : vector<128x2048xi32>
    %shift_right_logical3A_194 = arith.constant 6 : i32
    %shift_right_logical3A_195 = vector.broadcast %shift_right_logical3A_194 : i32 to vector<128x2048xi32>
    %shift_right_logical3A_196 = arith.shrui %xor3A_189, %shift_right_logical3A_195 : vector<128x2048xi32>
    %or3A_197 = arith.ori %shift_left3A_193, %shift_right_logical3A_196 : vector<128x2048xi32>
    %xor3A_198 = arith.xori %or3A_197, %add3A_190 : vector<128x2048xi32>
    %add3A_199 = arith.addi %add3A_190, %xor3A_198 : vector<128x2048xi32>
    %shift_left3A_200 = arith.constant 6 : i32
    %shift_left3A_201 = vector.broadcast %shift_left3A_200 : i32 to vector<128x2048xi32>
    %shift_left3A_202 = arith.shli %xor3A_198, %shift_left3A_201 : vector<128x2048xi32>
    %shift_right_logical3A_203 = arith.constant 26 : i32
    %shift_right_logical3A_204 = vector.broadcast %shift_right_logical3A_203 : i32 to vector<128x2048xi32>
    %shift_right_logical3A_205 = arith.shrui %xor3A_198, %shift_right_logical3A_204 : vector<128x2048xi32>
    %or3A_206 = arith.ori %shift_left3A_202, %shift_right_logical3A_205 : vector<128x2048xi32>
    %xor3A_207 = arith.xori %or3A_206, %add3A_199 : vector<128x2048xi32>
    %add3A_208 = arith.constant -514511544 : i32
    %add3A_209 = vector.broadcast %add3A_208 : i32 to vector<128x2048xi32>
    %add3A_210 = arith.addi %add3A_199, %add3A_209 : vector<128x2048xi32>
    %add3A_211 = arith.constant 928981908 : i32
    %add3A_212 = vector.broadcast %add3A_211 : i32 to vector<128x2048xi32>
    %add3A_213 = arith.addi %xor3A_207, %add3A_212 : vector<128x2048xi32>
    %xor3A_214 = arith.xori %add3A_210, %add3A_213 : vector<128x2048xi32>
    %shift_right_logical3A_215 = arith.constant 9 : i32
    %shift_right_logical3A_216 = vector.broadcast %shift_right_logical3A_215 : i32 to vector<128x2048xi32>
    %shift_right_logical3A_217 = arith.shrui %xor3A_214, %shift_right_logical3A_216 : vector<128x2048xi32>
    %or3A_218 = arith.constant 1065353216 : i32
    %or3A_219 = vector.broadcast %or3A_218 : i32 to vector<128x2048xi32>
    %or3A_220 = arith.ori %shift_right_logical3A_217, %or3A_219 : vector<128x2048xi32>
    %bitcast3A = tpu.bitcast %or3A_220 : vector<128x2048xi32> -> vector<128x2048xf32>
    %sub3A = arith.constant 1.000000e+00 : f32
    %sub3A_221 = vector.broadcast %sub3A : f32 to vector<128x2048xf32>
    %sub3A_222 = arith.subf %bitcast3A, %sub3A_221 : vector<128x2048xf32>
    %add3A_223 = arith.constant 1.17549435E-38 : f32
    %add3A_224 = vector.broadcast %add3A_223 : f32 to vector<128x2048xf32>
    %add3A_225 = arith.addf %sub3A_222, %add3A_224 : vector<128x2048xf32>
    %log3A = math.log %add3A_225 : vector<128x2048xf32>
    %neg3A = arith.constant 0.000000e+00 : f32
    %neg3A_226 = vector.broadcast %neg3A : f32 to vector<128x2048xf32>
    %neg3A_227 = arith.subf %neg3A_226, %log3A : vector<128x2048xf32>
    %log3A_228 = math.log %neg3A_227 : vector<128x2048xf32>
    %neg3A_229 = arith.constant 0.000000e+00 : f32
    %neg3A_230 = vector.broadcast %neg3A_229 : f32 to vector<128x2048xf32>
    %neg3A_231 = arith.subf %neg3A_230, %log3A_228 : vector<128x2048xf32>
    %iota3A = tpu.iota {dimensions = array<i32: 1>} : vector<128x2048xi32>
    %mul3A_232 = arith.constant 2048 : i32
    %mul3A_233 = arith.muli %arg0, %mul3A_232 : i32
    %add3A_234 = vector.broadcast %mul3A_233 : i32 to vector<128x2048xi32>
    %add3A_235 = arith.addi %iota3A, %add3A_234 : vector<128x2048xi32>
    %get3A_236 = arith.constant 0 : index
    %get3A_237 = arith.constant 0 : index
    %get3A_238 = vector.load %arg7[%get3A_236, %get3A_237] : memref<128x128xf32, #tpu.memory_space<vmem>>, vector<128x128xf32>
    %get3A_239 = arith.constant 0 : index
    %get3A_240 = arith.constant 0 : index
    %get3A_241 = vector.load %arg4[%get3A_239, %get3A_240] : memref<128x128xf32, #tpu.memory_space<vmem>>, vector<128x128xf32>
    %get3A_242 = arith.constant 0 : index
    %get3A_243 = arith.constant 0 : index
    %get3A_244 = vector.load %arg5[%get3A_242, %get3A_243] : memref<128x128xi32, #tpu.memory_space<vmem>>, vector<128x128xi32>
    %get3A_245 = arith.constant 0 : index
    %get3A_246 = arith.constant 0 : index
    %get3A_247 = vector.load %arg1[%get3A_245, %get3A_246] : memref<2048x128xf32, #tpu.memory_space<vmem>>, vector<128x128xf32>
    %dot_general3A = arith.constant dense<0.000000e+00> : vector<128x128xf32>
    %dot_general3A_248 = tpu.matmul %get3A_247, %get3A_238, %dot_general3A {dimension_numbers = #tpu.dot_dimension_numbers<[0], [0], [1], [1], [0, 1, 1, 1], [], []>, precision = #tpu.contract_precision<fp32>, transpose_lhs_hint = false} : vector<128x128xf32>, vector<128x128xf32>, vector<128x128xf32> -> vector<128x128xf32>
    %slice3A = vector.extract_strided_slice %neg3A_231 {offsets = [0, 0], sizes = [128, 128], strides = [1, 1]} : vector<128x2048xf32> to vector<128x128xf32>
    %add3A_249 = arith.addf %dot_general3A_248, %slice3A : vector<128x128xf32>
    %slice3A_250 = vector.extract_strided_slice %add3A_235 {offsets = [0, 0], sizes = [128, 128], strides = [1, 1]} : vector<128x2048xi32> to vector<128x128xi32>
    %gt3A = arith.cmpf ogt, %add3A_249, %get3A_241 : vector<128x128xf32>
    %select_n3A = arith.select %gt3A, %add3A_249, %get3A_241 : vector<128x128xi1>, vector<128x128xf32>
    %select_n3A_251 = arith.select %gt3A, %slice3A_250, %get3A_244 : vector<128x128xi1>, vector<128x128xi32>
    %get3A_252 = arith.constant 128 : index
    %get3A_253 = arith.constant 0 : index
    %get3A_254 = vector.load %arg1[%get3A_252, %get3A_253] : memref<2048x128xf32, #tpu.memory_space<vmem>>, vector<128x128xf32>
    %dot_general3A_255 = arith.constant dense<0.000000e+00> : vector<128x128xf32>
    %dot_general3A_256 = tpu.matmul %get3A_254, %get3A_238, %dot_general3A_255 {dimension_numbers = #tpu.dot_dimension_numbers<[0], [0], [1], [1], [0, 1, 1, 1], [], []>, precision = #tpu.contract_precision<fp32>, transpose_lhs_hint = false} : vector<128x128xf32>, vector<128x128xf32>, vector<128x128xf32> -> vector<128x128xf32>
    %slice3A_257 = vector.extract_strided_slice %neg3A_231 {offsets = [0, 128], sizes = [128, 128], strides = [1, 1]} : vector<128x2048xf32> to vector<128x128xf32>
    %add3A_258 = arith.addf %dot_general3A_256, %slice3A_257 : vector<128x128xf32>
    %slice3A_259 = vector.extract_strided_slice %add3A_235 {offsets = [0, 128], sizes = [128, 128], strides = [1, 1]} : vector<128x2048xi32> to vector<128x128xi32>
    %gt3A_260 = arith.cmpf ogt, %add3A_258, %select_n3A : vector<128x128xf32>
    %select_n3A_261 = arith.select %gt3A_260, %add3A_258, %select_n3A : vector<128x128xi1>, vector<128x128xf32>
    %select_n3A_262 = arith.select %gt3A_260, %slice3A_259, %select_n3A_251 : vector<128x128xi1>, vector<128x128xi32>
    %get3A_263 = arith.constant 256 : index
    %get3A_264 = arith.constant 0 : index
    %get3A_265 = vector.load %arg1[%get3A_263, %get3A_264] : memref<2048x128xf32, #tpu.memory_space<vmem>>, vector<128x128xf32>
    %dot_general3A_266 = arith.constant dense<0.000000e+00> : vector<128x128xf32>
    %dot_general3A_267 = tpu.matmul %get3A_265, %get3A_238, %dot_general3A_266 {dimension_numbers = #tpu.dot_dimension_numbers<[0], [0], [1], [1], [0, 1, 1, 1], [], []>, precision = #tpu.contract_precision<fp32>, transpose_lhs_hint = false} : vector<128x128xf32>, vector<128x128xf32>, vector<128x128xf32> -> vector<128x128xf32>
    %slice3A_268 = vector.extract_strided_slice %neg3A_231 {offsets = [0, 256], sizes = [128, 128], strides = [1, 1]} : vector<128x2048xf32> to vector<128x128xf32>
    %add3A_269 = arith.addf %dot_general3A_267, %slice3A_268 : vector<128x128xf32>
    %slice3A_270 = vector.extract_strided_slice %add3A_235 {offsets = [0, 256], sizes = [128, 128], strides = [1, 1]} : vector<128x2048xi32> to vector<128x128xi32>
    %gt3A_271 = arith.cmpf ogt, %add3A_269, %select_n3A_261 : vector<128x128xf32>
    %select_n3A_272 = arith.select %gt3A_271, %add3A_269, %select_n3A_261 : vector<128x128xi1>, vector<128x128xf32>
    %select_n3A_273 = arith.select %gt3A_271, %slice3A_270, %select_n3A_262 : vector<128x128xi1>, vector<128x128xi32>
    %get3A_274 = arith.constant 384 : index
    %get3A_275 = arith.constant 0 : index
    %get3A_276 = vector.load %arg1[%get3A_274, %get3A_275] : memref<2048x128xf32, #tpu.memory_space<vmem>>, vector<128x128xf32>
    %dot_general3A_277 = arith.constant dense<0.000000e+00> : vector<128x128xf32>
    %dot_general3A_278 = tpu.matmul %get3A_276, %get3A_238, %dot_general3A_277 {dimension_numbers = #tpu.dot_dimension_numbers<[0], [0], [1], [1], [0, 1, 1, 1], [], []>, precision = #tpu.contract_precision<fp32>, transpose_lhs_hint = false} : vector<128x128xf32>, vector<128x128xf32>, vector<128x128xf32> -> vector<128x128xf32>
    %slice3A_279 = vector.extract_strided_slice %neg3A_231 {offsets = [0, 384], sizes = [128, 128], strides = [1, 1]} : vector<128x2048xf32> to vector<128x128xf32>
    %add3A_280 = arith.addf %dot_general3A_278, %slice3A_279 : vector<128x128xf32>
    %slice3A_281 = vector.extract_strided_slice %add3A_235 {offsets = [0, 384], sizes = [128, 128], strides = [1, 1]} : vector<128x2048xi32> to vector<128x128xi32>
    %gt3A_282 = arith.cmpf ogt, %add3A_280, %select_n3A_272 : vector<128x128xf32>
    %select_n3A_283 = arith.select %gt3A_282, %add3A_280, %select_n3A_272 : vector<128x128xi1>, vector<128x128xf32>
    %select_n3A_284 = arith.select %gt3A_282, %slice3A_281, %select_n3A_273 : vector<128x128xi1>, vector<128x128xi32>
    %get3A_285 = arith.constant 512 : index
    %get3A_286 = arith.constant 0 : index
    %get3A_287 = vector.load %arg1[%get3A_285, %get3A_286] : memref<2048x128xf32, #tpu.memory_space<vmem>>, vector<128x128xf32>
    %dot_general3A_288 = arith.constant dense<0.000000e+00> : vector<128x128xf32>
    %dot_general3A_289 = tpu.matmul %get3A_287, %get3A_238, %dot_general3A_288 {dimension_numbers = #tpu.dot_dimension_numbers<[0], [0], [1], [1], [0, 1, 1, 1], [], []>, precision = #tpu.contract_precision<fp32>, transpose_lhs_hint = false} : vector<128x128xf32>, vector<128x128xf32>, vector<128x128xf32> -> vector<128x128xf32>
    %slice3A_290 = vector.extract_strided_slice %neg3A_231 {offsets = [0, 512], sizes = [128, 128], strides = [1, 1]} : vector<128x2048xf32> to vector<128x128xf32>
    %add3A_291 = arith.addf %dot_general3A_289, %slice3A_290 : vector<128x128xf32>
    %slice3A_292 = vector.extract_strided_slice %add3A_235 {offsets = [0, 512], sizes = [128, 128], strides = [1, 1]} : vector<128x2048xi32> to vector<128x128xi32>
    %gt3A_293 = arith.cmpf ogt, %add3A_291, %select_n3A_283 : vector<128x128xf32>
    %select_n3A_294 = arith.select %gt3A_293, %add3A_291, %select_n3A_283 : vector<128x128xi1>, vector<128x128xf32>
    %select_n3A_295 = arith.select %gt3A_293, %slice3A_292, %select_n3A_284 : vector<128x128xi1>, vector<128x128xi32>
    %get3A_296 = arith.constant 640 : index
    %get3A_297 = arith.constant 0 : index
    %get3A_298 = vector.load %arg1[%get3A_296, %get3A_297] : memref<2048x128xf32, #tpu.memory_space<vmem>>, vector<128x128xf32>
    %dot_general3A_299 = arith.constant dense<0.000000e+00> : vector<128x128xf32>
    %dot_general3A_300 = tpu.matmul %get3A_298, %get3A_238, %dot_general3A_299 {dimension_numbers = #tpu.dot_dimension_numbers<[0], [0], [1], [1], [0, 1, 1, 1], [], []>, precision = #tpu.contract_precision<fp32>, transpose_lhs_hint = false} : vector<128x128xf32>, vector<128x128xf32>, vector<128x128xf32> -> vector<128x128xf32>
    %slice3A_301 = vector.extract_strided_slice %neg3A_231 {offsets = [0, 640], sizes = [128, 128], strides = [1, 1]} : vector<128x2048xf32> to vector<128x128xf32>
    %add3A_302 = arith.addf %dot_general3A_300, %slice3A_301 : vector<128x128xf32>
    %slice3A_303 = vector.extract_strided_slice %add3A_235 {offsets = [0, 640], sizes = [128, 128], strides = [1, 1]} : vector<128x2048xi32> to vector<128x128xi32>
    %gt3A_304 = arith.cmpf ogt, %add3A_302, %select_n3A_294 : vector<128x128xf32>
    %select_n3A_305 = arith.select %gt3A_304, %add3A_302, %select_n3A_294 : vector<128x128xi1>, vector<128x128xf32>
    %select_n3A_306 = arith.select %gt3A_304, %slice3A_303, %select_n3A_295 : vector<128x128xi1>, vector<128x128xi32>
    %get3A_307 = arith.constant 768 : index
    %get3A_308 = arith.constant 0 : index
    %get3A_309 = vector.load %arg1[%get3A_307, %get3A_308] : memref<2048x128xf32, #tpu.memory_space<vmem>>, vector<128x128xf32>
    %dot_general3A_310 = arith.constant dense<0.000000e+00> : vector<128x128xf32>
    %dot_general3A_311 = tpu.matmul %get3A_309, %get3A_238, %dot_general3A_310 {dimension_numbers = #tpu.dot_dimension_numbers<[0], [0], [1], [1], [0, 1, 1, 1], [], []>, precision = #tpu.contract_precision<fp32>, transpose_lhs_hint = false} : vector<128x128xf32>, vector<128x128xf32>, vector<128x128xf32> -> vector<128x128xf32>
    %slice3A_312 = vector.extract_strided_slice %neg3A_231 {offsets = [0, 768], sizes = [128, 128], strides = [1, 1]} : vector<128x2048xf32> to vector<128x128xf32>
    %add3A_313 = arith.addf %dot_general3A_311, %slice3A_312 : vector<128x128xf32>
    %slice3A_314 = vector.extract_strided_slice %add3A_235 {offsets = [0, 768], sizes = [128, 128], strides = [1, 1]} : vector<128x2048xi32> to vector<128x128xi32>
    %gt3A_315 = arith.cmpf ogt, %add3A_313, %select_n3A_305 : vector<128x128xf32>
    %select_n3A_316 = arith.select %gt3A_315, %add3A_313, %select_n3A_305 : vector<128x128xi1>, vector<128x128xf32>
    %select_n3A_317 = arith.select %gt3A_315, %slice3A_314, %select_n3A_306 : vector<128x128xi1>, vector<128x128xi32>
    %get3A_318 = arith.constant 896 : index
    %get3A_319 = arith.constant 0 : index
    %get3A_320 = vector.load %arg1[%get3A_318, %get3A_319] : memref<2048x128xf32, #tpu.memory_space<vmem>>, vector<128x128xf32>
    %dot_general3A_321 = arith.constant dense<0.000000e+00> : vector<128x128xf32>
    %dot_general3A_322 = tpu.matmul %get3A_320, %get3A_238, %dot_general3A_321 {dimension_numbers = #tpu.dot_dimension_numbers<[0], [0], [1], [1], [0, 1, 1, 1], [], []>, precision = #tpu.contract_precision<fp32>, transpose_lhs_hint = false} : vector<128x128xf32>, vector<128x128xf32>, vector<128x128xf32> -> vector<128x128xf32>
    %slice3A_323 = vector.extract_strided_slice %neg3A_231 {offsets = [0, 896], sizes = [128, 128], strides = [1, 1]} : vector<128x2048xf32> to vector<128x128xf32>
    %add3A_324 = arith.addf %dot_general3A_322, %slice3A_323 : vector<128x128xf32>
    %slice3A_325 = vector.extract_strided_slice %add3A_235 {offsets = [0, 896], sizes = [128, 128], strides = [1, 1]} : vector<128x2048xi32> to vector<128x128xi32>
    %gt3A_326 = arith.cmpf ogt, %add3A_324, %select_n3A_316 : vector<128x128xf32>
    %select_n3A_327 = arith.select %gt3A_326, %add3A_324, %select_n3A_316 : vector<128x128xi1>, vector<128x128xf32>
    %select_n3A_328 = arith.select %gt3A_326, %slice3A_325, %select_n3A_317 : vector<128x128xi1>, vector<128x128xi32>
    %get3A_329 = arith.constant 1024 : index
    %get3A_330 = arith.constant 0 : index
    %get3A_331 = vector.load %arg1[%get3A_329, %get3A_330] : memref<2048x128xf32, #tpu.memory_space<vmem>>, vector<128x128xf32>
    %dot_general3A_332 = arith.constant dense<0.000000e+00> : vector<128x128xf32>
    %dot_general3A_333 = tpu.matmul %get3A_331, %get3A_238, %dot_general3A_332 {dimension_numbers = #tpu.dot_dimension_numbers<[0], [0], [1], [1], [0, 1, 1, 1], [], []>, precision = #tpu.contract_precision<fp32>, transpose_lhs_hint = false} : vector<128x128xf32>, vector<128x128xf32>, vector<128x128xf32> -> vector<128x128xf32>
    %slice3A_334 = vector.extract_strided_slice %neg3A_231 {offsets = [0, 1024], sizes = [128, 128], strides = [1, 1]} : vector<128x2048xf32> to vector<128x128xf32>
    %add3A_335 = arith.addf %dot_general3A_333, %slice3A_334 : vector<128x128xf32>
    %slice3A_336 = vector.extract_strided_slice %add3A_235 {offsets = [0, 1024], sizes = [128, 128], strides = [1, 1]} : vector<128x2048xi32> to vector<128x128xi32>
    %gt3A_337 = arith.cmpf ogt, %add3A_335, %select_n3A_327 : vector<128x128xf32>
    %select_n3A_338 = arith.select %gt3A_337, %add3A_335, %select_n3A_327 : vector<128x128xi1>, vector<128x128xf32>
    %select_n3A_339 = arith.select %gt3A_337, %slice3A_336, %select_n3A_328 : vector<128x128xi1>, vector<128x128xi32>
    %get3A_340 = arith.constant 1152 : index
    %get3A_341 = arith.constant 0 : index
    %get3A_342 = vector.load %arg1[%get3A_340, %get3A_341] : memref<2048x128xf32, #tpu.memory_space<vmem>>, vector<128x128xf32>
    %dot_general3A_343 = arith.constant dense<0.000000e+00> : vector<128x128xf32>
    %dot_general3A_344 = tpu.matmul %get3A_342, %get3A_238, %dot_general3A_343 {dimension_numbers = #tpu.dot_dimension_numbers<[0], [0], [1], [1], [0, 1, 1, 1], [], []>, precision = #tpu.contract_precision<fp32>, transpose_lhs_hint = false} : vector<128x128xf32>, vector<128x128xf32>, vector<128x128xf32> -> vector<128x128xf32>
    %slice3A_345 = vector.extract_strided_slice %neg3A_231 {offsets = [0, 1152], sizes = [128, 128], strides = [1, 1]} : vector<128x2048xf32> to vector<128x128xf32>
    %add3A_346 = arith.addf %dot_general3A_344, %slice3A_345 : vector<128x128xf32>
    %slice3A_347 = vector.extract_strided_slice %add3A_235 {offsets = [0, 1152], sizes = [128, 128], strides = [1, 1]} : vector<128x2048xi32> to vector<128x128xi32>
    %gt3A_348 = arith.cmpf ogt, %add3A_346, %select_n3A_338 : vector<128x128xf32>
    %select_n3A_349 = arith.select %gt3A_348, %add3A_346, %select_n3A_338 : vector<128x128xi1>, vector<128x128xf32>
    %select_n3A_350 = arith.select %gt3A_348, %slice3A_347, %select_n3A_339 : vector<128x128xi1>, vector<128x128xi32>
    %get3A_351 = arith.constant 1280 : index
    %get3A_352 = arith.constant 0 : index
    %get3A_353 = vector.load %arg1[%get3A_351, %get3A_352] : memref<2048x128xf32, #tpu.memory_space<vmem>>, vector<128x128xf32>
    %dot_general3A_354 = arith.constant dense<0.000000e+00> : vector<128x128xf32>
    %dot_general3A_355 = tpu.matmul %get3A_353, %get3A_238, %dot_general3A_354 {dimension_numbers = #tpu.dot_dimension_numbers<[0], [0], [1], [1], [0, 1, 1, 1], [], []>, precision = #tpu.contract_precision<fp32>, transpose_lhs_hint = false} : vector<128x128xf32>, vector<128x128xf32>, vector<128x128xf32> -> vector<128x128xf32>
    %slice3A_356 = vector.extract_strided_slice %neg3A_231 {offsets = [0, 1280], sizes = [128, 128], strides = [1, 1]} : vector<128x2048xf32> to vector<128x128xf32>
    %add3A_357 = arith.addf %dot_general3A_355, %slice3A_356 : vector<128x128xf32>
    %slice3A_358 = vector.extract_strided_slice %add3A_235 {offsets = [0, 1280], sizes = [128, 128], strides = [1, 1]} : vector<128x2048xi32> to vector<128x128xi32>
    %gt3A_359 = arith.cmpf ogt, %add3A_357, %select_n3A_349 : vector<128x128xf32>
    %select_n3A_360 = arith.select %gt3A_359, %add3A_357, %select_n3A_349 : vector<128x128xi1>, vector<128x128xf32>
    %select_n3A_361 = arith.select %gt3A_359, %slice3A_358, %select_n3A_350 : vector<128x128xi1>, vector<128x128xi32>
    %get3A_362 = arith.constant 1408 : index
    %get3A_363 = arith.constant 0 : index
    %get3A_364 = vector.load %arg1[%get3A_362, %get3A_363] : memref<2048x128xf32, #tpu.memory_space<vmem>>, vector<128x128xf32>
    %dot_general3A_365 = arith.constant dense<0.000000e+00> : vector<128x128xf32>
    %dot_general3A_366 = tpu.matmul %get3A_364, %get3A_238, %dot_general3A_365 {dimension_numbers = #tpu.dot_dimension_numbers<[0], [0], [1], [1], [0, 1, 1, 1], [], []>, precision = #tpu.contract_precision<fp32>, transpose_lhs_hint = false} : vector<128x128xf32>, vector<128x128xf32>, vector<128x128xf32> -> vector<128x128xf32>
    %slice3A_367 = vector.extract_strided_slice %neg3A_231 {offsets = [0, 1408], sizes = [128, 128], strides = [1, 1]} : vector<128x2048xf32> to vector<128x128xf32>
    %add3A_368 = arith.addf %dot_general3A_366, %slice3A_367 : vector<128x128xf32>
    %slice3A_369 = vector.extract_strided_slice %add3A_235 {offsets = [0, 1408], sizes = [128, 128], strides = [1, 1]} : vector<128x2048xi32> to vector<128x128xi32>
    %gt3A_370 = arith.cmpf ogt, %add3A_368, %select_n3A_360 : vector<128x128xf32>
    %select_n3A_371 = arith.select %gt3A_370, %add3A_368, %select_n3A_360 : vector<128x128xi1>, vector<128x128xf32>
    %select_n3A_372 = arith.select %gt3A_370, %slice3A_369, %select_n3A_361 : vector<128x128xi1>, vector<128x128xi32>
    %get3A_373 = arith.constant 1536 : index
    %get3A_374 = arith.constant 0 : index
    %get3A_375 = vector.load %arg1[%get3A_373, %get3A_374] : memref<2048x128xf32, #tpu.memory_space<vmem>>, vector<128x128xf32>
    %dot_general3A_376 = arith.constant dense<0.000000e+00> : vector<128x128xf32>
    %dot_general3A_377 = tpu.matmul %get3A_375, %get3A_238, %dot_general3A_376 {dimension_numbers = #tpu.dot_dimension_numbers<[0], [0], [1], [1], [0, 1, 1, 1], [], []>, precision = #tpu.contract_precision<fp32>, transpose_lhs_hint = false} : vector<128x128xf32>, vector<128x128xf32>, vector<128x128xf32> -> vector<128x128xf32>
    %slice3A_378 = vector.extract_strided_slice %neg3A_231 {offsets = [0, 1536], sizes = [128, 128], strides = [1, 1]} : vector<128x2048xf32> to vector<128x128xf32>
    %add3A_379 = arith.addf %dot_general3A_377, %slice3A_378 : vector<128x128xf32>
    %slice3A_380 = vector.extract_strided_slice %add3A_235 {offsets = [0, 1536], sizes = [128, 128], strides = [1, 1]} : vector<128x2048xi32> to vector<128x128xi32>
    %gt3A_381 = arith.cmpf ogt, %add3A_379, %select_n3A_371 : vector<128x128xf32>
    %select_n3A_382 = arith.select %gt3A_381, %add3A_379, %select_n3A_371 : vector<128x128xi1>, vector<128x128xf32>
    %select_n3A_383 = arith.select %gt3A_381, %slice3A_380, %select_n3A_372 : vector<128x128xi1>, vector<128x128xi32>
    %get3A_384 = arith.constant 1664 : index
    %get3A_385 = arith.constant 0 : index
    %get3A_386 = vector.load %arg1[%get3A_384, %get3A_385] : memref<2048x128xf32, #tpu.memory_space<vmem>>, vector<128x128xf32>
    %dot_general3A_387 = arith.constant dense<0.000000e+00> : vector<128x128xf32>
    %dot_general3A_388 = tpu.matmul %get3A_386, %get3A_238, %dot_general3A_387 {dimension_numbers = #tpu.dot_dimension_numbers<[0], [0], [1], [1], [0, 1, 1, 1], [], []>, precision = #tpu.contract_precision<fp32>, transpose_lhs_hint = false} : vector<128x128xf32>, vector<128x128xf32>, vector<128x128xf32> -> vector<128x128xf32>
    %slice3A_389 = vector.extract_strided_slice %neg3A_231 {offsets = [0, 1664], sizes = [128, 128], strides = [1, 1]} : vector<128x2048xf32> to vector<128x128xf32>
    %add3A_390 = arith.addf %dot_general3A_388, %slice3A_389 : vector<128x128xf32>
    %slice3A_391 = vector.extract_strided_slice %add3A_235 {offsets = [0, 1664], sizes = [128, 128], strides = [1, 1]} : vector<128x2048xi32> to vector<128x128xi32>
    %gt3A_392 = arith.cmpf ogt, %add3A_390, %select_n3A_382 : vector<128x128xf32>
    %select_n3A_393 = arith.select %gt3A_392, %add3A_390, %select_n3A_382 : vector<128x128xi1>, vector<128x128xf32>
    %select_n3A_394 = arith.select %gt3A_392, %slice3A_391, %select_n3A_383 : vector<128x128xi1>, vector<128x128xi32>
    %get3A_395 = arith.constant 1792 : index
    %get3A_396 = arith.constant 0 : index
    %get3A_397 = vector.load %arg1[%get3A_395, %get3A_396] : memref<2048x128xf32, #tpu.memory_space<vmem>>, vector<128x128xf32>
    %dot_general3A_398 = arith.constant dense<0.000000e+00> : vector<128x128xf32>
    %dot_general3A_399 = tpu.matmul %get3A_397, %get3A_238, %dot_general3A_398 {dimension_numbers = #tpu.dot_dimension_numbers<[0], [0], [1], [1], [0, 1, 1, 1], [], []>, precision = #tpu.contract_precision<fp32>, transpose_lhs_hint = false} : vector<128x128xf32>, vector<128x128xf32>, vector<128x128xf32> -> vector<128x128xf32>
    %slice3A_400 = vector.extract_strided_slice %neg3A_231 {offsets = [0, 1792], sizes = [128, 128], strides = [1, 1]} : vector<128x2048xf32> to vector<128x128xf32>
    %add3A_401 = arith.addf %dot_general3A_399, %slice3A_400 : vector<128x128xf32>
    %slice3A_402 = vector.extract_strided_slice %add3A_235 {offsets = [0, 1792], sizes = [128, 128], strides = [1, 1]} : vector<128x2048xi32> to vector<128x128xi32>
    %gt3A_403 = arith.cmpf ogt, %add3A_401, %select_n3A_393 : vector<128x128xf32>
    %select_n3A_404 = arith.select %gt3A_403, %add3A_401, %select_n3A_393 : vector<128x128xi1>, vector<128x128xf32>
    %select_n3A_405 = arith.select %gt3A_403, %slice3A_402, %select_n3A_394 : vector<128x128xi1>, vector<128x128xi32>
    %get3A_406 = arith.constant 1920 : index
    %get3A_407 = arith.constant 0 : index
    %get3A_408 = vector.load %arg1[%get3A_406, %get3A_407] : memref<2048x128xf32, #tpu.memory_space<vmem>>, vector<128x128xf32>
    %dot_general3A_409 = arith.constant dense<0.000000e+00> : vector<128x128xf32>
    %dot_general3A_410 = tpu.matmul %get3A_408, %get3A_238, %dot_general3A_409 {dimension_numbers = #tpu.dot_dimension_numbers<[0], [0], [1], [1], [0, 1, 1, 1], [], []>, precision = #tpu.contract_precision<fp32>, transpose_lhs_hint = false} : vector<128x128xf32>, vector<128x128xf32>, vector<128x128xf32> -> vector<128x128xf32>
    %slice3A_411 = vector.extract_strided_slice %neg3A_231 {offsets = [0, 1920], sizes = [128, 128], strides = [1, 1]} : vector<128x2048xf32> to vector<128x128xf32>
    %add3A_412 = arith.addf %dot_general3A_410, %slice3A_411 : vector<128x128xf32>
    %slice3A_413 = vector.extract_strided_slice %add3A_235 {offsets = [0, 1920], sizes = [128, 128], strides = [1, 1]} : vector<128x2048xi32> to vector<128x128xi32>
    %gt3A_414 = arith.cmpf ogt, %add3A_412, %select_n3A_404 : vector<128x128xf32>
    %select_n3A_415 = arith.select %gt3A_414, %add3A_412, %select_n3A_404 : vector<128x128xi1>, vector<128x128xf32>
    %select_n3A_416 = arith.select %gt3A_414, %slice3A_413, %select_n3A_405 : vector<128x128xi1>, vector<128x128xi32>
    %swap3A = arith.constant 0 : index
    %swap3A_417 = arith.constant 0 : index
    %swap3A_418 = vector.load %arg4[%swap3A, %swap3A_417] : memref<128x128xf32, #tpu.memory_space<vmem>>, vector<128x128xf32>
    tpu.vector_store %arg4[%swap3A, %swap3A_417], %select_n3A_415 {strides = array<i32>} : memref<128x128xf32, #tpu.memory_space<vmem>>, vector<128x128xf32>,
    %swap3A_419 = arith.constant 0 : index
    %swap3A_420 = arith.constant 0 : index
    %swap3A_421 = vector.load %arg5[%swap3A_419, %swap3A_420] : memref<128x128xi32, #tpu.memory_space<vmem>>, vector<128x128xi32>
    tpu.vector_store %arg5[%swap3A_419, %swap3A_420], %select_n3A_416 {strides = array<i32>} : memref<128x128xi32, #tpu.memory_space<vmem>>, vector<128x128xi32>,
    %eq3A_422 = arith.constant 38 : i32
    %eq3A_423 = arith.cmpi eq, %arg0, %eq3A_422 : i32
    %convert_element_type3A_424 = arith.extui %eq3A_423 : i1 to i32
    %cond3A_425 = arith.constant 0 : i32
    %cond3A_426 = arith.cmpi ne, %convert_element_type3A_424, %cond3A_425 : i32
    scf.if %cond3A_426 {
      %get3A_427 = arith.constant 0 : index
      %get3A_428 = arith.constant 0 : index
      %get3A_429 = vector.load %arg4[%get3A_427, %get3A_428] : memref<128x128xf32, #tpu.memory_space<vmem>>, vector<128x128xf32>
      %get3A_430 = arith.constant 0 : index
      %get3A_431 = arith.constant 0 : index
      %get3A_432 = vector.load %arg5[%get3A_430, %get3A_431] : memref<128x128xi32, #tpu.memory_space<vmem>>, vector<128x128xi32>
      %reduce_max3A = arith.constant dense<0xFF800000> : vector<128xf32>
      %reduce_max3A_433 = vector.multi_reduction <maximumf>, %get3A_429, %reduce_max3A [1] : vector<128x128xf32> to vector<128xf32>
      %broadcast_in_dim3A = vector.shape_cast %reduce_max3A_433 : vector<128xf32> to vector<128x1xf32>
      %eq3A_434 = vector.broadcast %broadcast_in_dim3A : vector<128x1xf32> to vector<128x128xf32>
      %eq3A_435 = arith.cmpf oeq, %get3A_429, %eq3A_434 : vector<128x128xf32>
      %jit3A = arith.constant 2147483647 : i32
      %broadcast_in_dim3A_436 = vector.broadcast %jit3A : i32 to vector<128x128xi32>
      %select_n3A_437 = arith.select %eq3A_435, %get3A_432, %broadcast_in_dim3A_436 : vector<128x128xi1>, vector<128x128xi32>
      %reduce_min3A = arith.constant dense<2147483647> : vector<128xi32>
      %reduce_min3A_438 = vector.multi_reduction <minsi>, %select_n3A_437, %reduce_min3A [1] : vector<128x128xi32> to vector<128xi32>
      %broadcast_in_dim3A_439 = vector.shape_cast %reduce_min3A_438 : vector<128xi32> to vector<128x1xi32>
      %swap3A_440 = arith.constant 0 : index
      %swap3A_441 = arith.constant 0 : index
      %swap3A_442 = vector.load %arg2[%swap3A_440, %swap3A_441] : memref<128x1xi32, #tpu.memory_space<vmem>>, vector<128x1xi32>
      tpu.vector_store %arg2[%swap3A_440, %swap3A_441], %broadcast_in_dim3A_439 {strides = array<i32>} : memref<128x1xi32, #tpu.memory_space<vmem>>, vector<128x1xi32>,
      %swap3A_443 = arith.constant 0 : index
      %swap3A_444 = arith.constant 0 : index
      %swap3A_445 = vector.load %arg3[%swap3A_443, %swap3A_444] : memref<128x1xf32, #tpu.memory_space<vmem>>, vector<128x1xf32>
      tpu.vector_store %arg3[%swap3A_443, %swap3A_444], %broadcast_in_dim3A {strides = array<i32>} : memref<128x1xf32, #tpu.memory_space<vmem>>, vector<128x1xf32>,
    } else {
    }
    return
  }
  func.func @transform_0(%arg0: i32) -> (i32, i32) {
    %c0_i32 = arith.constant 0 : i32
    %c0_i32_0 = arith.constant 0 : i32
    return %arg0, %c0_i32 : i32, i32
  }
  func.func @transform_1(%arg0: i32) -> (i32, i32) {
    %c0_i32 = arith.constant 0 : i32
    %c0_i32_0 = arith.constant 0 : i32
    %c0_i32_1 = arith.constant 0 : i32
    return %c0_i32, %c0_i32_0 : i32, i32
  }
  func.func @transform_2(%arg0: i32) -> (i32, i32) {
    %c0_i32 = arith.constant 0 : i32
    %c0_i32_0 = arith.constant 0 : i32
    %c0_i32_1 = arith.constant 0 : i32
    return %c0_i32, %c0_i32_0 : i32, i32
  }
}

</mosaic_0001>

<sc_bundles>
// kernel: kernel.5.cloned.1.call-start
scs
__scs_entry_jumppad:
0x0: {  	(pc) =	sbr.rel $0x88, $3  }
0x1: {  	(tag) =	ssettag $0x0;
	lr =	simm.s32 $0x1  }
0x2: {  	[smem:$0x3FA0] =	sst lr;
	_ =	strace $0xD0000000  }
0x3: {  	_ = 	snop  }
0x4: {  	_ = 	snop  }
0x5: {  	_ = 	snop  }
0x6: {  	_ = 	snop  }
0x7: {  	_ = 	snop  }
__scs_overlays_trampoline_lowered:
0x8: {  	[smem:$0x3FAF] =	sst s0  }
0x9: {  	[smem:$0x3FB0] =	sst s1  }
0xa: {  	[smem:$0x3FB1] =	sst s2  }
0xb: {  	[smem:$0x3FB2] =	sst s3  }
0xc: {  	[smem:$0x3FB3] =	sst s4  }
0xd: {  	[smem:$0x3FB4] =	sst s5  }
0xe: {  	[smem:$0x3FB5] =	sst s6  }
0xf: {  	[smem:$0x3FB6] =	sst s7  }
0x10: {  	[smem:$0x3FB7] =	sst s8  }
0x11: {  	[smem:$0x3FB8] =	sst s9;
	s0 =	simm.s32 @!p0 $0x0  }
0x12: {  	s1 =	sld [smem:$0x3F9E];
	s0 =	simm.s32 @p0 $0x1  }
0x13: {  	[smem:$0x3FB9] =	sst s0;
	s0 =	simm.s32 @!p1 $0x0  }
0x14: {  	s2 =	sld [smem:$0x3F9D];
	s0 =	simm.s32 @p1 $0x1  }
0x15: {  	[smem:$0x3FBA] =	sst s0;
	s0 =	simm.s32 @!p2 $0x0  }
0x16: {  	s3 =	sld [smem:$0x3FDB];
	s0 =	simm.s32 @p2 $0x1  }
0x17: {  	s4 =	simm.s32 $0x1BF5;
	[smem:$0x3FBC] =	sst s0  }
0x18: {  	s0 =	sld [smem:$0x3F9F];
	_ =	swait.ge [sflag:s4], $0x0  }
0x19: {  	s7 =	sld [smem:$0x3FA0]  }
0x1a: {  	s8 =	sadd.s32 $0xFFFFE003, lr  }
0x1b: {  	s9 =	sadd.s32 $0xFFFFFEF7, lr;
	s5 =	simm.s32 $0xFFFFFFFF;
	p2 =	slt.u32 s8, $0xFFFFF086  }
0x1c: {  	p1 =	slt.u32 s9, $0xF7A;
	s5 =	simm.s32 @!p2 $0x0  }
0x1d: {  	s5 =	simm.s32 @p1 $0x1;
	p0 =	seq.s32 s7, s2  }
0x1e: {  	s7 =	smul.u32 @!p0 $0xF7A, s2;
	p2 =	seq.s32 @!p0 s5, $0x0  }
0x1f: {  	s9 =	smul.u32 $0xF7A, s1;
	s8 =	simm.s32 @!p0 $0x1BF5;
	p2 =	por !p2, p0  }
0x20: {  	[sflag:s8] =	ssyncset.s32 @!p0 $0xFFFFF086;
	s6 =	sadd.s32 @!p0 s3, s7;
	s7 =	simm.s32 @!p0 $0x108  }
0x21: {  	s3 =	sadd.s32 s3, s9;
	s6 =	sadd.s32 @!p0 $0x88, s6;
	s7 =	simm.s32 @p2 $0x1082  }
0x22: {  	[simem:s7], [sflag:s8] =	dma.local @!p0 [hbm:s6], $0xF7A  }
0x23: {  	s9 =	sor.u32 $0xD0000000, s2;
	s6 =	simm.s32 $0x108;
	_ =	swait.ge @!p0 [sflag:s8], $0x0  }
0x24: {  	s3 =	sadd.s32 $0x88, s3;
	s6 =	simm.s32 @!p1 $0x1082;
	[sflag:s4] =	ssyncset.s32 $0xFFFFF086  }
0x25: {  	[simem:s6], [sflag:s4] =	dma.local [hbm:s3], $0xF7A  }
0x26: {  	[smem:$0x3FA0] =	sst s1;
	(tag) =	ssettag s2;
	_ =	strace s9  }
0x27: {  	s1 =	sld [smem:$0x3FB0]  }
0x28: {  	s2 =	sld [smem:$0x3FB1]  }
0x29: {  	s4 =	sld [smem:$0x3FB3]  }
0x2a: {  	p0 =	seq.s32 s5, $0x0;
	s5 =	sld [smem:$0x3FB4]  }
0x2b: {  	s6 =	sld [smem:$0x3FB5]  }
0x2c: {  	s7 =	sld [smem:$0x3FB6]  }
0x2d: {  	s3 =	simm.s32 $0x108;
	s8 =	sld [smem:$0x3FB7]  }
0x2e: {  	s3 =	simm.s32 @!p0 $0x1082;
	s9 =	sld [smem:$0x3FB8]  }
0x2f: {  	lr =	sadd.s32 s0, s3;
	s0 =	sld [smem:$0x3FAF]  }
0x30: {  	s3 =	sld [smem:$0x3FB2]  }
0x31: {  	[smem:$0x3FBB] =	sst s10  }
0x32: {  	s10 =	sld [smem:$0x3FB9];
	_ =	sdelay $0x3  }
0x33: {  	p0 =	seq.s32 s10, $0x1;
	s10 =	sld [smem:$0x3FBB];
	_ =	sdelay $0x3  }
0x34: {  	[smem:$0x3FBB] =	sst s10  }
0x35: {  	s10 =	sld [smem:$0x3FBA];
	_ =	sdelay $0x3  }
0x36: {  	p1 =	seq.s32 s10, $0x1;
	s10 =	sld [smem:$0x3FBB];
	_ =	sdelay $0x3  }
0x37: {  	[smem:$0x3FBB] =	sst s10  }
0x38: {  	s10 =	sld [smem:$0x3FBC]  }
0x39: {  	_ = 	snop;
	(pc) =	sbr.ind lr, $3  }
0x3a: {  	_ = 	snop  }
0x3b: {  	_ = 	snop  }
0x3c: {  	p2 =	seq.s32 s10, $0x1;
	s10 =	sld [smem:$0x3FBB]  }
0x3d: {  	_ =	shalt  }
0x3e: {  	_ =	shalt  }
0x3f: {  	_ =	shalt  }
0x40: {  	_ =	shalt  }
0x41: {  	_ =	shalt  }
0x42: {  	_ =	shalt  }
0x43: {  	_ =	shalt  }
0x44: {  	_ =	shalt  }
0x45: {  	_ =	shalt  }
0x46: {  	_ =	shalt  }
0x47: {  	_ =	shalt  }
0x48: {  	_ =	shalt  }
0x49: {  	_ =	shalt  }
0x4a: {  	_ =	shalt  }
0x4b: {  	_ =	shalt  }
0x4c: {  	_ =	shalt  }
0x4d: {  	_ =	shalt  }
0x4e: {  	_ =	shalt  }
0x4f: {  	_ =	shalt  }
0x50: {  	_ =	shalt  }
0x51: {  	_ =	shalt  }
0x52: {  	_ =	shalt  }
0x53: {  	_ =	shalt  }
0x54: {  	_ =	shalt  }
0x55: {  	_ =	shalt  }
0x56: {  	_ =	shalt  }
0x57: {  	_ =	shalt  }
0x58: {  	_ =	shalt  }
0x59: {  	_ =	shalt  }
0x5a: {  	_ =	shalt  }
0x5b: {  	_ =	shalt  }
0x5c: {  	_ =	shalt  }
0x5d: {  	_ =	shalt  }
0x5e: {  	_ =	shalt  }
0x5f: {  	_ =	shalt  }
0x60: {  	_ =	shalt  }
0x61: {  	_ =	shalt  }
0x62: {  	_ =	shalt  }
0x63: {  	_ =	shalt  }
0x64: {  	_ =	shalt  }
0x65: {  	_ =	shalt  }
0x66: {  	_ =	shalt  }
0x67: {  	_ =	shalt  }
0x68: {  	_ =	shalt  }
0x69: {  	_ =	shalt  }
0x6a: {  	_ =	shalt  }
0x6b: {  	_ =	shalt  }
0x6c: {  	_ =	shalt  }
0x6d: {  	_ =	shalt  }
0x6e: {  	_ =	shalt  }
0x6f: {  	_ =	shalt  }
0x70: {  	_ =	shalt  }
0x71: {  	_ =	shalt  }
0x72: {  	_ =	shalt  }
0x73: {  	_ =	shalt  }
0x74: {  	_ =	shalt  }
0x75: {  	_ =	shalt  }
0x76: {  	_ =	shalt  }
0x77: {  	_ =	shalt  }
0x78: {  	_ =	shalt  }
0x79: {  	_ =	shalt  }
0x7a: {  	_ =	shalt  }
0x7b: {  	_ =	shalt  }
0x7c: {  	_ =	shalt  }
0x7d: {  	_ =	shalt  }
0x7e: {  	_ =	shalt  }
0x7f: {  	_ =	shalt  }
0x80: {  	_ =	shalt  }
0x81: {  	_ =	shalt  }
0x82: {  	_ =	shalt  }
0x83: {  	_ =	shalt  }
0x84: {  	_ =	shalt  }
0x85: {  	_ =	shalt  }
0x86: {  	_ =	shalt  }
0x87: {  	_ =	shalt  }
.Lfunc_end0:
.L_simem_size_0:
called_computation_lowered:
.L_overlay_start_0:
0x88: {  	s2 =	sld [smem:$0x3FD9]  }
0x89: {  	s3 =	sld [smem:$0x3FFE];
	_ =	sdelay $0x1  }
0x8a: {  	s1 =	srdreg.scid  }
0x8b: {  	s0 =	sand.u32 $0x1, s1  }
0x8c: {  	s17 =	sshll.u32 s0, $0xA;
	s2 =	sadd.s32 s3, s2  }
0x8d: {  	s2 =	sadd.s32 s2, s17  }
0x8e: {  	[smem:$0x3FC7] =	sst s2  }
0x8f: {  	_ = 	snop  }
0x90: {  	s2 =	sld [smem:$0x3FC9];
	(tm) =	ssettm $0x1  }
0x91: {  	s18 =	sld [smem:$0x3FFB];
	_ =	sdelay $0x3  }
0x92: {  	_ =	strace s18  }
0x93: {  	s3 =	sld [smem:$0x3FFC];
	_ =	sdelay $0x3  }
0x94: {  	_ =	strace s3  }
0x95: {  	s3 =	sld [smem:$0x3FFD];
	_ =	sdelay $0x3  }
0x96: {  	_ =	strace s3  }
0x97: {  	_ =	strace $0x8FFFFFFF  }
0x98: {  	s19 =	sld [smem:$0x3FDB];
	_ =	sdelay $0x1  }
0x99: {  	s4 =	simm.s32 $_scs_section_size  }
0x9a: {  	s5 =	simm.s32 $_size__tile_overlayer_lowered;
	s6 =	simm.s32 $_tile_overlayer_lowered  }
0x9b: {  	s22 =	simm.s32 $0x1BFF;
	s21 =	sshll.u32 s6, $0x1;
	s3 =	sadd.s32 s4, s19  }
0x9c: {  	s7 =	simm.s32 $0x0;
	s20 =	sshll.u32 s5, $0x1;
	s5 =	sadd.s32 s21, s3  }
0x9d: {  	[timem:s7], [sflag:s22] =	dma.local [hbm:s5], s20  }
0x9e: {  	_ =	swait.ge [sflag:s22], s20  }
0x9f: {  	s4 =	ssub.s32 $0x0, s20;
	[sflag:s22] =	ssyncset.done $0x0  }
0xa0: {  	[sflag:s22] =	ssyncadd.s32 s4;
	_ =	sdelay $0x1  }
0xa1: {  	s23 =	simm.s32 $0x1B8B  }
0xa2: {  	_ =	swait.ge [sflag:s23], $0x1  }
0xa3: {  	[sflag:s23] =	ssyncset.done $0x0  }
0xa4: {  	s25 =	simm.s32 $0x1B8E;
	s24 =	sld [smem:$0x3FFE];
	[sflag:s23] =	ssyncadd.s32 $0xFFFFFFFF  }
0xa5: {  	s26 =	simm.s32 $execute0_lowered;
	[smem:$0x3FD2] =	sst s25  }
0xa6: {  	s5 =	sshll.u32 s26, $0x1;
	_ =	strace $0x80000046;
	[dreg:$0x1] =	wrdreg $0xFFFFFFFF  }
0xa7: {  	s28 =	simm.s32 $_size_execute0_lowered;
	s3 =	sadd.s32 s3, s5;
	[dreg:$0x0] =	wrdreg $0x0  }
0xa8: {  	s5 =	sshll.u32 s28, $0x1;
	[dreg:$0x2] =	wrdreg s3  }
0xa9: {  	[dreg:$0x3] =	wrdreg s5  }
0xaa: {  	[dreg:$0x4] =	wrdreg $0xC0  }
0xab: {  	_ =	task [dreg:s7], $0x5FFFF  }
0xac: {  	[dreg:$0x1] =	wrdreg $0xFFFFFFFF  }
0xad: {  	[dreg:$0x0] =	wrdreg $0x60  }
0xae: {  	[dreg:$0x2] =	wrdreg s2  }
0xaf: {  	[dreg:$0x3] =	wrdreg s24  }
0xb0: {  	[dreg:$0x4] =	wrdreg $0x9  }
0xb1: {  	_ =	task.clear_ibuf [dreg:s7], $0x5FFFF;
	_ =	strace $0x90000046  }
0xb2: {  	s29 =	simm.s32 $0x9;
	_ =	strace $0x80000048  }
0xb3: {  	_ =	swait.ge [sflag:s29], $0x1  }
0xb4: {  	[sflag:s29] =	ssyncadd.s32 $0xFFFFFFFF  }
0xb5: {  	_ =	strace $0x90000048  }
0xb6: {  	_ =	sfence  }
0xb7: {  	s30 =	sld [smem:$0x0];
	_ =	sdelay $0x2  }
0xb8: {  	s31 =	sshll.u32 s1, $0xD;
	s1 =	sshrl.u32 s1, $0x2  }
0xb9: {  	s3 =	sand.u32 $0x4000, s31;
	s1 =	sadd.s32 s1, s30  }
0xba: {  	s0 =	sor.u32 s3, s0;
	s1 =	sshll.u32 s1, $0x11  }
0xbb: {  	s0 =	sor.u32 s1, s0  }
0xbc: {  	s0 =	sadd.s32 $0x8F2B, s0  }
0xbd: {  	[sflag:s0] =	ssyncadd.remote.s32 $0x1  }
0xbe: {  	_ =	sfence.sel $0xFFFF  }
0xbf: {  	[dreg:$0x0] =	wrdreg $0xFFFFFFFF;
	(pc) =	sbr.abs _section_cstart, $3  }
0xc0: {  	[dreg:$0x1] =	wrdreg $0xFFFFFFFF  }
0xc1: {  	_ =	task.clear_ibuf [dreg:s7], $0x2FFFF;
	_ =	strace $0x9FFFFFFF  }
0xc2: {  	(tm) =	ssettm $0x7FFFFFFF  }
0xc3: {  	_ =	shalt  }
tec
execute0_lowered:
.L_overlay_start_1:
0x0: {  	(tag) =	ssettag $0x1  }
0x1: {  	s1 =	srdreg.scid;
	s0 =	stileid.u32  }
0x2: {  	s6 =	sand.u32 $0x1, s1;
	s29 =	sshll.u32 s0, $0x1  }
0x3: {  	s4 =	rddreg [dreg:$0x0];
	v0 =	vlaneseq.u32;
	s8 =	smul.u32 $0x1308, s0;
	s3 =	sor.u32 s6, s29  }
0x4: {  	s5 =	rddreg [dreg:$0x1];
	s2 =	simm.s32 $0x0;
	v0 =	vmul.u32 $0x186A0, v0;
	s1 =	smul.u32 $0x984, s3  }
0x5: {  	s9 =	simm.s32 $0x14000;
	s10 =	simm.s32 $0x2;
	s30 =	smul.u32 $0x984, s6  }
0x6: {  	s11 =	simm.s32 $0x14080;
	[smem:$0x7FF] =	sst s2;
	v1 =	vadd.s32 $0x375F238F, v0;
	s7 =	smulhi.u32 $0x8421085, s1  }
0x7: {  	s12 =	simm.s32 $0x0;
	s6 =	ssub.s32 $0x2, s6;
	s3 =	sshll.u32 s3, $0x4;
	v2 =	vadd.s32 $0x186A00, v0;
	v3 =	vadd.s32 $0x37778D8F, v0;
	v4 =	vadd.s32 $0x30D400, v0  }
0x8: {  	s31 =	sshrl.u32 s6, $0x1;
	v5 =	vadd.s32 $0x378FF78F, v0;
	v6 =	vadd.s32 $0x493E00, v0;
	v7 =	vadd.s32 $0x37A8618F, v0;
	s5 =	sadd.s32 s3, s5;
	s7 =	sshll.u32 s7, $0x7  }
0x9: {  	v8 =	vadd.s32 $0x61A800, v0;
	v9 =	vadd.s32 $0x37C0CB8F, v0;
	v10 =	vadd.s32 $0x7A1200, v0;
	s6 =	ssub.s32 s6, s31;
	s4 =	sadd.s32 s4, s7;
	s7 =	sadd.s32 s30, s8  }
0xa: {  	v11 =	vadd.s32 $0x37D9358F, v0;
	s1 =	rddreg [dreg:$0x2];
	_ =	strace $0x80000047;
	s7 =	smulhi.u32 $0x8421085, s7  }
0xb: {  	v14 =	vimm.s32 $0xFFFFFF81;
	v12 =	vadd.s32 $0x927C00, v0;
	v13 =	vadd.s32 $0x37F19F8F, v0;
	s6 =	smax.u32 s6, $0x1;
	s8 =	simm.s32 $0x1;
	s3 =	sadd.s32 $0x138000, s4  }
0xc: {  	v15 =	vadd.s32 $0xAAE600, v0;
	v16 =	vadd.s32 $0x380A098F, v0;
	s4 =	sadd.s32 $0xA00, s5;
	s5 =	sadd.s32 $0xC00, s5;
	s7 =	sshll.u32 s7, $0x3  }
.LBB2_1:
0xd: {  	v18 =	vimm.f32 $-Inf  }
0xe: {  	v17 =	vimm.s32 $0x0;
	v19 =	vimm.s32 $0x0;
	v20 =	vimm.s32 $0x0  }
0xf: {  	[tilespmem:s2], [sflag:$0x1] =	stream.linear.gather [hbm4b:s3+s2], $0x14000, $0x38;
	v21 =	vimm.s32 $0x0;
	v22 =	vimm.s32 $0x0;
	v24 =	vimm.s32 $0x0;
	[tilespmem:$0x14100] =	vst v63  }
0x10: {  	v26 =	vimm.s32 $0x0;
	v28 =	vimm.s32 $0x0;
	v23 =	vimm.f32 $-Inf;
	_ =	swait.ge [sflag:s8], $0x14000  }
0x11: {  	v25 =	vimm.f32 $-Inf;
	v27 =	vimm.f32 $-Inf;
	v29 =	vimm.f32 $-Inf;
	[sflag:s8] =	ssyncset.done $0x0  }
0x12: {  	s13 =	simm.s32 $0xFFFFFD80;
	s14 =	simm.s32 $0x40;
	v30 =	vimm.f32 $-Inf;
	v31 =	vimm.f32 $-Inf;
	v32 =	vimm.f32 $-Inf;
	[sflag:s8] =	ssyncadd.s32 $0xFFFEC000  }
.LBB2_2:
0x13: {  	s15 =	sadd.s32 s13, s7  }
0x14: {  	s16 =	sadd.s32 $0xCDDC4F9D, s15  }
0x15: {  	v33 =	vadd.s32 s16, v0  }
0x16: {  	v34 =	vshrl.u32 v33, $0x13;
	v33 =	vshll.u32 v33, $0xD  }
0x17: {  	v35 =	vadd.s32 s16, v1;
	v33 =	vor.u32 v34, v33  }
0x18: {  	v33 =	vxor.u32 v35, v33  }
0x19: {  	v51 =	vshrl.u32 v33, $0x11;
	v36 =	vshll.u32 v33, $0xF  }
0x1a: {  	v33 =	vadd.s32 v35, v33;
	v34 =	vor.u32 v51, v36  }
0x1b: {  	v34 =	vxor.u32 v33, v34  }
0x1c: {  	v52 =	vshrl.u32 v34, $0x6;
	v53 =	vshll.u32 v34, $0x1A  }
0x1d: {  	v33 =	vadd.s32 v33, v34;
	v54 =	vor.u32 v52, v53  }
0x1e: {  	v34 =	vxor.u32 v33, v54  }
0x1f: {  	v55 =	vshrl.u32 v34, $0x1A;
	v56 =	vshll.u32 v34, $0x6  }
0x20: {  	v33 =	vadd.s32 v33, v34;
	v57 =	vor.u32 v55, v56  }
0x21: {  	v34 =	vxor.u32 v33, v57  }
0x22: {  	v34 =	vadd.s32 $0xE1552D49, v34  }
0x23: {  	v33 =	vadd.s32 v34, v33;
	v58 =	vshrl.u32 v34, $0xF;
	v34 =	vshll.u32 v34, $0x11  }
0x24: {  	v33 =	vadd.s32 $0xCDDB151D, v33;
	v34 =	vor.u32 v58, v34  }
0x25: {  	v34 =	vxor.u32 v33, v34  }
0x26: {  	v59 =	vshrl.u32 v34, $0x3;
	v60 =	vshll.u32 v34, $0x1D  }
0x27: {  	v33 =	vadd.s32 v33, v34;
	v61 =	vor.u32 v59, v60  }
0x28: {  	v34 =	vxor.u32 v33, v61  }
0x29: {  	v62 =	vshrl.u32 v34, $0x10;
	v63 =	vshll.u32 v34, $0x10  }
0x2a: {  	v33 =	vadd.s32 v33, v34;
	v40 =	vor.u32 v62, v63  }
0x2b: {  	v34 =	vxor.u32 v33, v40  }
0x2c: {  	v41 =	vshrl.u32 v34, $0x8;
	v42 =	vshll.u32 v34, $0x18  }
0x2d: {  	v33 =	vadd.s32 v33, v34;
	v43 =	vor.u32 v41, v42  }
0x2e: {  	v34 =	vxor.u32 v33, v43  }
0x2f: {  	v34 =	vadd.s32 $0x375F2391, v34  }
0x30: {  	v33 =	vadd.s32 v34, v33;
	v44 =	vshrl.u32 v34, $0x13;
	v34 =	vshll.u32 v34, $0xD  }
0x31: {  	v33 =	vadd.s32 $0xE1552D48, v33;
	v34 =	vor.u32 v44, v34  }
0x32: {  	v34 =	vxor.u32 v33, v34  }
0x33: {  	v45 =	vshrl.u32 v34, $0x11;
	v46 =	vshll.u32 v34, $0xF  }
0x34: {  	v33 =	vadd.s32 v33, v34;
	v47 =	vor.u32 v45, v46  }
0x35: {  	v34 =	vxor.u32 v33, v47  }
0x36: {  	v37 =	vadd.s32 s16, v3;
	v48 =	vshrl.u32 v34, $0x6;
	v49 =	vshll.u32 v34, $0x1A  }
0x37: {  	v62 =	vadd.s32 s16, v2;
	v33 =	vadd.s32 v33, v34;
	v50 =	vor.u32 v48, v49  }
0x38: {  	v63 =	vshrl.u32 v62, $0x13;
	v36 =	vshll.u32 v62, $0xD;
	v34 =	vxor.u32 v33, v50  }
0x39: {  	v35 =	vor.u32 v63, v36;
	v51 =	vshrl.u32 v34, $0x1A;
	v52 =	vshll.u32 v34, $0x6  }
0x3a: {  	v35 =	vxor.u32 v37, v35;
	v33 =	vadd.s32 v33, v34;
	v53 =	vor.u32 v51, v52  }
0x3b: {  	v40 =	vshrl.u32 v35, $0x11;
	v38 =	vshll.u32 v35, $0xF;
	v34 =	vxor.u32 v33, v53  }
0x3c: {  	v35 =	vadd.s32 v37, v35;
	v36 =	vor.u32 v40, v38;
	v34 =	vadd.s32 $0xCDDB1520, v34  }
0x3d: {  	v33 =	vadd.s32 v34, v33;
	v54 =	vshrl.u32 v34, $0xF;
	v34 =	vshll.u32 v34, $0x11  }
0x3e: {  	v36 =	vxor.u32 v35, v36;
	v33 =	vadd.s32 $0x375F238F, v33;
	v34 =	vor.u32 v54, v34  }
0x3f: {  	v42 =	vshrl.u32 v36, $0x6;
	v43 =	vshll.u32 v36, $0x1A;
	v34 =	vxor.u32 v33, v34  }
0x40: {  	v35 =	vadd.s32 v35, v36;
	v55 =	vshrl.u32 v34, $0x3;
	v56 =	vshll.u32 v34, $0x1D  }
0x41: {  	v44 =	vor.u32 v42, v43;
	v33 =	vadd.s32 v33, v34;
	v57 =	vor.u32 v55, v56  }
0x42: {  	v36 =	vxor.u32 v35, v44;
	v34 =	vxor.u32 v33, v57  }
0x43: {  	v46 =	vshrl.u32 v36, $0x1A;
	v58 =	vshrl.u32 v34, $0x10;
	v59 =	vshll.u32 v34, $0x10  }
0x44: {  	v39 =	vshll.u32 v36, $0x6;
	v33 =	vadd.s32 v33, v34;
	v60 =	vor.u32 v58, v59  }
0x45: {  	v35 =	vadd.s32 v35, v36;
	v47 =	vor.u32 v46, v39;
	v34 =	vxor.u32 v33, v60  }
0x46: {  	v33 =	vadd.s32 v33, v34;
	v61 =	vshrl.u32 v34, $0x8;
	v34 =	vshll.u32 v34, $0x18  }
0x47: {  	v36 =	vxor.u32 v35, v47;
	v34 =	vor.u32 v61, v34  }
0x48: {  	v36 =	vadd.s32 $0xE1552D49, v36;
	v34 =	vxor.u32 v33, v34  }
0x49: {  	v35 =	vadd.s32 v36, v35;
	v49 =	vshrl.u32 v36, $0xF;
	v34 =	vadd.s32 $0xE1552D4C, v34  }
0x4a: {  	v33 =	vadd.s32 v34, v33;
	v41 =	vshrl.u32 v34, $0x13;
	v34 =	vshll.u32 v34, $0xD  }
0x4b: {  	v36 =	vshll.u32 v36, $0x11;
	v33 =	vadd.s32 $0xCDDB151D, v33;
	v34 =	vor.u32 v41, v34  }
0x4c: {  	v35 =	vadd.s32 $0xCDDB151D, v35;
	v36 =	vor.u32 v49, v36;
	v34 =	vxor.u32 v33, v34  }
0x4d: {  	v33 =	vadd.s32 v33, v34;
	v45 =	vshrl.u32 v34, $0x11;
	v34 =	vshll.u32 v34, $0xF  }
0x4e: {  	v36 =	vxor.u32 v35, v36;
	v34 =	vor.u32 v45, v34  }
0x4f: {  	v52 =	vshrl.u32 v36, $0x3;
	v53 =	vshll.u32 v36, $0x1D;
	v34 =	vxor.u32 v33, v34  }
0x50: {  	v35 =	vadd.s32 v35, v36;
	v48 =	vshrl.u32 v34, $0x6;
	v50 =	vshll.u32 v34, $0x1A  }
0x51: {  	v54 =	vor.u32 v52, v53;
	v33 =	vadd.s32 v33, v34;
	v51 =	vor.u32 v48, v50  }
0x52: {  	v36 =	vxor.u32 v35, v54;
	v34 =	vxor.u32 v33, v51  }
0x53: {  	v33 =	vadd.s32 v33, v34;
	v55 =	vshrl.u32 v34, $0x1A;
	v34 =	vshll.u32 v34, $0x6  }
0x54: {  	v56 =	vshrl.u32 v36, $0x10;
	v57 =	vshll.u32 v36, $0x10;
	v34 =	vor.u32 v55, v34  }
0x55: {  	v35 =	vadd.s32 v35, v36;
	v58 =	vor.u32 v56, v57;
	v34 =	vxor.u32 v33, v34  }
0x56: {  	v36 =	vxor.u32 v35, v58;
	v33 =	vadd.s32 $0xE1552D48, v33;
	v34 =	vadd.s32 $0x375F2394, v34  }
0x57: {  	v59 =	vshrl.u32 v36, $0x8;
	v60 =	vshll.u32 v36, $0x18;
	v33 =	vxor.u32 v33, v34  }
0x58: {  	v35 =	vadd.s32 v35, v36;
	v34 =	vor.u32 v59, v60;
	v33 =	vshrl.u32 v33, $0x9  }
0x59: {  	v34 =	vxor.u32 v35, v34;
	v33 =	vor.u32 $0x3F800000, v33  }
0x5a: {  	v34 =	vadd.s32 $0x375F2391, v34;
	v33 =	vadd.f32 $-1.000000000e+00, v33  }
0x5b: {  	v35 =	vadd.s32 v34, v35;
	v61 =	vshrl.u32 v34, $0x13;
	v34 =	vshll.u32 v34, $0xD  }
0x5c: {  	v35 =	vadd.s32 $0xE1552D48, v35;
	v34 =	vor.u32 v61, v34;
	v33 =	vadd.f32 $1.175494350e-38, v33  }
0x5d: {  	v34 =	vxor.u32 v35, v34  }
0x5e: {  	v63 =	vshrl.u32 v34, $0x11;
	v40 =	vshll.u32 v34, $0xF;
	v62 =	vand.u32 $0x7FFFFF, v33  }
0x5f: {  	v34 =	vadd.s32 v35, v34;
	v41 =	vor.u32 v63, v40;
	v36 =	vor.u32 $0x3F800000, v62  }
0x60: {  	v35 =	vxor.u32 v34, v41;
	v42 =	vmul.f32 $5.000000000e-01, v36  }
0x61: {  	vm0 =	vge.f32 v36, $1.414213540e+00;
	v43 =	vshrl.u32 v35, $0x6;
	v44 =	vshll.u32 v35, $0x1A  }
0x62: {  	v34 =	vadd.s32 v34, v35;
	v45 =	vor.u32 v43, v44;
	v36 =	vsel vm0, v42, v36  }
0x63: {  	v35 =	vxor.u32 v34, v45;
	v36 =	vadd.f32 $-1.000000000e+00, v36  }
0x64: {  	v46 =	vshrl.u32 v35, $0x1A;
	v47 =	vshll.u32 v35, $0x6  }
0x65: {  	v34 =	vadd.s32 v34, v35;
	v49 =	vor.u32 v46, v47;
	v48 =	vmul.f32 $1.209472050e-01, v36  }
0x66: {  	v35 =	vxor.u32 v34, v49  }
0x67: {  	v35 =	vadd.s32 $0xCDDB1520, v35;
	v50 =	vadd.f32 $-2.062543480e-01, v48  }
0x68: {  	v34 =	vadd.s32 v35, v34;
	v51 =	vshrl.u32 v35, $0xF;
	v35 =	vshll.u32 v35, $0x11  }
0x69: {  	v34 =	vadd.s32 $0x375F238F, v34;
	v35 =	vor.u32 v51, v35  }
0x6a: {  	v37 =	vmul.f32 v50, v36;
	v35 =	vxor.u32 v34, v35  }
0x6b: {  	v52 =	vshrl.u32 v35, $0x3;
	v53 =	vshll.u32 v35, $0x1D  }
0x6c: {  	v34 =	vadd.s32 v34, v35;
	v37 =	vadd.f32 $2.172171030e-01, v37;
	v54 =	vor.u32 v52, v53  }
0x6d: {  	v35 =	vxor.u32 v34, v54  }
0x6e: {  	v37 =	vmul.f32 v37, v36;
	v55 =	vshrl.u32 v35, $0x10;
	v56 =	vshll.u32 v35, $0x10  }
0x6f: {  	v33 =	vshrl.u32 v33, $0x17;
	v34 =	vadd.s32 v34, v35;
	v57 =	vor.u32 v55, v56  }
0x70: {  	v46 =	vadd.s32 s16, v4;
	v37 =	vadd.f32 $-2.391377540e-01, v37;
	v35 =	vxor.u32 v34, v57  }
0x71: {  	v47 =	vadd.s32 s16, v5;
	v58 =	vshrl.u32 v35, $0x8;
	v59 =	vshll.u32 v35, $0x18  }
0x72: {  	v34 =	vadd.s32 v34, v35;
	v37 =	vmul.f32 v37, v36;
	v60 =	vor.u32 v58, v59  }
0x73: {  	v40 =	vshrl.u32 v46, $0x13;
	v39 =	vshll.u32 v46, $0xD;
	v35 =	vxor.u32 v34, v60  }
0x74: {  	v39 =	vor.u32 v40, v39;
	v37 =	vadd.f32 $2.877424060e-01, v37;
	v35 =	vadd.s32 $0xE1552D4C, v35  }
0x75: {  	v34 =	vadd.s32 v35, v34;
	v61 =	vshrl.u32 v35, $0x13;
	v35 =	vshll.u32 v35, $0xD  }
0x76: {  	v39 =	vxor.u32 v47, v39;
	v34 =	vadd.s32 $0xCDDB151D, v34;
	v35 =	vor.u32 v61, v35  }
0x77: {  	v48 =	vshrl.u32 v39, $0x11;
	v37 =	vmul.f32 v37, v36;
	v35 =	vxor.u32 v34, v35  }
0x78: {  	v54 =	vsel vm0, $0xFFFFFF82, v14;
	v62 =	vshrl.u32 v35, $0x11;
	v63 =	vshll.u32 v35, $0xF  }
0x79: {  	v37 =	vadd.f32 $-3.606918160e-01, v37;
	v34 =	vadd.s32 v34, v35;
	v41 =	vor.u32 v62, v63  }
0x7a: {  	v49 =	vadd.s32 v47, v39;
	v33 =	vadd.s32 v33, v54;
	v35 =	vxor.u32 v34, v41  }
0x7b: {  	v37 =	vmul.f32 v37, v36;
	v42 =	vshrl.u32 v35, $0x6;
	v43 =	vshll.u32 v35, $0x1A  }
0x7c: {  	v41 =	vshll.u32 v39, $0xF;
	v34 =	vadd.s32 v34, v35;
	v44 =	vor.u32 v42, v43  }
0x7d: {  	v50 =	vor.u32 v48, v41;
	v37 =	vadd.f32 $4.809184970e-01, v37;
	v35 =	vxor.u32 v34, v44  }
0x7e: {  	v34 =	vadd.s32 v34, v35;
	v45 =	vshrl.u32 v35, $0x1A;
	v35 =	vshll.u32 v35, $0x6  }
0x7f: {  	v38 =	vxor.u32 v49, v50;
	v37 =	vmul.f32 v37, v36;
	v35 =	vor.u32 v45, v35  }
0x80: {  	v51 =	vshrl.u32 v38, $0x6;
	v52 =	vshll.u32 v38, $0x1A;
	v35 =	vxor.u32 v34, v35  }
0x81: {  	v34 =	vadd.s32 $0xE1552D48, v34;
	v37 =	vadd.f32 $-7.213475700e-01, v37;
	v35 =	vadd.s32 $0x375F2394, v35  }
0x82: {  	v53 =	vor.u32 v51, v52;
	v34 =	vxor.u32 v34, v35;
	v35 =	vadd.s32 v49, v38  }
0x83: {  	v37 =	vmul.f32 v37, v36;
	v34 =	vshrl.u32 v34, $0x9;
	v38 =	vxor.u32 v35, v53  }
0x84: {  	v34 =	vor.u32 $0x3F800000, v34;
	v55 =	vshrl.u32 v38, $0x1A;
	v56 =	vshll.u32 v38, $0x6  }
0x85: {  	v35 =	vadd.s32 v35, v38;
	v34 =	vadd.f32 $-1.000000000e+00, v34;
	v57 =	vor.u32 v55, v56  }
0x86: {  	v33 =	vcvt.s32.f32 v33;
	v38 =	vxor.u32 v35, v57  }
0x87: {  	v37 =	vadd.f32 $1.442694900e+00, v37;
	v34 =	vadd.f32 $1.175494350e-38, v34;
	v38 =	vadd.s32 $0xE1552D49, v38  }
0x88: {  	v35 =	vadd.s32 v38, v35;
	v59 =	vshrl.u32 v38, $0xF;
	v38 =	vshll.u32 v38, $0x11  }
0x89: {  	v58 =	vand.u32 $0x7FFFFF, v34;
	v35 =	vadd.s32 $0xCDDB151D, v35;
	v38 =	vor.u32 v59, v38  }
0x8a: {  	v36 =	vmul.f32 v37, v36;
	v39 =	vor.u32 $0x3F800000, v58;
	v61 =	vxor.u32 v35, v38  }
0x8b: {  	v60 =	vmul.f32 $5.000000000e-01, v39;
	v63 =	vshrl.u32 v61, $0x3;
	v44 =	vshll.u32 v61, $0x1D  }
0x8c: {  	vm6 =	vge.f32 v39, $1.414213540e+00;
	v35 =	vadd.s32 v35, v61;
	v45 =	vor.u32 v63, v44  }
0x8d: {  	v36 =	vadd.f32 $3.814688010e-10, v36;
	v62 =	vsel vm6, v60, v39;
	v37 =	vxor.u32 v35, v45  }
0x8e: {  	v38 =	vadd.f32 $-1.000000000e+00, v62;
	v47 =	vshrl.u32 v37, $0x10;
	v48 =	vshll.u32 v37, $0x10  }
0x8f: {  	v33 =	vadd.f32 v33, v36;
	v35 =	vadd.s32 v35, v37;
	v49 =	vor.u32 v47, v48  }
0x90: {  	v46 =	vmul.f32 $1.209472050e-01, v38;
	v36 =	vxor.u32 v35, v49  }
0x91: {  	v39 =	vmul.f32 $-6.931471820e-01, v33;
	v51 =	vshrl.u32 v36, $0x8;
	v52 =	vshll.u32 v36, $0x18  }
0x92: {  	v35 =	vadd.s32 v35, v36;
	v50 =	vadd.f32 $-2.062543480e-01, v46;
	v33 =	vor.u32 v51, v52  }
0x93: {  	v33 =	vxor.u32 v35, v33  }
0x94: {  	v53 =	vand.u32 $0x7FFFFF, v39;
	v37 =	vmul.f32 v50, v38;
	v33 =	vadd.s32 $0x375F2391, v33  }
0x95: {  	v36 =	vor.u32 $0x3F800000, v53;
	v35 =	vadd.s32 v33, v35  }
0x96: {  	v54 =	vshrl.u32 v33, $0x13;
	v33 =	vshll.u32 v33, $0xD;
	v37 =	vadd.f32 $2.172171030e-01, v37  }
0x97: {  	v55 =	vmul.f32 $5.000000000e-01, v36;
	v35 =	vadd.s32 $0xE1552D48, v35;
	v33 =	vor.u32 v54, v33  }
0x98: {  	vm1 =	vge.f32 v36, $1.414213540e+00;
	v33 =	vxor.u32 v35, v33;
	v37 =	vmul.f32 v37, v38  }
0x99: {  	v36 =	vsel vm1, v55, v36;
	v56 =	vshrl.u32 v33, $0x11;
	v42 =	vshll.u32 v33, $0xF  }
0x9a: {  	v35 =	vadd.s32 v35, v33;
	v57 =	vor.u32 v56, v42;
	v37 =	vadd.f32 $-2.391377540e-01, v37  }
0x9b: {  	v33 =	vadd.f32 $-1.000000000e+00, v36;
	v58 =	vxor.u32 v35, v57  }
0x9c: {  	v59 =	vshrl.u32 v58, $0x6;
	v60 =	vshll.u32 v58, $0x1A;
	v37 =	vmul.f32 v37, v38  }
0x9d: {  	v62 =	vmul.f32 $1.209472050e-01, v33;
	v35 =	vadd.s32 v35, v58;
	v61 =	vor.u32 v59, v60  }
0x9e: {  	v36 =	vxor.u32 v35, v61;
	v37 =	vadd.f32 $2.877424060e-01, v37  }
0x9f: {  	v40 =	vadd.f32 $-2.062543480e-01, v62;
	v63 =	vshrl.u32 v36, $0x1A;
	v45 =	vshll.u32 v36, $0x6  }
0xa0: {  	v35 =	vadd.s32 v35, v36;
	v46 =	vor.u32 v63, v45;
	v37 =	vmul.f32 v37, v38  }
0xa1: {  	v34 =	vshrl.u32 v34, $0x17;
	v36 =	vxor.u32 v35, v46  }
0xa2: {  	v40 =	vmul.f32 v40, v33;
	v36 =	vadd.s32 $0xCDDB1520, v36;
	v37 =	vadd.f32 $-3.606918160e-01, v37  }
0xa3: {  	v35 =	vadd.s32 v36, v35;
	v47 =	vshrl.u32 v36, $0xF;
	v36 =	vshll.u32 v36, $0x11  }
0xa4: {  	v40 =	vadd.f32 $2.172171030e-01, v40;
	v35 =	vadd.s32 $0x375F238F, v35;
	v36 =	vor.u32 v47, v36  }
0xa5: {  	v39 =	vshrl.u32 v39, $0x17;
	v37 =	vmul.f32 v37, v38;
	v36 =	vxor.u32 v35, v36  }
0xa6: {  	v40 =	vmul.f32 v40, v33;
	v48 =	vshrl.u32 v36, $0x3;
	v49 =	vshll.u32 v36, $0x1D  }
0xa7: {  	v35 =	vadd.s32 v35, v36;
	v37 =	vadd.f32 $4.809184970e-01, v37;
	v50 =	vor.u32 v48, v49  }
0xa8: {  	v57 =	vsel vm6, $0xFFFFFF82, v14;
	v40 =	vadd.f32 $-2.391377540e-01, v40;
	v36 =	vxor.u32 v35, v50  }
0xa9: {  	v37 =	vmul.f32 v37, v38;
	v51 =	vshrl.u32 v36, $0x10;
	v52 =	vshll.u32 v36, $0x10  }
0xaa: {  	v40 =	vmul.f32 v40, v33;
	v35 =	vadd.s32 v35, v36;
	v53 =	vor.u32 v51, v52  }
0xab: {  	v34 =	vadd.s32 v34, v57;
	v37 =	vadd.f32 $-7.213475700e-01, v37;
	v36 =	vxor.u32 v35, v53  }
0xac: {  	v40 =	vadd.f32 $2.877424060e-01, v40;
	v54 =	vshrl.u32 v36, $0x8;
	v55 =	vshll.u32 v36, $0x18  }
0xad: {  	v35 =	vadd.s32 v35, v36;
	v37 =	vmul.f32 v37, v38;
	v56 =	vor.u32 v54, v55  }
0xae: {  	v34 =	vcvt.s32.f32 v34;
	v51 =	vadd.s32 s16, v6;
	v36 =	vxor.u32 v35, v56  }
0xaf: {  	v59 =	vmul.f32 v40, v33;
	v37 =	vadd.f32 $1.442694900e+00, v37;
	v36 =	vadd.s32 $0xE1552D4C, v36  }
0xb0: {  	v35 =	vadd.s32 v36, v35;
	v58 =	vshrl.u32 v36, $0x13;
	v36 =	vshll.u32 v36, $0xD  }
0xb1: {  	v37 =	vmul.f32 v37, v38;
	v35 =	vadd.s32 $0xCDDB151D, v35;
	v36 =	vor.u32 v58, v36  }
0xb2: {  	v52 =	vshrl.u32 v51, $0x13;
	v38 =	vadd.f32 $-3.606918160e-01, v59;
	v36 =	vxor.u32 v35, v36  }
0xb3: {  	v37 =	vadd.f32 $3.814688010e-10, v37;
	v60 =	vshrl.u32 v36, $0x11;
	v61 =	vshll.u32 v36, $0xF  }
0xb4: {  	v35 =	vadd.s32 v35, v36;
	v38 =	vmul.f32 v38, v33;
	v62 =	vor.u32 v60, v61  }
0xb5: {  	v41 =	vshll.u32 v51, $0xD;
	v53 =	vadd.s32 s16, v7;
	v36 =	vxor.u32 v35, v62  }
0xb6: {  	v34 =	vadd.f32 v34, v37;
	v37 =	vsel vm1, $0xFFFFFF82, v14;
	v38 =	vadd.f32 $4.809184970e-01, v38  }
0xb7: {  	v63 =	vshrl.u32 v36, $0x6;
	v44 =	vshll.u32 v36, $0x1A;
	v35 =	vadd.s32 v35, v36  }
0xb8: {  	v37 =	vadd.s32 v39, v37;
	v45 =	vor.u32 v63, v44;
	v34 =	vmul.f32 $-6.931471820e-01, v34  }
0xb9: {  	v38 =	vmul.f32 v38, v33;
	v37 =	vcvt.s32.f32 v37;
	v36 =	vxor.u32 v35, v45  }
0xba: {  	v46 =	vshrl.u32 v36, $0x1A;
	v47 =	vshll.u32 v36, $0x6;
	v48 =	vand.u32 $0x7FFFFF, v34  }
0xbb: {  	v35 =	vadd.s32 v35, v36;
	v38 =	vadd.f32 $-7.213475700e-01, v38;
	v49 =	vor.u32 v46, v47  }
0xbc: {  	v34 =	vshrl.u32 v34, $0x17;
	v50 =	vor.u32 $0x3F800000, v48;
	v36 =	vxor.u32 v35, v49  }
0xbd: {  	v35 =	vadd.s32 $0xE1552D48, v35;
	v54 =	vmul.f32 $5.000000000e-01, v50;
	v36 =	vadd.s32 $0x375F2394, v36  }
0xbe: {  	vm7 =	vge.f32 v50, $1.414213540e+00;
	v38 =	vmul.f32 v38, v33;
	v35 =	vxor.u32 v35, v36  }
0xbf: {  	v36 =	vor.u32 v52, v41;
	v40 =	vsel vm7, v54, v50;
	v35 =	vshrl.u32 v35, $0x9  }
0xc0: {  	v38 =	vadd.f32 $1.442694900e+00, v38;
	v36 =	vxor.u32 v53, v36;
	v35 =	vor.u32 $0x3F800000, v35  }
0xc1: {  	v43 =	vshrl.u32 v36, $0x11;
	v44 =	vshll.u32 v36, $0xF;
	v35 =	vadd.f32 $-1.000000000e+00, v35  }
0xc2: {  	v40 =	vadd.f32 $-1.000000000e+00, v40;
	v36 =	vadd.s32 v53, v36;
	v55 =	vor.u32 v43, v44  }
0xc3: {  	v33 =	vmul.f32 v38, v33;
	v56 =	vxor.u32 v36, v55;
	v35 =	vadd.f32 $1.175494350e-38, v35  }
0xc4: {  	v60 =	vmul.f32 $1.209472050e-01, v40;
	v42 =	vshrl.u32 v56, $0x6;
	v57 =	vshll.u32 v56, $0x1A  }
0xc5: {  	v36 =	vadd.s32 v36, v56;
	v59 =	vor.u32 v42, v57;
	v58 =	vand.u32 $0x7FFFFF, v35  }
0xc6: {  	v33 =	vadd.f32 $3.814688010e-10, v33;
	v41 =	vxor.u32 v36, v59;
	v61 =	vor.u32 $0x3F800000, v58  }
0xc7: {  	v45 =	vshrl.u32 v41, $0x1A;
	v46 =	vshll.u32 v41, $0x6;
	v44 =	vmul.f32 $5.000000000e-01, v61  }
0xc8: {  	v36 =	vadd.s32 v36, v41;
	vm8 =	vge.f32 v61, $1.414213540e+00;
	v62 =	vor.u32 v45, v46  }
0xc9: {  	v42 =	vadd.f32 $-2.062543480e-01, v60;
	v41 =	vxor.u32 v36, v62;
	v43 =	vsel vm8, v44, v61  }
0xca: {  	v33 =	vadd.f32 v37, v33;
	v41 =	vadd.s32 $0xE1552D49, v41;
	v43 =	vadd.f32 $-1.000000000e+00, v43  }
0xcb: {  	v36 =	vadd.s32 v41, v36;
	v63 =	vshrl.u32 v41, $0xF;
	v41 =	vshll.u32 v41, $0x11  }
0xcc: {  	v42 =	vmul.f32 v42, v40;
	v36 =	vadd.s32 $0xCDDB151D, v36;
	v41 =	vor.u32 v63, v41  }
0xcd: {  	v35 =	vshrl.u32 v35, $0x17;
	v48 =	vmul.f32 $1.209472050e-01, v43;
	v41 =	vxor.u32 v36, v41  }
0xce: {  	v42 =	vadd.f32 $2.172171030e-01, v42;
	v49 =	vshrl.u32 v41, $0x3;
	v50 =	vshll.u32 v41, $0x1D  }
0xcf: {  	v36 =	vadd.s32 v36, v41;
	v44 =	vadd.f32 $-2.062543480e-01, v48;
	v51 =	vor.u32 v49, v50  }
0xd0: {  	v45 =	vsel vm8, $0xFFFFFF82, v14;
	v42 =	vmul.f32 v42, v40;
	v41 =	vxor.u32 v36, v51  }
0xd1: {  	v44 =	vmul.f32 v44, v43;
	v52 =	vshrl.u32 v41, $0x10;
	v53 =	vshll.u32 v41, $0x10  }
0xd2: {  	v42 =	vadd.f32 $-2.391377540e-01, v42;
	v36 =	vadd.s32 v36, v41;
	v54 =	vor.u32 v52, v53  }
0xd3: {  	v35 =	vadd.s32 v35, v45;
	v55 =	vadd.f32 $2.172171030e-01, v44;
	v41 =	vxor.u32 v36, v54  }
0xd4: {  	v42 =	vmul.f32 v42, v40;
	v56 =	vshrl.u32 v41, $0x8;
	v57 =	vshll.u32 v41, $0x18  }
0xd5: {  	v50 =	vld [tilespmem:s14+$0xFFFFFFC0];
	v36 =	vadd.s32 v36, v41;
	v38 =	vmul.f32 v55, v43;
	v58 =	vor.u32 v56, v57  }
0xd6: {  	v33 =	vmul.f32 $6.931471820e-01, v33;
	v35 =	vcvt.s32.f32 v35;
	v59 =	vxor.u32 v36, v58  }
0xd7: {  	v60 =	vadd.f32 $2.877424060e-01, v42;
	v38 =	vadd.f32 $-2.391377540e-01, v38;
	v39 =	vadd.s32 $0x375F2391, v59  }
0xd8: {  	v36 =	vadd.s32 v39, v36;
	v61 =	vshrl.u32 v39, $0x13;
	v39 =	vshll.u32 v39, $0xD  }
0xd9: {  	v41 =	vmul.f32 v60, v40;
	v36 =	vadd.s32 $0xE1552D48, v36;
	v39 =	vor.u32 v61, v39  }
0xda: {  	v33 =	vsub.f32 v50, v33;
	v38 =	vmul.f32 v38, v43;
	v39 =	vxor.u32 v36, v39  }
0xdb: {  	v50 =	vadd.s32 s16, v8;
	v62 =	vshrl.u32 v39, $0x11;
	v63 =	vshll.u32 v39, $0xF  }
0xdc: {  	v38 =	vadd.f32 $2.877424060e-01, v38;
	v36 =	vadd.s32 v36, v39;
	v48 =	vor.u32 v62, v63  }
0xdd: {  	v41 =	vadd.f32 $-3.606918160e-01, v41;
	vm8 =	vgt.f32 v33, v32;
	v39 =	vxor.u32 v36, v48  }
0xde: {  	v38 =	vmul.f32 v38, v43;
	v51 =	vshrl.u32 v39, $0x6;
	v52 =	vshll.u32 v39, $0x1A  }
0xdf: {  	v49 =	vmul.f32 v41, v40;
	v36 =	vadd.s32 v36, v39;
	v53 =	vor.u32 v51, v52  }
0xe0: {  	v61 =	vsel vm7, $0xFFFFFF82, v14;
	v38 =	vadd.f32 $-3.606918160e-01, v38;
	v39 =	vxor.u32 v36, v53  }
0xe1: {  	v37 =	vadd.f32 $4.809184970e-01, v49;
	v54 =	vshrl.u32 v39, $0x1A;
	v55 =	vshll.u32 v39, $0x6  }
0xe2: {  	v38 =	vmul.f32 v38, v43;
	v36 =	vadd.s32 v36, v39;
	v56 =	vor.u32 v54, v55  }
0xe3: {  	v34 =	vadd.s32 v34, v61;
	v37 =	vmul.f32 v37, v40;
	v39 =	vxor.u32 v36, v56  }
0xe4: {  	v34 =	vcvt.s32.f32 v34;
	v38 =	vadd.f32 $4.809184970e-01, v38;
	v39 =	vadd.s32 $0xCDDB1520, v39  }
0xe5: {  	v37 =	vadd.f32 $-7.213475700e-01, v37;
	v51 =	vshrl.u32 v50, $0x13;
	v36 =	vadd.s32 v39, v36  }
0xe6: {  	v57 =	vshrl.u32 v39, $0xF;
	v39 =	vshll.u32 v39, $0x11;
	v38 =	vmul.f32 v38, v43  }
0xe7: {  	v37 =	vmul.f32 v37, v40;
	v36 =	vadd.s32 $0x375F238F, v36;
	v39 =	vor.u32 v57, v39  }
0xe8: {  	v52 =	vadd.s32 s16, v9;
	v39 =	vxor.u32 v36, v39;
	v38 =	vadd.f32 $-7.213475700e-01, v38  }
0xe9: {  	v37 =	vadd.f32 $1.442694900e+00, v37;
	v58 =	vshrl.u32 v39, $0x3;
	v59 =	vshll.u32 v39, $0x1D  }
0xea: {  	v36 =	vadd.s32 v36, v39;
	v60 =	vor.u32 v58, v59;
	v38 =	vmul.f32 v38, v43  }
0xeb: {  	v37 =	vmul.f32 v37, v40;
	v40 =	vshll.u32 v50, $0xD;
	v39 =	vxor.u32 v36, v60  }
0xec: {  	v62 =	vshrl.u32 v39, $0x10;
	v63 =	vshll.u32 v39, $0x10;
	v38 =	vadd.f32 $1.442694900e+00, v38  }
0xed: {  	v40 =	vor.u32 v51, v40;
	v36 =	vadd.s32 v36, v39;
	v44 =	vor.u32 v62, v63  }
0xee: {  	v37 =	vadd.f32 $3.814688010e-10, v37;
	v39 =	vxor.u32 v36, v44;
	v38 =	vmul.f32 v38, v43  }
0xef: {  	v54 =	vxor.u32 v52, v40;
	v46 =	vshrl.u32 v39, $0x8;
	v47 =	vshll.u32 v39, $0x18  }
0xf0: {  	v36 =	vadd.s32 v36, v39;
	v48 =	vor.u32 v46, v47;
	v38 =	vadd.f32 $3.814688010e-10, v38  }
0xf1: {  	v56 =	vshrl.u32 v54, $0x11;
	v57 =	vshll.u32 v54, $0xF;
	v39 =	vxor.u32 v36, v48  }
0xf2: {  	v34 =	vadd.f32 v34, v37;
	v39 =	vadd.s32 $0xE1552D4C, v39;
	v35 =	vadd.f32 v35, v38  }
0xf3: {  	v36 =	vadd.s32 v39, v36;
	v49 =	vshrl.u32 v39, $0x13;
	v39 =	vshll.u32 v39, $0xD  }
0xf4: {  	v59 =	vor.u32 v56, v57;
	v36 =	vadd.s32 $0xCDDB151D, v36;
	v38 =	vor.u32 v49, v39  }
0xf5: {  	v34 =	vmul.f32 $6.931471820e-01, v34;
	v42 =	vmul.f32 $-6.931471820e-01, v35;
	v53 =	vxor.u32 v36, v38  }
0xf6: {  	v38 =	vadd.s32 v52, v54;
	v55 =	vshrl.u32 v53, $0x11;
	v58 =	vshll.u32 v53, $0xF  }
0xf7: {  	v35 =	vadd.s32 v36, v53;
	v39 =	vxor.u32 v38, v59;
	v48 =	vand.u32 $0x7FFFFF, v42  }
0xf8: {  	v60 =	vor.u32 v55, v58;
	v61 =	vshrl.u32 v39, $0x6;
	v62 =	vshll.u32 v39, $0x1A  }
0xf9: {  	v38 =	vadd.s32 v38, v39;
	v36 =	vxor.u32 v35, v60;
	v63 =	vor.u32 v61, v62  }
0xfa: {  	v35 =	vadd.s32 v35, v36;
	v44 =	vshrl.u32 v36, $0x6;
	v36 =	vshll.u32 v36, $0x1A  }
0xfb: {  	v42 =	vshrl.u32 v42, $0x17;
	v39 =	vxor.u32 v38, v63;
	v36 =	vor.u32 v44, v36  }
0xfc: {  	v45 =	vshrl.u32 v39, $0x1A;
	v46 =	vshll.u32 v39, $0x6;
	v36 =	vxor.u32 v35, v36  }
0xfd: {  	v38 =	vadd.s32 v38, v39;
	v47 =	vor.u32 v45, v46;
	v35 =	vadd.s32 v35, v36  }
0xfe: {  	v39 =	vxor.u32 v38, v47;
	v49 =	vshrl.u32 v36, $0x1A;
	v36 =	vshll.u32 v36, $0x6  }
0xff: {  	v55 =	vor.u32 $0x3F800000, v48;
	v39 =	vadd.s32 $0xE1552D49, v39;
	v36 =	vor.u32 v49, v36  }
0x100: {  	v38 =	vadd.s32 v39, v38;
	v50 =	vshrl.u32 v39, $0xF;
	v39 =	vshll.u32 v39, $0x11  }
0x101: {  	v36 =	vxor.u32 v35, v36;
	v38 =	vadd.s32 $0xCDDB151D, v38;
	v39 =	vor.u32 v50, v39  }
0x102: {  	v35 =	vadd.s32 $0xE1552D48, v35;
	v36 =	vadd.s32 $0x375F2394, v36;
	v39 =	vxor.u32 v38, v39  }
0x103: {  	v35 =	vxor.u32 v35, v36;
	v51 =	vshrl.u32 v39, $0x3;
	v52 =	vshll.u32 v39, $0x1D  }
0x104: {  	v49 =	vld [tilespmem:s14+$0xFFFFFFD0];
	v53 =	vadd.s32 v38, v39;
	v35 =	vshrl.u32 v35, $0x9;
	v54 =	vor.u32 v51, v52  }
0x105: {  	v59 =	vmul.f32 $5.000000000e-01, v55;
	v35 =	vor.u32 $0x3F800000, v35;
	v38 =	vxor.u32 v53, v54  }
0x106: {  	v35 =	vadd.f32 $-1.000000000e+00, v35;
	v56 =	vshrl.u32 v38, $0x10;
	v57 =	vshll.u32 v38, $0x10  }
0x107: {  	vm9 =	vge.f32 v55, $1.414213540e+00;
	v36 =	vadd.s32 v53, v38;
	v58 =	vor.u32 v56, v57  }
0x108: {  	v62 =	vsel vm9, v59, v55;
	v37 =	vadd.f32 $1.175494350e-38, v35;
	v38 =	vxor.u32 v36, v58  }
0x109: {  	v34 =	vsub.f32 v49, v34;
	v60 =	vshrl.u32 v38, $0x8;
	v61 =	vshll.u32 v38, $0x18  }
0x10a: {  	v36 =	vadd.s32 v36, v38;
	v63 =	vand.u32 $0x7FFFFF, v37;
	v35 =	vor.u32 v60, v61  }
0x10b: {  	v45 =	vor.u32 $0x3F800000, v63;
	v61 =	vsel vm9, $0xFFFFFF82, v14;
	v44 =	vxor.u32 v36, v35  }
0x10c: {  	v35 =	vadd.f32 $-1.000000000e+00, v62;
	v47 =	vmul.f32 $5.000000000e-01, v45;
	v46 =	vadd.s32 $0x375F2391, v44  }
0x10d: {  	vm10 =	vge.f32 v45, $1.414213540e+00;
	v36 =	vadd.s32 v46, v36;
	v40 =	vshrl.u32 v46, $0x13  }
0x10e: {  	v39 =	vshll.u32 v46, $0xD;
	v48 =	vmul.f32 $1.209472050e-01, v35;
	v38 =	vsel vm10, v47, v45  }
0x10f: {  	v36 =	vadd.s32 $0xE1552D48, v36;
	v39 =	vor.u32 v40, v39;
	v41 =	vadd.f32 $-1.000000000e+00, v38  }
0x110: {  	v39 =	vxor.u32 v36, v39;
	v53 =	vadd.f32 $-2.062543480e-01, v48;
	v48 =	vadd.s32 s16, v10  }
0x111: {  	v50 =	vshrl.u32 v39, $0x11;
	v51 =	vshll.u32 v39, $0xF;
	v36 =	vadd.s32 v36, v39  }
0x112: {  	v54 =	vmul.f32 $1.209472050e-01, v41;
	v49 =	vshrl.u32 v48, $0x13;
	v43 =	vshll.u32 v48, $0xD  }
0x113: {  	v52 =	vor.u32 v50, v51;
	v39 =	vmul.f32 v53, v35;
	v50 =	vadd.s32 s16, v11  }
0x114: {  	v43 =	vor.u32 v49, v43;
	v38 =	vxor.u32 v36, v52;
	v40 =	vadd.f32 $-2.062543480e-01, v54  }
0x115: {  	v43 =	vxor.u32 v50, v43;
	v55 =	vshrl.u32 v38, $0x6;
	v56 =	vshll.u32 v38, $0x1A  }
0x116: {  	v36 =	vadd.s32 v36, v38;
	v39 =	vadd.f32 $2.172171030e-01, v39;
	v57 =	vor.u32 v55, v56  }
0x117: {  	v52 =	vshrl.u32 v43, $0x11;
	v40 =	vmul.f32 v40, v41;
	v38 =	vxor.u32 v36, v57  }
0x118: {  	v53 =	vshll.u32 v43, $0xF;
	v58 =	vshrl.u32 v38, $0x1A;
	v59 =	vshll.u32 v38, $0x6  }
0x119: {  	v36 =	vadd.s32 v36, v38;
	v40 =	vadd.f32 $2.172171030e-01, v40;
	v60 =	vor.u32 v58, v59  }
0x11a: {  	v43 =	vadd.s32 v50, v43;
	v44 =	vor.u32 v52, v53;
	v38 =	vxor.u32 v36, v60  }
0x11b: {  	v39 =	vmul.f32 v39, v35;
	v40 =	vmul.f32 v40, v41;
	v38 =	vadd.s32 $0xCDDB1520, v38  }
0x11c: {  	v36 =	vadd.s32 v38, v36;
	v62 =	vshrl.u32 v38, $0xF;
	v38 =	vshll.u32 v38, $0x11  }
0x11d: {  	v44 =	vxor.u32 v43, v44;
	v63 =	vadd.s32 $0x375F238F, v36;
	v38 =	vor.u32 v62, v38  }
0x11e: {  	v55 =	vshrl.u32 v44, $0x6;
	v40 =	vadd.f32 $-2.391377540e-01, v40;
	v38 =	vxor.u32 v63, v38  }
0x11f: {  	v36 =	vadd.s32 v42, v61;
	v46 =	vshrl.u32 v38, $0x3;
	v47 =	vshll.u32 v38, $0x1D  }
0x120: {  	v40 =	vmul.f32 v40, v41;
	v38 =	vadd.s32 v63, v38;
	v42 =	vor.u32 v46, v47  }
0x121: {  	v43 =	vadd.s32 v43, v44;
	v47 =	vshll.u32 v44, $0x1A;
	v42 =	vxor.u32 v38, v42  }
0x122: {  	v40 =	vadd.f32 $2.877424060e-01, v40;
	v56 =	vor.u32 v55, v47;
	v38 =	vadd.s32 v38, v42  }
0x123: {  	v51 =	vshrl.u32 v42, $0x10;
	v42 =	vshll.u32 v42, $0x10;
	v44 =	vxor.u32 v43, v56  }
0x124: {  	v40 =	vmul.f32 v40, v41;
	v42 =	vor.u32 v51, v42;
	v57 =	vshrl.u32 v44, $0x1A  }
0x125: {  	v58 =	vshll.u32 v44, $0x6;
	v43 =	vadd.s32 v43, v44;
	v42 =	vxor.u32 v38, v42  }
0x126: {  	v59 =	vor.u32 v57, v58;
	v40 =	vadd.f32 $-3.606918160e-01, v40;
	v38 =	vadd.s32 v38, v42  }
0x127: {  	v54 =	vshrl.u32 v42, $0x8;
	v42 =	vshll.u32 v42, $0x18;
	v44 =	vxor.u32 v43, v59  }
0x128: {  	v39 =	vadd.f32 $-2.391377540e-01, v39;
	v42 =	vor.u32 v54, v42;
	v44 =	vadd.s32 $0xE1552D49, v44  }
0x129: {  	v40 =	vmul.f32 v40, v41;
	v42 =	vxor.u32 v38, v42;
	v43 =	vadd.s32 v44, v43  }
0x12a: {  	v61 =	vshrl.u32 v44, $0xF;
	v44 =	vshll.u32 v44, $0x11;
	v42 =	vadd.s32 $0xE1552D4C, v42  }
0x12b: {  	v43 =	vadd.s32 $0xCDDB151D, v43;
	v44 =	vor.u32 v61, v44;
	v40 =	vadd.f32 $4.809184970e-01, v40  }
0x12c: {  	v38 =	vadd.s32 v42, v38;
	v60 =	vshrl.u32 v42, $0x13;
	v42 =	vshll.u32 v42, $0xD  }
0x12d: {  	v44 =	vxor.u32 v43, v44;
	v38 =	vadd.s32 $0xCDDB151D, v38;
	v42 =	vor.u32 v60, v42  }
0x12e: {  	v63 =	vshrl.u32 v44, $0x3;
	v52 =	vshll.u32 v44, $0x1D;
	v43 =	vadd.s32 v43, v44  }
0x12f: {  	v40 =	vmul.f32 v40, v41;
	v42 =	vxor.u32 v38, v42;
	v53 =	vor.u32 v63, v52  }
0x130: {  	v62 =	vshrl.u32 v42, $0x11;
	v48 =	vshll.u32 v42, $0xF;
	v38 =	vadd.s32 v38, v42  }
0x131: {  	v44 =	vxor.u32 v43, v53;
	v40 =	vadd.f32 $-7.213475700e-01, v40;
	v54 =	vor.u32 v62, v48  }
0x132: {  	v55 =	vshrl.u32 v44, $0x10;
	v56 =	vshll.u32 v44, $0x10;
	v42 =	vxor.u32 v38, v54  }
0x133: {  	v43 =	vadd.s32 v43, v44;
	v57 =	vor.u32 v55, v56;
	v38 =	vadd.s32 v38, v42  }
0x134: {  	v58 =	vshrl.u32 v42, $0x6;
	v42 =	vshll.u32 v42, $0x1A;
	v44 =	vxor.u32 v43, v57  }
0x135: {  	v55 =	vshrl.u32 v37, $0x17;
	v42 =	vor.u32 v58, v42;
	v59 =	vshrl.u32 v44, $0x8  }
0x136: {  	v60 =	vshll.u32 v44, $0x18;
	v43 =	vadd.s32 v43, v44;
	v42 =	vxor.u32 v38, v42  }
0x137: {  	v58 =	vsel vm10, $0xFFFFFF82, v14;
	v61 =	vor.u32 v59, v60;
	v38 =	vadd.s32 v38, v42  }
0x138: {  	v44 =	vxor.u32 v43, v61;
	v62 =	vshrl.u32 v42, $0x1A;
	v42 =	vshll.u32 v42, $0x6  }
0x139: {  	v44 =	vadd.s32 $0x375F2391, v44;
	v42 =	vor.u32 v62, v42;
	v62 =	vmul.f32 v40, v41  }
0x13a: {  	v43 =	vadd.s32 v44, v43;
	v63 =	vshrl.u32 v44, $0x13;
	v44 =	vshll.u32 v44, $0xD  }
0x13b: {  	v42 =	vxor.u32 v38, v42;
	v43 =	vadd.s32 $0xE1552D48, v43;
	v44 =	vor.u32 v63, v44  }
0x13c: {  	v38 =	vadd.s32 $0xE1552D48, v38;
	v42 =	vadd.s32 $0x375F2394, v42;
	v44 =	vxor.u32 v43, v44  }
0x13d: {  	v38 =	vxor.u32 v38, v42;
	v48 =	vshrl.u32 v44, $0x11;
	v49 =	vshll.u32 v44, $0xF  }
0x13e: {  	v50 =	vadd.s32 v43, v44;
	v38 =	vshrl.u32 v38, $0x9;
	v51 =	vor.u32 v48, v49  }
0x13f: {  	v44 =	vadd.f32 $1.442694900e+00, v62;
	v38 =	vor.u32 $0x3F800000, v38;
	v43 =	vxor.u32 v50, v51  }
0x140: {  	v38 =	vadd.f32 $-1.000000000e+00, v38;
	v52 =	vshrl.u32 v43, $0x6;
	v53 =	vshll.u32 v43, $0x1A  }
0x141: {  	v40 =	vadd.s32 v55, v58;
	v42 =	vadd.s32 v50, v43;
	v54 =	vor.u32 v52, v53  }
0x142: {  	v41 =	vmul.f32 v44, v41;
	v37 =	vadd.f32 $1.175494350e-38, v38;
	v43 =	vxor.u32 v42, v54  }
0x143: {  	v54 =	vadd.s32 s16, v12;
	v56 =	vshrl.u32 v43, $0x1A;
	v57 =	vshll.u32 v43, $0x6  }
0x144: {  	v42 =	vadd.s32 v42, v43;
	v59 =	vand.u32 $0x7FFFFF, v37;
	v55 =	vshrl.u32 v54, $0x13  }
0x145: {  	v47 =	vshll.u32 v54, $0xD;
	v38 =	vor.u32 v56, v57;
	v45 =	vor.u32 $0x3F800000, v59  }
0x146: {  	v56 =	vadd.s32 s16, v13;
	v46 =	vor.u32 v55, v47;
	v38 =	vxor.u32 v42, v38  }
0x147: {  	v61 =	vmul.f32 $5.000000000e-01, v45;
	vm11 =	vge.f32 v45, $1.414213540e+00;
	v38 =	vadd.s32 $0xCDDB1520, v38  }
0x148: {  	v42 =	vadd.s32 v38, v42;
	v60 =	vshrl.u32 v38, $0xF;
	v38 =	vshll.u32 v38, $0x11  }
0x149: {  	v48 =	vsel vm11, v61, v45;
	v42 =	vadd.s32 $0x375F238F, v42;
	v38 =	vor.u32 v60, v38  }
0x14a: {  	v46 =	vxor.u32 v56, v46;
	v63 =	vxor.u32 v42, v38;
	v38 =	vadd.f32 $-1.000000000e+00, v48  }
0x14b: {  	v49 =	vshrl.u32 v63, $0x3;
	v50 =	vshll.u32 v63, $0x1D;
	v42 =	vadd.s32 v42, v63  }
0x14c: {  	v45 =	vor.u32 v49, v50;
	v52 =	vmul.f32 $1.209472050e-01, v38;
	v49 =	vshrl.u32 v46, $0x11  }
0x14d: {  	v50 =	vshll.u32 v46, $0xF;
	v46 =	vadd.s32 v56, v46;
	v51 =	vxor.u32 v42, v45  }
0x14e: {  	v58 =	vor.u32 v49, v50;
	v42 =	vadd.s32 v42, v51;
	v53 =	vshrl.u32 v51, $0x10  }
0x14f: {  	v43 =	vshll.u32 v51, $0x10;
	v45 =	vadd.f32 $-2.062543480e-01, v52;
	v47 =	vxor.u32 v46, v58  }
0x150: {  	v43 =	vor.u32 v53, v43;
	v59 =	vshrl.u32 v47, $0x6;
	v60 =	vshll.u32 v47, $0x1A  }
0x151: {  	v46 =	vadd.s32 v46, v47;
	v43 =	vxor.u32 v42, v43;
	v61 =	vor.u32 v59, v60  }
0x152: {  	v42 =	vadd.s32 v42, v43;
	v57 =	vshrl.u32 v43, $0x8;
	v43 =	vshll.u32 v43, $0x18  }
0x153: {  	v45 =	vmul.f32 v45, v38;
	v47 =	vxor.u32 v46, v61;
	v43 =	vor.u32 v57, v43  }
0x154: {  	v63 =	vshrl.u32 v47, $0x1A;
	v52 =	vshll.u32 v47, $0x6;
	v43 =	vxor.u32 v42, v43  }
0x155: {  	v46 =	vadd.s32 v46, v47;
	v53 =	vor.u32 v63, v52;
	v43 =	vadd.s32 $0xE1552D4C, v43  }
0x156: {  	v54 =	vxor.u32 v46, v53;
	v53 =	vadd.s32 s16, v15;
	v42 =	vadd.s32 v43, v42  }
0x157: {  	v62 =	vshrl.u32 v43, $0x13;
	v43 =	vshll.u32 v43, $0xD;
	v44 =	vadd.s32 $0xE1552D49, v54  }
0x158: {  	v54 =	vshrl.u32 v53, $0x13;
	v42 =	vadd.s32 $0xCDDB151D, v42;
	v43 =	vor.u32 v62, v43  }
0x159: {  	v46 =	vadd.s32 v44, v46;
	v56 =	vshrl.u32 v44, $0xF;
	v44 =	vshll.u32 v44, $0x11  }
0x15a: {  	v43 =	vxor.u32 v42, v43;
	v46 =	vadd.s32 $0xCDDB151D, v46;
	v44 =	vor.u32 v56, v44  }
0x15b: {  	v55 =	vshrl.u32 v43, $0x11;
	v57 =	vshll.u32 v43, $0xF;
	v44 =	vxor.u32 v46, v44  }
0x15c: {  	v42 =	vadd.s32 v42, v43;
	v58 =	vor.u32 v55, v57;
	v59 =	vshrl.u32 v44, $0x3  }
0x15d: {  	v60 =	vshll.u32 v44, $0x1D;
	v62 =	vadd.s32 v46, v44;
	v43 =	vxor.u32 v42, v58  }
0x15e: {  	v55 =	vadd.s32 s16, v16;
	v63 =	vor.u32 v59, v60;
	v61 =	vadd.s32 v42, v43  }
0x15f: {  	v48 =	vshrl.u32 v43, $0x6;
	v43 =	vshll.u32 v43, $0x1A;
	v44 =	vxor.u32 v62, v63  }
0x160: {  	v42 =	vadd.f32 $2.172171030e-01, v45;
	v43 =	vor.u32 v48, v43;
	v50 =	vshrl.u32 v44, $0x10  }
0x161: {  	v51 =	vshll.u32 v44, $0x10;
	v44 =	vadd.s32 v62, v44;
	v48 =	vshll.u32 v53, $0xD  }
0x162: {  	v43 =	vxor.u32 v61, v43;
	v46 =	vor.u32 v50, v51;
	v48 =	vor.u32 v54, v48  }
0x163: {  	v45 =	vadd.s32 v61, v43;
	v46 =	vxor.u32 v44, v46;
	v48 =	vxor.u32 v55, v48  }
0x164: {  	v44 =	vadd.s32 v44, v46;
	v52 =	vshrl.u32 v46, $0x8;
	v46 =	vshll.u32 v46, $0x18  }
0x165: {  	v56 =	vshrl.u32 v48, $0x11;
	v51 =	vshll.u32 v48, $0xF;
	v46 =	vor.u32 v52, v46  }
0x166: {  	v47 =	vadd.s32 v55, v48;
	v57 =	vor.u32 v56, v51;
	v46 =	vxor.u32 v44, v46  }
0x167: {  	v49 =	vshrl.u32 v43, $0x1A;
	v48 =	vxor.u32 v47, v57;
	v46 =	vadd.s32 $0x375F2391, v46  }
0x168: {  	v59 =	vshrl.u32 v48, $0x6;
	v52 =	vshll.u32 v48, $0x1A;
	v47 =	vadd.s32 v47, v48  }
0x169: {  	v44 =	vadd.s32 v46, v44;
	v58 =	vshrl.u32 v46, $0x13;
	v46 =	vshll.u32 v46, $0xD  }
0x16a: {  	v60 =	vor.u32 v59, v52;
	v44 =	vadd.s32 $0xE1552D48, v44;
	v46 =	vor.u32 v58, v46  }
0x16b: {  	v43 =	vshll.u32 v43, $0x6;
	v48 =	vxor.u32 v47, v60;
	v46 =	vxor.u32 v44, v46  }
0x16c: {  	v62 =	vshrl.u32 v48, $0x1A;
	v63 =	vshll.u32 v48, $0x6;
	v47 =	vadd.s32 v47, v48  }
0x16d: {  	v61 =	vshrl.u32 v46, $0x11;
	v53 =	vshll.u32 v46, $0xF;
	v54 =	vor.u32 v62, v63  }
0x16e: {  	v44 =	vadd.s32 v44, v46;
	v55 =	vor.u32 v61, v53;
	v48 =	vxor.u32 v47, v54  }
0x16f: {  	v43 =	vor.u32 v49, v43;
	v46 =	vxor.u32 v44, v55;
	v48 =	vadd.s32 $0xE1552D49, v48  }
0x170: {  	v47 =	vadd.s32 v48, v47;
	v56 =	vshrl.u32 v48, $0xF;
	v48 =	vshll.u32 v48, $0x11  }
0x171: {  	v44 =	vadd.s32 v44, v46;
	v47 =	vadd.s32 $0xCDDB151D, v47;
	v48 =	vor.u32 v56, v48  }
0x172: {  	v57 =	vshrl.u32 v46, $0x6;
	v46 =	vshll.u32 v46, $0x1A;
	v48 =	vxor.u32 v47, v48  }
0x173: {  	v46 =	vor.u32 v57, v46;
	v58 =	vshrl.u32 v48, $0x3;
	v59 =	vshll.u32 v48, $0x1D  }
0x174: {  	v46 =	vxor.u32 v44, v46;
	v47 =	vadd.s32 v47, v48;
	v60 =	vor.u32 v58, v59  }
0x175: {  	v43 =	vxor.u32 v45, v43;
	v44 =	vadd.s32 v44, v46;
	v48 =	vxor.u32 v47, v60  }
0x176: {  	v61 =	vshrl.u32 v46, $0x1A;
	v62 =	vshrl.u32 v48, $0x10;
	v63 =	vshll.u32 v48, $0x10  }
0x177: {  	v46 =	vshll.u32 v46, $0x6;
	v47 =	vadd.s32 v47, v48;
	v54 =	vor.u32 v62, v63  }
0x178: {  	v45 =	vadd.s32 $0xE1552D48, v45;
	v46 =	vor.u32 v61, v46;
	v48 =	vxor.u32 v47, v54  }
0x179: {  	v46 =	vxor.u32 v44, v46;
	v55 =	vshrl.u32 v48, $0x8;
	v56 =	vshll.u32 v48, $0x18  }
0x17a: {  	v46 =	vadd.s32 $0xCDDB1520, v46;
	v47 =	vadd.s32 v47, v48;
	v57 =	vor.u32 v55, v56  }
0x17b: {  	v44 =	vadd.s32 v46, v44;
	v58 =	vshrl.u32 v46, $0xF;
	v48 =	vxor.u32 v47, v57  }
0x17c: {  	v46 =	vshll.u32 v46, $0x11;
	v44 =	vadd.s32 $0x375F238F, v44;
	v48 =	vadd.s32 $0x375F2391, v48  }
0x17d: {  	v47 =	vadd.s32 v48, v47;
	v59 =	vshrl.u32 v48, $0x13;
	v48 =	vshll.u32 v48, $0xD  }
0x17e: {  	v46 =	vor.u32 v58, v46;
	v47 =	vadd.s32 $0xE1552D48, v47;
	v48 =	vor.u32 v59, v48  }
0x17f: {  	v43 =	vadd.s32 $0x375F2394, v43;
	v46 =	vxor.u32 v44, v46;
	v48 =	vxor.u32 v47, v48  }
0x180: {  	v60 =	vshrl.u32 v46, $0x3;
	v61 =	vshrl.u32 v48, $0x11;
	v62 =	vshll.u32 v48, $0xF  }
0x181: {  	v63 =	vshll.u32 v46, $0x1D;
	v47 =	vadd.s32 v47, v48;
	v53 =	vor.u32 v61, v62  }
0x182: {  	v44 =	vadd.s32 v44, v46;
	v54 =	vor.u32 v60, v63;
	v48 =	vxor.u32 v47, v53  }
0x183: {  	v46 =	vxor.u32 v44, v54;
	v55 =	vshrl.u32 v48, $0x6;
	v56 =	vshll.u32 v48, $0x1A  }
0x184: {  	v44 =	vadd.s32 v44, v46;
	v47 =	vadd.s32 v47, v48;
	v57 =	vor.u32 v55, v56  }
0x185: {  	v58 =	vshrl.u32 v46, $0x10;
	v46 =	vshll.u32 v46, $0x10;
	v48 =	vxor.u32 v47, v57  }
0x186: {  	v46 =	vor.u32 v58, v46;
	v59 =	vshrl.u32 v48, $0x1A;
	v60 =	vshll.u32 v48, $0x6  }
0x187: {  	v46 =	vxor.u32 v44, v46;
	v47 =	vadd.s32 v47, v48;
	v61 =	vor.u32 v59, v60  }
0x188: {  	v43 =	vxor.u32 v45, v43;
	v44 =	vadd.s32 v44, v46;
	v62 =	vxor.u32 v47, v61  }
0x189: {  	v63 =	vshrl.u32 v46, $0x8;
	v46 =	vshll.u32 v46, $0x18;
	v45 =	vadd.s32 $0xCDDB1520, v62  }
0x18a: {  	v47 =	vadd.s32 v45, v47;
	v52 =	vshrl.u32 v45, $0xF;
	v45 =	vshll.u32 v45, $0x11  }
0x18b: {  	v46 =	vor.u32 v63, v46;
	v47 =	vadd.s32 $0x375F238F, v47;
	v45 =	vor.u32 v52, v45  }
0x18c: {  	v40 =	vcvt.s32.f32 v40;
	v46 =	vxor.u32 v44, v46;
	v45 =	vxor.u32 v47, v45  }
0x18d: {  	v46 =	vadd.s32 $0xE1552D4C, v46;
	v53 =	vshrl.u32 v45, $0x3;
	v54 =	vshll.u32 v45, $0x1D  }
0x18e: {  	v44 =	vadd.s32 v46, v44;
	v45 =	vadd.s32 v47, v45;
	v55 =	vor.u32 v53, v54  }
0x18f: {  	v56 =	vshrl.u32 v46, $0x13;
	v46 =	vshll.u32 v46, $0xD;
	v47 =	vxor.u32 v45, v55  }
0x190: {  	v44 =	vadd.s32 $0xCDDB151D, v44;
	v57 =	vshrl.u32 v47, $0x10;
	v58 =	vshll.u32 v47, $0x10  }
0x191: {  	v46 =	vor.u32 v56, v46;
	v45 =	vadd.s32 v45, v47;
	v59 =	vor.u32 v57, v58  }
0x192: {  	v42 =	vmul.f32 v42, v38;
	v46 =	vxor.u32 v44, v46;
	v47 =	vxor.u32 v45, v59  }
0x193: {  	v60 =	vshrl.u32 v46, $0x11;
	v61 =	vshrl.u32 v47, $0x8;
	v62 =	vshll.u32 v47, $0x18  }
0x194: {  	v63 =	vshll.u32 v46, $0xF;
	v45 =	vadd.s32 v45, v47;
	v50 =	vor.u32 v61, v62  }
0x195: {  	v44 =	vadd.s32 v44, v46;
	v52 =	vor.u32 v60, v63;
	v47 =	vxor.u32 v45, v50  }
0x196: {  	v42 =	vadd.f32 $-2.391377540e-01, v42;
	v46 =	vxor.u32 v44, v52;
	v47 =	vadd.s32 $0xE1552D4C, v47  }
0x197: {  	v45 =	vadd.s32 v47, v45;
	v53 =	vshrl.u32 v47, $0x13;
	v47 =	vshll.u32 v47, $0xD  }
0x198: {  	v44 =	vadd.s32 v44, v46;
	v45 =	vadd.s32 $0xCDDB151D, v45;
	v47 =	vor.u32 v53, v47  }
0x199: {  	v54 =	vshrl.u32 v46, $0x6;
	v46 =	vshll.u32 v46, $0x1A;
	v47 =	vxor.u32 v45, v47  }
0x19a: {  	v46 =	vor.u32 v54, v46;
	v55 =	vshrl.u32 v47, $0x11;
	v56 =	vshll.u32 v47, $0xF  }
0x19b: {  	v46 =	vxor.u32 v44, v46;
	v45 =	vadd.s32 v45, v47;
	v57 =	vor.u32 v55, v56  }
0x19c: {  	v44 =	vadd.s32 v44, v46;
	v58 =	vshrl.u32 v46, $0x1A;
	v47 =	vxor.u32 v45, v57  }
0x19d: {  	v46 =	vshll.u32 v46, $0x6;
	v59 =	vshrl.u32 v47, $0x6;
	v60 =	vshll.u32 v47, $0x1A  }
0x19e: {  	v46 =	vor.u32 v58, v46;
	v45 =	vadd.s32 v45, v47;
	v61 =	vor.u32 v59, v60  }
0x19f: {  	v43 =	vshrl.u32 v43, $0x9;
	v46 =	vxor.u32 v44, v46;
	v47 =	vxor.u32 v45, v61  }
0x1a0: {  	v44 =	vadd.s32 $0xE1552D48, v44;
	v62 =	vshrl.u32 v47, $0x1A;
	v63 =	vshll.u32 v47, $0x6  }
0x1a1: {  	v46 =	vadd.s32 $0x375F2394, v46;
	v45 =	vadd.s32 v45, v47;
	v50 =	vor.u32 v62, v63  }
0x1a2: {  	v43 =	vor.u32 $0x3F800000, v43;
	v44 =	vxor.u32 v44, v46;
	v46 =	vxor.u32 v45, v50  }
0x1a3: {  	v43 =	vadd.f32 $-1.000000000e+00, v43;
	v45 =	vadd.s32 $0xE1552D48, v45;
	v46 =	vadd.s32 $0x375F2394, v46  }
0x1a4: {  	v42 =	vmul.f32 v42, v38;
	v44 =	vshrl.u32 v44, $0x9;
	v45 =	vxor.u32 v45, v46  }
0x1a5: {  	v43 =	vadd.f32 $1.175494350e-38, v43;
	v44 =	vor.u32 $0x3F800000, v44;
	v45 =	vshrl.u32 v45, $0x9  }
0x1a6: {  	v42 =	vadd.f32 $2.877424060e-01, v42;
	v44 =	vadd.f32 $-1.000000000e+00, v44;
	v45 =	vor.u32 $0x3F800000, v45  }
0x1a7: {  	v41 =	vadd.f32 $3.814688010e-10, v41;
	v51 =	vand.u32 $0x7FFFFF, v43;
	v45 =	vadd.f32 $-1.000000000e+00, v45  }
0x1a8: {  	v42 =	vmul.f32 v42, v38;
	v44 =	vadd.f32 $1.175494350e-38, v44;
	v46 =	vor.u32 $0x3F800000, v51  }
0x1a9: {  	v40 =	vadd.f32 v40, v41;
	v52 =	vmul.f32 $5.000000000e-01, v46;
	v45 =	vadd.f32 $1.175494350e-38, v45  }
0x1aa: {  	v42 =	vadd.f32 $-3.606918160e-01, v42;
	v53 =	vand.u32 $0x7FFFFF, v44;
	vm12 =	vge.f32 v46, $1.414213540e+00  }
0x1ab: {  	v54 =	vor.u32 $0x3F800000, v53;
	v46 =	vsel vm12, v52, v46;
	v56 =	vand.u32 $0x7FFFFF, v45  }
0x1ac: {  	v55 =	vmul.f32 $5.000000000e-01, v54;
	v41 =	vadd.f32 $-1.000000000e+00, v46;
	v58 =	vor.u32 $0x3F800000, v56  }
0x1ad: {  	v42 =	vmul.f32 v42, v38;
	vm2 =	vge.f32 v54, $1.414213540e+00;
	v48 =	vmul.f32 $5.000000000e-01, v58  }
0x1ae: {  	v46 =	vsel vm2, v55, v54;
	v57 =	vmul.f32 $1.209472050e-01, v41;
	vm3 =	vge.f32 v58, $1.414213540e+00  }
0x1af: {  	v42 =	vadd.f32 $4.809184970e-01, v42;
	v46 =	vadd.f32 $-1.000000000e+00, v46;
	v47 =	vsel vm3, v48, v58  }
0x1b0: {  	v39 =	vmul.f32 v39, v35;
	v49 =	vadd.f32 $-2.062543480e-01, v57;
	v47 =	vadd.f32 $-1.000000000e+00, v47  }
0x1b1: {  	v32 =	vsel vm8, v33, v32;
	v42 =	vmul.f32 v42, v38;
	v60 =	vmul.f32 $1.209472050e-01, v46  }
0x1b2: {  	s15 =	sadd.s32 $0x13A80, s15;
	v39 =	vadd.f32 $2.877424060e-01, v39;
	v61 =	vmul.f32 v49, v41;
	v63 =	vmul.f32 $1.209472050e-01, v47  }
0x1b3: {  	v40 =	vmul.f32 $-6.931471820e-01, v40;
	v42 =	vadd.f32 $-7.213475700e-01, v42;
	v51 =	vadd.f32 $-2.062543480e-01, v60  }
0x1b4: {  	v28 =	vsel vm8, s15, v28;
	v48 =	vadd.f32 $2.172171030e-01, v61;
	v52 =	vadd.f32 $-2.062543480e-01, v63  }
0x1b5: {  	v42 =	vmul.f32 v42, v38;
	v59 =	vand.u32 $0x7FFFFF, v40;
	v51 =	vmul.f32 v51, v46  }
0x1b6: {  	v62 =	vor.u32 $0x3F800000, v59;
	v48 =	vmul.f32 v48, v41;
	v52 =	vmul.f32 v52, v47  }
0x1b7: {  	v42 =	vadd.f32 $1.442694900e+00, v42;
	v56 =	vmul.f32 $5.000000000e-01, v62;
	v51 =	vadd.f32 $2.172171030e-01, v51  }
0x1b8: {  	vm13 =	vge.f32 v62, $1.414213540e+00;
	v48 =	vadd.f32 $-2.391377540e-01, v48;
	v59 =	vadd.f32 $2.172171030e-01, v52  }
0x1b9: {  	v57 =	vmul.f32 v39, v35;
	v49 =	vsel vm13, v56, v62;
	v58 =	vmul.f32 v51, v46  }
0x1ba: {  	v39 =	vadd.f32 $-1.000000000e+00, v49;
	v48 =	vmul.f32 v48, v41;
	v51 =	vmul.f32 v59, v47  }
0x1bb: {  	v37 =	vshrl.u32 v37, $0x17;
	v38 =	vmul.f32 v42, v38;
	v49 =	vadd.f32 $-2.391377540e-01, v58  }
0x1bc: {  	v61 =	vmul.f32 $1.209472050e-01, v39;
	v48 =	vadd.f32 $2.877424060e-01, v48;
	v51 =	vadd.f32 $-2.391377540e-01, v51  }
0x1bd: {  	v43 =	vshrl.u32 v43, $0x17;
	v38 =	vadd.f32 $3.814688010e-10, v38;
	v49 =	vmul.f32 v49, v46  }
0x1be: {  	v53 =	vadd.f32 $-2.062543480e-01, v61;
	v48 =	vmul.f32 v48, v41;
	v51 =	vmul.f32 v51, v47  }
0x1bf: {  	v50 =	vsel vm11, $0xFFFFFF82, v14;
	v60 =	vadd.f32 $-3.606918160e-01, v57;
	v49 =	vadd.f32 $2.877424060e-01, v49  }
0x1c0: {  	v53 =	vmul.f32 v53, v39;
	v48 =	vadd.f32 $-3.606918160e-01, v48;
	v63 =	vadd.f32 $2.877424060e-01, v51  }
0x1c1: {  	v37 =	vadd.s32 v37, v50;
	v52 =	vmul.f32 v60, v35;
	v49 =	vmul.f32 v49, v46  }
0x1c2: {  	v53 =	vadd.f32 $2.172171030e-01, v53;
	v62 =	vmul.f32 v48, v41;
	v48 =	vmul.f32 v63, v47  }
0x1c3: {  	v37 =	vcvt.s32.f32 v37;
	v52 =	vadd.f32 $4.809184970e-01, v52;
	v49 =	vadd.f32 $-3.606918160e-01, v49  }
0x1c4: {  	v57 =	vmul.f32 v53, v39;
	v42 =	vadd.f32 $4.809184970e-01, v62;
	v48 =	vadd.f32 $-3.606918160e-01, v48  }
0x1c5: {  	v37 =	vadd.f32 v37, v38;
	v52 =	vmul.f32 v52, v35;
	v49 =	vmul.f32 v49, v46  }
0x1c6: {  	v59 =	vadd.f32 $-2.391377540e-01, v57;
	v42 =	vmul.f32 v42, v41;
	v61 =	vmul.f32 v48, v47  }
0x1c7: {  	v37 =	vmul.f32 $-6.931471820e-01, v37;
	v56 =	vadd.f32 $-7.213475700e-01, v52;
	v49 =	vadd.f32 $4.809184970e-01, v49  }
0x1c8: {  	v62 =	vmul.f32 v59, v39;
	v60 =	vadd.f32 $-7.213475700e-01, v42;
	v42 =	vadd.f32 $4.809184970e-01, v61  }
0x1c9: {  	v44 =	vshrl.u32 v44, $0x17;
	v58 =	vmul.f32 v56, v35;
	v49 =	vmul.f32 v49, v46  }
0x1ca: {  	v56 =	vsel vm12, $0xFFFFFF82, v14;
	v50 =	vadd.f32 $2.877424060e-01, v62;
	v42 =	vmul.f32 v42, v47  }
0x1cb: {  	v63 =	vand.u32 $0x7FFFFF, v37;
	v49 =	vadd.f32 $-7.213475700e-01, v49;
	v38 =	vmul.f32 v60, v41  }
0x1cc: {  	v62 =	vshrl.u32 v45, $0x17;
	v52 =	vor.u32 $0x3F800000, v63;
	v42 =	vadd.f32 $-7.213475700e-01, v42  }
0x1cd: {  	v63 =	vsel vm3, $0xFFFFFF82, v14;
	v49 =	vmul.f32 v49, v46;
	v38 =	vadd.f32 $1.442694900e+00, v38  }
0x1ce: {  	vm14 =	vge.f32 v52, $1.414213540e+00;
	v59 =	vmul.f32 $5.000000000e-01, v52;
	v42 =	vmul.f32 v42, v47  }
0x1cf: {  	v48 =	vadd.f32 $1.442694900e+00, v58;
	v57 =	vadd.f32 $1.442694900e+00, v49;
	v38 =	vmul.f32 v38, v41  }
0x1d0: {  	v58 =	vsel vm2, $0xFFFFFF82, v14;
	v41 =	vadd.s32 v43, v56;
	v42 =	vadd.f32 $1.442694900e+00, v42  }
0x1d1: {  	v41 =	vcvt.s32.f32 v41;
	v43 =	vmul.f32 v57, v46;
	v38 =	vadd.f32 $3.814688010e-10, v38  }
0x1d2: {  	v45 =	vadd.s32 v62, v63;
	v44 =	vadd.s32 v44, v58;
	v42 =	vmul.f32 v42, v47  }
0x1d3: {  	v61 =	vcvt.s32.f32 v44;
	v60 =	vadd.f32 $3.814688010e-10, v43;
	v38 =	vadd.f32 v41, v38  }
0x1d4: {  	v49 =	vcvt.s32.f32 v45;
	v46 =	vsel vm14, v59, v52;
	v42 =	vadd.f32 $3.814688010e-10, v42  }
0x1d5: {  	v45 =	vadd.f32 $-1.000000000e+00, v46;
	v41 =	vadd.f32 v61, v60;
	v47 =	vmul.f32 $-6.931471820e-01, v38  }
0x1d6: {  	v36 =	vcvt.s32.f32 v36;
	v52 =	vmul.f32 v50, v39;
	v55 =	vadd.f32 v49, v42  }
0x1d7: {  	v57 =	vmul.f32 $1.209472050e-01, v45;
	v38 =	vmul.f32 $-6.931471820e-01, v41;
	v53 =	vand.u32 $0x7FFFFF, v47  }
0x1d8: {  	v56 =	vadd.f32 $-3.606918160e-01, v52;
	v54 =	vor.u32 $0x3F800000, v53;
	v41 =	vmul.f32 $-6.931471820e-01, v55  }
0x1d9: {  	v43 =	vadd.f32 $-2.062543480e-01, v57;
	v59 =	vand.u32 $0x7FFFFF, v38;
	v58 =	vmul.f32 $5.000000000e-01, v54  }
0x1da: {  	v60 =	vor.u32 $0x3F800000, v59;
	vm15 =	vge.f32 v54, $1.414213540e+00;
	v61 =	vand.u32 $0x7FFFFF, v41  }
0x1db: {  	v49 =	vmul.f32 $5.000000000e-01, v60;
	v44 =	vsel vm15, v58, v54;
	v50 =	vor.u32 $0x3F800000, v61  }
0x1dc: {  	vm6 =	vge.f32 v60, $1.414213540e+00;
	v44 =	vadd.f32 $-1.000000000e+00, v44;
	v63 =	vmul.f32 $5.000000000e-01, v50  }
0x1dd: {  	v43 =	vmul.f32 v43, v45;
	v46 =	vsel vm6, v49, v60;
	vm7 =	vge.f32 v50, $1.414213540e+00  }
0x1de: {  	v46 =	vadd.f32 $-1.000000000e+00, v46;
	v62 =	vmul.f32 $1.209472050e-01, v44;
	v49 =	vsel vm7, v63, v50  }
0x1df: {  	v35 =	vmul.f32 v48, v35;
	v43 =	vadd.f32 $2.172171030e-01, v43;
	v48 =	vadd.f32 $-1.000000000e+00, v49  }
0x1e0: {  	v42 =	vmul.f32 v56, v39;
	v57 =	vmul.f32 $1.209472050e-01, v46;
	v52 =	vadd.f32 $-2.062543480e-01, v62  }
0x1e1: {  	v40 =	vshrl.u32 v40, $0x17;
	v43 =	vmul.f32 v43, v45;
	v58 =	vmul.f32 $1.209472050e-01, v48  }
0x1e2: {  	v42 =	vadd.f32 $4.809184970e-01, v42;
	v50 =	vadd.f32 $-2.062543480e-01, v57;
	v56 =	vmul.f32 v52, v44  }
0x1e3: {  	v51 =	vsel vm13, $0xFFFFFF82, v14;
	v43 =	vadd.f32 $-2.391377540e-01, v43;
	v52 =	vadd.f32 $-2.062543480e-01, v58  }
0x1e4: {  	v42 =	vmul.f32 v42, v39;
	v50 =	vmul.f32 v50, v46;
	v49 =	vadd.f32 $2.172171030e-01, v56  }
0x1e5: {  	v35 =	vadd.f32 $3.814688010e-10, v35;
	v43 =	vmul.f32 v43, v45;
	v60 =	vmul.f32 v52, v48  }
0x1e6: {  	v42 =	vadd.f32 $-7.213475700e-01, v42;
	v50 =	vadd.f32 $2.172171030e-01, v50;
	v49 =	vmul.f32 v49, v44  }
0x1e7: {  	v40 =	vadd.s32 v40, v51;
	v59 =	vadd.f32 $2.877424060e-01, v43;
	v43 =	vadd.f32 $2.172171030e-01, v60  }
0x1e8: {  	v42 =	vmul.f32 v42, v39;
	v50 =	vmul.f32 v50, v46;
	v49 =	vadd.f32 $-2.391377540e-01, v49  }
0x1e9: {  	v35 =	vadd.f32 v36, v35;
	v36 =	vmul.f32 v59, v45;
	v43 =	vmul.f32 v43, v48  }
0x1ea: {  	v42 =	vadd.f32 $1.442694900e+00, v42;
	v62 =	vadd.f32 $-2.391377540e-01, v50;
	v49 =	vmul.f32 v49, v44  }
0x1eb: {  	v40 =	vcvt.s32.f32 v40;
	v36 =	vadd.f32 $-3.606918160e-01, v36;
	v43 =	vadd.f32 $-2.391377540e-01, v43  }
0x1ec: {  	v39 =	vmul.f32 v42, v39;
	v61 =	vadd.f32 $2.877424060e-01, v49;
	v49 =	vmul.f32 v62, v46  }
0x1ed: {  	vm9 =	vgt.f32 v34, v31;
	v36 =	vmul.f32 v36, v45;
	v43 =	vmul.f32 v43, v48  }
0x1ee: {  	v39 =	vadd.f32 $3.814688010e-10, v39;
	v42 =	vmul.f32 v61, v44;
	v49 =	vadd.f32 $2.877424060e-01, v49  }
0x1ef: {  	v37 =	vshrl.u32 v37, $0x17;
	v36 =	vadd.f32 $4.809184970e-01, v36;
	v58 =	vadd.f32 $2.877424060e-01, v43  }
0x1f0: {  	v35 =	vmul.f32 $6.931471820e-01, v35;
	v42 =	vadd.f32 $-3.606918160e-01, v42;
	v59 =	vmul.f32 v49, v46  }
0x1f1: {  	v63 =	vld [tilespmem:s14+$0xFFFFFFE0];
	v39 =	vadd.f32 v40, v39;
	v36 =	vmul.f32 v36, v45;
	v40 =	vmul.f32 v58, v48  }
0x1f2: {  	v38 =	vshrl.u32 v38, $0x17;
	v42 =	vmul.f32 v42, v44;
	v43 =	vadd.f32 $-3.606918160e-01, v59  }
0x1f3: {  	v41 =	vshrl.u32 v41, $0x17;
	v36 =	vadd.f32 $-7.213475700e-01, v36;
	v40 =	vadd.f32 $-3.606918160e-01, v40  }
0x1f4: {  	v54 =	vsel vm7, $0xFFFFFF82, v14;
	v42 =	vadd.f32 $4.809184970e-01, v42;
	v43 =	vmul.f32 v43, v46  }
0x1f5: {  	v56 =	vsel vm14, $0xFFFFFF82, v14;
	v36 =	vmul.f32 v36, v45;
	v40 =	vmul.f32 v40, v48  }
0x1f6: {  	v35 =	vsub.f32 v63, v35;
	v42 =	vmul.f32 v42, v44;
	v63 =	vadd.f32 $4.809184970e-01, v43  }
0x1f7: {  	v37 =	vadd.s32 v37, v56;
	v36 =	vadd.f32 $1.442694900e+00, v36;
	v40 =	vadd.f32 $4.809184970e-01, v40  }
0x1f8: {  	v37 =	vcvt.s32.f32 v37;
	v62 =	vadd.f32 $-7.213475700e-01, v42;
	v42 =	vmul.f32 v63, v46  }
0x1f9: {  	v57 =	vld [tilespmem:s14+$0xFFFFFFF0];
	v41 =	vadd.s32 v41, v54;
	v36 =	vmul.f32 v36, v45;
	v40 =	vmul.f32 v40, v48  }
0x1fa: {  	v52 =	vshrl.u32 v47, $0x17;
	v33 =	vmul.f32 v62, v44;
	v42 =	vadd.f32 $-7.213475700e-01, v42  }
0x1fb: {  	v60 =	vsel vm15, $0xFFFFFF82, v14;
	v36 =	vadd.f32 $3.814688010e-10, v36;
	v40 =	vadd.f32 $-7.213475700e-01, v40  }
0x1fc: {  	v51 =	vld [tilespmem:s14+$0x0];
	v39 =	vmul.f32 $6.931471820e-01, v39;
	v33 =	vadd.f32 $1.442694900e+00, v33;
	v42 =	vmul.f32 v42, v46  }
0x1fd: {  	v53 =	vadd.s32 v52, v60;
	v36 =	vadd.f32 v37, v36;
	v40 =	vmul.f32 v40, v48  }
0x1fe: {  	v39 =	vsub.f32 v57, v39;
	v33 =	vmul.f32 v33, v44;
	v42 =	vadd.f32 $1.442694900e+00, v42  }
0x1ff: {  	v61 =	vsel vm6, $0xFFFFFF82, v14;
	v36 =	vmul.f32 $6.931471820e-01, v36;
	v56 =	vadd.f32 $1.442694900e+00, v40  }
0x200: {  	v37 =	vcvt.s32.f32 v53;
	v33 =	vadd.f32 $3.814688010e-10, v33;
	v57 =	vmul.f32 v42, v46  }
0x201: {  	v38 =	vadd.s32 v38, v61;
	v55 =	vsub.f32 v51, v36;
	v36 =	vmul.f32 v56, v48  }
0x202: {  	v38 =	vcvt.s32.f32 v38;
	v58 =	vld [tilespmem:s14+$0x10];
	v33 =	vadd.f32 v37, v33;
	v37 =	vadd.f32 $3.814688010e-10, v57  }
0x203: {  	v31 =	vsel vm9, v34, v31;
	v41 =	vcvt.s32.f32 v41;
	v59 =	vld [tilespmem:s14+$0x20];
	v36 =	vadd.f32 $3.814688010e-10, v36  }
0x204: {  	v26 =	vsel vm9, s15, v26;
	vm10 =	vgt.f32 v35, v30;
	v60 =	vld [tilespmem:s14+$0x30];
	v37 =	vadd.f32 v38, v37  }
0x205: {  	v30 =	vsel vm10, v35, v30;
	v33 =	vmul.f32 $6.931471820e-01, v33;
	v61 =	vadd.f32 v41, v36  }
0x206: {  	s13 =	sadd.s32 $0x1, s13;
	v24 =	vsel vm10, s15, v24;
	vm11 =	vgt.f32 v39, v29;
	v62 =	vmul.f32 $6.931471820e-01, v37  }
0x207: {  	p0 =	seq.s32 s13, $0x0;
	v29 =	vsel vm11, v39, v29;
	v33 =	vsub.f32 v58, v33;
	v35 =	vmul.f32 $6.931471820e-01, v61  }
.Ltmp0:
0x208: {  	v22 =	vsel vm11, s15, v22;
	vm12 =	vgt.f32 v55, v27;
	v63 =	vsub.f32 v59, v62;
	(pc) =	sbr.rel @!p0 .LBB2_2-.Ltmp0, $4  }
0x209: {  	v27 =	vsel vm12, v55, v27;
	vm13 =	vgt.f32 v33, v25;
	v35 =	vsub.f32 v60, v35  }
0x20a: {  	v21 =	vsel vm12, s15, v21;
	v25 =	vsel vm13, v33, v25;
	vm14 =	vgt.f32 v63, v23  }
0x20b: {  	v20 =	vsel vm13, s15, v20;
	v23 =	vsel vm14, v63, v23;
	vm15 =	vgt.f32 v35, v18  }
0x20c: {  	s14 =	sadd.s32 $0x80, s14;
	v19 =	vsel vm14, s15, v19;
	v18 =	vsel vm15, v35, v18;
	v17 =	vsel vm15, s15, v17  }
0x20d: {  	[tilespmem:$0x14000] =	vst v32  }
0x20e: {  	[tilespmem:$0x14080] =	vst v28  }
0x20f: {  	[tilespmem:$0x14010] =	vst v31  }
0x210: {  	[tilespmem:$0x14090] =	vst v26  }
0x211: {  	[tilespmem:$0x14020] =	vst v30  }
0x212: {  	[tilespmem:$0x140A0] =	vst v24  }
0x213: {  	[tilespmem:$0x14030] =	vst v29  }
0x214: {  	[tilespmem:$0x140B0] =	vst v22  }
0x215: {  	[tilespmem:$0x14040] =	vst v27  }
0x216: {  	[tilespmem:$0x140C0] =	vst v21  }
0x217: {  	[tilespmem:$0x14050] =	vst v25  }
0x218: {  	[tilespmem:$0x140D0] =	vst v20  }
0x219: {  	[tilespmem:$0x14060] =	vst v23  }
0x21a: {  	[tilespmem:$0x140E0] =	vst v19  }
0x21b: {  	[tilespmem:$0x14070] =	vst v18  }
0x21c: {  	[tilespmem:$0x140F0] =	vst v17  }
0x21d: {  	[hbm4b:s4+s2] =	stream.linear.scatter [tilespmem:s9], [sflag:$0x2], $0x80, $0x38;
	[tilespmem:$0x14100] =	vst v63  }
0x21e: {  	s12 =	sadd.s32 $0x1, s12;
	_ =	swait.ge [sflag:s10], $0x80  }
0x21f: {  	p0 =	sne.s32 s12, s6;
	[sflag:s10] =	ssyncset.done $0x0  }
.Ltmp1:
0x220: {  	[sflag:s10] =	ssyncadd.s32 $0xFFFFFF80;
	(pc) =	sbr.rel @p0 .LBB2_1-.Ltmp1, $4  }
0x221: {  	[hbm4b:s5+s2] =	stream.linear.scatter [tilespmem:s11], [sflag:$0x2], $0x80, $0x38;
	[tilespmem:$0x14100] =	vst v63  }
0x222: {  	_ =	swait.ge [sflag:s10], $0x80  }
0x223: {  	[sflag:s10] =	ssyncset.done $0x0  }
0x224: {  	[sflag:s10] =	ssyncadd.s32 $0xFFFFFF80  }
0x225: {  	_ =	sfence.sel $0x180000  }
0x226: {  	[bflag:$0x0] =	sbarrier.arrive $0xFFFF  }
0x227: {  	p0 =	sne.s32 s0, $0x0;
	_ =	strace $0x90000047  }
0x228: {  	s0 =	sadd.s32 @!p0 $0x100000, s1;
	[bflag:$0x2] =	sbarrier.arrive $0xFFFF  }
0x229: {  	[sflag:s0] =	ssyncadd.tile.s32 @!p0 $0x1;
	_ =	shalt  }
.Lfunc_end2:
_tile_overlayer_lowered:
.L_overlay_start_2:
0x22a: {  	(tag) =	ssettag $0x2  }
0x22b: {  	s0 =	rddreg [dreg:$0x0];
	s2 =	stileid.u32  }
0x22c: {  	s1 =	rddreg [dreg:$0x1];
	p0 =	sne.s32 s2, $0x0  }
0x22d: {  	s3 =	rddreg [dreg:$0x2];
	[bflag:$0x3] =	sbarrier.arrive $0xFFFF;
	s2 =	simm.s32 @!p0 $0x1C02  }
0x22e: {  	[timem:s3], [sflag:s2] =	dma.local @!p0 [hbm:s0], s1  }
0x22f: {  	s0 =	simm.s32 @!p0 $0x2  }
0x230: {  	_ =	swait.ge @!p0 [sflag:s0], s1  }
0x231: {  	s1 =	ssub.s32 @!p0 $0x0, s1;
	[sflag:s0] =	ssyncset.done @!p0 $0x0  }
0x232: {  	[sflag:s0] =	ssyncadd.s32 @!p0 s1  }
0x233: {  	[bflag:$0x3] =	sbarrier.arrive $0xFFFF  }
0x234: {  	_ =	shalt  }

</sc_bundles>
